<compile_context>
chip_gen: v7x
topology: tpu7x:2x2x1
jax: 0.10.2.dev20260603
libtpu: 0.0.44.dev20260713+nightly
codegen_flags: <defaults>
</compile_context>

<pallas_src>
import functools

import numpy as np

import jax
import jax.numpy as jnp
from jax import lax
from jax.experimental import pallas as pl
from jax.experimental.pallas import tpu as pltpu, tpu_sc as plsc

NC = 2
NS = 16
NW = NC * NS
CHUNK = 64
G = 64
EPS = 1e-5



LANES = 16


def _deg_body(npad, ew, dst_hbm, out_hbm, didx_v, deg_v):
  c = lax.axis_index("c")
  s = lax.axis_index("s")
  w = c * NS + s
  pltpu.sync_copy(dst_hbm.at[pl.ds(w * ew, ew)], didx_v)

  z = jnp.zeros((LANES,), jnp.float32)

  def zbody(i, carry):
    deg_v[pl.ds(i * LANES, LANES)] = z
    return carry

  lax.fori_loop(0, npad // LANES, zbody, 0)

  ones = jnp.ones((LANES,), jnp.float32)

  def body(i, carry):
    idx = didx_v[pl.ds(i * LANES, LANES)]
    plsc.addupdate_scatter(deg_v, [idx], ones)
    return carry

  lax.fori_loop(0, ew // LANES, body, 0)
  pltpu.sync_copy(deg_v, out_hbm.at[pl.ds(w * npad, npad)])


def _make_deg_kernel(npad, ew):
  mesh = plsc.VectorSubcoreMesh(core_axis_name="c", subcore_axis_name="s")
  return pl.kernel(
      functools.partial(_deg_body, npad, ew),
      out_type=jax.ShapeDtypeStruct((NW * npad,), jnp.float32),
      mesh=mesh,
      scratch_types=[
          pltpu.VMEM((ew,), jnp.int32),
          pltpu.VMEM((npad,), jnp.float32),
      ],
      compiler_params=pltpu.CompilerParams(needs_layout_passes=False),
  )


GRP = 8
NBUF = 4


def _agg_body(npad, d, nchunk_w, hs_hbm, src_hbm, dst_hbm, zeros_hbm, out_hbm,
              sidx_v, didx_v, rows0, rows1, rows2, rows3, acc, gsem, isem):
  c = lax.axis_index("c")
  s = lax.axis_index("s")
  w = c * NS + s
  rpt = npad // NS
  base = w * nchunk_w
  ngrp = nchunk_w // GRP
  rows = (rows0, rows1, rows2, rows3)

  pltpu.sync_copy(zeros_hbm.at[pl.ds(s * rpt, rpt)], acc.at[pl.ds(s * rpt, rpt)])

  def stage(g, t):
    pltpu.async_copy(src_hbm.at[pl.ds(base + g * GRP, GRP)], sidx_v.at[t], isem)
    pltpu.async_copy(dst_hbm.at[pl.ds(base + g * GRP, GRP)], didx_v.at[t], isem)

  def wait_stage(t):
    pltpu.make_async_copy(src_hbm.at[pl.ds(base, GRP)], sidx_v.at[t], isem).wait()
    pltpu.make_async_copy(dst_hbm.at[pl.ds(base, GRP)], didx_v.at[t], isem).wait()

  def gather(t, jj, b):
    pltpu.async_copy(hs_hbm.at[sidx_v.at[t, jj]], rows[b], gsem)

  stage(0, 0)
  if ngrp > 1:
    stage(1, 1)
  plsc.subcore_barrier()

  wait_stage(0)
  for cidx in range(NBUF - 1):
    gather(0, cidx, cidx % NBUF)

  def group(gp, carry):
    for t in range(2):
      g = gp * 2 + t
      for jj in range(GRP):
        nj = jj + NBUF - 1
        nt, njj = (t, nj) if nj < GRP else (1 - t, nj - GRP)
        j_next = g * GRP + nj

        @pl.when(j_next < nchunk_w)
        def _():
          if nj == GRP:
            wait_stage(nt)
          gather(nt, njj, nj % NBUF)

        pltpu.make_async_copy(hs_hbm.at[sidx_v.at[t, jj]], rows[jj % NBUF],
                              gsem).wait()
        pltpu.sync_copy(rows[jj % NBUF], acc.at[didx_v.at[t, jj]], add=True)

      @pl.when(g + 2 < ngrp)
      def _():
        stage(g + 2, t)
    return carry

  lax.fori_loop(0, ngrp // 2, group, 0)
  plsc.subcore_barrier()
  pltpu.sync_copy(acc.at[pl.ds(s * rpt, rpt)], out_hbm.at[c, pl.ds(s * rpt, rpt)])


def _make_agg_kernel(npad, d, nchunk_w):
  mesh = plsc.VectorSubcoreMesh(core_axis_name="c", subcore_axis_name="s")
  return pl.kernel(
      functools.partial(_agg_body, npad, d, nchunk_w),
      out_type=jax.ShapeDtypeStruct((NC, npad, d), jnp.float32),
      mesh=mesh,
      scratch_types=[
          pltpu.VMEM((2, GRP, CHUNK), jnp.int32),
          pltpu.VMEM((2, GRP, CHUNK), jnp.int32),
          pltpu.VMEM((CHUNK, d), jnp.float32),
          pltpu.VMEM((CHUNK, d), jnp.float32),
          pltpu.VMEM((CHUNK, d), jnp.float32),
          pltpu.VMEM((CHUNK, d), jnp.float32),
          pltpu.VMEM_SHARED((npad, d), jnp.float32),
          pltpu.SemaphoreType.DMA,
          pltpu.SemaphoreType.DMA,
      ],
  )



def _tc1_body(n, npad, x_ref, w_ref, degp_ref, hs_ref, dis_ref):
  deg_col = lax.dot_general(degp_ref[...], jnp.ones((NW, 1), jnp.float32),
                            (((0,), (0,)), ((), ())),
                            preferred_element_type=jnp.float32)
  dis = lax.rsqrt(deg_col[:n] + 1.0)
  dis_ref[...] = dis
  h = jnp.dot(x_ref[...], w_ref[...], preferred_element_type=jnp.float32)
  hs_ref[:n, :] = h * dis
  hs_ref[n:, :] = jnp.zeros_like(hs_ref[n:, :])


def _bn_relu(pre, g, be):
  m = jnp.mean(pre, axis=0, keepdims=True)
  v = jnp.mean((pre - m) * (pre - m), axis=0, keepdims=True)
  return jnp.maximum(g * (pre - m) * lax.rsqrt(v + EPS) + be, 0.0)


def _tc2_body(n, npad, aggp_ref, hs_ref, dis_ref, b_ref, g_ref, be_ref, w2_ref,
              r1_ref, hs2_ref):
  agg = aggp_ref[0, :n, :] + aggp_ref[1, :n, :] + hs_ref[:n, :]
  pre = dis_ref[...] * agg + b_ref[...]
  r1 = _bn_relu(pre, g_ref[...], be_ref[...])
  r1_ref[...] = r1
  h2 = jnp.dot(r1, w2_ref[...], preferred_element_type=jnp.float32)
  hs2_ref[:n, :] = h2 * dis_ref[...]
  hs2_ref[n:, :] = jnp.zeros_like(hs2_ref[n:, :])


def _tc3_body(n, npad, aggp_ref, hs2_ref, dis_ref, b_ref, g_ref, be_ref,
              r1_ref, batch_ref, wf1_ref, bf1_ref, wf2_ref, bf2_ref, out_ref):
  agg = aggp_ref[0, :n, :] + aggp_ref[1, :n, :] + hs2_ref[:n, :]
  pre = dis_ref[...] * agg + b_ref[...]
  h = _bn_relu(pre, g_ref[...], be_ref[...]) + r1_ref[...]
  gids = lax.broadcasted_iota(jnp.int32, (n, G), 1)
  oh = (batch_ref[...] == gids).astype(jnp.float32)
  cnt = jnp.sum(oh, axis=0, keepdims=True)
  sums = lax.dot_general(oh, h, (((0,), (0,)), ((), ())),
                         preferred_element_type=jnp.float32)
  pooled = sums / jnp.maximum(cnt, 1.0).reshape(G, 1)
  z = jnp.maximum(
      jnp.dot(pooled, wf1_ref[...], preferred_element_type=jnp.float32)
      + bf1_ref[...], 0.0)
  logits = jnp.dot(z, wf2_ref[...], preferred_element_type=jnp.float32) + bf2_ref[...]
  out_ref[...] = jax.nn.sigmoid(logits)



def kernel(x, edge_index, batch, W1, b1, g1, be1, W2, b2, g2, be2,
           Wf1, bf1, Wf2, bf2):
  n, d = x.shape
  e = edge_index.shape[1]
  npad = -(-(n + 1) // (8 * NS)) * (8 * NS)

  per_w = NW * CHUNK
  nchunk_w = -(-(-(-e // per_w)) // (2 * GRP)) * (2 * GRP)
  e_pad = nchunk_w * per_w
  src = edge_index[0]
  dst = edge_index[1]
  pad = jnp.asarray(n + (np.arange(e_pad - e) % (npad - n)),
                    dtype=jnp.int32)
  src1 = jnp.concatenate([src, pad])
  dst1 = jnp.concatenate([dst, pad])
  src2 = src1.reshape(NW * nchunk_w, CHUNK)
  dst2 = dst1.reshape(NW * nchunk_w, CHUNK)

  zeros_nd = jnp.zeros((npad, d), dtype=jnp.float32)

  ew = nchunk_w * CHUNK
  deg_kernel = _make_deg_kernel(npad, ew)
  agg_kernel = _make_agg_kernel(npad, d, nchunk_w)

  degp = deg_kernel(dst1).reshape(NW, npad)

  tc1 = pl.pallas_call(
      functools.partial(_tc1_body, n, npad),
      out_shape=[jax.ShapeDtypeStruct((npad, d), jnp.float32),
                 jax.ShapeDtypeStruct((n, 1), jnp.float32)],
  )
  hs1, dis = tc1(x, W1, degp)

  aggp1 = agg_kernel(hs1, src2, dst2, zeros_nd)

  tc2 = pl.pallas_call(
      functools.partial(_tc2_body, n, npad),
      out_shape=[jax.ShapeDtypeStruct((n, d), jnp.float32),
                 jax.ShapeDtypeStruct((npad, d), jnp.float32)],
  )
  r1, hs2 = tc2(aggp1, hs1, dis, b1.reshape(1, d), g1.reshape(1, d),
                be1.reshape(1, d), W2)

  aggp2 = agg_kernel(hs2, src2, dst2, zeros_nd)

  tc3 = pl.pallas_call(
      functools.partial(_tc3_body, n, npad),
      out_shape=jax.ShapeDtypeStruct((G, 1), jnp.float32),
  )
  out = tc3(aggp2, hs2, dis, b2.reshape(1, d), g2.reshape(1, d),
            be2.reshape(1, d), r1, batch.reshape(n, 1), Wf1,
            bf1.reshape(1, d // 2), Wf2, bf2.reshape(1, 1))
  return out

# --- scband reference (transcript-rebuilt; emitter-appended) ---
"""Pipeline reference for scband-skeleton-gcn-33243046871577 (READ-ONLY COPY).

The authoritative reference and input builder live on the scoring server;
editing this copy changes nothing except your own understanding.
"""

import jax, jax.numpy as jnp
import numpy as np

N = 10000
E = 320000
D = 128
G = 64
EPS = 1e-5


def setup_inputs(seed: int = 0) -> dict:
    key = jax.random.key(seed)
    ks = jax.random.split(key, 16)
    x = jax.random.normal(ks[0], (N, D), dtype=jnp.float32)
    edge_index = jax.random.randint(ks[1], (2, E), 0, N, dtype=jnp.int32)
    batch = jnp.sort(jax.random.randint(ks[2], (N,), 0, G, dtype=jnp.int32))
    W1 = 0.1 * jax.random.normal(ks[3], (D, D), dtype=jnp.float32)
    b1 = jnp.zeros((D,), dtype=jnp.float32)
    g1 = jnp.ones((D,), dtype=jnp.float32)
    be1 = jnp.zeros((D,), dtype=jnp.float32)
    W2 = 0.1 * jax.random.normal(ks[4], (D, D), dtype=jnp.float32)
    b2 = jnp.zeros((D,), dtype=jnp.float32)
    g2 = jnp.ones((D,), dtype=jnp.float32)
    be2 = jnp.zeros((D,), dtype=jnp.float32)
    Wf1 = 0.1 * jax.random.normal(ks[5], (D, D // 2), dtype=jnp.float32)
    bf1 = jnp.zeros((D // 2,), dtype=jnp.float32)
    Wf2 = 0.1 * jax.random.normal(ks[6], (D // 2, 1), dtype=jnp.float32)
    bf2 = jnp.zeros((1,), dtype=jnp.float32)
    return {"x": x, "edge_index": edge_index, "batch": batch,
            "W1": W1, "b1": b1, "g1": g1, "be1": be1,
            "W2": W2, "b2": b2, "g2": g2, "be2": be2,
            "Wf1": Wf1, "bf1": bf1, "Wf2": Wf2, "bf2": bf2}


def _gcn_conv(x, src, dst, W, b, num_nodes):
    # GCNConv: h = D^{-1/2} (A + I) D^{-1/2} (x W) + b
    loop = jnp.arange(num_nodes, dtype=src.dtype)
    s = jnp.concatenate([src, loop])
    d = jnp.concatenate([dst, loop])
    h = x @ W
    ones = jnp.ones(d.shape[0], dtype=x.dtype)
    deg = jax.ops.segment_sum(ones, d, num_segments=num_nodes)
    dis = jnp.where(deg > 0, jax.lax.rsqrt(jnp.maximum(deg, 1e-12)), 0.0)
    norm = dis[s] * dis[d]
    msg = h[s] * norm[:, None]
    out = jax.ops.segment_sum(msg, d, num_segments=num_nodes)
    return out + b


def _bn(h, g, be):
    m = jnp.mean(h, axis=0)
    v = jnp.var(h, axis=0)
    return g * (h - m) * jax.lax.rsqrt(v + EPS) + be


def reference(x, edge_index, batch, W1, b1, g1, be1, W2, b2, g2, be2, Wf1, bf1, Wf2, bf2):
    src, dst = edge_index[0], edge_index[1]
    num_nodes = x.shape[0]
    # layer 0 (dropout is identity at inference)
    h = _gcn_conv(x, src, dst, W1, b1, num_nodes)
    h = jax.nn.relu(_bn(h, g1, be1))
    prev = h
    # layer 1 with residual
    h = _gcn_conv(h, src, dst, W2, b2, num_nodes)
    h = jax.nn.relu(_bn(h, g2, be2))
    h = h + prev
    # global mean pool over graphs
    sums = jax.ops.segment_sum(h, batch, num_segments=G)
    cnt = jax.ops.segment_sum(jnp.ones((num_nodes,), dtype=h.dtype), batch, num_segments=G)
    pooled = sums / jnp.maximum(cnt, 1.0)[:, None]
    # readout MLP
    z = jax.nn.relu(pooled @ Wf1 + bf1)
    out = jax.nn.sigmoid(z @ Wf2 + bf2)
    return out

if __name__ == "__main__":
    import jax
    _d = setup_inputs()
    print(jax.jit(kernel)(*tuple(_d.values())))

</pallas_src>

<mosaic_0001>
#map = affine_map<(d0, d1) -> (0, 0)>
#map1 = affine_map<(d0, d1) -> (0, 0, 0)>
module attributes {stable_mosaic.version = 14 : i64} {
  func.func @_agg_body(%arg0: i32, %arg1: i32, %arg2: memref<10112x128xf32, #tpu.memory_space<hbm>>, %arg3: memref<5120x64xi32, #tpu.memory_space<hbm>>, %arg4: memref<5120x64xi32, #tpu.memory_space<hbm>>, %arg5: memref<10112x128xf32, #tpu.memory_space<hbm>>, %arg6: memref<2x10112x128xf32, #tpu.memory_space<hbm>>, %arg7: memref<2x8x64xi32, #tpu.memory_space<vmem>>, %arg8: memref<2x8x64xi32, #tpu.memory_space<vmem>>, %arg9: memref<64x128xf32, #tpu.memory_space<vmem>>, %arg10: memref<64x128xf32, #tpu.memory_space<vmem>>, %arg11: memref<64x128xf32, #tpu.memory_space<vmem>>, %arg12: memref<64x128xf32, #tpu.memory_space<vmem>>, %arg13: memref<10112x128xf32, #tpu.memory_space<vmem_shared>>, %arg14: memref<!tpu.dma_semaphore, #tpu.memory_space<semaphore_mem>>, %arg15: memref<!tpu.dma_semaphore, #tpu.memory_space<semaphore_mem>>) attributes {dimension_semantics = [#tpu.dimension_semantics<core_parallel>, #tpu.dimension_semantics<subcore_parallel>], iteration_bounds = array<i64: 2, 16>, scalar_prefetch = 0 : i64, scratch_operands = 9 : i64, tpu.core_type = #tpu.core_type<sc_vector_subcore>, window_params = [{transform_indices = #map}, {transform_indices = #map}, {transform_indices = #map}, {transform_indices = #map}, {transform_indices = #map1}]} {
    %mul3A = arith.constant 16 : i32
    %mul3A_0 = arith.muli %arg0, %mul3A : i32
    %add3A = arith.addi %mul3A_0, %arg1 : i32
    %mul3A_1 = arith.constant 160 : i32
    %mul3A_2 = arith.muli %add3A, %mul3A_1 : i32
    %mul3A_3 = arith.constant 632 : i32
    %mul3A_4 = arith.muli %arg1, %mul3A_3 : i32
    %mul3A_5 = arith.constant 632 : i32
    %mul3A_6 = arith.muli %arg1, %mul3A_5 : i32
    "tpu.region"() ({
      %run_scoped3A = tpu.sem_alloc : memref<!tpu.dma_semaphore, #tpu.memory_space<semaphore_mem>>
      %dma_start3A_125 = arith.constant 0 : i32
      %dma_start3A_126 = tpu.memref_slice %arg13[%mul3A_6, %dma_start3A_125] : memref<10112x128xf32, #tpu.memory_space<vmem_shared>> -> memref<632x128xf32, #tpu.memory_space<vmem_shared>>
      %dma_start3A_127 = arith.constant 0 : i32
      %dma_start3A_128 = tpu.memref_slice %arg5[%mul3A_4, %dma_start3A_127] : memref<10112x128xf32, #tpu.memory_space<hbm>> -> memref<632x128xf32, #tpu.memory_space<hbm>>
      tpu.enqueue_dma source(%dma_start3A_128 : memref<632x128xf32, #tpu.memory_space<hbm>>) target(%dma_start3A_126 : memref<632x128xf32, #tpu.memory_space<vmem_shared>>) target_semaphore(%run_scoped3A : memref<!tpu.dma_semaphore, #tpu.memory_space<semaphore_mem>>)
      %dma_wait3A_129 = arith.constant 0 : i32
      %dma_wait3A_130 = tpu.memref_slice %arg13[%mul3A_6, %dma_wait3A_129] : memref<10112x128xf32, #tpu.memory_space<vmem_shared>> -> memref<632x128xf32, #tpu.memory_space<vmem_shared>>
      %dma_wait3A_131 = arith.constant 0 : i32
      %dma_wait3A_132 = tpu.memref_slice %arg5[%mul3A_4, %dma_wait3A_131] : memref<10112x128xf32, #tpu.memory_space<hbm>> -> memref<632x128xf32, #tpu.memory_space<hbm>>
      tpu.wait_dma2 semaphore(%run_scoped3A : memref<!tpu.dma_semaphore, #tpu.memory_space<semaphore_mem>>) src(%dma_wait3A_132 : memref<632x128xf32, #tpu.memory_space<hbm>>) dst(%dma_wait3A_130 : memref<632x128xf32, #tpu.memory_space<vmem_shared>>)
      tpu.yield
    }) : () -> ()
    %add3A_7 = arith.constant 0 : i32
    %add3A_8 = arith.addi %mul3A_2, %add3A_7 : i32
    %dma_start3A = arith.constant 0 : i32
    %dma_start3A_9 = arith.constant 0 : i32
    %dma_start3A_10 = arith.constant 0 : i32
    %dma_start3A_11 = tpu.memref_slice %arg7[%dma_start3A, %dma_start3A_9, %dma_start3A_10] : memref<2x8x64xi32, #tpu.memory_space<vmem>> -> memref<1x8x64xi32, #tpu.memory_space<vmem>>
    %dma_start3A_12 = tpu.memref_squeeze %dma_start3A_11 : memref<1x8x64xi32, #tpu.memory_space<vmem>> -> memref<8x64xi32, #tpu.memory_space<vmem>>
    %dma_start3A_13 = arith.constant 0 : i32
    %dma_start3A_14 = tpu.memref_slice %arg3[%add3A_8, %dma_start3A_13] : memref<5120x64xi32, #tpu.memory_space<hbm>> -> memref<8x64xi32, #tpu.memory_space<hbm>>
    %dma_start3A_15 = arith.constant 0 : i32
    %dma_start3A_16 = arith.constant 0 : i32
    %dma_start3A_17 = tpu.memref_slice %arg7[%dma_start3A, %dma_start3A_15, %dma_start3A_16] : memref<2x8x64xi32, #tpu.memory_space<vmem>> -> memref<1x8x64xi32, #tpu.memory_space<vmem>>
    %dma_start3A_18 = tpu.memref_squeeze %dma_start3A_17 : memref<1x8x64xi32, #tpu.memory_space<vmem>> -> memref<8x64xi32, #tpu.memory_space<vmem>>
    %dma_start3A_19 = arith.constant 0 : i32
    %dma_start3A_20 = tpu.memref_slice %arg3[%add3A_8, %dma_start3A_19] : memref<5120x64xi32, #tpu.memory_space<hbm>> -> memref<8x64xi32, #tpu.memory_space<hbm>>
    tpu.enqueue_dma source(%dma_start3A_20 : memref<8x64xi32, #tpu.memory_space<hbm>>) target(%dma_start3A_18 : memref<8x64xi32, #tpu.memory_space<vmem>>) target_semaphore(%arg15 : memref<!tpu.dma_semaphore, #tpu.memory_space<semaphore_mem>>)
    %add3A_21 = arith.constant 0 : i32
    %add3A_22 = arith.addi %mul3A_2, %add3A_21 : i32
    %dma_start3A_23 = arith.constant 0 : i32
    %dma_start3A_24 = arith.constant 0 : i32
    %dma_start3A_25 = arith.constant 0 : i32
    %dma_start3A_26 = tpu.memref_slice %arg8[%dma_start3A_23, %dma_start3A_24, %dma_start3A_25] : memref<2x8x64xi32, #tpu.memory_space<vmem>> -> memref<1x8x64xi32, #tpu.memory_space<vmem>>
    %dma_start3A_27 = tpu.memref_squeeze %dma_start3A_26 : memref<1x8x64xi32, #tpu.memory_space<vmem>> -> memref<8x64xi32, #tpu.memory_space<vmem>>
    %dma_start3A_28 = arith.constant 0 : i32
    %dma_start3A_29 = tpu.memref_slice %arg4[%add3A_22, %dma_start3A_28] : memref<5120x64xi32, #tpu.memory_space<hbm>> -> memref<8x64xi32, #tpu.memory_space<hbm>>
    %dma_start3A_30 = arith.constant 0 : i32
    %dma_start3A_31 = arith.constant 0 : i32
    %dma_start3A_32 = tpu.memref_slice %arg8[%dma_start3A_23, %dma_start3A_30, %dma_start3A_31] : memref<2x8x64xi32, #tpu.memory_space<vmem>> -> memref<1x8x64xi32, #tpu.memory_space<vmem>>
    %dma_start3A_33 = tpu.memref_squeeze %dma_start3A_32 : memref<1x8x64xi32, #tpu.memory_space<vmem>> -> memref<8x64xi32, #tpu.memory_space<vmem>>
    %dma_start3A_34 = arith.constant 0 : i32
    %dma_start3A_35 = tpu.memref_slice %arg4[%add3A_22, %dma_start3A_34] : memref<5120x64xi32, #tpu.memory_space<hbm>> -> memref<8x64xi32, #tpu.memory_space<hbm>>
    tpu.enqueue_dma source(%dma_start3A_35 : memref<8x64xi32, #tpu.memory_space<hbm>>) target(%dma_start3A_33 : memref<8x64xi32, #tpu.memory_space<vmem>>) target_semaphore(%arg15 : memref<!tpu.dma_semaphore, #tpu.memory_space<semaphore_mem>>)
    %add3A_36 = arith.constant 8 : i32
    %add3A_37 = arith.addi %mul3A_2, %add3A_36 : i32
    %dma_start3A_38 = arith.constant 1 : i32
    %dma_start3A_39 = arith.constant 0 : i32
    %dma_start3A_40 = arith.constant 0 : i32
    %dma_start3A_41 = tpu.memref_slice %arg7[%dma_start3A_38, %dma_start3A_39, %dma_start3A_40] : memref<2x8x64xi32, #tpu.memory_space<vmem>> -> memref<1x8x64xi32, #tpu.memory_space<vmem>>
    %dma_start3A_42 = tpu.memref_squeeze %dma_start3A_41 : memref<1x8x64xi32, #tpu.memory_space<vmem>> -> memref<8x64xi32, #tpu.memory_space<vmem>>
    %dma_start3A_43 = arith.constant 0 : i32
    %dma_start3A_44 = tpu.memref_slice %arg3[%add3A_37, %dma_start3A_43] : memref<5120x64xi32, #tpu.memory_space<hbm>> -> memref<8x64xi32, #tpu.memory_space<hbm>>
    %dma_start3A_45 = arith.constant 0 : i32
    %dma_start3A_46 = arith.constant 0 : i32
    %dma_start3A_47 = tpu.memref_slice %arg7[%dma_start3A_38, %dma_start3A_45, %dma_start3A_46] : memref<2x8x64xi32, #tpu.memory_space<vmem>> -> memref<1x8x64xi32, #tpu.memory_space<vmem>>
    %dma_start3A_48 = tpu.memref_squeeze %dma_start3A_47 : memref<1x8x64xi32, #tpu.memory_space<vmem>> -> memref<8x64xi32, #tpu.memory_space<vmem>>
    %dma_start3A_49 = arith.constant 0 : i32
    %dma_start3A_50 = tpu.memref_slice %arg3[%add3A_37, %dma_start3A_49] : memref<5120x64xi32, #tpu.memory_space<hbm>> -> memref<8x64xi32, #tpu.memory_space<hbm>>
    tpu.enqueue_dma source(%dma_start3A_50 : memref<8x64xi32, #tpu.memory_space<hbm>>) target(%dma_start3A_48 : memref<8x64xi32, #tpu.memory_space<vmem>>) target_semaphore(%arg15 : memref<!tpu.dma_semaphore, #tpu.memory_space<semaphore_mem>>)
    %add3A_51 = arith.constant 8 : i32
    %add3A_52 = arith.addi %mul3A_2, %add3A_51 : i32
    %dma_start3A_53 = arith.constant 1 : i32
    %dma_start3A_54 = arith.constant 0 : i32
    %dma_start3A_55 = arith.constant 0 : i32
    %dma_start3A_56 = tpu.memref_slice %arg8[%dma_start3A_53, %dma_start3A_54, %dma_start3A_55] : memref<2x8x64xi32, #tpu.memory_space<vmem>> -> memref<1x8x64xi32, #tpu.memory_space<vmem>>
    %dma_start3A_57 = tpu.memref_squeeze %dma_start3A_56 : memref<1x8x64xi32, #tpu.memory_space<vmem>> -> memref<8x64xi32, #tpu.memory_space<vmem>>
    %dma_start3A_58 = arith.constant 0 : i32
    %dma_start3A_59 = tpu.memref_slice %arg4[%add3A_52, %dma_start3A_58] : memref<5120x64xi32, #tpu.memory_space<hbm>> -> memref<8x64xi32, #tpu.memory_space<hbm>>
    %dma_start3A_60 = arith.constant 0 : i32
    %dma_start3A_61 = arith.constant 0 : i32
    %dma_start3A_62 = tpu.memref_slice %arg8[%dma_start3A_53, %dma_start3A_60, %dma_start3A_61] : memref<2x8x64xi32, #tpu.memory_space<vmem>> -> memref<1x8x64xi32, #tpu.memory_space<vmem>>
    %dma_start3A_63 = tpu.memref_squeeze %dma_start3A_62 : memref<1x8x64xi32, #tpu.memory_space<vmem>> -> memref<8x64xi32, #tpu.memory_space<vmem>>
    %dma_start3A_64 = arith.constant 0 : i32
    %dma_start3A_65 = tpu.memref_slice %arg4[%add3A_52, %dma_start3A_64] : memref<5120x64xi32, #tpu.memory_space<hbm>> -> memref<8x64xi32, #tpu.memory_space<hbm>>
    tpu.enqueue_dma source(%dma_start3A_65 : memref<8x64xi32, #tpu.memory_space<hbm>>) target(%dma_start3A_63 : memref<8x64xi32, #tpu.memory_space<vmem>>) target_semaphore(%arg15 : memref<!tpu.dma_semaphore, #tpu.memory_space<semaphore_mem>>)
    %barrier3A = arith.constant 0 : index
    tpu.barrier barrier_id(%barrier3A)
    %dma_wait3A = arith.constant 0 : i32
    %dma_wait3A_66 = arith.constant 0 : i32
    %dma_wait3A_67 = arith.constant 0 : i32
    %dma_wait3A_68 = tpu.memref_slice %arg7[%dma_wait3A, %dma_wait3A_66, %dma_wait3A_67] : memref<2x8x64xi32, #tpu.memory_space<vmem>> -> memref<1x8x64xi32, #tpu.memory_space<vmem>>
    %dma_wait3A_69 = tpu.memref_squeeze %dma_wait3A_68 : memref<1x8x64xi32, #tpu.memory_space<vmem>> -> memref<8x64xi32, #tpu.memory_space<vmem>>
    %dma_wait3A_70 = arith.constant 0 : i32
    %dma_wait3A_71 = tpu.memref_slice %arg3[%mul3A_2, %dma_wait3A_70] : memref<5120x64xi32, #tpu.memory_space<hbm>> -> memref<8x64xi32, #tpu.memory_space<hbm>>
    %dma_wait3A_72 = arith.constant 0 : i32
    %dma_wait3A_73 = arith.constant 0 : i32
    %dma_wait3A_74 = tpu.memref_slice %arg7[%dma_wait3A, %dma_wait3A_72, %dma_wait3A_73] : memref<2x8x64xi32, #tpu.memory_space<vmem>> -> memref<1x8x64xi32, #tpu.memory_space<vmem>>
    %dma_wait3A_75 = tpu.memref_squeeze %dma_wait3A_74 : memref<1x8x64xi32, #tpu.memory_space<vmem>> -> memref<8x64xi32, #tpu.memory_space<vmem>>
    %dma_wait3A_76 = arith.constant 0 : i32
    %dma_wait3A_77 = tpu.memref_slice %arg3[%mul3A_2, %dma_wait3A_76] : memref<5120x64xi32, #tpu.memory_space<hbm>> -> memref<8x64xi32, #tpu.memory_space<hbm>>
    tpu.wait_dma2 semaphore(%arg15 : memref<!tpu.dma_semaphore, #tpu.memory_space<semaphore_mem>>) src(%dma_wait3A_77 : memref<8x64xi32, #tpu.memory_space<hbm>>) dst(%dma_wait3A_75 : memref<8x64xi32, #tpu.memory_space<vmem>>)
    %dma_wait3A_78 = arith.constant 0 : i32
    %dma_wait3A_79 = arith.constant 0 : i32
    %dma_wait3A_80 = arith.constant 0 : i32
    %dma_wait3A_81 = tpu.memref_slice %arg8[%dma_wait3A_78, %dma_wait3A_79, %dma_wait3A_80] : memref<2x8x64xi32, #tpu.memory_space<vmem>> -> memref<1x8x64xi32, #tpu.memory_space<vmem>>
    %dma_wait3A_82 = tpu.memref_squeeze %dma_wait3A_81 : memref<1x8x64xi32, #tpu.memory_space<vmem>> -> memref<8x64xi32, #tpu.memory_space<vmem>>
    %dma_wait3A_83 = arith.constant 0 : i32
    %dma_wait3A_84 = tpu.memref_slice %arg4[%mul3A_2, %dma_wait3A_83] : memref<5120x64xi32, #tpu.memory_space<hbm>> -> memref<8x64xi32, #tpu.memory_space<hbm>>
    %dma_wait3A_85 = arith.constant 0 : i32
    %dma_wait3A_86 = arith.constant 0 : i32
    %dma_wait3A_87 = tpu.memref_slice %arg8[%dma_wait3A_78, %dma_wait3A_85, %dma_wait3A_86] : memref<2x8x64xi32, #tpu.memory_space<vmem>> -> memref<1x8x64xi32, #tpu.memory_space<vmem>>
    %dma_wait3A_88 = tpu.memref_squeeze %dma_wait3A_87 : memref<1x8x64xi32, #tpu.memory_space<vmem>> -> memref<8x64xi32, #tpu.memory_space<vmem>>
    %dma_wait3A_89 = arith.constant 0 : i32
    %dma_wait3A_90 = tpu.memref_slice %arg4[%mul3A_2, %dma_wait3A_89] : memref<5120x64xi32, #tpu.memory_space<hbm>> -> memref<8x64xi32, #tpu.memory_space<hbm>>
    tpu.wait_dma2 semaphore(%arg15 : memref<!tpu.dma_semaphore, #tpu.memory_space<semaphore_mem>>) src(%dma_wait3A_90 : memref<8x64xi32, #tpu.memory_space<hbm>>) dst(%dma_wait3A_88 : memref<8x64xi32, #tpu.memory_space<vmem>>)
    %dma_start3A_91 = arith.constant 0 : i32
    %dma_start3A_92 = arith.constant 0 : i32
    %dma_start3A_93 = arith.constant 0 : i32
    %dma_start3A_94 = tpu.memref_slice %arg7[%dma_start3A_91, %dma_start3A_92, %dma_start3A_93] : memref<2x8x64xi32, #tpu.memory_space<vmem>> -> memref<1x1x64xi32, #tpu.memory_space<vmem>>
    %dma_start3A_95 = tpu.memref_squeeze %dma_start3A_94 : memref<1x1x64xi32, #tpu.memory_space<vmem>> -> memref<64xi32, #tpu.memory_space<vmem>>
    %dma_start3A_96 = arith.constant 0 : i32
    %dma_start3A_97 = arith.constant 0 : i32
    %dma_start3A_98 = tpu.memref_slice %arg2[%dma_start3A_96, %dma_start3A_97] : memref<10112x128xf32, #tpu.memory_space<hbm>> -> memref<10112x128xf32, #tpu.memory_space<hbm>>
    tpu.enqueue_indirect_dma source(%dma_start3A_98 : memref<10112x128xf32, #tpu.memory_space<hbm>>) target(%arg9 : memref<64x128xf32, #tpu.memory_space<vmem>>) offsets(%dma_start3A_95 : memref<64xi32, #tpu.memory_space<vmem>>) semaphore(%arg14 : memref<!tpu.dma_semaphore, #tpu.memory_space<semaphore_mem>>)
    %dma_start3A_99 = arith.constant 0 : i32
    %dma_start3A_100 = arith.constant 1 : i32
    %dma_start3A_101 = arith.constant 0 : i32
    %dma_start3A_102 = tpu.memref_slice %arg7[%dma_start3A_99, %dma_start3A_100, %dma_start3A_101] : memref<2x8x64xi32, #tpu.memory_space<vmem>> -> memref<1x1x64xi32, #tpu.memory_space<vmem>>
    %dma_start3A_103 = tpu.memref_squeeze %dma_start3A_102 : memref<1x1x64xi32, #tpu.memory_space<vmem>> -> memref<64xi32, #tpu.memory_space<vmem>>
    %dma_start3A_104 = arith.constant 0 : i32
    %dma_start3A_105 = arith.constant 0 : i32
    %dma_start3A_106 = tpu.memref_slice %arg2[%dma_start3A_104, %dma_start3A_105] : memref<10112x128xf32, #tpu.memory_space<hbm>> -> memref<10112x128xf32, #tpu.memory_space<hbm>>
    tpu.enqueue_indirect_dma source(%dma_start3A_106 : memref<10112x128xf32, #tpu.memory_space<hbm>>) target(%arg10 : memref<64x128xf32, #tpu.memory_space<vmem>>) offsets(%dma_start3A_103 : memref<64xi32, #tpu.memory_space<vmem>>) semaphore(%arg14 : memref<!tpu.dma_semaphore, #tpu.memory_space<semaphore_mem>>)
    %dma_start3A_107 = arith.constant 0 : i32
    %dma_start3A_108 = arith.constant 2 : i32
    %dma_start3A_109 = arith.constant 0 : i32
    %dma_start3A_110 = tpu.memref_slice %arg7[%dma_start3A_107, %dma_start3A_108, %dma_start3A_109] : memref<2x8x64xi32, #tpu.memory_space<vmem>> -> memref<1x1x64xi32, #tpu.memory_space<vmem>>
    %dma_start3A_111 = tpu.memref_squeeze %dma_start3A_110 : memref<1x1x64xi32, #tpu.memory_space<vmem>> -> memref<64xi32, #tpu.memory_space<vmem>>
    %dma_start3A_112 = arith.constant 0 : i32
    %dma_start3A_113 = arith.constant 0 : i32
    %dma_start3A_114 = tpu.memref_slice %arg2[%dma_start3A_112, %dma_start3A_113] : memref<10112x128xf32, #tpu.memory_space<hbm>> -> memref<10112x128xf32, #tpu.memory_space<hbm>>
    tpu.enqueue_indirect_dma source(%dma_start3A_114 : memref<10112x128xf32, #tpu.memory_space<hbm>>) target(%arg11 : memref<64x128xf32, #tpu.memory_space<vmem>>) offsets(%dma_start3A_111 : memref<64xi32, #tpu.memory_space<vmem>>) semaphore(%arg14 : memref<!tpu.dma_semaphore, #tpu.memory_space<semaphore_mem>>)
    %scan3A = arith.constant 0 : i32
    %scan3A_115 = arith.constant 0 : i32
    %scan3A_116 = arith.constant 10 : i32
    %scan3A_117 = arith.addi %scan3A_115, %scan3A_116 : i32
    %scan3A_118 = arith.constant 1 : i32
    scf.for %scan3A_125 = %scan3A_115 to %scan3A_117 step %scan3A_118  : i32 {
      %mul3A_126 = arith.constant 2 : i32
      %mul3A_127 = arith.muli %scan3A_125, %mul3A_126 : i32
      %add3A_128 = arith.constant 0 : i32
      %add3A_129 = arith.addi %mul3A_127, %add3A_128 : i32
      %mul3A_130 = arith.constant 8 : i32
      %mul3A_131 = arith.muli %add3A_129, %mul3A_130 : i32
      %add3A_132 = arith.constant 3 : i32
      %add3A_133 = arith.addi %mul3A_131, %add3A_132 : i32
      %lt3A = arith.constant 160 : i32
      %lt3A_134 = arith.cmpi slt, %add3A_133, %lt3A : i32
      %convert_element_type3A = arith.extui %lt3A_134 : i1 to i32
      %cond3A = arith.constant 0 : i32
      %cond3A_135 = arith.cmpi ne, %convert_element_type3A, %cond3A : i32
      scf.if %cond3A_135 {
        %dma_start3A_448 = arith.constant 0 : i32
        %dma_start3A_449 = arith.constant 3 : i32
        %dma_start3A_450 = arith.constant 0 : i32
        %dma_start3A_451 = tpu.memref_slice %arg7[%dma_start3A_448, %dma_start3A_449, %dma_start3A_450] : memref<2x8x64xi32, #tpu.memory_space<vmem>> -> memref<1x1x64xi32, #tpu.memory_space<vmem>>
        %dma_start3A_452 = tpu.memref_squeeze %dma_start3A_451 : memref<1x1x64xi32, #tpu.memory_space<vmem>> -> memref<64xi32, #tpu.memory_space<vmem>>
        %dma_start3A_453 = arith.constant 0 : i32
        %dma_start3A_454 = arith.constant 0 : i32
        %dma_start3A_455 = tpu.memref_slice %arg2[%dma_start3A_453, %dma_start3A_454] : memref<10112x128xf32, #tpu.memory_space<hbm>> -> memref<10112x128xf32, #tpu.memory_space<hbm>>
        tpu.enqueue_indirect_dma source(%dma_start3A_455 : memref<10112x128xf32, #tpu.memory_space<hbm>>) target(%arg12 : memref<64x128xf32, #tpu.memory_space<vmem>>) offsets(%dma_start3A_452 : memref<64xi32, #tpu.memory_space<vmem>>) semaphore(%arg14 : memref<!tpu.dma_semaphore, #tpu.memory_space<semaphore_mem>>)
      } else {
      }
      %dma_wait3A_136 = arith.constant 0 : i32
      %dma_wait3A_137 = arith.constant 0 : i32
      %dma_wait3A_138 = arith.constant 0 : i32
      %dma_wait3A_139 = tpu.memref_slice %arg7[%dma_wait3A_136, %dma_wait3A_137, %dma_wait3A_138] : memref<2x8x64xi32, #tpu.memory_space<vmem>> -> memref<1x1x64xi32, #tpu.memory_space<vmem>>
      %dma_wait3A_140 = tpu.memref_squeeze %dma_wait3A_139 : memref<1x1x64xi32, #tpu.memory_space<vmem>> -> memref<64xi32, #tpu.memory_space<vmem>>
      %dma_wait3A_141 = arith.constant 0 : i32
      %dma_wait3A_142 = arith.constant 0 : i32
      %dma_wait3A_143 = tpu.memref_slice %arg2[%dma_wait3A_141, %dma_wait3A_142] : memref<10112x128xf32, #tpu.memory_space<hbm>> -> memref<10112x128xf32, #tpu.memory_space<hbm>>
      tpu.wait_indirect_dma semaphore(%arg14 : memref<!tpu.dma_semaphore, #tpu.memory_space<semaphore_mem>>) src(%dma_wait3A_143 : memref<10112x128xf32, #tpu.memory_space<hbm>>) dst(%arg9 : memref<64x128xf32, #tpu.memory_space<vmem>>)
      %run_scoped3A = arith.constant 0 : i32
      %run_scoped3A_144 = arith.constant 0 : i32
      "tpu.region"() ({
        %run_scoped3A_448 = tpu.sem_alloc : memref<!tpu.dma_semaphore, #tpu.memory_space<semaphore_mem>>
        %dma_start3A_449 = arith.constant 0 : i32
        %dma_start3A_450 = tpu.memref_slice %arg8[%run_scoped3A, %run_scoped3A_144, %dma_start3A_449] : memref<2x8x64xi32, #tpu.memory_space<vmem>> -> memref<1x1x64xi32, #tpu.memory_space<vmem>>
        %dma_start3A_451 = tpu.memref_squeeze %dma_start3A_450 : memref<1x1x64xi32, #tpu.memory_space<vmem>> -> memref<64xi32, #tpu.memory_space<vmem>>
        %dma_start3A_452 = arith.constant 0 : i32
        %dma_start3A_453 = arith.constant 0 : i32
        %dma_start3A_454 = tpu.memref_slice %arg13[%dma_start3A_452, %dma_start3A_453] : memref<10112x128xf32, #tpu.memory_space<vmem_shared>> -> memref<10112x128xf32, #tpu.memory_space<vmem_shared>>
        tpu.enqueue_indirect_dma source(%arg9 : memref<64x128xf32, #tpu.memory_space<vmem>>) target(%dma_start3A_454 : memref<10112x128xf32, #tpu.memory_space<vmem_shared>>) offsets(%dma_start3A_451 : memref<64xi32, #tpu.memory_space<vmem>>) semaphore(%run_scoped3A_448 : memref<!tpu.dma_semaphore, #tpu.memory_space<semaphore_mem>>) {add = true}
        %dma_wait3A_455 = arith.constant 0 : i32
        %dma_wait3A_456 = tpu.memref_slice %arg8[%run_scoped3A, %run_scoped3A_144, %dma_wait3A_455] : memref<2x8x64xi32, #tpu.memory_space<vmem>> -> memref<1x1x64xi32, #tpu.memory_space<vmem>>
        %dma_wait3A_457 = tpu.memref_squeeze %dma_wait3A_456 : memref<1x1x64xi32, #tpu.memory_space<vmem>> -> memref<64xi32, #tpu.memory_space<vmem>>
        %dma_wait3A_458 = arith.constant 0 : i32
        %dma_wait3A_459 = arith.constant 0 : i32
        %dma_wait3A_460 = tpu.memref_slice %arg13[%dma_wait3A_458, %dma_wait3A_459] : memref<10112x128xf32, #tpu.memory_space<vmem_shared>> -> memref<10112x128xf32, #tpu.memory_space<vmem_shared>>
        tpu.wait_indirect_dma semaphore(%run_scoped3A_448 : memref<!tpu.dma_semaphore, #tpu.memory_space<semaphore_mem>>) src(%arg9 : memref<64x128xf32, #tpu.memory_space<vmem>>) dst(%dma_wait3A_460 : memref<10112x128xf32, #tpu.memory_space<vmem_shared>>)
        tpu.yield
      }) : () -> ()
      %mul3A_145 = arith.constant 8 : i32
      %mul3A_146 = arith.muli %add3A_129, %mul3A_145 : i32
      %add3A_147 = arith.constant 4 : i32
      %add3A_148 = arith.addi %mul3A_146, %add3A_147 : i32
      %lt3A_149 = arith.constant 160 : i32
      %lt3A_150 = arith.cmpi slt, %add3A_148, %lt3A_149 : i32
      %convert_element_type3A_151 = arith.extui %lt3A_150 : i1 to i32
      %cond3A_152 = arith.constant 0 : i32
      %cond3A_153 = arith.cmpi ne, %convert_element_type3A_151, %cond3A_152 : i32
      scf.if %cond3A_153 {
        %dma_start3A_448 = arith.constant 0 : i32
        %dma_start3A_449 = arith.constant 4 : i32
        %dma_start3A_450 = arith.constant 0 : i32
        %dma_start3A_451 = tpu.memref_slice %arg7[%dma_start3A_448, %dma_start3A_449, %dma_start3A_450] : memref<2x8x64xi32, #tpu.memory_space<vmem>> -> memref<1x1x64xi32, #tpu.memory_space<vmem>>
        %dma_start3A_452 = tpu.memref_squeeze %dma_start3A_451 : memref<1x1x64xi32, #tpu.memory_space<vmem>> -> memref<64xi32, #tpu.memory_space<vmem>>
        %dma_start3A_453 = arith.constant 0 : i32
        %dma_start3A_454 = arith.constant 0 : i32
        %dma_start3A_455 = tpu.memref_slice %arg2[%dma_start3A_453, %dma_start3A_454] : memref<10112x128xf32, #tpu.memory_space<hbm>> -> memref<10112x128xf32, #tpu.memory_space<hbm>>
        tpu.enqueue_indirect_dma source(%dma_start3A_455 : memref<10112x128xf32, #tpu.memory_space<hbm>>) target(%arg9 : memref<64x128xf32, #tpu.memory_space<vmem>>) offsets(%dma_start3A_452 : memref<64xi32, #tpu.memory_space<vmem>>) semaphore(%arg14 : memref<!tpu.dma_semaphore, #tpu.memory_space<semaphore_mem>>)
      } else {
      }
      %dma_wait3A_154 = arith.constant 0 : i32
      %dma_wait3A_155 = arith.constant 1 : i32
      %dma_wait3A_156 = arith.constant 0 : i32
      %dma_wait3A_157 = tpu.memref_slice %arg7[%dma_wait3A_154, %dma_wait3A_155, %dma_wait3A_156] : memref<2x8x64xi32, #tpu.memory_space<vmem>> -> memref<1x1x64xi32, #tpu.memory_space<vmem>>
      %dma_wait3A_158 = tpu.memref_squeeze %dma_wait3A_157 : memref<1x1x64xi32, #tpu.memory_space<vmem>> -> memref<64xi32, #tpu.memory_space<vmem>>
      %dma_wait3A_159 = arith.constant 0 : i32
      %dma_wait3A_160 = arith.constant 0 : i32
      %dma_wait3A_161 = tpu.memref_slice %arg2[%dma_wait3A_159, %dma_wait3A_160] : memref<10112x128xf32, #tpu.memory_space<hbm>> -> memref<10112x128xf32, #tpu.memory_space<hbm>>
      tpu.wait_indirect_dma semaphore(%arg14 : memref<!tpu.dma_semaphore, #tpu.memory_space<semaphore_mem>>) src(%dma_wait3A_161 : memref<10112x128xf32, #tpu.memory_space<hbm>>) dst(%arg10 : memref<64x128xf32, #tpu.memory_space<vmem>>)
      %run_scoped3A_162 = arith.constant 0 : i32
      %run_scoped3A_163 = arith.constant 1 : i32
      "tpu.region"() ({
        %run_scoped3A_448 = tpu.sem_alloc : memref<!tpu.dma_semaphore, #tpu.memory_space<semaphore_mem>>
        %dma_start3A_449 = arith.constant 0 : i32
        %dma_start3A_450 = tpu.memref_slice %arg8[%run_scoped3A_162, %run_scoped3A_163, %dma_start3A_449] : memref<2x8x64xi32, #tpu.memory_space<vmem>> -> memref<1x1x64xi32, #tpu.memory_space<vmem>>
        %dma_start3A_451 = tpu.memref_squeeze %dma_start3A_450 : memref<1x1x64xi32, #tpu.memory_space<vmem>> -> memref<64xi32, #tpu.memory_space<vmem>>
        %dma_start3A_452 = arith.constant 0 : i32
        %dma_start3A_453 = arith.constant 0 : i32
        %dma_start3A_454 = tpu.memref_slice %arg13[%dma_start3A_452, %dma_start3A_453] : memref<10112x128xf32, #tpu.memory_space<vmem_shared>> -> memref<10112x128xf32, #tpu.memory_space<vmem_shared>>
        tpu.enqueue_indirect_dma source(%arg10 : memref<64x128xf32, #tpu.memory_space<vmem>>) target(%dma_start3A_454 : memref<10112x128xf32, #tpu.memory_space<vmem_shared>>) offsets(%dma_start3A_451 : memref<64xi32, #tpu.memory_space<vmem>>) semaphore(%run_scoped3A_448 : memref<!tpu.dma_semaphore, #tpu.memory_space<semaphore_mem>>) {add = true}
        %dma_wait3A_455 = arith.constant 0 : i32
        %dma_wait3A_456 = tpu.memref_slice %arg8[%run_scoped3A_162, %run_scoped3A_163, %dma_wait3A_455] : memref<2x8x64xi32, #tpu.memory_space<vmem>> -> memref<1x1x64xi32, #tpu.memory_space<vmem>>
        %dma_wait3A_457 = tpu.memref_squeeze %dma_wait3A_456 : memref<1x1x64xi32, #tpu.memory_space<vmem>> -> memref<64xi32, #tpu.memory_space<vmem>>
        %dma_wait3A_458 = arith.constant 0 : i32
        %dma_wait3A_459 = arith.constant 0 : i32
        %dma_wait3A_460 = tpu.memref_slice %arg13[%dma_wait3A_458, %dma_wait3A_459] : memref<10112x128xf32, #tpu.memory_space<vmem_shared>> -> memref<10112x128xf32, #tpu.memory_space<vmem_shared>>
        tpu.wait_indirect_dma semaphore(%run_scoped3A_448 : memref<!tpu.dma_semaphore, #tpu.memory_space<semaphore_mem>>) src(%arg10 : memref<64x128xf32, #tpu.memory_space<vmem>>) dst(%dma_wait3A_460 : memref<10112x128xf32, #tpu.memory_space<vmem_shared>>)
        tpu.yield
      }) : () -> ()
      %mul3A_164 = arith.constant 8 : i32
      %mul3A_165 = arith.muli %add3A_129, %mul3A_164 : i32
      %add3A_166 = arith.constant 5 : i32
      %add3A_167 = arith.addi %mul3A_165, %add3A_166 : i32
      %lt3A_168 = arith.constant 160 : i32
      %lt3A_169 = arith.cmpi slt, %add3A_167, %lt3A_168 : i32
      %convert_element_type3A_170 = arith.extui %lt3A_169 : i1 to i32
      %cond3A_171 = arith.constant 0 : i32
      %cond3A_172 = arith.cmpi ne, %convert_element_type3A_170, %cond3A_171 : i32
      scf.if %cond3A_172 {
        %dma_start3A_448 = arith.constant 0 : i32
        %dma_start3A_449 = arith.constant 5 : i32
        %dma_start3A_450 = arith.constant 0 : i32
        %dma_start3A_451 = tpu.memref_slice %arg7[%dma_start3A_448, %dma_start3A_449, %dma_start3A_450] : memref<2x8x64xi32, #tpu.memory_space<vmem>> -> memref<1x1x64xi32, #tpu.memory_space<vmem>>
        %dma_start3A_452 = tpu.memref_squeeze %dma_start3A_451 : memref<1x1x64xi32, #tpu.memory_space<vmem>> -> memref<64xi32, #tpu.memory_space<vmem>>
        %dma_start3A_453 = arith.constant 0 : i32
        %dma_start3A_454 = arith.constant 0 : i32
        %dma_start3A_455 = tpu.memref_slice %arg2[%dma_start3A_453, %dma_start3A_454] : memref<10112x128xf32, #tpu.memory_space<hbm>> -> memref<10112x128xf32, #tpu.memory_space<hbm>>
        tpu.enqueue_indirect_dma source(%dma_start3A_455 : memref<10112x128xf32, #tpu.memory_space<hbm>>) target(%arg10 : memref<64x128xf32, #tpu.memory_space<vmem>>) offsets(%dma_start3A_452 : memref<64xi32, #tpu.memory_space<vmem>>) semaphore(%arg14 : memref<!tpu.dma_semaphore, #tpu.memory_space<semaphore_mem>>)
      } else {
      }
      %dma_wait3A_173 = arith.constant 0 : i32
      %dma_wait3A_174 = arith.constant 2 : i32
      %dma_wait3A_175 = arith.constant 0 : i32
      %dma_wait3A_176 = tpu.memref_slice %arg7[%dma_wait3A_173, %dma_wait3A_174, %dma_wait3A_175] : memref<2x8x64xi32, #tpu.memory_space<vmem>> -> memref<1x1x64xi32, #tpu.memory_space<vmem>>
      %dma_wait3A_177 = tpu.memref_squeeze %dma_wait3A_176 : memref<1x1x64xi32, #tpu.memory_space<vmem>> -> memref<64xi32, #tpu.memory_space<vmem>>
      %dma_wait3A_178 = arith.constant 0 : i32
      %dma_wait3A_179 = arith.constant 0 : i32
      %dma_wait3A_180 = tpu.memref_slice %arg2[%dma_wait3A_178, %dma_wait3A_179] : memref<10112x128xf32, #tpu.memory_space<hbm>> -> memref<10112x128xf32, #tpu.memory_space<hbm>>
      tpu.wait_indirect_dma semaphore(%arg14 : memref<!tpu.dma_semaphore, #tpu.memory_space<semaphore_mem>>) src(%dma_wait3A_180 : memref<10112x128xf32, #tpu.memory_space<hbm>>) dst(%arg11 : memref<64x128xf32, #tpu.memory_space<vmem>>)
      %run_scoped3A_181 = arith.constant 0 : i32
      %run_scoped3A_182 = arith.constant 2 : i32
      "tpu.region"() ({
        %run_scoped3A_448 = tpu.sem_alloc : memref<!tpu.dma_semaphore, #tpu.memory_space<semaphore_mem>>
        %dma_start3A_449 = arith.constant 0 : i32
        %dma_start3A_450 = tpu.memref_slice %arg8[%run_scoped3A_181, %run_scoped3A_182, %dma_start3A_449] : memref<2x8x64xi32, #tpu.memory_space<vmem>> -> memref<1x1x64xi32, #tpu.memory_space<vmem>>
        %dma_start3A_451 = tpu.memref_squeeze %dma_start3A_450 : memref<1x1x64xi32, #tpu.memory_space<vmem>> -> memref<64xi32, #tpu.memory_space<vmem>>
        %dma_start3A_452 = arith.constant 0 : i32
        %dma_start3A_453 = arith.constant 0 : i32
        %dma_start3A_454 = tpu.memref_slice %arg13[%dma_start3A_452, %dma_start3A_453] : memref<10112x128xf32, #tpu.memory_space<vmem_shared>> -> memref<10112x128xf32, #tpu.memory_space<vmem_shared>>
        tpu.enqueue_indirect_dma source(%arg11 : memref<64x128xf32, #tpu.memory_space<vmem>>) target(%dma_start3A_454 : memref<10112x128xf32, #tpu.memory_space<vmem_shared>>) offsets(%dma_start3A_451 : memref<64xi32, #tpu.memory_space<vmem>>) semaphore(%run_scoped3A_448 : memref<!tpu.dma_semaphore, #tpu.memory_space<semaphore_mem>>) {add = true}
        %dma_wait3A_455 = arith.constant 0 : i32
        %dma_wait3A_456 = tpu.memref_slice %arg8[%run_scoped3A_181, %run_scoped3A_182, %dma_wait3A_455] : memref<2x8x64xi32, #tpu.memory_space<vmem>> -> memref<1x1x64xi32, #tpu.memory_space<vmem>>
        %dma_wait3A_457 = tpu.memref_squeeze %dma_wait3A_456 : memref<1x1x64xi32, #tpu.memory_space<vmem>> -> memref<64xi32, #tpu.memory_space<vmem>>
        %dma_wait3A_458 = arith.constant 0 : i32
        %dma_wait3A_459 = arith.constant 0 : i32
        %dma_wait3A_460 = tpu.memref_slice %arg13[%dma_wait3A_458, %dma_wait3A_459] : memref<10112x128xf32, #tpu.memory_space<vmem_shared>> -> memref<10112x128xf32, #tpu.memory_space<vmem_shared>>
        tpu.wait_indirect_dma semaphore(%run_scoped3A_448 : memref<!tpu.dma_semaphore, #tpu.memory_space<semaphore_mem>>) src(%arg11 : memref<64x128xf32, #tpu.memory_space<vmem>>) dst(%dma_wait3A_460 : memref<10112x128xf32, #tpu.memory_space<vmem_shared>>)
        tpu.yield
      }) : () -> ()
      %mul3A_183 = arith.constant 8 : i32
      %mul3A_184 = arith.muli %add3A_129, %mul3A_183 : i32
      %add3A_185 = arith.constant 6 : i32
      %add3A_186 = arith.addi %mul3A_184, %add3A_185 : i32
      %lt3A_187 = arith.constant 160 : i32
      %lt3A_188 = arith.cmpi slt, %add3A_186, %lt3A_187 : i32
      %convert_element_type3A_189 = arith.extui %lt3A_188 : i1 to i32
      %cond3A_190 = arith.constant 0 : i32
      %cond3A_191 = arith.cmpi ne, %convert_element_type3A_189, %cond3A_190 : i32
      scf.if %cond3A_191 {
        %dma_start3A_448 = arith.constant 0 : i32
        %dma_start3A_449 = arith.constant 6 : i32
        %dma_start3A_450 = arith.constant 0 : i32
        %dma_start3A_451 = tpu.memref_slice %arg7[%dma_start3A_448, %dma_start3A_449, %dma_start3A_450] : memref<2x8x64xi32, #tpu.memory_space<vmem>> -> memref<1x1x64xi32, #tpu.memory_space<vmem>>
        %dma_start3A_452 = tpu.memref_squeeze %dma_start3A_451 : memref<1x1x64xi32, #tpu.memory_space<vmem>> -> memref<64xi32, #tpu.memory_space<vmem>>
        %dma_start3A_453 = arith.constant 0 : i32
        %dma_start3A_454 = arith.constant 0 : i32
        %dma_start3A_455 = tpu.memref_slice %arg2[%dma_start3A_453, %dma_start3A_454] : memref<10112x128xf32, #tpu.memory_space<hbm>> -> memref<10112x128xf32, #tpu.memory_space<hbm>>
        tpu.enqueue_indirect_dma source(%dma_start3A_455 : memref<10112x128xf32, #tpu.memory_space<hbm>>) target(%arg11 : memref<64x128xf32, #tpu.memory_space<vmem>>) offsets(%dma_start3A_452 : memref<64xi32, #tpu.memory_space<vmem>>) semaphore(%arg14 : memref<!tpu.dma_semaphore, #tpu.memory_space<semaphore_mem>>)
      } else {
      }
      %dma_wait3A_192 = arith.constant 0 : i32
      %dma_wait3A_193 = arith.constant 3 : i32
      %dma_wait3A_194 = arith.constant 0 : i32
      %dma_wait3A_195 = tpu.memref_slice %arg7[%dma_wait3A_192, %dma_wait3A_193, %dma_wait3A_194] : memref<2x8x64xi32, #tpu.memory_space<vmem>> -> memref<1x1x64xi32, #tpu.memory_space<vmem>>
      %dma_wait3A_196 = tpu.memref_squeeze %dma_wait3A_195 : memref<1x1x64xi32, #tpu.memory_space<vmem>> -> memref<64xi32, #tpu.memory_space<vmem>>
      %dma_wait3A_197 = arith.constant 0 : i32
      %dma_wait3A_198 = arith.constant 0 : i32
      %dma_wait3A_199 = tpu.memref_slice %arg2[%dma_wait3A_197, %dma_wait3A_198] : memref<10112x128xf32, #tpu.memory_space<hbm>> -> memref<10112x128xf32, #tpu.memory_space<hbm>>
      tpu.wait_indirect_dma semaphore(%arg14 : memref<!tpu.dma_semaphore, #tpu.memory_space<semaphore_mem>>) src(%dma_wait3A_199 : memref<10112x128xf32, #tpu.memory_space<hbm>>) dst(%arg12 : memref<64x128xf32, #tpu.memory_space<vmem>>)
      %run_scoped3A_200 = arith.constant 0 : i32
      %run_scoped3A_201 = arith.constant 3 : i32
      "tpu.region"() ({
        %run_scoped3A_448 = tpu.sem_alloc : memref<!tpu.dma_semaphore, #tpu.memory_space<semaphore_mem>>
        %dma_start3A_449 = arith.constant 0 : i32
        %dma_start3A_450 = tpu.memref_slice %arg8[%run_scoped3A_200, %run_scoped3A_201, %dma_start3A_449] : memref<2x8x64xi32, #tpu.memory_space<vmem>> -> memref<1x1x64xi32, #tpu.memory_space<vmem>>
        %dma_start3A_451 = tpu.memref_squeeze %dma_start3A_450 : memref<1x1x64xi32, #tpu.memory_space<vmem>> -> memref<64xi32, #tpu.memory_space<vmem>>
        %dma_start3A_452 = arith.constant 0 : i32
        %dma_start3A_453 = arith.constant 0 : i32
        %dma_start3A_454 = tpu.memref_slice %arg13[%dma_start3A_452, %dma_start3A_453] : memref<10112x128xf32, #tpu.memory_space<vmem_shared>> -> memref<10112x128xf32, #tpu.memory_space<vmem_shared>>
        tpu.enqueue_indirect_dma source(%arg12 : memref<64x128xf32, #tpu.memory_space<vmem>>) target(%dma_start3A_454 : memref<10112x128xf32, #tpu.memory_space<vmem_shared>>) offsets(%dma_start3A_451 : memref<64xi32, #tpu.memory_space<vmem>>) semaphore(%run_scoped3A_448 : memref<!tpu.dma_semaphore, #tpu.memory_space<semaphore_mem>>) {add = true}
        %dma_wait3A_455 = arith.constant 0 : i32
        %dma_wait3A_456 = tpu.memref_slice %arg8[%run_scoped3A_200, %run_scoped3A_201, %dma_wait3A_455] : memref<2x8x64xi32, #tpu.memory_space<vmem>> -> memref<1x1x64xi32, #tpu.memory_space<vmem>>
        %dma_wait3A_457 = tpu.memref_squeeze %dma_wait3A_456 : memref<1x1x64xi32, #tpu.memory_space<vmem>> -> memref<64xi32, #tpu.memory_space<vmem>>
        %dma_wait3A_458 = arith.constant 0 : i32
        %dma_wait3A_459 = arith.constant 0 : i32
        %dma_wait3A_460 = tpu.memref_slice %arg13[%dma_wait3A_458, %dma_wait3A_459] : memref<10112x128xf32, #tpu.memory_space<vmem_shared>> -> memref<10112x128xf32, #tpu.memory_space<vmem_shared>>
        tpu.wait_indirect_dma semaphore(%run_scoped3A_448 : memref<!tpu.dma_semaphore, #tpu.memory_space<semaphore_mem>>) src(%arg12 : memref<64x128xf32, #tpu.memory_space<vmem>>) dst(%dma_wait3A_460 : memref<10112x128xf32, #tpu.memory_space<vmem_shared>>)
        tpu.yield
      }) : () -> ()
      %mul3A_202 = arith.constant 8 : i32
      %mul3A_203 = arith.muli %add3A_129, %mul3A_202 : i32
      %add3A_204 = arith.constant 7 : i32
      %add3A_205 = arith.addi %mul3A_203, %add3A_204 : i32
      %lt3A_206 = arith.constant 160 : i32
      %lt3A_207 = arith.cmpi slt, %add3A_205, %lt3A_206 : i32
      %convert_element_type3A_208 = arith.extui %lt3A_207 : i1 to i32
      %cond3A_209 = arith.constant 0 : i32
      %cond3A_210 = arith.cmpi ne, %convert_element_type3A_208, %cond3A_209 : i32
      scf.if %cond3A_210 {
        %dma_start3A_448 = arith.constant 0 : i32
        %dma_start3A_449 = arith.constant 7 : i32
        %dma_start3A_450 = arith.constant 0 : i32
        %dma_start3A_451 = tpu.memref_slice %arg7[%dma_start3A_448, %dma_start3A_449, %dma_start3A_450] : memref<2x8x64xi32, #tpu.memory_space<vmem>> -> memref<1x1x64xi32, #tpu.memory_space<vmem>>
        %dma_start3A_452 = tpu.memref_squeeze %dma_start3A_451 : memref<1x1x64xi32, #tpu.memory_space<vmem>> -> memref<64xi32, #tpu.memory_space<vmem>>
        %dma_start3A_453 = arith.constant 0 : i32
        %dma_start3A_454 = arith.constant 0 : i32
        %dma_start3A_455 = tpu.memref_slice %arg2[%dma_start3A_453, %dma_start3A_454] : memref<10112x128xf32, #tpu.memory_space<hbm>> -> memref<10112x128xf32, #tpu.memory_space<hbm>>
        tpu.enqueue_indirect_dma source(%dma_start3A_455 : memref<10112x128xf32, #tpu.memory_space<hbm>>) target(%arg12 : memref<64x128xf32, #tpu.memory_space<vmem>>) offsets(%dma_start3A_452 : memref<64xi32, #tpu.memory_space<vmem>>) semaphore(%arg14 : memref<!tpu.dma_semaphore, #tpu.memory_space<semaphore_mem>>)
      } else {
      }
      %dma_wait3A_211 = arith.constant 0 : i32
      %dma_wait3A_212 = arith.constant 4 : i32
      %dma_wait3A_213 = arith.constant 0 : i32
      %dma_wait3A_214 = tpu.memref_slice %arg7[%dma_wait3A_211, %dma_wait3A_212, %dma_wait3A_213] : memref<2x8x64xi32, #tpu.memory_space<vmem>> -> memref<1x1x64xi32, #tpu.memory_space<vmem>>
      %dma_wait3A_215 = tpu.memref_squeeze %dma_wait3A_214 : memref<1x1x64xi32, #tpu.memory_space<vmem>> -> memref<64xi32, #tpu.memory_space<vmem>>
      %dma_wait3A_216 = arith.constant 0 : i32
      %dma_wait3A_217 = arith.constant 0 : i32
      %dma_wait3A_218 = tpu.memref_slice %arg2[%dma_wait3A_216, %dma_wait3A_217] : memref<10112x128xf32, #tpu.memory_space<hbm>> -> memref<10112x128xf32, #tpu.memory_space<hbm>>
      tpu.wait_indirect_dma semaphore(%arg14 : memref<!tpu.dma_semaphore, #tpu.memory_space<semaphore_mem>>) src(%dma_wait3A_218 : memref<10112x128xf32, #tpu.memory_space<hbm>>) dst(%arg9 : memref<64x128xf32, #tpu.memory_space<vmem>>)
      %run_scoped3A_219 = arith.constant 0 : i32
      %run_scoped3A_220 = arith.constant 4 : i32
      "tpu.region"() ({
        %run_scoped3A_448 = tpu.sem_alloc : memref<!tpu.dma_semaphore, #tpu.memory_space<semaphore_mem>>
        %dma_start3A_449 = arith.constant 0 : i32
        %dma_start3A_450 = tpu.memref_slice %arg8[%run_scoped3A_219, %run_scoped3A_220, %dma_start3A_449] : memref<2x8x64xi32, #tpu.memory_space<vmem>> -> memref<1x1x64xi32, #tpu.memory_space<vmem>>
        %dma_start3A_451 = tpu.memref_squeeze %dma_start3A_450 : memref<1x1x64xi32, #tpu.memory_space<vmem>> -> memref<64xi32, #tpu.memory_space<vmem>>
        %dma_start3A_452 = arith.constant 0 : i32
        %dma_start3A_453 = arith.constant 0 : i32
        %dma_start3A_454 = tpu.memref_slice %arg13[%dma_start3A_452, %dma_start3A_453] : memref<10112x128xf32, #tpu.memory_space<vmem_shared>> -> memref<10112x128xf32, #tpu.memory_space<vmem_shared>>
        tpu.enqueue_indirect_dma source(%arg9 : memref<64x128xf32, #tpu.memory_space<vmem>>) target(%dma_start3A_454 : memref<10112x128xf32, #tpu.memory_space<vmem_shared>>) offsets(%dma_start3A_451 : memref<64xi32, #tpu.memory_space<vmem>>) semaphore(%run_scoped3A_448 : memref<!tpu.dma_semaphore, #tpu.memory_space<semaphore_mem>>) {add = true}
        %dma_wait3A_455 = arith.constant 0 : i32
        %dma_wait3A_456 = tpu.memref_slice %arg8[%run_scoped3A_219, %run_scoped3A_220, %dma_wait3A_455] : memref<2x8x64xi32, #tpu.memory_space<vmem>> -> memref<1x1x64xi32, #tpu.memory_space<vmem>>
        %dma_wait3A_457 = tpu.memref_squeeze %dma_wait3A_456 : memref<1x1x64xi32, #tpu.memory_space<vmem>> -> memref<64xi32, #tpu.memory_space<vmem>>
        %dma_wait3A_458 = arith.constant 0 : i32
        %dma_wait3A_459 = arith.constant 0 : i32
        %dma_wait3A_460 = tpu.memref_slice %arg13[%dma_wait3A_458, %dma_wait3A_459] : memref<10112x128xf32, #tpu.memory_space<vmem_shared>> -> memref<10112x128xf32, #tpu.memory_space<vmem_shared>>
        tpu.wait_indirect_dma semaphore(%run_scoped3A_448 : memref<!tpu.dma_semaphore, #tpu.memory_space<semaphore_mem>>) src(%arg9 : memref<64x128xf32, #tpu.memory_space<vmem>>) dst(%dma_wait3A_460 : memref<10112x128xf32, #tpu.memory_space<vmem_shared>>)
        tpu.yield
      }) : () -> ()
      %mul3A_221 = arith.constant 8 : i32
      %mul3A_222 = arith.muli %add3A_129, %mul3A_221 : i32
      %add3A_223 = arith.constant 8 : i32
      %add3A_224 = arith.addi %mul3A_222, %add3A_223 : i32
      %lt3A_225 = arith.constant 160 : i32
      %lt3A_226 = arith.cmpi slt, %add3A_224, %lt3A_225 : i32
      %convert_element_type3A_227 = arith.extui %lt3A_226 : i1 to i32
      %cond3A_228 = arith.constant 0 : i32
      %cond3A_229 = arith.cmpi ne, %convert_element_type3A_227, %cond3A_228 : i32
      scf.if %cond3A_229 {
        %dma_wait3A_448 = arith.constant 1 : i32
        %dma_wait3A_449 = arith.constant 0 : i32
        %dma_wait3A_450 = arith.constant 0 : i32
        %dma_wait3A_451 = tpu.memref_slice %arg7[%dma_wait3A_448, %dma_wait3A_449, %dma_wait3A_450] : memref<2x8x64xi32, #tpu.memory_space<vmem>> -> memref<1x8x64xi32, #tpu.memory_space<vmem>>
        %dma_wait3A_452 = tpu.memref_squeeze %dma_wait3A_451 : memref<1x8x64xi32, #tpu.memory_space<vmem>> -> memref<8x64xi32, #tpu.memory_space<vmem>>
        %dma_wait3A_453 = arith.constant 0 : i32
        %dma_wait3A_454 = tpu.memref_slice %arg3[%mul3A_2, %dma_wait3A_453] : memref<5120x64xi32, #tpu.memory_space<hbm>> -> memref<8x64xi32, #tpu.memory_space<hbm>>
        %dma_wait3A_455 = arith.constant 0 : i32
        %dma_wait3A_456 = arith.constant 0 : i32
        %dma_wait3A_457 = tpu.memref_slice %arg7[%dma_wait3A_448, %dma_wait3A_455, %dma_wait3A_456] : memref<2x8x64xi32, #tpu.memory_space<vmem>> -> memref<1x8x64xi32, #tpu.memory_space<vmem>>
        %dma_wait3A_458 = tpu.memref_squeeze %dma_wait3A_457 : memref<1x8x64xi32, #tpu.memory_space<vmem>> -> memref<8x64xi32, #tpu.memory_space<vmem>>
        %dma_wait3A_459 = arith.constant 0 : i32
        %dma_wait3A_460 = tpu.memref_slice %arg3[%mul3A_2, %dma_wait3A_459] : memref<5120x64xi32, #tpu.memory_space<hbm>> -> memref<8x64xi32, #tpu.memory_space<hbm>>
        tpu.wait_dma2 semaphore(%arg15 : memref<!tpu.dma_semaphore, #tpu.memory_space<semaphore_mem>>) src(%dma_wait3A_460 : memref<8x64xi32, #tpu.memory_space<hbm>>) dst(%dma_wait3A_458 : memref<8x64xi32, #tpu.memory_space<vmem>>)
        %dma_wait3A_461 = arith.constant 1 : i32
        %dma_wait3A_462 = arith.constant 0 : i32
        %dma_wait3A_463 = arith.constant 0 : i32
        %dma_wait3A_464 = tpu.memref_slice %arg8[%dma_wait3A_461, %dma_wait3A_462, %dma_wait3A_463] : memref<2x8x64xi32, #tpu.memory_space<vmem>> -> memref<1x8x64xi32, #tpu.memory_space<vmem>>
        %dma_wait3A_465 = tpu.memref_squeeze %dma_wait3A_464 : memref<1x8x64xi32, #tpu.memory_space<vmem>> -> memref<8x64xi32, #tpu.memory_space<vmem>>
        %dma_wait3A_466 = arith.constant 0 : i32
        %dma_wait3A_467 = tpu.memref_slice %arg4[%mul3A_2, %dma_wait3A_466] : memref<5120x64xi32, #tpu.memory_space<hbm>> -> memref<8x64xi32, #tpu.memory_space<hbm>>
        %dma_wait3A_468 = arith.constant 0 : i32
        %dma_wait3A_469 = arith.constant 0 : i32
        %dma_wait3A_470 = tpu.memref_slice %arg8[%dma_wait3A_461, %dma_wait3A_468, %dma_wait3A_469] : memref<2x8x64xi32, #tpu.memory_space<vmem>> -> memref<1x8x64xi32, #tpu.memory_space<vmem>>
        %dma_wait3A_471 = tpu.memref_squeeze %dma_wait3A_470 : memref<1x8x64xi32, #tpu.memory_space<vmem>> -> memref<8x64xi32, #tpu.memory_space<vmem>>
        %dma_wait3A_472 = arith.constant 0 : i32
        %dma_wait3A_473 = tpu.memref_slice %arg4[%mul3A_2, %dma_wait3A_472] : memref<5120x64xi32, #tpu.memory_space<hbm>> -> memref<8x64xi32, #tpu.memory_space<hbm>>
        tpu.wait_dma2 semaphore(%arg15 : memref<!tpu.dma_semaphore, #tpu.memory_space<semaphore_mem>>) src(%dma_wait3A_473 : memref<8x64xi32, #tpu.memory_space<hbm>>) dst(%dma_wait3A_471 : memref<8x64xi32, #tpu.memory_space<vmem>>)
        %dma_start3A_474 = arith.constant 1 : i32
        %dma_start3A_475 = arith.constant 0 : i32
        %dma_start3A_476 = arith.constant 0 : i32
        %dma_start3A_477 = tpu.memref_slice %arg7[%dma_start3A_474, %dma_start3A_475, %dma_start3A_476] : memref<2x8x64xi32, #tpu.memory_space<vmem>> -> memref<1x1x64xi32, #tpu.memory_space<vmem>>
        %dma_start3A_478 = tpu.memref_squeeze %dma_start3A_477 : memref<1x1x64xi32, #tpu.memory_space<vmem>> -> memref<64xi32, #tpu.memory_space<vmem>>
        %dma_start3A_479 = arith.constant 0 : i32
        %dma_start3A_480 = arith.constant 0 : i32
        %dma_start3A_481 = tpu.memref_slice %arg2[%dma_start3A_479, %dma_start3A_480] : memref<10112x128xf32, #tpu.memory_space<hbm>> -> memref<10112x128xf32, #tpu.memory_space<hbm>>
        tpu.enqueue_indirect_dma source(%dma_start3A_481 : memref<10112x128xf32, #tpu.memory_space<hbm>>) target(%arg9 : memref<64x128xf32, #tpu.memory_space<vmem>>) offsets(%dma_start3A_478 : memref<64xi32, #tpu.memory_space<vmem>>) semaphore(%arg14 : memref<!tpu.dma_semaphore, #tpu.memory_space<semaphore_mem>>)
      } else {
      }
      %dma_wait3A_230 = arith.constant 0 : i32
      %dma_wait3A_231 = arith.constant 5 : i32
      %dma_wait3A_232 = arith.constant 0 : i32
      %dma_wait3A_233 = tpu.memref_slice %arg7[%dma_wait3A_230, %dma_wait3A_231, %dma_wait3A_232] : memref<2x8x64xi32, #tpu.memory_space<vmem>> -> memref<1x1x64xi32, #tpu.memory_space<vmem>>
      %dma_wait3A_234 = tpu.memref_squeeze %dma_wait3A_233 : memref<1x1x64xi32, #tpu.memory_space<vmem>> -> memref<64xi32, #tpu.memory_space<vmem>>
      %dma_wait3A_235 = arith.constant 0 : i32
      %dma_wait3A_236 = arith.constant 0 : i32
      %dma_wait3A_237 = tpu.memref_slice %arg2[%dma_wait3A_235, %dma_wait3A_236] : memref<10112x128xf32, #tpu.memory_space<hbm>> -> memref<10112x128xf32, #tpu.memory_space<hbm>>
      tpu.wait_indirect_dma semaphore(%arg14 : memref<!tpu.dma_semaphore, #tpu.memory_space<semaphore_mem>>) src(%dma_wait3A_237 : memref<10112x128xf32, #tpu.memory_space<hbm>>) dst(%arg10 : memref<64x128xf32, #tpu.memory_space<vmem>>)
      %run_scoped3A_238 = arith.constant 0 : i32
      %run_scoped3A_239 = arith.constant 5 : i32
      "tpu.region"() ({
        %run_scoped3A_448 = tpu.sem_alloc : memref<!tpu.dma_semaphore, #tpu.memory_space<semaphore_mem>>
        %dma_start3A_449 = arith.constant 0 : i32
        %dma_start3A_450 = tpu.memref_slice %arg8[%run_scoped3A_238, %run_scoped3A_239, %dma_start3A_449] : memref<2x8x64xi32, #tpu.memory_space<vmem>> -> memref<1x1x64xi32, #tpu.memory_space<vmem>>
        %dma_start3A_451 = tpu.memref_squeeze %dma_start3A_450 : memref<1x1x64xi32, #tpu.memory_space<vmem>> -> memref<64xi32, #tpu.memory_space<vmem>>
        %dma_start3A_452 = arith.constant 0 : i32
        %dma_start3A_453 = arith.constant 0 : i32
        %dma_start3A_454 = tpu.memref_slice %arg13[%dma_start3A_452, %dma_start3A_453] : memref<10112x128xf32, #tpu.memory_space<vmem_shared>> -> memref<10112x128xf32, #tpu.memory_space<vmem_shared>>
        tpu.enqueue_indirect_dma source(%arg10 : memref<64x128xf32, #tpu.memory_space<vmem>>) target(%dma_start3A_454 : memref<10112x128xf32, #tpu.memory_space<vmem_shared>>) offsets(%dma_start3A_451 : memref<64xi32, #tpu.memory_space<vmem>>) semaphore(%run_scoped3A_448 : memref<!tpu.dma_semaphore, #tpu.memory_space<semaphore_mem>>) {add = true}
        %dma_wait3A_455 = arith.constant 0 : i32
        %dma_wait3A_456 = tpu.memref_slice %arg8[%run_scoped3A_238, %run_scoped3A_239, %dma_wait3A_455] : memref<2x8x64xi32, #tpu.memory_space<vmem>> -> memref<1x1x64xi32, #tpu.memory_space<vmem>>
        %dma_wait3A_457 = tpu.memref_squeeze %dma_wait3A_456 : memref<1x1x64xi32, #tpu.memory_space<vmem>> -> memref<64xi32, #tpu.memory_space<vmem>>
        %dma_wait3A_458 = arith.constant 0 : i32
        %dma_wait3A_459 = arith.constant 0 : i32
        %dma_wait3A_460 = tpu.memref_slice %arg13[%dma_wait3A_458, %dma_wait3A_459] : memref<10112x128xf32, #tpu.memory_space<vmem_shared>> -> memref<10112x128xf32, #tpu.memory_space<vmem_shared>>
        tpu.wait_indirect_dma semaphore(%run_scoped3A_448 : memref<!tpu.dma_semaphore, #tpu.memory_space<semaphore_mem>>) src(%arg10 : memref<64x128xf32, #tpu.memory_space<vmem>>) dst(%dma_wait3A_460 : memref<10112x128xf32, #tpu.memory_space<vmem_shared>>)
        tpu.yield
      }) : () -> ()
      %mul3A_240 = arith.constant 8 : i32
      %mul3A_241 = arith.muli %add3A_129, %mul3A_240 : i32
      %add3A_242 = arith.constant 9 : i32
      %add3A_243 = arith.addi %mul3A_241, %add3A_242 : i32
      %lt3A_244 = arith.constant 160 : i32
      %lt3A_245 = arith.cmpi slt, %add3A_243, %lt3A_244 : i32
      %convert_element_type3A_246 = arith.extui %lt3A_245 : i1 to i32
      %cond3A_247 = arith.constant 0 : i32
      %cond3A_248 = arith.cmpi ne, %convert_element_type3A_246, %cond3A_247 : i32
      scf.if %cond3A_248 {
        %dma_start3A_448 = arith.constant 1 : i32
        %dma_start3A_449 = arith.constant 1 : i32
        %dma_start3A_450 = arith.constant 0 : i32
        %dma_start3A_451 = tpu.memref_slice %arg7[%dma_start3A_448, %dma_start3A_449, %dma_start3A_450] : memref<2x8x64xi32, #tpu.memory_space<vmem>> -> memref<1x1x64xi32, #tpu.memory_space<vmem>>
        %dma_start3A_452 = tpu.memref_squeeze %dma_start3A_451 : memref<1x1x64xi32, #tpu.memory_space<vmem>> -> memref<64xi32, #tpu.memory_space<vmem>>
        %dma_start3A_453 = arith.constant 0 : i32
        %dma_start3A_454 = arith.constant 0 : i32
        %dma_start3A_455 = tpu.memref_slice %arg2[%dma_start3A_453, %dma_start3A_454] : memref<10112x128xf32, #tpu.memory_space<hbm>> -> memref<10112x128xf32, #tpu.memory_space<hbm>>
        tpu.enqueue_indirect_dma source(%dma_start3A_455 : memref<10112x128xf32, #tpu.memory_space<hbm>>) target(%arg10 : memref<64x128xf32, #tpu.memory_space<vmem>>) offsets(%dma_start3A_452 : memref<64xi32, #tpu.memory_space<vmem>>) semaphore(%arg14 : memref<!tpu.dma_semaphore, #tpu.memory_space<semaphore_mem>>)
      } else {
      }
      %dma_wait3A_249 = arith.constant 0 : i32
      %dma_wait3A_250 = arith.constant 6 : i32
      %dma_wait3A_251 = arith.constant 0 : i32
      %dma_wait3A_252 = tpu.memref_slice %arg7[%dma_wait3A_249, %dma_wait3A_250, %dma_wait3A_251] : memref<2x8x64xi32, #tpu.memory_space<vmem>> -> memref<1x1x64xi32, #tpu.memory_space<vmem>>
      %dma_wait3A_253 = tpu.memref_squeeze %dma_wait3A_252 : memref<1x1x64xi32, #tpu.memory_space<vmem>> -> memref<64xi32, #tpu.memory_space<vmem>>
      %dma_wait3A_254 = arith.constant 0 : i32
      %dma_wait3A_255 = arith.constant 0 : i32
      %dma_wait3A_256 = tpu.memref_slice %arg2[%dma_wait3A_254, %dma_wait3A_255] : memref<10112x128xf32, #tpu.memory_space<hbm>> -> memref<10112x128xf32, #tpu.memory_space<hbm>>
      tpu.wait_indirect_dma semaphore(%arg14 : memref<!tpu.dma_semaphore, #tpu.memory_space<semaphore_mem>>) src(%dma_wait3A_256 : memref<10112x128xf32, #tpu.memory_space<hbm>>) dst(%arg11 : memref<64x128xf32, #tpu.memory_space<vmem>>)
      %run_scoped3A_257 = arith.constant 0 : i32
      %run_scoped3A_258 = arith.constant 6 : i32
      "tpu.region"() ({
        %run_scoped3A_448 = tpu.sem_alloc : memref<!tpu.dma_semaphore, #tpu.memory_space<semaphore_mem>>
        %dma_start3A_449 = arith.constant 0 : i32
        %dma_start3A_450 = tpu.memref_slice %arg8[%run_scoped3A_257, %run_scoped3A_258, %dma_start3A_449] : memref<2x8x64xi32, #tpu.memory_space<vmem>> -> memref<1x1x64xi32, #tpu.memory_space<vmem>>
        %dma_start3A_451 = tpu.memref_squeeze %dma_start3A_450 : memref<1x1x64xi32, #tpu.memory_space<vmem>> -> memref<64xi32, #tpu.memory_space<vmem>>
        %dma_start3A_452 = arith.constant 0 : i32
        %dma_start3A_453 = arith.constant 0 : i32
        %dma_start3A_454 = tpu.memref_slice %arg13[%dma_start3A_452, %dma_start3A_453] : memref<10112x128xf32, #tpu.memory_space<vmem_shared>> -> memref<10112x128xf32, #tpu.memory_space<vmem_shared>>
        tpu.enqueue_indirect_dma source(%arg11 : memref<64x128xf32, #tpu.memory_space<vmem>>) target(%dma_start3A_454 : memref<10112x128xf32, #tpu.memory_space<vmem_shared>>) offsets(%dma_start3A_451 : memref<64xi32, #tpu.memory_space<vmem>>) semaphore(%run_scoped3A_448 : memref<!tpu.dma_semaphore, #tpu.memory_space<semaphore_mem>>) {add = true}
        %dma_wait3A_455 = arith.constant 0 : i32
        %dma_wait3A_456 = tpu.memref_slice %arg8[%run_scoped3A_257, %run_scoped3A_258, %dma_wait3A_455] : memref<2x8x64xi32, #tpu.memory_space<vmem>> -> memref<1x1x64xi32, #tpu.memory_space<vmem>>
        %dma_wait3A_457 = tpu.memref_squeeze %dma_wait3A_456 : memref<1x1x64xi32, #tpu.memory_space<vmem>> -> memref<64xi32, #tpu.memory_space<vmem>>
        %dma_wait3A_458 = arith.constant 0 : i32
        %dma_wait3A_459 = arith.constant 0 : i32
        %dma_wait3A_460 = tpu.memref_slice %arg13[%dma_wait3A_458, %dma_wait3A_459] : memref<10112x128xf32, #tpu.memory_space<vmem_shared>> -> memref<10112x128xf32, #tpu.memory_space<vmem_shared>>
        tpu.wait_indirect_dma semaphore(%run_scoped3A_448 : memref<!tpu.dma_semaphore, #tpu.memory_space<semaphore_mem>>) src(%arg11 : memref<64x128xf32, #tpu.memory_space<vmem>>) dst(%dma_wait3A_460 : memref<10112x128xf32, #tpu.memory_space<vmem_shared>>)
        tpu.yield
      }) : () -> ()
      %mul3A_259 = arith.constant 8 : i32
      %mul3A_260 = arith.muli %add3A_129, %mul3A_259 : i32
      %add3A_261 = arith.constant 10 : i32
      %add3A_262 = arith.addi %mul3A_260, %add3A_261 : i32
      %lt3A_263 = arith.constant 160 : i32
      %lt3A_264 = arith.cmpi slt, %add3A_262, %lt3A_263 : i32
      %convert_element_type3A_265 = arith.extui %lt3A_264 : i1 to i32
      %cond3A_266 = arith.constant 0 : i32
      %cond3A_267 = arith.cmpi ne, %convert_element_type3A_265, %cond3A_266 : i32
      scf.if %cond3A_267 {
        %dma_start3A_448 = arith.constant 1 : i32
        %dma_start3A_449 = arith.constant 2 : i32
        %dma_start3A_450 = arith.constant 0 : i32
        %dma_start3A_451 = tpu.memref_slice %arg7[%dma_start3A_448, %dma_start3A_449, %dma_start3A_450] : memref<2x8x64xi32, #tpu.memory_space<vmem>> -> memref<1x1x64xi32, #tpu.memory_space<vmem>>
        %dma_start3A_452 = tpu.memref_squeeze %dma_start3A_451 : memref<1x1x64xi32, #tpu.memory_space<vmem>> -> memref<64xi32, #tpu.memory_space<vmem>>
        %dma_start3A_453 = arith.constant 0 : i32
        %dma_start3A_454 = arith.constant 0 : i32
        %dma_start3A_455 = tpu.memref_slice %arg2[%dma_start3A_453, %dma_start3A_454] : memref<10112x128xf32, #tpu.memory_space<hbm>> -> memref<10112x128xf32, #tpu.memory_space<hbm>>
        tpu.enqueue_indirect_dma source(%dma_start3A_455 : memref<10112x128xf32, #tpu.memory_space<hbm>>) target(%arg11 : memref<64x128xf32, #tpu.memory_space<vmem>>) offsets(%dma_start3A_452 : memref<64xi32, #tpu.memory_space<vmem>>) semaphore(%arg14 : memref<!tpu.dma_semaphore, #tpu.memory_space<semaphore_mem>>)
      } else {
      }
      %dma_wait3A_268 = arith.constant 0 : i32
      %dma_wait3A_269 = arith.constant 7 : i32
      %dma_wait3A_270 = arith.constant 0 : i32
      %dma_wait3A_271 = tpu.memref_slice %arg7[%dma_wait3A_268, %dma_wait3A_269, %dma_wait3A_270] : memref<2x8x64xi32, #tpu.memory_space<vmem>> -> memref<1x1x64xi32, #tpu.memory_space<vmem>>
      %dma_wait3A_272 = tpu.memref_squeeze %dma_wait3A_271 : memref<1x1x64xi32, #tpu.memory_space<vmem>> -> memref<64xi32, #tpu.memory_space<vmem>>
      %dma_wait3A_273 = arith.constant 0 : i32
      %dma_wait3A_274 = arith.constant 0 : i32
      %dma_wait3A_275 = tpu.memref_slice %arg2[%dma_wait3A_273, %dma_wait3A_274] : memref<10112x128xf32, #tpu.memory_space<hbm>> -> memref<10112x128xf32, #tpu.memory_space<hbm>>
      tpu.wait_indirect_dma semaphore(%arg14 : memref<!tpu.dma_semaphore, #tpu.memory_space<semaphore_mem>>) src(%dma_wait3A_275 : memref<10112x128xf32, #tpu.memory_space<hbm>>) dst(%arg12 : memref<64x128xf32, #tpu.memory_space<vmem>>)
      %run_scoped3A_276 = arith.constant 0 : i32
      %run_scoped3A_277 = arith.constant 7 : i32
      "tpu.region"() ({
        %run_scoped3A_448 = tpu.sem_alloc : memref<!tpu.dma_semaphore, #tpu.memory_space<semaphore_mem>>
        %dma_start3A_449 = arith.constant 0 : i32
        %dma_start3A_450 = tpu.memref_slice %arg8[%run_scoped3A_276, %run_scoped3A_277, %dma_start3A_449] : memref<2x8x64xi32, #tpu.memory_space<vmem>> -> memref<1x1x64xi32, #tpu.memory_space<vmem>>
        %dma_start3A_451 = tpu.memref_squeeze %dma_start3A_450 : memref<1x1x64xi32, #tpu.memory_space<vmem>> -> memref<64xi32, #tpu.memory_space<vmem>>
        %dma_start3A_452 = arith.constant 0 : i32
        %dma_start3A_453 = arith.constant 0 : i32
        %dma_start3A_454 = tpu.memref_slice %arg13[%dma_start3A_452, %dma_start3A_453] : memref<10112x128xf32, #tpu.memory_space<vmem_shared>> -> memref<10112x128xf32, #tpu.memory_space<vmem_shared>>
        tpu.enqueue_indirect_dma source(%arg12 : memref<64x128xf32, #tpu.memory_space<vmem>>) target(%dma_start3A_454 : memref<10112x128xf32, #tpu.memory_space<vmem_shared>>) offsets(%dma_start3A_451 : memref<64xi32, #tpu.memory_space<vmem>>) semaphore(%run_scoped3A_448 : memref<!tpu.dma_semaphore, #tpu.memory_space<semaphore_mem>>) {add = true}
        %dma_wait3A_455 = arith.constant 0 : i32
        %dma_wait3A_456 = tpu.memref_slice %arg8[%run_scoped3A_276, %run_scoped3A_277, %dma_wait3A_455] : memref<2x8x64xi32, #tpu.memory_space<vmem>> -> memref<1x1x64xi32, #tpu.memory_space<vmem>>
        %dma_wait3A_457 = tpu.memref_squeeze %dma_wait3A_456 : memref<1x1x64xi32, #tpu.memory_space<vmem>> -> memref<64xi32, #tpu.memory_space<vmem>>
        %dma_wait3A_458 = arith.constant 0 : i32
        %dma_wait3A_459 = arith.constant 0 : i32
        %dma_wait3A_460 = tpu.memref_slice %arg13[%dma_wait3A_458, %dma_wait3A_459] : memref<10112x128xf32, #tpu.memory_space<vmem_shared>> -> memref<10112x128xf32, #tpu.memory_space<vmem_shared>>
        tpu.wait_indirect_dma semaphore(%run_scoped3A_448 : memref<!tpu.dma_semaphore, #tpu.memory_space<semaphore_mem>>) src(%arg12 : memref<64x128xf32, #tpu.memory_space<vmem>>) dst(%dma_wait3A_460 : memref<10112x128xf32, #tpu.memory_space<vmem_shared>>)
        tpu.yield
      }) : () -> ()
      %add3A_278 = arith.constant 2 : i32
      %add3A_279 = arith.addi %add3A_129, %add3A_278 : i32
      %lt3A_280 = arith.constant 20 : i32
      %lt3A_281 = arith.cmpi slt, %add3A_279, %lt3A_280 : i32
      %convert_element_type3A_282 = arith.extui %lt3A_281 : i1 to i32
      %cond3A_283 = arith.constant 0 : i32
      %cond3A_284 = arith.cmpi ne, %convert_element_type3A_282, %cond3A_283 : i32
      scf.if %cond3A_284 {
        %add3A_448 = arith.constant 2 : i32
        %add3A_449 = arith.addi %add3A_129, %add3A_448 : i32
        %mul3A_450 = arith.constant 8 : i32
        %mul3A_451 = arith.muli %add3A_449, %mul3A_450 : i32
        %add3A_452 = arith.addi %mul3A_2, %mul3A_451 : i32
        %dma_start3A_453 = arith.constant 0 : i32
        %dma_start3A_454 = arith.constant 0 : i32
        %dma_start3A_455 = arith.constant 0 : i32
        %dma_start3A_456 = tpu.memref_slice %arg7[%dma_start3A_453, %dma_start3A_454, %dma_start3A_455] : memref<2x8x64xi32, #tpu.memory_space<vmem>> -> memref<1x8x64xi32, #tpu.memory_space<vmem>>
        %dma_start3A_457 = tpu.memref_squeeze %dma_start3A_456 : memref<1x8x64xi32, #tpu.memory_space<vmem>> -> memref<8x64xi32, #tpu.memory_space<vmem>>
        %dma_start3A_458 = arith.constant 0 : i32
        %dma_start3A_459 = tpu.memref_slice %arg3[%add3A_452, %dma_start3A_458] : memref<5120x64xi32, #tpu.memory_space<hbm>> -> memref<8x64xi32, #tpu.memory_space<hbm>>
        %dma_start3A_460 = arith.constant 0 : i32
        %dma_start3A_461 = arith.constant 0 : i32
        %dma_start3A_462 = tpu.memref_slice %arg7[%dma_start3A_453, %dma_start3A_460, %dma_start3A_461] : memref<2x8x64xi32, #tpu.memory_space<vmem>> -> memref<1x8x64xi32, #tpu.memory_space<vmem>>
        %dma_start3A_463 = tpu.memref_squeeze %dma_start3A_462 : memref<1x8x64xi32, #tpu.memory_space<vmem>> -> memref<8x64xi32, #tpu.memory_space<vmem>>
        %dma_start3A_464 = arith.constant 0 : i32
        %dma_start3A_465 = tpu.memref_slice %arg3[%add3A_452, %dma_start3A_464] : memref<5120x64xi32, #tpu.memory_space<hbm>> -> memref<8x64xi32, #tpu.memory_space<hbm>>
        tpu.enqueue_dma source(%dma_start3A_465 : memref<8x64xi32, #tpu.memory_space<hbm>>) target(%dma_start3A_463 : memref<8x64xi32, #tpu.memory_space<vmem>>) target_semaphore(%arg15 : memref<!tpu.dma_semaphore, #tpu.memory_space<semaphore_mem>>)
        %mul3A_466 = arith.constant 8 : i32
        %mul3A_467 = arith.muli %add3A_449, %mul3A_466 : i32
        %add3A_468 = arith.addi %mul3A_2, %mul3A_467 : i32
        %dma_start3A_469 = arith.constant 0 : i32
        %dma_start3A_470 = arith.constant 0 : i32
        %dma_start3A_471 = arith.constant 0 : i32
        %dma_start3A_472 = tpu.memref_slice %arg8[%dma_start3A_469, %dma_start3A_470, %dma_start3A_471] : memref<2x8x64xi32, #tpu.memory_space<vmem>> -> memref<1x8x64xi32, #tpu.memory_space<vmem>>
        %dma_start3A_473 = tpu.memref_squeeze %dma_start3A_472 : memref<1x8x64xi32, #tpu.memory_space<vmem>> -> memref<8x64xi32, #tpu.memory_space<vmem>>
        %dma_start3A_474 = arith.constant 0 : i32
        %dma_start3A_475 = tpu.memref_slice %arg4[%add3A_468, %dma_start3A_474] : memref<5120x64xi32, #tpu.memory_space<hbm>> -> memref<8x64xi32, #tpu.memory_space<hbm>>
        %dma_start3A_476 = arith.constant 0 : i32
        %dma_start3A_477 = arith.constant 0 : i32
        %dma_start3A_478 = tpu.memref_slice %arg8[%dma_start3A_469, %dma_start3A_476, %dma_start3A_477] : memref<2x8x64xi32, #tpu.memory_space<vmem>> -> memref<1x8x64xi32, #tpu.memory_space<vmem>>
        %dma_start3A_479 = tpu.memref_squeeze %dma_start3A_478 : memref<1x8x64xi32, #tpu.memory_space<vmem>> -> memref<8x64xi32, #tpu.memory_space<vmem>>
        %dma_start3A_480 = arith.constant 0 : i32
        %dma_start3A_481 = tpu.memref_slice %arg4[%add3A_468, %dma_start3A_480] : memref<5120x64xi32, #tpu.memory_space<hbm>> -> memref<8x64xi32, #tpu.memory_space<hbm>>
        tpu.enqueue_dma source(%dma_start3A_481 : memref<8x64xi32, #tpu.memory_space<hbm>>) target(%dma_start3A_479 : memref<8x64xi32, #tpu.memory_space<vmem>>) target_semaphore(%arg15 : memref<!tpu.dma_semaphore, #tpu.memory_space<semaphore_mem>>)
      } else {
      }
      %mul3A_285 = arith.constant 2 : i32
      %mul3A_286 = arith.muli %scan3A_125, %mul3A_285 : i32
      %add3A_287 = arith.constant 1 : i32
      %add3A_288 = arith.addi %mul3A_286, %add3A_287 : i32
      %mul3A_289 = arith.constant 8 : i32
      %mul3A_290 = arith.muli %add3A_288, %mul3A_289 : i32
      %add3A_291 = arith.constant 3 : i32
      %add3A_292 = arith.addi %mul3A_290, %add3A_291 : i32
      %lt3A_293 = arith.constant 160 : i32
      %lt3A_294 = arith.cmpi slt, %add3A_292, %lt3A_293 : i32
      %convert_element_type3A_295 = arith.extui %lt3A_294 : i1 to i32
      %cond3A_296 = arith.constant 0 : i32
      %cond3A_297 = arith.cmpi ne, %convert_element_type3A_295, %cond3A_296 : i32
      scf.if %cond3A_297 {
        %dma_start3A_448 = arith.constant 1 : i32
        %dma_start3A_449 = arith.constant 3 : i32
        %dma_start3A_450 = arith.constant 0 : i32
        %dma_start3A_451 = tpu.memref_slice %arg7[%dma_start3A_448, %dma_start3A_449, %dma_start3A_450] : memref<2x8x64xi32, #tpu.memory_space<vmem>> -> memref<1x1x64xi32, #tpu.memory_space<vmem>>
        %dma_start3A_452 = tpu.memref_squeeze %dma_start3A_451 : memref<1x1x64xi32, #tpu.memory_space<vmem>> -> memref<64xi32, #tpu.memory_space<vmem>>
        %dma_start3A_453 = arith.constant 0 : i32
        %dma_start3A_454 = arith.constant 0 : i32
        %dma_start3A_455 = tpu.memref_slice %arg2[%dma_start3A_453, %dma_start3A_454] : memref<10112x128xf32, #tpu.memory_space<hbm>> -> memref<10112x128xf32, #tpu.memory_space<hbm>>
        tpu.enqueue_indirect_dma source(%dma_start3A_455 : memref<10112x128xf32, #tpu.memory_space<hbm>>) target(%arg12 : memref<64x128xf32, #tpu.memory_space<vmem>>) offsets(%dma_start3A_452 : memref<64xi32, #tpu.memory_space<vmem>>) semaphore(%arg14 : memref<!tpu.dma_semaphore, #tpu.memory_space<semaphore_mem>>)
      } else {
      }
      %dma_wait3A_298 = arith.constant 1 : i32
      %dma_wait3A_299 = arith.constant 0 : i32
      %dma_wait3A_300 = arith.constant 0 : i32
      %dma_wait3A_301 = tpu.memref_slice %arg7[%dma_wait3A_298, %dma_wait3A_299, %dma_wait3A_300] : memref<2x8x64xi32, #tpu.memory_space<vmem>> -> memref<1x1x64xi32, #tpu.memory_space<vmem>>
      %dma_wait3A_302 = tpu.memref_squeeze %dma_wait3A_301 : memref<1x1x64xi32, #tpu.memory_space<vmem>> -> memref<64xi32, #tpu.memory_space<vmem>>
      %dma_wait3A_303 = arith.constant 0 : i32
      %dma_wait3A_304 = arith.constant 0 : i32
      %dma_wait3A_305 = tpu.memref_slice %arg2[%dma_wait3A_303, %dma_wait3A_304] : memref<10112x128xf32, #tpu.memory_space<hbm>> -> memref<10112x128xf32, #tpu.memory_space<hbm>>
      tpu.wait_indirect_dma semaphore(%arg14 : memref<!tpu.dma_semaphore, #tpu.memory_space<semaphore_mem>>) src(%dma_wait3A_305 : memref<10112x128xf32, #tpu.memory_space<hbm>>) dst(%arg9 : memref<64x128xf32, #tpu.memory_space<vmem>>)
      %run_scoped3A_306 = arith.constant 1 : i32
      %run_scoped3A_307 = arith.constant 0 : i32
      "tpu.region"() ({
        %run_scoped3A_448 = tpu.sem_alloc : memref<!tpu.dma_semaphore, #tpu.memory_space<semaphore_mem>>
        %dma_start3A_449 = arith.constant 0 : i32
        %dma_start3A_450 = tpu.memref_slice %arg8[%run_scoped3A_306, %run_scoped3A_307, %dma_start3A_449] : memref<2x8x64xi32, #tpu.memory_space<vmem>> -> memref<1x1x64xi32, #tpu.memory_space<vmem>>
        %dma_start3A_451 = tpu.memref_squeeze %dma_start3A_450 : memref<1x1x64xi32, #tpu.memory_space<vmem>> -> memref<64xi32, #tpu.memory_space<vmem>>
        %dma_start3A_452 = arith.constant 0 : i32
        %dma_start3A_453 = arith.constant 0 : i32
        %dma_start3A_454 = tpu.memref_slice %arg13[%dma_start3A_452, %dma_start3A_453] : memref<10112x128xf32, #tpu.memory_space<vmem_shared>> -> memref<10112x128xf32, #tpu.memory_space<vmem_shared>>
        tpu.enqueue_indirect_dma source(%arg9 : memref<64x128xf32, #tpu.memory_space<vmem>>) target(%dma_start3A_454 : memref<10112x128xf32, #tpu.memory_space<vmem_shared>>) offsets(%dma_start3A_451 : memref<64xi32, #tpu.memory_space<vmem>>) semaphore(%run_scoped3A_448 : memref<!tpu.dma_semaphore, #tpu.memory_space<semaphore_mem>>) {add = true}
        %dma_wait3A_455 = arith.constant 0 : i32
        %dma_wait3A_456 = tpu.memref_slice %arg8[%run_scoped3A_306, %run_scoped3A_307, %dma_wait3A_455] : memref<2x8x64xi32, #tpu.memory_space<vmem>> -> memref<1x1x64xi32, #tpu.memory_space<vmem>>
        %dma_wait3A_457 = tpu.memref_squeeze %dma_wait3A_456 : memref<1x1x64xi32, #tpu.memory_space<vmem>> -> memref<64xi32, #tpu.memory_space<vmem>>
        %dma_wait3A_458 = arith.constant 0 : i32
        %dma_wait3A_459 = arith.constant 0 : i32
        %dma_wait3A_460 = tpu.memref_slice %arg13[%dma_wait3A_458, %dma_wait3A_459] : memref<10112x128xf32, #tpu.memory_space<vmem_shared>> -> memref<10112x128xf32, #tpu.memory_space<vmem_shared>>
        tpu.wait_indirect_dma semaphore(%run_scoped3A_448 : memref<!tpu.dma_semaphore, #tpu.memory_space<semaphore_mem>>) src(%arg9 : memref<64x128xf32, #tpu.memory_space<vmem>>) dst(%dma_wait3A_460 : memref<10112x128xf32, #tpu.memory_space<vmem_shared>>)
        tpu.yield
      }) : () -> ()
      %mul3A_308 = arith.constant 8 : i32
      %mul3A_309 = arith.muli %add3A_288, %mul3A_308 : i32
      %add3A_310 = arith.constant 4 : i32
      %add3A_311 = arith.addi %mul3A_309, %add3A_310 : i32
      %lt3A_312 = arith.constant 160 : i32
      %lt3A_313 = arith.cmpi slt, %add3A_311, %lt3A_312 : i32
      %convert_element_type3A_314 = arith.extui %lt3A_313 : i1 to i32
      %cond3A_315 = arith.constant 0 : i32
      %cond3A_316 = arith.cmpi ne, %convert_element_type3A_314, %cond3A_315 : i32
      scf.if %cond3A_316 {
        %dma_start3A_448 = arith.constant 1 : i32
        %dma_start3A_449 = arith.constant 4 : i32
        %dma_start3A_450 = arith.constant 0 : i32
        %dma_start3A_451 = tpu.memref_slice %arg7[%dma_start3A_448, %dma_start3A_449, %dma_start3A_450] : memref<2x8x64xi32, #tpu.memory_space<vmem>> -> memref<1x1x64xi32, #tpu.memory_space<vmem>>
        %dma_start3A_452 = tpu.memref_squeeze %dma_start3A_451 : memref<1x1x64xi32, #tpu.memory_space<vmem>> -> memref<64xi32, #tpu.memory_space<vmem>>
        %dma_start3A_453 = arith.constant 0 : i32
        %dma_start3A_454 = arith.constant 0 : i32
        %dma_start3A_455 = tpu.memref_slice %arg2[%dma_start3A_453, %dma_start3A_454] : memref<10112x128xf32, #tpu.memory_space<hbm>> -> memref<10112x128xf32, #tpu.memory_space<hbm>>
        tpu.enqueue_indirect_dma source(%dma_start3A_455 : memref<10112x128xf32, #tpu.memory_space<hbm>>) target(%arg9 : memref<64x128xf32, #tpu.memory_space<vmem>>) offsets(%dma_start3A_452 : memref<64xi32, #tpu.memory_space<vmem>>) semaphore(%arg14 : memref<!tpu.dma_semaphore, #tpu.memory_space<semaphore_mem>>)
      } else {
      }
      %dma_wait3A_317 = arith.constant 1 : i32
      %dma_wait3A_318 = arith.constant 1 : i32
      %dma_wait3A_319 = arith.constant 0 : i32
      %dma_wait3A_320 = tpu.memref_slice %arg7[%dma_wait3A_317, %dma_wait3A_318, %dma_wait3A_319] : memref<2x8x64xi32, #tpu.memory_space<vmem>> -> memref<1x1x64xi32, #tpu.memory_space<vmem>>
      %dma_wait3A_321 = tpu.memref_squeeze %dma_wait3A_320 : memref<1x1x64xi32, #tpu.memory_space<vmem>> -> memref<64xi32, #tpu.memory_space<vmem>>
      %dma_wait3A_322 = arith.constant 0 : i32
      %dma_wait3A_323 = arith.constant 0 : i32
      %dma_wait3A_324 = tpu.memref_slice %arg2[%dma_wait3A_322, %dma_wait3A_323] : memref<10112x128xf32, #tpu.memory_space<hbm>> -> memref<10112x128xf32, #tpu.memory_space<hbm>>
      tpu.wait_indirect_dma semaphore(%arg14 : memref<!tpu.dma_semaphore, #tpu.memory_space<semaphore_mem>>) src(%dma_wait3A_324 : memref<10112x128xf32, #tpu.memory_space<hbm>>) dst(%arg10 : memref<64x128xf32, #tpu.memory_space<vmem>>)
      %run_scoped3A_325 = arith.constant 1 : i32
      %run_scoped3A_326 = arith.constant 1 : i32
      "tpu.region"() ({
        %run_scoped3A_448 = tpu.sem_alloc : memref<!tpu.dma_semaphore, #tpu.memory_space<semaphore_mem>>
        %dma_start3A_449 = arith.constant 0 : i32
        %dma_start3A_450 = tpu.memref_slice %arg8[%run_scoped3A_325, %run_scoped3A_326, %dma_start3A_449] : memref<2x8x64xi32, #tpu.memory_space<vmem>> -> memref<1x1x64xi32, #tpu.memory_space<vmem>>
        %dma_start3A_451 = tpu.memref_squeeze %dma_start3A_450 : memref<1x1x64xi32, #tpu.memory_space<vmem>> -> memref<64xi32, #tpu.memory_space<vmem>>
        %dma_start3A_452 = arith.constant 0 : i32
        %dma_start3A_453 = arith.constant 0 : i32
        %dma_start3A_454 = tpu.memref_slice %arg13[%dma_start3A_452, %dma_start3A_453] : memref<10112x128xf32, #tpu.memory_space<vmem_shared>> -> memref<10112x128xf32, #tpu.memory_space<vmem_shared>>
        tpu.enqueue_indirect_dma source(%arg10 : memref<64x128xf32, #tpu.memory_space<vmem>>) target(%dma_start3A_454 : memref<10112x128xf32, #tpu.memory_space<vmem_shared>>) offsets(%dma_start3A_451 : memref<64xi32, #tpu.memory_space<vmem>>) semaphore(%run_scoped3A_448 : memref<!tpu.dma_semaphore, #tpu.memory_space<semaphore_mem>>) {add = true}
        %dma_wait3A_455 = arith.constant 0 : i32
        %dma_wait3A_456 = tpu.memref_slice %arg8[%run_scoped3A_325, %run_scoped3A_326, %dma_wait3A_455] : memref<2x8x64xi32, #tpu.memory_space<vmem>> -> memref<1x1x64xi32, #tpu.memory_space<vmem>>
        %dma_wait3A_457 = tpu.memref_squeeze %dma_wait3A_456 : memref<1x1x64xi32, #tpu.memory_space<vmem>> -> memref<64xi32, #tpu.memory_space<vmem>>
        %dma_wait3A_458 = arith.constant 0 : i32
        %dma_wait3A_459 = arith.constant 0 : i32
        %dma_wait3A_460 = tpu.memref_slice %arg13[%dma_wait3A_458, %dma_wait3A_459] : memref<10112x128xf32, #tpu.memory_space<vmem_shared>> -> memref<10112x128xf32, #tpu.memory_space<vmem_shared>>
        tpu.wait_indirect_dma semaphore(%run_scoped3A_448 : memref<!tpu.dma_semaphore, #tpu.memory_space<semaphore_mem>>) src(%arg10 : memref<64x128xf32, #tpu.memory_space<vmem>>) dst(%dma_wait3A_460 : memref<10112x128xf32, #tpu.memory_space<vmem_shared>>)
        tpu.yield
      }) : () -> ()
      %mul3A_327 = arith.constant 8 : i32
      %mul3A_328 = arith.muli %add3A_288, %mul3A_327 : i32
      %add3A_329 = arith.constant 5 : i32
      %add3A_330 = arith.addi %mul3A_328, %add3A_329 : i32
      %lt3A_331 = arith.constant 160 : i32
      %lt3A_332 = arith.cmpi slt, %add3A_330, %lt3A_331 : i32
      %convert_element_type3A_333 = arith.extui %lt3A_332 : i1 to i32
      %cond3A_334 = arith.constant 0 : i32
      %cond3A_335 = arith.cmpi ne, %convert_element_type3A_333, %cond3A_334 : i32
      scf.if %cond3A_335 {
        %dma_start3A_448 = arith.constant 1 : i32
        %dma_start3A_449 = arith.constant 5 : i32
        %dma_start3A_450 = arith.constant 0 : i32
        %dma_start3A_451 = tpu.memref_slice %arg7[%dma_start3A_448, %dma_start3A_449, %dma_start3A_450] : memref<2x8x64xi32, #tpu.memory_space<vmem>> -> memref<1x1x64xi32, #tpu.memory_space<vmem>>
        %dma_start3A_452 = tpu.memref_squeeze %dma_start3A_451 : memref<1x1x64xi32, #tpu.memory_space<vmem>> -> memref<64xi32, #tpu.memory_space<vmem>>
        %dma_start3A_453 = arith.constant 0 : i32
        %dma_start3A_454 = arith.constant 0 : i32
        %dma_start3A_455 = tpu.memref_slice %arg2[%dma_start3A_453, %dma_start3A_454] : memref<10112x128xf32, #tpu.memory_space<hbm>> -> memref<10112x128xf32, #tpu.memory_space<hbm>>
        tpu.enqueue_indirect_dma source(%dma_start3A_455 : memref<10112x128xf32, #tpu.memory_space<hbm>>) target(%arg10 : memref<64x128xf32, #tpu.memory_space<vmem>>) offsets(%dma_start3A_452 : memref<64xi32, #tpu.memory_space<vmem>>) semaphore(%arg14 : memref<!tpu.dma_semaphore, #tpu.memory_space<semaphore_mem>>)
      } else {
      }
      %dma_wait3A_336 = arith.constant 1 : i32
      %dma_wait3A_337 = arith.constant 2 : i32
      %dma_wait3A_338 = arith.constant 0 : i32
      %dma_wait3A_339 = tpu.memref_slice %arg7[%dma_wait3A_336, %dma_wait3A_337, %dma_wait3A_338] : memref<2x8x64xi32, #tpu.memory_space<vmem>> -> memref<1x1x64xi32, #tpu.memory_space<vmem>>
      %dma_wait3A_340 = tpu.memref_squeeze %dma_wait3A_339 : memref<1x1x64xi32, #tpu.memory_space<vmem>> -> memref<64xi32, #tpu.memory_space<vmem>>
      %dma_wait3A_341 = arith.constant 0 : i32
      %dma_wait3A_342 = arith.constant 0 : i32
      %dma_wait3A_343 = tpu.memref_slice %arg2[%dma_wait3A_341, %dma_wait3A_342] : memref<10112x128xf32, #tpu.memory_space<hbm>> -> memref<10112x128xf32, #tpu.memory_space<hbm>>
      tpu.wait_indirect_dma semaphore(%arg14 : memref<!tpu.dma_semaphore, #tpu.memory_space<semaphore_mem>>) src(%dma_wait3A_343 : memref<10112x128xf32, #tpu.memory_space<hbm>>) dst(%arg11 : memref<64x128xf32, #tpu.memory_space<vmem>>)
      %run_scoped3A_344 = arith.constant 1 : i32
      %run_scoped3A_345 = arith.constant 2 : i32
      "tpu.region"() ({
        %run_scoped3A_448 = tpu.sem_alloc : memref<!tpu.dma_semaphore, #tpu.memory_space<semaphore_mem>>
        %dma_start3A_449 = arith.constant 0 : i32
        %dma_start3A_450 = tpu.memref_slice %arg8[%run_scoped3A_344, %run_scoped3A_345, %dma_start3A_449] : memref<2x8x64xi32, #tpu.memory_space<vmem>> -> memref<1x1x64xi32, #tpu.memory_space<vmem>>
        %dma_start3A_451 = tpu.memref_squeeze %dma_start3A_450 : memref<1x1x64xi32, #tpu.memory_space<vmem>> -> memref<64xi32, #tpu.memory_space<vmem>>
        %dma_start3A_452 = arith.constant 0 : i32
        %dma_start3A_453 = arith.constant 0 : i32
        %dma_start3A_454 = tpu.memref_slice %arg13[%dma_start3A_452, %dma_start3A_453] : memref<10112x128xf32, #tpu.memory_space<vmem_shared>> -> memref<10112x128xf32, #tpu.memory_space<vmem_shared>>
        tpu.enqueue_indirect_dma source(%arg11 : memref<64x128xf32, #tpu.memory_space<vmem>>) target(%dma_start3A_454 : memref<10112x128xf32, #tpu.memory_space<vmem_shared>>) offsets(%dma_start3A_451 : memref<64xi32, #tpu.memory_space<vmem>>) semaphore(%run_scoped3A_448 : memref<!tpu.dma_semaphore, #tpu.memory_space<semaphore_mem>>) {add = true}
        %dma_wait3A_455 = arith.constant 0 : i32
        %dma_wait3A_456 = tpu.memref_slice %arg8[%run_scoped3A_344, %run_scoped3A_345, %dma_wait3A_455] : memref<2x8x64xi32, #tpu.memory_space<vmem>> -> memref<1x1x64xi32, #tpu.memory_space<vmem>>
        %dma_wait3A_457 = tpu.memref_squeeze %dma_wait3A_456 : memref<1x1x64xi32, #tpu.memory_space<vmem>> -> memref<64xi32, #tpu.memory_space<vmem>>
        %dma_wait3A_458 = arith.constant 0 : i32
        %dma_wait3A_459 = arith.constant 0 : i32
        %dma_wait3A_460 = tpu.memref_slice %arg13[%dma_wait3A_458, %dma_wait3A_459] : memref<10112x128xf32, #tpu.memory_space<vmem_shared>> -> memref<10112x128xf32, #tpu.memory_space<vmem_shared>>
        tpu.wait_indirect_dma semaphore(%run_scoped3A_448 : memref<!tpu.dma_semaphore, #tpu.memory_space<semaphore_mem>>) src(%arg11 : memref<64x128xf32, #tpu.memory_space<vmem>>) dst(%dma_wait3A_460 : memref<10112x128xf32, #tpu.memory_space<vmem_shared>>)
        tpu.yield
      }) : () -> ()
      %mul3A_346 = arith.constant 8 : i32
      %mul3A_347 = arith.muli %add3A_288, %mul3A_346 : i32
      %add3A_348 = arith.constant 6 : i32
      %add3A_349 = arith.addi %mul3A_347, %add3A_348 : i32
      %lt3A_350 = arith.constant 160 : i32
      %lt3A_351 = arith.cmpi slt, %add3A_349, %lt3A_350 : i32
      %convert_element_type3A_352 = arith.extui %lt3A_351 : i1 to i32
      %cond3A_353 = arith.constant 0 : i32
      %cond3A_354 = arith.cmpi ne, %convert_element_type3A_352, %cond3A_353 : i32
      scf.if %cond3A_354 {
        %dma_start3A_448 = arith.constant 1 : i32
        %dma_start3A_449 = arith.constant 6 : i32
        %dma_start3A_450 = arith.constant 0 : i32
        %dma_start3A_451 = tpu.memref_slice %arg7[%dma_start3A_448, %dma_start3A_449, %dma_start3A_450] : memref<2x8x64xi32, #tpu.memory_space<vmem>> -> memref<1x1x64xi32, #tpu.memory_space<vmem>>
        %dma_start3A_452 = tpu.memref_squeeze %dma_start3A_451 : memref<1x1x64xi32, #tpu.memory_space<vmem>> -> memref<64xi32, #tpu.memory_space<vmem>>
        %dma_start3A_453 = arith.constant 0 : i32
        %dma_start3A_454 = arith.constant 0 : i32
        %dma_start3A_455 = tpu.memref_slice %arg2[%dma_start3A_453, %dma_start3A_454] : memref<10112x128xf32, #tpu.memory_space<hbm>> -> memref<10112x128xf32, #tpu.memory_space<hbm>>
        tpu.enqueue_indirect_dma source(%dma_start3A_455 : memref<10112x128xf32, #tpu.memory_space<hbm>>) target(%arg11 : memref<64x128xf32, #tpu.memory_space<vmem>>) offsets(%dma_start3A_452 : memref<64xi32, #tpu.memory_space<vmem>>) semaphore(%arg14 : memref<!tpu.dma_semaphore, #tpu.memory_space<semaphore_mem>>)
      } else {
      }
      %dma_wait3A_355 = arith.constant 1 : i32
      %dma_wait3A_356 = arith.constant 3 : i32
      %dma_wait3A_357 = arith.constant 0 : i32
      %dma_wait3A_358 = tpu.memref_slice %arg7[%dma_wait3A_355, %dma_wait3A_356, %dma_wait3A_357] : memref<2x8x64xi32, #tpu.memory_space<vmem>> -> memref<1x1x64xi32, #tpu.memory_space<vmem>>
      %dma_wait3A_359 = tpu.memref_squeeze %dma_wait3A_358 : memref<1x1x64xi32, #tpu.memory_space<vmem>> -> memref<64xi32, #tpu.memory_space<vmem>>
      %dma_wait3A_360 = arith.constant 0 : i32
      %dma_wait3A_361 = arith.constant 0 : i32
      %dma_wait3A_362 = tpu.memref_slice %arg2[%dma_wait3A_360, %dma_wait3A_361] : memref<10112x128xf32, #tpu.memory_space<hbm>> -> memref<10112x128xf32, #tpu.memory_space<hbm>>
      tpu.wait_indirect_dma semaphore(%arg14 : memref<!tpu.dma_semaphore, #tpu.memory_space<semaphore_mem>>) src(%dma_wait3A_362 : memref<10112x128xf32, #tpu.memory_space<hbm>>) dst(%arg12 : memref<64x128xf32, #tpu.memory_space<vmem>>)
      %run_scoped3A_363 = arith.constant 1 : i32
      %run_scoped3A_364 = arith.constant 3 : i32
      "tpu.region"() ({
        %run_scoped3A_448 = tpu.sem_alloc : memref<!tpu.dma_semaphore, #tpu.memory_space<semaphore_mem>>
        %dma_start3A_449 = arith.constant 0 : i32
        %dma_start3A_450 = tpu.memref_slice %arg8[%run_scoped3A_363, %run_scoped3A_364, %dma_start3A_449] : memref<2x8x64xi32, #tpu.memory_space<vmem>> -> memref<1x1x64xi32, #tpu.memory_space<vmem>>
        %dma_start3A_451 = tpu.memref_squeeze %dma_start3A_450 : memref<1x1x64xi32, #tpu.memory_space<vmem>> -> memref<64xi32, #tpu.memory_space<vmem>>
        %dma_start3A_452 = arith.constant 0 : i32
        %dma_start3A_453 = arith.constant 0 : i32
        %dma_start3A_454 = tpu.memref_slice %arg13[%dma_start3A_452, %dma_start3A_453] : memref<10112x128xf32, #tpu.memory_space<vmem_shared>> -> memref<10112x128xf32, #tpu.memory_space<vmem_shared>>
        tpu.enqueue_indirect_dma source(%arg12 : memref<64x128xf32, #tpu.memory_space<vmem>>) target(%dma_start3A_454 : memref<10112x128xf32, #tpu.memory_space<vmem_shared>>) offsets(%dma_start3A_451 : memref<64xi32, #tpu.memory_space<vmem>>) semaphore(%run_scoped3A_448 : memref<!tpu.dma_semaphore, #tpu.memory_space<semaphore_mem>>) {add = true}
        %dma_wait3A_455 = arith.constant 0 : i32
        %dma_wait3A_456 = tpu.memref_slice %arg8[%run_scoped3A_363, %run_scoped3A_364, %dma_wait3A_455] : memref<2x8x64xi32, #tpu.memory_space<vmem>> -> memref<1x1x64xi32, #tpu.memory_space<vmem>>
        %dma_wait3A_457 = tpu.memref_squeeze %dma_wait3A_456 : memref<1x1x64xi32, #tpu.memory_space<vmem>> -> memref<64xi32, #tpu.memory_space<vmem>>
        %dma_wait3A_458 = arith.constant 0 : i32
        %dma_wait3A_459 = arith.constant 0 : i32
        %dma_wait3A_460 = tpu.memref_slice %arg13[%dma_wait3A_458, %dma_wait3A_459] : memref<10112x128xf32, #tpu.memory_space<vmem_shared>> -> memref<10112x128xf32, #tpu.memory_space<vmem_shared>>
        tpu.wait_indirect_dma semaphore(%run_scoped3A_448 : memref<!tpu.dma_semaphore, #tpu.memory_space<semaphore_mem>>) src(%arg12 : memref<64x128xf32, #tpu.memory_space<vmem>>) dst(%dma_wait3A_460 : memref<10112x128xf32, #tpu.memory_space<vmem_shared>>)
        tpu.yield
      }) : () -> ()
      %mul3A_365 = arith.constant 8 : i32
      %mul3A_366 = arith.muli %add3A_288, %mul3A_365 : i32
      %add3A_367 = arith.constant 7 : i32
      %add3A_368 = arith.addi %mul3A_366, %add3A_367 : i32
      %lt3A_369 = arith.constant 160 : i32
      %lt3A_370 = arith.cmpi slt, %add3A_368, %lt3A_369 : i32
      %convert_element_type3A_371 = arith.extui %lt3A_370 : i1 to i32
      %cond3A_372 = arith.constant 0 : i32
      %cond3A_373 = arith.cmpi ne, %convert_element_type3A_371, %cond3A_372 : i32
      scf.if %cond3A_373 {
        %dma_start3A_448 = arith.constant 1 : i32
        %dma_start3A_449 = arith.constant 7 : i32
        %dma_start3A_450 = arith.constant 0 : i32
        %dma_start3A_451 = tpu.memref_slice %arg7[%dma_start3A_448, %dma_start3A_449, %dma_start3A_450] : memref<2x8x64xi32, #tpu.memory_space<vmem>> -> memref<1x1x64xi32, #tpu.memory_space<vmem>>
        %dma_start3A_452 = tpu.memref_squeeze %dma_start3A_451 : memref<1x1x64xi32, #tpu.memory_space<vmem>> -> memref<64xi32, #tpu.memory_space<vmem>>
        %dma_start3A_453 = arith.constant 0 : i32
        %dma_start3A_454 = arith.constant 0 : i32
        %dma_start3A_455 = tpu.memref_slice %arg2[%dma_start3A_453, %dma_start3A_454] : memref<10112x128xf32, #tpu.memory_space<hbm>> -> memref<10112x128xf32, #tpu.memory_space<hbm>>
        tpu.enqueue_indirect_dma source(%dma_start3A_455 : memref<10112x128xf32, #tpu.memory_space<hbm>>) target(%arg12 : memref<64x128xf32, #tpu.memory_space<vmem>>) offsets(%dma_start3A_452 : memref<64xi32, #tpu.memory_space<vmem>>) semaphore(%arg14 : memref<!tpu.dma_semaphore, #tpu.memory_space<semaphore_mem>>)
      } else {
      }
      %dma_wait3A_374 = arith.constant 1 : i32
      %dma_wait3A_375 = arith.constant 4 : i32
      %dma_wait3A_376 = arith.constant 0 : i32
      %dma_wait3A_377 = tpu.memref_slice %arg7[%dma_wait3A_374, %dma_wait3A_375, %dma_wait3A_376] : memref<2x8x64xi32, #tpu.memory_space<vmem>> -> memref<1x1x64xi32, #tpu.memory_space<vmem>>
      %dma_wait3A_378 = tpu.memref_squeeze %dma_wait3A_377 : memref<1x1x64xi32, #tpu.memory_space<vmem>> -> memref<64xi32, #tpu.memory_space<vmem>>
      %dma_wait3A_379 = arith.constant 0 : i32
      %dma_wait3A_380 = arith.constant 0 : i32
      %dma_wait3A_381 = tpu.memref_slice %arg2[%dma_wait3A_379, %dma_wait3A_380] : memref<10112x128xf32, #tpu.memory_space<hbm>> -> memref<10112x128xf32, #tpu.memory_space<hbm>>
      tpu.wait_indirect_dma semaphore(%arg14 : memref<!tpu.dma_semaphore, #tpu.memory_space<semaphore_mem>>) src(%dma_wait3A_381 : memref<10112x128xf32, #tpu.memory_space<hbm>>) dst(%arg9 : memref<64x128xf32, #tpu.memory_space<vmem>>)
      %run_scoped3A_382 = arith.constant 1 : i32
      %run_scoped3A_383 = arith.constant 4 : i32
      "tpu.region"() ({
        %run_scoped3A_448 = tpu.sem_alloc : memref<!tpu.dma_semaphore, #tpu.memory_space<semaphore_mem>>
        %dma_start3A_449 = arith.constant 0 : i32
        %dma_start3A_450 = tpu.memref_slice %arg8[%run_scoped3A_382, %run_scoped3A_383, %dma_start3A_449] : memref<2x8x64xi32, #tpu.memory_space<vmem>> -> memref<1x1x64xi32, #tpu.memory_space<vmem>>
        %dma_start3A_451 = tpu.memref_squeeze %dma_start3A_450 : memref<1x1x64xi32, #tpu.memory_space<vmem>> -> memref<64xi32, #tpu.memory_space<vmem>>
        %dma_start3A_452 = arith.constant 0 : i32
        %dma_start3A_453 = arith.constant 0 : i32
        %dma_start3A_454 = tpu.memref_slice %arg13[%dma_start3A_452, %dma_start3A_453] : memref<10112x128xf32, #tpu.memory_space<vmem_shared>> -> memref<10112x128xf32, #tpu.memory_space<vmem_shared>>
        tpu.enqueue_indirect_dma source(%arg9 : memref<64x128xf32, #tpu.memory_space<vmem>>) target(%dma_start3A_454 : memref<10112x128xf32, #tpu.memory_space<vmem_shared>>) offsets(%dma_start3A_451 : memref<64xi32, #tpu.memory_space<vmem>>) semaphore(%run_scoped3A_448 : memref<!tpu.dma_semaphore, #tpu.memory_space<semaphore_mem>>) {add = true}
        %dma_wait3A_455 = arith.constant 0 : i32
        %dma_wait3A_456 = tpu.memref_slice %arg8[%run_scoped3A_382, %run_scoped3A_383, %dma_wait3A_455] : memref<2x8x64xi32, #tpu.memory_space<vmem>> -> memref<1x1x64xi32, #tpu.memory_space<vmem>>
        %dma_wait3A_457 = tpu.memref_squeeze %dma_wait3A_456 : memref<1x1x64xi32, #tpu.memory_space<vmem>> -> memref<64xi32, #tpu.memory_space<vmem>>
        %dma_wait3A_458 = arith.constant 0 : i32
        %dma_wait3A_459 = arith.constant 0 : i32
        %dma_wait3A_460 = tpu.memref_slice %arg13[%dma_wait3A_458, %dma_wait3A_459] : memref<10112x128xf32, #tpu.memory_space<vmem_shared>> -> memref<10112x128xf32, #tpu.memory_space<vmem_shared>>
        tpu.wait_indirect_dma semaphore(%run_scoped3A_448 : memref<!tpu.dma_semaphore, #tpu.memory_space<semaphore_mem>>) src(%arg9 : memref<64x128xf32, #tpu.memory_space<vmem>>) dst(%dma_wait3A_460 : memref<10112x128xf32, #tpu.memory_space<vmem_shared>>)
        tpu.yield
      }) : () -> ()
      %mul3A_384 = arith.constant 8 : i32
      %mul3A_385 = arith.muli %add3A_288, %mul3A_384 : i32
      %add3A_386 = arith.constant 8 : i32
      %add3A_387 = arith.addi %mul3A_385, %add3A_386 : i32
      %lt3A_388 = arith.constant 160 : i32
      %lt3A_389 = arith.cmpi slt, %add3A_387, %lt3A_388 : i32
      %convert_element_type3A_390 = arith.extui %lt3A_389 : i1 to i32
      %cond3A_391 = arith.constant 0 : i32
      %cond3A_392 = arith.cmpi ne, %convert_element_type3A_390, %cond3A_391 : i32
      scf.if %cond3A_392 {
        %dma_wait3A_448 = arith.constant 0 : i32
        %dma_wait3A_449 = arith.constant 0 : i32
        %dma_wait3A_450 = arith.constant 0 : i32
        %dma_wait3A_451 = tpu.memref_slice %arg7[%dma_wait3A_448, %dma_wait3A_449, %dma_wait3A_450] : memref<2x8x64xi32, #tpu.memory_space<vmem>> -> memref<1x8x64xi32, #tpu.memory_space<vmem>>
        %dma_wait3A_452 = tpu.memref_squeeze %dma_wait3A_451 : memref<1x8x64xi32, #tpu.memory_space<vmem>> -> memref<8x64xi32, #tpu.memory_space<vmem>>
        %dma_wait3A_453 = arith.constant 0 : i32
        %dma_wait3A_454 = tpu.memref_slice %arg3[%mul3A_2, %dma_wait3A_453] : memref<5120x64xi32, #tpu.memory_space<hbm>> -> memref<8x64xi32, #tpu.memory_space<hbm>>
        %dma_wait3A_455 = arith.constant 0 : i32
        %dma_wait3A_456 = arith.constant 0 : i32
        %dma_wait3A_457 = tpu.memref_slice %arg7[%dma_wait3A_448, %dma_wait3A_455, %dma_wait3A_456] : memref<2x8x64xi32, #tpu.memory_space<vmem>> -> memref<1x8x64xi32, #tpu.memory_space<vmem>>
        %dma_wait3A_458 = tpu.memref_squeeze %dma_wait3A_457 : memref<1x8x64xi32, #tpu.memory_space<vmem>> -> memref<8x64xi32, #tpu.memory_space<vmem>>
        %dma_wait3A_459 = arith.constant 0 : i32
        %dma_wait3A_460 = tpu.memref_slice %arg3[%mul3A_2, %dma_wait3A_459] : memref<5120x64xi32, #tpu.memory_space<hbm>> -> memref<8x64xi32, #tpu.memory_space<hbm>>
        tpu.wait_dma2 semaphore(%arg15 : memref<!tpu.dma_semaphore, #tpu.memory_space<semaphore_mem>>) src(%dma_wait3A_460 : memref<8x64xi32, #tpu.memory_space<hbm>>) dst(%dma_wait3A_458 : memref<8x64xi32, #tpu.memory_space<vmem>>)
        %dma_wait3A_461 = arith.constant 0 : i32
        %dma_wait3A_462 = arith.constant 0 : i32
        %dma_wait3A_463 = arith.constant 0 : i32
        %dma_wait3A_464 = tpu.memref_slice %arg8[%dma_wait3A_461, %dma_wait3A_462, %dma_wait3A_463] : memref<2x8x64xi32, #tpu.memory_space<vmem>> -> memref<1x8x64xi32, #tpu.memory_space<vmem>>
        %dma_wait3A_465 = tpu.memref_squeeze %dma_wait3A_464 : memref<1x8x64xi32, #tpu.memory_space<vmem>> -> memref<8x64xi32, #tpu.memory_space<vmem>>
        %dma_wait3A_466 = arith.constant 0 : i32
        %dma_wait3A_467 = tpu.memref_slice %arg4[%mul3A_2, %dma_wait3A_466] : memref<5120x64xi32, #tpu.memory_space<hbm>> -> memref<8x64xi32, #tpu.memory_space<hbm>>
        %dma_wait3A_468 = arith.constant 0 : i32
        %dma_wait3A_469 = arith.constant 0 : i32
        %dma_wait3A_470 = tpu.memref_slice %arg8[%dma_wait3A_461, %dma_wait3A_468, %dma_wait3A_469] : memref<2x8x64xi32, #tpu.memory_space<vmem>> -> memref<1x8x64xi32, #tpu.memory_space<vmem>>
        %dma_wait3A_471 = tpu.memref_squeeze %dma_wait3A_470 : memref<1x8x64xi32, #tpu.memory_space<vmem>> -> memref<8x64xi32, #tpu.memory_space<vmem>>
        %dma_wait3A_472 = arith.constant 0 : i32
        %dma_wait3A_473 = tpu.memref_slice %arg4[%mul3A_2, %dma_wait3A_472] : memref<5120x64xi32, #tpu.memory_space<hbm>> -> memref<8x64xi32, #tpu.memory_space<hbm>>
        tpu.wait_dma2 semaphore(%arg15 : memref<!tpu.dma_semaphore, #tpu.memory_space<semaphore_mem>>) src(%dma_wait3A_473 : memref<8x64xi32, #tpu.memory_space<hbm>>) dst(%dma_wait3A_471 : memref<8x64xi32, #tpu.memory_space<vmem>>)
        %dma_start3A_474 = arith.constant 0 : i32
        %dma_start3A_475 = arith.constant 0 : i32
        %dma_start3A_476 = arith.constant 0 : i32
        %dma_start3A_477 = tpu.memref_slice %arg7[%dma_start3A_474, %dma_start3A_475, %dma_start3A_476] : memref<2x8x64xi32, #tpu.memory_space<vmem>> -> memref<1x1x64xi32, #tpu.memory_space<vmem>>
        %dma_start3A_478 = tpu.memref_squeeze %dma_start3A_477 : memref<1x1x64xi32, #tpu.memory_space<vmem>> -> memref<64xi32, #tpu.memory_space<vmem>>
        %dma_start3A_479 = arith.constant 0 : i32
        %dma_start3A_480 = arith.constant 0 : i32
        %dma_start3A_481 = tpu.memref_slice %arg2[%dma_start3A_479, %dma_start3A_480] : memref<10112x128xf32, #tpu.memory_space<hbm>> -> memref<10112x128xf32, #tpu.memory_space<hbm>>
        tpu.enqueue_indirect_dma source(%dma_start3A_481 : memref<10112x128xf32, #tpu.memory_space<hbm>>) target(%arg9 : memref<64x128xf32, #tpu.memory_space<vmem>>) offsets(%dma_start3A_478 : memref<64xi32, #tpu.memory_space<vmem>>) semaphore(%arg14 : memref<!tpu.dma_semaphore, #tpu.memory_space<semaphore_mem>>)
      } else {
      }
      %dma_wait3A_393 = arith.constant 1 : i32
      %dma_wait3A_394 = arith.constant 5 : i32
      %dma_wait3A_395 = arith.constant 0 : i32
      %dma_wait3A_396 = tpu.memref_slice %arg7[%dma_wait3A_393, %dma_wait3A_394, %dma_wait3A_395] : memref<2x8x64xi32, #tpu.memory_space<vmem>> -> memref<1x1x64xi32, #tpu.memory_space<vmem>>
      %dma_wait3A_397 = tpu.memref_squeeze %dma_wait3A_396 : memref<1x1x64xi32, #tpu.memory_space<vmem>> -> memref<64xi32, #tpu.memory_space<vmem>>
      %dma_wait3A_398 = arith.constant 0 : i32
      %dma_wait3A_399 = arith.constant 0 : i32
      %dma_wait3A_400 = tpu.memref_slice %arg2[%dma_wait3A_398, %dma_wait3A_399] : memref<10112x128xf32, #tpu.memory_space<hbm>> -> memref<10112x128xf32, #tpu.memory_space<hbm>>
      tpu.wait_indirect_dma semaphore(%arg14 : memref<!tpu.dma_semaphore, #tpu.memory_space<semaphore_mem>>) src(%dma_wait3A_400 : memref<10112x128xf32, #tpu.memory_space<hbm>>) dst(%arg10 : memref<64x128xf32, #tpu.memory_space<vmem>>)
      %run_scoped3A_401 = arith.constant 1 : i32
      %run_scoped3A_402 = arith.constant 5 : i32
      "tpu.region"() ({
        %run_scoped3A_448 = tpu.sem_alloc : memref<!tpu.dma_semaphore, #tpu.memory_space<semaphore_mem>>
        %dma_start3A_449 = arith.constant 0 : i32
        %dma_start3A_450 = tpu.memref_slice %arg8[%run_scoped3A_401, %run_scoped3A_402, %dma_start3A_449] : memref<2x8x64xi32, #tpu.memory_space<vmem>> -> memref<1x1x64xi32, #tpu.memory_space<vmem>>
        %dma_start3A_451 = tpu.memref_squeeze %dma_start3A_450 : memref<1x1x64xi32, #tpu.memory_space<vmem>> -> memref<64xi32, #tpu.memory_space<vmem>>
        %dma_start3A_452 = arith.constant 0 : i32
        %dma_start3A_453 = arith.constant 0 : i32
        %dma_start3A_454 = tpu.memref_slice %arg13[%dma_start3A_452, %dma_start3A_453] : memref<10112x128xf32, #tpu.memory_space<vmem_shared>> -> memref<10112x128xf32, #tpu.memory_space<vmem_shared>>
        tpu.enqueue_indirect_dma source(%arg10 : memref<64x128xf32, #tpu.memory_space<vmem>>) target(%dma_start3A_454 : memref<10112x128xf32, #tpu.memory_space<vmem_shared>>) offsets(%dma_start3A_451 : memref<64xi32, #tpu.memory_space<vmem>>) semaphore(%run_scoped3A_448 : memref<!tpu.dma_semaphore, #tpu.memory_space<semaphore_mem>>) {add = true}
        %dma_wait3A_455 = arith.constant 0 : i32
        %dma_wait3A_456 = tpu.memref_slice %arg8[%run_scoped3A_401, %run_scoped3A_402, %dma_wait3A_455] : memref<2x8x64xi32, #tpu.memory_space<vmem>> -> memref<1x1x64xi32, #tpu.memory_space<vmem>>
        %dma_wait3A_457 = tpu.memref_squeeze %dma_wait3A_456 : memref<1x1x64xi32, #tpu.memory_space<vmem>> -> memref<64xi32, #tpu.memory_space<vmem>>
        %dma_wait3A_458 = arith.constant 0 : i32
        %dma_wait3A_459 = arith.constant 0 : i32
        %dma_wait3A_460 = tpu.memref_slice %arg13[%dma_wait3A_458, %dma_wait3A_459] : memref<10112x128xf32, #tpu.memory_space<vmem_shared>> -> memref<10112x128xf32, #tpu.memory_space<vmem_shared>>
        tpu.wait_indirect_dma semaphore(%run_scoped3A_448 : memref<!tpu.dma_semaphore, #tpu.memory_space<semaphore_mem>>) src(%arg10 : memref<64x128xf32, #tpu.memory_space<vmem>>) dst(%dma_wait3A_460 : memref<10112x128xf32, #tpu.memory_space<vmem_shared>>)
        tpu.yield
      }) : () -> ()
      %mul3A_403 = arith.constant 8 : i32
      %mul3A_404 = arith.muli %add3A_288, %mul3A_403 : i32
      %add3A_405 = arith.constant 9 : i32
      %add3A_406 = arith.addi %mul3A_404, %add3A_405 : i32
      %lt3A_407 = arith.constant 160 : i32
      %lt3A_408 = arith.cmpi slt, %add3A_406, %lt3A_407 : i32
      %convert_element_type3A_409 = arith.extui %lt3A_408 : i1 to i32
      %cond3A_410 = arith.constant 0 : i32
      %cond3A_411 = arith.cmpi ne, %convert_element_type3A_409, %cond3A_410 : i32
      scf.if %cond3A_411 {
        %dma_start3A_448 = arith.constant 0 : i32
        %dma_start3A_449 = arith.constant 1 : i32
        %dma_start3A_450 = arith.constant 0 : i32
        %dma_start3A_451 = tpu.memref_slice %arg7[%dma_start3A_448, %dma_start3A_449, %dma_start3A_450] : memref<2x8x64xi32, #tpu.memory_space<vmem>> -> memref<1x1x64xi32, #tpu.memory_space<vmem>>
        %dma_start3A_452 = tpu.memref_squeeze %dma_start3A_451 : memref<1x1x64xi32, #tpu.memory_space<vmem>> -> memref<64xi32, #tpu.memory_space<vmem>>
        %dma_start3A_453 = arith.constant 0 : i32
        %dma_start3A_454 = arith.constant 0 : i32
        %dma_start3A_455 = tpu.memref_slice %arg2[%dma_start3A_453, %dma_start3A_454] : memref<10112x128xf32, #tpu.memory_space<hbm>> -> memref<10112x128xf32, #tpu.memory_space<hbm>>
        tpu.enqueue_indirect_dma source(%dma_start3A_455 : memref<10112x128xf32, #tpu.memory_space<hbm>>) target(%arg10 : memref<64x128xf32, #tpu.memory_space<vmem>>) offsets(%dma_start3A_452 : memref<64xi32, #tpu.memory_space<vmem>>) semaphore(%arg14 : memref<!tpu.dma_semaphore, #tpu.memory_space<semaphore_mem>>)
      } else {
      }
      %dma_wait3A_412 = arith.constant 1 : i32
      %dma_wait3A_413 = arith.constant 6 : i32
      %dma_wait3A_414 = arith.constant 0 : i32
      %dma_wait3A_415 = tpu.memref_slice %arg7[%dma_wait3A_412, %dma_wait3A_413, %dma_wait3A_414] : memref<2x8x64xi32, #tpu.memory_space<vmem>> -> memref<1x1x64xi32, #tpu.memory_space<vmem>>
      %dma_wait3A_416 = tpu.memref_squeeze %dma_wait3A_415 : memref<1x1x64xi32, #tpu.memory_space<vmem>> -> memref<64xi32, #tpu.memory_space<vmem>>
      %dma_wait3A_417 = arith.constant 0 : i32
      %dma_wait3A_418 = arith.constant 0 : i32
      %dma_wait3A_419 = tpu.memref_slice %arg2[%dma_wait3A_417, %dma_wait3A_418] : memref<10112x128xf32, #tpu.memory_space<hbm>> -> memref<10112x128xf32, #tpu.memory_space<hbm>>
      tpu.wait_indirect_dma semaphore(%arg14 : memref<!tpu.dma_semaphore, #tpu.memory_space<semaphore_mem>>) src(%dma_wait3A_419 : memref<10112x128xf32, #tpu.memory_space<hbm>>) dst(%arg11 : memref<64x128xf32, #tpu.memory_space<vmem>>)
      %run_scoped3A_420 = arith.constant 1 : i32
      %run_scoped3A_421 = arith.constant 6 : i32
      "tpu.region"() ({
        %run_scoped3A_448 = tpu.sem_alloc : memref<!tpu.dma_semaphore, #tpu.memory_space<semaphore_mem>>
        %dma_start3A_449 = arith.constant 0 : i32
        %dma_start3A_450 = tpu.memref_slice %arg8[%run_scoped3A_420, %run_scoped3A_421, %dma_start3A_449] : memref<2x8x64xi32, #tpu.memory_space<vmem>> -> memref<1x1x64xi32, #tpu.memory_space<vmem>>
        %dma_start3A_451 = tpu.memref_squeeze %dma_start3A_450 : memref<1x1x64xi32, #tpu.memory_space<vmem>> -> memref<64xi32, #tpu.memory_space<vmem>>
        %dma_start3A_452 = arith.constant 0 : i32
        %dma_start3A_453 = arith.constant 0 : i32
        %dma_start3A_454 = tpu.memref_slice %arg13[%dma_start3A_452, %dma_start3A_453] : memref<10112x128xf32, #tpu.memory_space<vmem_shared>> -> memref<10112x128xf32, #tpu.memory_space<vmem_shared>>
        tpu.enqueue_indirect_dma source(%arg11 : memref<64x128xf32, #tpu.memory_space<vmem>>) target(%dma_start3A_454 : memref<10112x128xf32, #tpu.memory_space<vmem_shared>>) offsets(%dma_start3A_451 : memref<64xi32, #tpu.memory_space<vmem>>) semaphore(%run_scoped3A_448 : memref<!tpu.dma_semaphore, #tpu.memory_space<semaphore_mem>>) {add = true}
        %dma_wait3A_455 = arith.constant 0 : i32
        %dma_wait3A_456 = tpu.memref_slice %arg8[%run_scoped3A_420, %run_scoped3A_421, %dma_wait3A_455] : memref<2x8x64xi32, #tpu.memory_space<vmem>> -> memref<1x1x64xi32, #tpu.memory_space<vmem>>
        %dma_wait3A_457 = tpu.memref_squeeze %dma_wait3A_456 : memref<1x1x64xi32, #tpu.memory_space<vmem>> -> memref<64xi32, #tpu.memory_space<vmem>>
        %dma_wait3A_458 = arith.constant 0 : i32
        %dma_wait3A_459 = arith.constant 0 : i32
        %dma_wait3A_460 = tpu.memref_slice %arg13[%dma_wait3A_458, %dma_wait3A_459] : memref<10112x128xf32, #tpu.memory_space<vmem_shared>> -> memref<10112x128xf32, #tpu.memory_space<vmem_shared>>
        tpu.wait_indirect_dma semaphore(%run_scoped3A_448 : memref<!tpu.dma_semaphore, #tpu.memory_space<semaphore_mem>>) src(%arg11 : memref<64x128xf32, #tpu.memory_space<vmem>>) dst(%dma_wait3A_460 : memref<10112x128xf32, #tpu.memory_space<vmem_shared>>)
        tpu.yield
      }) : () -> ()
      %mul3A_422 = arith.constant 8 : i32
      %mul3A_423 = arith.muli %add3A_288, %mul3A_422 : i32
      %add3A_424 = arith.constant 10 : i32
      %add3A_425 = arith.addi %mul3A_423, %add3A_424 : i32
      %lt3A_426 = arith.constant 160 : i32
      %lt3A_427 = arith.cmpi slt, %add3A_425, %lt3A_426 : i32
      %convert_element_type3A_428 = arith.extui %lt3A_427 : i1 to i32
      %cond3A_429 = arith.constant 0 : i32
      %cond3A_430 = arith.cmpi ne, %convert_element_type3A_428, %cond3A_429 : i32
      scf.if %cond3A_430 {
        %dma_start3A_448 = arith.constant 0 : i32
        %dma_start3A_449 = arith.constant 2 : i32
        %dma_start3A_450 = arith.constant 0 : i32
        %dma_start3A_451 = tpu.memref_slice %arg7[%dma_start3A_448, %dma_start3A_449, %dma_start3A_450] : memref<2x8x64xi32, #tpu.memory_space<vmem>> -> memref<1x1x64xi32, #tpu.memory_space<vmem>>
        %dma_start3A_452 = tpu.memref_squeeze %dma_start3A_451 : memref<1x1x64xi32, #tpu.memory_space<vmem>> -> memref<64xi32, #tpu.memory_space<vmem>>
        %dma_start3A_453 = arith.constant 0 : i32
        %dma_start3A_454 = arith.constant 0 : i32
        %dma_start3A_455 = tpu.memref_slice %arg2[%dma_start3A_453, %dma_start3A_454] : memref<10112x128xf32, #tpu.memory_space<hbm>> -> memref<10112x128xf32, #tpu.memory_space<hbm>>
        tpu.enqueue_indirect_dma source(%dma_start3A_455 : memref<10112x128xf32, #tpu.memory_space<hbm>>) target(%arg11 : memref<64x128xf32, #tpu.memory_space<vmem>>) offsets(%dma_start3A_452 : memref<64xi32, #tpu.memory_space<vmem>>) semaphore(%arg14 : memref<!tpu.dma_semaphore, #tpu.memory_space<semaphore_mem>>)
      } else {
      }
      %dma_wait3A_431 = arith.constant 1 : i32
      %dma_wait3A_432 = arith.constant 7 : i32
      %dma_wait3A_433 = arith.constant 0 : i32
      %dma_wait3A_434 = tpu.memref_slice %arg7[%dma_wait3A_431, %dma_wait3A_432, %dma_wait3A_433] : memref<2x8x64xi32, #tpu.memory_space<vmem>> -> memref<1x1x64xi32, #tpu.memory_space<vmem>>
      %dma_wait3A_435 = tpu.memref_squeeze %dma_wait3A_434 : memref<1x1x64xi32, #tpu.memory_space<vmem>> -> memref<64xi32, #tpu.memory_space<vmem>>
      %dma_wait3A_436 = arith.constant 0 : i32
      %dma_wait3A_437 = arith.constant 0 : i32
      %dma_wait3A_438 = tpu.memref_slice %arg2[%dma_wait3A_436, %dma_wait3A_437] : memref<10112x128xf32, #tpu.memory_space<hbm>> -> memref<10112x128xf32, #tpu.memory_space<hbm>>
      tpu.wait_indirect_dma semaphore(%arg14 : memref<!tpu.dma_semaphore, #tpu.memory_space<semaphore_mem>>) src(%dma_wait3A_438 : memref<10112x128xf32, #tpu.memory_space<hbm>>) dst(%arg12 : memref<64x128xf32, #tpu.memory_space<vmem>>)
      %run_scoped3A_439 = arith.constant 1 : i32
      %run_scoped3A_440 = arith.constant 7 : i32
      "tpu.region"() ({
        %run_scoped3A_448 = tpu.sem_alloc : memref<!tpu.dma_semaphore, #tpu.memory_space<semaphore_mem>>
        %dma_start3A_449 = arith.constant 0 : i32
        %dma_start3A_450 = tpu.memref_slice %arg8[%run_scoped3A_439, %run_scoped3A_440, %dma_start3A_449] : memref<2x8x64xi32, #tpu.memory_space<vmem>> -> memref<1x1x64xi32, #tpu.memory_space<vmem>>
        %dma_start3A_451 = tpu.memref_squeeze %dma_start3A_450 : memref<1x1x64xi32, #tpu.memory_space<vmem>> -> memref<64xi32, #tpu.memory_space<vmem>>
        %dma_start3A_452 = arith.constant 0 : i32
        %dma_start3A_453 = arith.constant 0 : i32
        %dma_start3A_454 = tpu.memref_slice %arg13[%dma_start3A_452, %dma_start3A_453] : memref<10112x128xf32, #tpu.memory_space<vmem_shared>> -> memref<10112x128xf32, #tpu.memory_space<vmem_shared>>
        tpu.enqueue_indirect_dma source(%arg12 : memref<64x128xf32, #tpu.memory_space<vmem>>) target(%dma_start3A_454 : memref<10112x128xf32, #tpu.memory_space<vmem_shared>>) offsets(%dma_start3A_451 : memref<64xi32, #tpu.memory_space<vmem>>) semaphore(%run_scoped3A_448 : memref<!tpu.dma_semaphore, #tpu.memory_space<semaphore_mem>>) {add = true}
        %dma_wait3A_455 = arith.constant 0 : i32
        %dma_wait3A_456 = tpu.memref_slice %arg8[%run_scoped3A_439, %run_scoped3A_440, %dma_wait3A_455] : memref<2x8x64xi32, #tpu.memory_space<vmem>> -> memref<1x1x64xi32, #tpu.memory_space<vmem>>
        %dma_wait3A_457 = tpu.memref_squeeze %dma_wait3A_456 : memref<1x1x64xi32, #tpu.memory_space<vmem>> -> memref<64xi32, #tpu.memory_space<vmem>>
        %dma_wait3A_458 = arith.constant 0 : i32
        %dma_wait3A_459 = arith.constant 0 : i32
        %dma_wait3A_460 = tpu.memref_slice %arg13[%dma_wait3A_458, %dma_wait3A_459] : memref<10112x128xf32, #tpu.memory_space<vmem_shared>> -> memref<10112x128xf32, #tpu.memory_space<vmem_shared>>
        tpu.wait_indirect_dma semaphore(%run_scoped3A_448 : memref<!tpu.dma_semaphore, #tpu.memory_space<semaphore_mem>>) src(%arg12 : memref<64x128xf32, #tpu.memory_space<vmem>>) dst(%dma_wait3A_460 : memref<10112x128xf32, #tpu.memory_space<vmem_shared>>)
        tpu.yield
      }) : () -> ()
      %add3A_441 = arith.constant 2 : i32
      %add3A_442 = arith.addi %add3A_288, %add3A_441 : i32
      %lt3A_443 = arith.constant 20 : i32
      %lt3A_444 = arith.cmpi slt, %add3A_442, %lt3A_443 : i32
      %convert_element_type3A_445 = arith.extui %lt3A_444 : i1 to i32
      %cond3A_446 = arith.constant 0 : i32
      %cond3A_447 = arith.cmpi ne, %convert_element_type3A_445, %cond3A_446 : i32
      scf.if %cond3A_447 {
        %add3A_448 = arith.constant 2 : i32
        %add3A_449 = arith.addi %add3A_288, %add3A_448 : i32
        %mul3A_450 = arith.constant 8 : i32
        %mul3A_451 = arith.muli %add3A_449, %mul3A_450 : i32
        %add3A_452 = arith.addi %mul3A_2, %mul3A_451 : i32
        %dma_start3A_453 = arith.constant 1 : i32
        %dma_start3A_454 = arith.constant 0 : i32
        %dma_start3A_455 = arith.constant 0 : i32
        %dma_start3A_456 = tpu.memref_slice %arg7[%dma_start3A_453, %dma_start3A_454, %dma_start3A_455] : memref<2x8x64xi32, #tpu.memory_space<vmem>> -> memref<1x8x64xi32, #tpu.memory_space<vmem>>
        %dma_start3A_457 = tpu.memref_squeeze %dma_start3A_456 : memref<1x8x64xi32, #tpu.memory_space<vmem>> -> memref<8x64xi32, #tpu.memory_space<vmem>>
        %dma_start3A_458 = arith.constant 0 : i32
        %dma_start3A_459 = tpu.memref_slice %arg3[%add3A_452, %dma_start3A_458] : memref<5120x64xi32, #tpu.memory_space<hbm>> -> memref<8x64xi32, #tpu.memory_space<hbm>>
        %dma_start3A_460 = arith.constant 0 : i32
        %dma_start3A_461 = arith.constant 0 : i32
        %dma_start3A_462 = tpu.memref_slice %arg7[%dma_start3A_453, %dma_start3A_460, %dma_start3A_461] : memref<2x8x64xi32, #tpu.memory_space<vmem>> -> memref<1x8x64xi32, #tpu.memory_space<vmem>>
        %dma_start3A_463 = tpu.memref_squeeze %dma_start3A_462 : memref<1x8x64xi32, #tpu.memory_space<vmem>> -> memref<8x64xi32, #tpu.memory_space<vmem>>
        %dma_start3A_464 = arith.constant 0 : i32
        %dma_start3A_465 = tpu.memref_slice %arg3[%add3A_452, %dma_start3A_464] : memref<5120x64xi32, #tpu.memory_space<hbm>> -> memref<8x64xi32, #tpu.memory_space<hbm>>
        tpu.enqueue_dma source(%dma_start3A_465 : memref<8x64xi32, #tpu.memory_space<hbm>>) target(%dma_start3A_463 : memref<8x64xi32, #tpu.memory_space<vmem>>) target_semaphore(%arg15 : memref<!tpu.dma_semaphore, #tpu.memory_space<semaphore_mem>>)
        %mul3A_466 = arith.constant 8 : i32
        %mul3A_467 = arith.muli %add3A_449, %mul3A_466 : i32
        %add3A_468 = arith.addi %mul3A_2, %mul3A_467 : i32
        %dma_start3A_469 = arith.constant 1 : i32
        %dma_start3A_470 = arith.constant 0 : i32
        %dma_start3A_471 = arith.constant 0 : i32
        %dma_start3A_472 = tpu.memref_slice %arg8[%dma_start3A_469, %dma_start3A_470, %dma_start3A_471] : memref<2x8x64xi32, #tpu.memory_space<vmem>> -> memref<1x8x64xi32, #tpu.memory_space<vmem>>
        %dma_start3A_473 = tpu.memref_squeeze %dma_start3A_472 : memref<1x8x64xi32, #tpu.memory_space<vmem>> -> memref<8x64xi32, #tpu.memory_space<vmem>>
        %dma_start3A_474 = arith.constant 0 : i32
        %dma_start3A_475 = tpu.memref_slice %arg4[%add3A_468, %dma_start3A_474] : memref<5120x64xi32, #tpu.memory_space<hbm>> -> memref<8x64xi32, #tpu.memory_space<hbm>>
        %dma_start3A_476 = arith.constant 0 : i32
        %dma_start3A_477 = arith.constant 0 : i32
        %dma_start3A_478 = tpu.memref_slice %arg8[%dma_start3A_469, %dma_start3A_476, %dma_start3A_477] : memref<2x8x64xi32, #tpu.memory_space<vmem>> -> memref<1x8x64xi32, #tpu.memory_space<vmem>>
        %dma_start3A_479 = tpu.memref_squeeze %dma_start3A_478 : memref<1x8x64xi32, #tpu.memory_space<vmem>> -> memref<8x64xi32, #tpu.memory_space<vmem>>
        %dma_start3A_480 = arith.constant 0 : i32
        %dma_start3A_481 = tpu.memref_slice %arg4[%add3A_468, %dma_start3A_480] : memref<5120x64xi32, #tpu.memory_space<hbm>> -> memref<8x64xi32, #tpu.memory_space<hbm>>
        tpu.enqueue_dma source(%dma_start3A_481 : memref<8x64xi32, #tpu.memory_space<hbm>>) target(%dma_start3A_479 : memref<8x64xi32, #tpu.memory_space<vmem>>) target_semaphore(%arg15 : memref<!tpu.dma_semaphore, #tpu.memory_space<semaphore_mem>>)
      } else {
      }
    }
    %scan3A_119 = arith.constant 10 : i32
    %barrier3A_120 = arith.constant 0 : index
    tpu.barrier barrier_id(%barrier3A_120)
    %mul3A_121 = arith.constant 632 : i32
    %mul3A_122 = arith.muli %arg1, %mul3A_121 : i32
    %mul3A_123 = arith.constant 632 : i32
    %mul3A_124 = arith.muli %arg1, %mul3A_123 : i32
    "tpu.region"() ({
      %run_scoped3A = tpu.sem_alloc : memref<!tpu.dma_semaphore, #tpu.memory_space<semaphore_mem>>
      %dma_start3A_125 = arith.constant 0 : i32
      %dma_start3A_126 = tpu.memref_slice %arg6[%arg0, %mul3A_124, %dma_start3A_125] : memref<2x10112x128xf32, #tpu.memory_space<hbm>> -> memref<1x632x128xf32, #tpu.memory_space<hbm>>
      %dma_start3A_127 = tpu.memref_squeeze %dma_start3A_126 : memref<1x632x128xf32, #tpu.memory_space<hbm>> -> memref<632x128xf32, #tpu.memory_space<hbm>>
      %dma_start3A_128 = arith.constant 0 : i32
      %dma_start3A_129 = tpu.memref_slice %arg13[%mul3A_122, %dma_start3A_128] : memref<10112x128xf32, #tpu.memory_space<vmem_shared>> -> memref<632x128xf32, #tpu.memory_space<vmem_shared>>
      tpu.enqueue_dma source(%dma_start3A_129 : memref<632x128xf32, #tpu.memory_space<vmem_shared>>) target(%dma_start3A_127 : memref<632x128xf32, #tpu.memory_space<hbm>>) target_semaphore(%run_scoped3A : memref<!tpu.dma_semaphore, #tpu.memory_space<semaphore_mem>>)
      %dma_wait3A_130 = arith.constant 0 : i32
      %dma_wait3A_131 = tpu.memref_slice %arg6[%arg0, %mul3A_124, %dma_wait3A_130] : memref<2x10112x128xf32, #tpu.memory_space<hbm>> -> memref<1x632x128xf32, #tpu.memory_space<hbm>>
      %dma_wait3A_132 = tpu.memref_squeeze %dma_wait3A_131 : memref<1x632x128xf32, #tpu.memory_space<hbm>> -> memref<632x128xf32, #tpu.memory_space<hbm>>
      %dma_wait3A_133 = arith.constant 0 : i32
      %dma_wait3A_134 = tpu.memref_slice %arg13[%mul3A_122, %dma_wait3A_133] : memref<10112x128xf32, #tpu.memory_space<vmem_shared>> -> memref<632x128xf32, #tpu.memory_space<vmem_shared>>
      tpu.wait_dma2 semaphore(%run_scoped3A : memref<!tpu.dma_semaphore, #tpu.memory_space<semaphore_mem>>) src(%dma_wait3A_134 : memref<632x128xf32, #tpu.memory_space<vmem_shared>>) dst(%dma_wait3A_132 : memref<632x128xf32, #tpu.memory_space<hbm>>)
      tpu.yield
    }) : () -> ()
    return
  }
}

#map = affine_map<(d0, d1) -> (0)>
module attributes {stable_mosaic.version = 14 : i64} {
  func.func @_deg_body(%arg0: i32, %arg1: i32, %arg2: memref<327680xi32, #tpu.memory_space<hbm>>, %arg3: memref<323584xf32, #tpu.memory_space<hbm>>, %arg4: memref<10240xi32, #tpu.memory_space<vmem>>, %arg5: memref<10112xf32, #tpu.memory_space<vmem>>) attributes {dimension_semantics = [#tpu.dimension_semantics<core_parallel>, #tpu.dimension_semantics<subcore_parallel>], iteration_bounds = array<i64: 2, 16>, scalar_prefetch = 0 : i64, scratch_operands = 2 : i64, tpu.core_type = #tpu.core_type<sc_vector_subcore>, window_params = [{transform_indices = #map}, {transform_indices = #map}]} {
    %mul3A = arith.constant 16 : i32
    %mul3A_0 = arith.muli %arg0, %mul3A : i32
    %add3A = arith.addi %mul3A_0, %arg1 : i32
    %mul3A_1 = arith.constant 10240 : i32
    %mul3A_2 = arith.muli %add3A, %mul3A_1 : i32
    "tpu.region"() ({
      %run_scoped3A = tpu.sem_alloc : memref<!tpu.dma_semaphore, #tpu.memory_space<semaphore_mem>>
      %dma_start3A = tpu.memref_slice %arg2[%mul3A_2] : memref<327680xi32, #tpu.memory_space<hbm>> -> memref<10240xi32, #tpu.memory_space<hbm>>
      %dma_start3A_19 = tpu.memref_slice %arg2[%mul3A_2] : memref<327680xi32, #tpu.memory_space<hbm>> -> memref<10240xi32, #tpu.memory_space<hbm>>
      tpu.enqueue_dma source(%dma_start3A_19 : memref<10240xi32, #tpu.memory_space<hbm>>) target(%arg4 : memref<10240xi32, #tpu.memory_space<vmem>>) target_semaphore(%run_scoped3A : memref<!tpu.dma_semaphore, #tpu.memory_space<semaphore_mem>>)
      %dma_wait3A = tpu.memref_slice %arg2[%mul3A_2] : memref<327680xi32, #tpu.memory_space<hbm>> -> memref<10240xi32, #tpu.memory_space<hbm>>
      %dma_wait3A_20 = tpu.memref_slice %arg2[%mul3A_2] : memref<327680xi32, #tpu.memory_space<hbm>> -> memref<10240xi32, #tpu.memory_space<hbm>>
      tpu.wait_dma2 semaphore(%run_scoped3A : memref<!tpu.dma_semaphore, #tpu.memory_space<semaphore_mem>>) src(%dma_wait3A_20 : memref<10240xi32, #tpu.memory_space<hbm>>) dst(%arg4 : memref<10240xi32, #tpu.memory_space<vmem>>)
      tpu.yield
    }) : () -> ()
    %broadcast_in_dim3A = arith.constant 0.000000e+00 : f32
    %broadcast_in_dim3A_3 = vector.broadcast %broadcast_in_dim3A : f32 to vector<16xf32>
    %scan3A = arith.constant 0 : i32
    %scan3A_4 = arith.constant 0 : i32
    %scan3A_5 = arith.constant 632 : i32
    %scan3A_6 = arith.addi %scan3A_4, %scan3A_5 : i32
    %scan3A_7 = arith.constant 1 : i32
    scf.for %scan3A_19 = %scan3A_4 to %scan3A_6 step %scan3A_7  : i32 {
      %mul3A_20 = arith.constant 16 : i32
      %mul3A_21 = arith.muli %scan3A_19, %mul3A_20 : i32
      %swap3A = arith.index_cast %mul3A_21 : i32 to index
      %swap3A_22 = tpu.vector_load %arg5[%swap3A] {strides = array<i32>} : memref<10112xf32, #tpu.memory_space<vmem>>, vector<16xf32>,
      tpu.vector_store %arg5[%swap3A], %broadcast_in_dim3A_3 {strides = array<i32>} : memref<10112xf32, #tpu.memory_space<vmem>>, vector<16xf32>,
    }
    %scan3A_8 = arith.constant 632 : i32
    %broadcast_in_dim3A_9 = arith.constant 1.000000e+00 : f32
    %broadcast_in_dim3A_10 = vector.broadcast %broadcast_in_dim3A_9 : f32 to vector<16xf32>
    %scan3A_11 = arith.constant 0 : i32
    %scan3A_12 = arith.constant 0 : i32
    %scan3A_13 = arith.constant 640 : i32
    %scan3A_14 = arith.addi %scan3A_12, %scan3A_13 : i32
    %scan3A_15 = arith.constant 1 : i32
    scf.for %scan3A_19 = %scan3A_12 to %scan3A_14 step %scan3A_15  : i32 {
      %mul3A_20 = arith.constant 16 : i32
      %mul3A_21 = arith.muli %scan3A_19, %mul3A_20 : i32
      %get3A = arith.index_cast %mul3A_21 : i32 to index
      %get3A_22 = tpu.vector_load %arg4[%get3A] {strides = array<i32>} : memref<10240xi32, #tpu.memory_space<vmem>>, vector<16xi32>,
      tpu.vector_store_idx %arg5[%get3A_22], %broadcast_in_dim3A_10 {add = true} : memref<10112xf32, #tpu.memory_space<vmem>>[vector<16xi32>], vector<16xf32>,
    }
    %scan3A_16 = arith.constant 640 : i32
    %mul3A_17 = arith.constant 10112 : i32
    %mul3A_18 = arith.muli %add3A, %mul3A_17 : i32
    "tpu.region"() ({
      %run_scoped3A = tpu.sem_alloc : memref<!tpu.dma_semaphore, #tpu.memory_space<semaphore_mem>>
      %dma_start3A = tpu.memref_slice %arg3[%mul3A_18] : memref<323584xf32, #tpu.memory_space<hbm>> -> memref<10112xf32, #tpu.memory_space<hbm>>
      %dma_start3A_19 = tpu.memref_slice %arg3[%mul3A_18] : memref<323584xf32, #tpu.memory_space<hbm>> -> memref<10112xf32, #tpu.memory_space<hbm>>
      tpu.enqueue_dma source(%arg5 : memref<10112xf32, #tpu.memory_space<vmem>>) target(%dma_start3A_19 : memref<10112xf32, #tpu.memory_space<hbm>>) target_semaphore(%run_scoped3A : memref<!tpu.dma_semaphore, #tpu.memory_space<semaphore_mem>>)
      %dma_wait3A = tpu.memref_slice %arg3[%mul3A_18] : memref<323584xf32, #tpu.memory_space<hbm>> -> memref<10112xf32, #tpu.memory_space<hbm>>
      %dma_wait3A_20 = tpu.memref_slice %arg3[%mul3A_18] : memref<323584xf32, #tpu.memory_space<hbm>> -> memref<10112xf32, #tpu.memory_space<hbm>>
      tpu.wait_dma2 semaphore(%run_scoped3A : memref<!tpu.dma_semaphore, #tpu.memory_space<semaphore_mem>>) src(%arg5 : memref<10112xf32, #tpu.memory_space<vmem>>) dst(%dma_wait3A_20 : memref<10112xf32, #tpu.memory_space<hbm>>)
      tpu.yield
    }) : () -> ()
    return
  }
}

#map = affine_map<(d0, d1) -> (0, 0)>
#map1 = affine_map<(d0, d1) -> (0, 0, 0)>
module attributes {stable_mosaic.version = 14 : i64} {
  func.func @_agg_body(%arg0: i32, %arg1: i32, %arg2: memref<10112x128xf32, #tpu.memory_space<hbm>>, %arg3: memref<5120x64xi32, #tpu.memory_space<hbm>>, %arg4: memref<5120x64xi32, #tpu.memory_space<hbm>>, %arg5: memref<10112x128xf32, #tpu.memory_space<hbm>>, %arg6: memref<2x10112x128xf32, #tpu.memory_space<hbm>>, %arg7: memref<2x8x64xi32, #tpu.memory_space<vmem>>, %arg8: memref<2x8x64xi32, #tpu.memory_space<vmem>>, %arg9: memref<64x128xf32, #tpu.memory_space<vmem>>, %arg10: memref<64x128xf32, #tpu.memory_space<vmem>>, %arg11: memref<64x128xf32, #tpu.memory_space<vmem>>, %arg12: memref<64x128xf32, #tpu.memory_space<vmem>>, %arg13: memref<10112x128xf32, #tpu.memory_space<vmem_shared>>, %arg14: memref<!tpu.dma_semaphore, #tpu.memory_space<semaphore_mem>>, %arg15: memref<!tpu.dma_semaphore, #tpu.memory_space<semaphore_mem>>) attributes {dimension_semantics = [#tpu.dimension_semantics<core_parallel>, #tpu.dimension_semantics<subcore_parallel>], iteration_bounds = array<i64: 2, 16>, scalar_prefetch = 0 : i64, scratch_operands = 9 : i64, tpu.core_type = #tpu.core_type<sc_vector_subcore>, window_params = [{transform_indices = #map}, {transform_indices = #map}, {transform_indices = #map}, {transform_indices = #map}, {transform_indices = #map1}]} {
    %mul3A = arith.constant 16 : i32
    %mul3A_0 = arith.muli %arg0, %mul3A : i32
    %add3A = arith.addi %mul3A_0, %arg1 : i32
    %mul3A_1 = arith.constant 160 : i32
    %mul3A_2 = arith.muli %add3A, %mul3A_1 : i32
    %mul3A_3 = arith.constant 632 : i32
    %mul3A_4 = arith.muli %arg1, %mul3A_3 : i32
    %mul3A_5 = arith.constant 632 : i32
    %mul3A_6 = arith.muli %arg1, %mul3A_5 : i32
    "tpu.region"() ({
      %run_scoped3A = tpu.sem_alloc : memref<!tpu.dma_semaphore, #tpu.memory_space<semaphore_mem>>
      %dma_start3A_125 = arith.constant 0 : i32
      %dma_start3A_126 = tpu.memref_slice %arg13[%mul3A_6, %dma_start3A_125] : memref<10112x128xf32, #tpu.memory_space<vmem_shared>> -> memref<632x128xf32, #tpu.memory_space<vmem_shared>>
      %dma_start3A_127 = arith.constant 0 : i32
      %dma_start3A_128 = tpu.memref_slice %arg5[%mul3A_4, %dma_start3A_127] : memref<10112x128xf32, #tpu.memory_space<hbm>> -> memref<632x128xf32, #tpu.memory_space<hbm>>
      tpu.enqueue_dma source(%dma_start3A_128 : memref<632x128xf32, #tpu.memory_space<hbm>>) target(%dma_start3A_126 : memref<632x128xf32, #tpu.memory_space<vmem_shared>>) target_semaphore(%run_scoped3A : memref<!tpu.dma_semaphore, #tpu.memory_space<semaphore_mem>>)
      %dma_wait3A_129 = arith.constant 0 : i32
      %dma_wait3A_130 = tpu.memref_slice %arg13[%mul3A_6, %dma_wait3A_129] : memref<10112x128xf32, #tpu.memory_space<vmem_shared>> -> memref<632x128xf32, #tpu.memory_space<vmem_shared>>
      %dma_wait3A_131 = arith.constant 0 : i32
      %dma_wait3A_132 = tpu.memref_slice %arg5[%mul3A_4, %dma_wait3A_131] : memref<10112x128xf32, #tpu.memory_space<hbm>> -> memref<632x128xf32, #tpu.memory_space<hbm>>
      tpu.wait_dma2 semaphore(%run_scoped3A : memref<!tpu.dma_semaphore, #tpu.memory_space<semaphore_mem>>) src(%dma_wait3A_132 : memref<632x128xf32, #tpu.memory_space<hbm>>) dst(%dma_wait3A_130 : memref<632x128xf32, #tpu.memory_space<vmem_shared>>)
      tpu.yield
    }) : () -> ()
    %add3A_7 = arith.constant 0 : i32
    %add3A_8 = arith.addi %mul3A_2, %add3A_7 : i32
    %dma_start3A = arith.constant 0 : i32
    %dma_start3A_9 = arith.constant 0 : i32
    %dma_start3A_10 = arith.constant 0 : i32
    %dma_start3A_11 = tpu.memref_slice %arg7[%dma_start3A, %dma_start3A_9, %dma_start3A_10] : memref<2x8x64xi32, #tpu.memory_space<vmem>> -> memref<1x8x64xi32, #tpu.memory_space<vmem>>
    %dma_start3A_12 = tpu.memref_squeeze %dma_start3A_11 : memref<1x8x64xi32, #tpu.memory_space<vmem>> -> memref<8x64xi32, #tpu.memory_space<vmem>>
    %dma_start3A_13 = arith.constant 0 : i32
    %dma_start3A_14 = tpu.memref_slice %arg3[%add3A_8, %dma_start3A_13] : memref<5120x64xi32, #tpu.memory_space<hbm>> -> memref<8x64xi32, #tpu.memory_space<hbm>>
    %dma_start3A_15 = arith.constant 0 : i32
    %dma_start3A_16 = arith.constant 0 : i32
    %dma_start3A_17 = tpu.memref_slice %arg7[%dma_start3A, %dma_start3A_15, %dma_start3A_16] : memref<2x8x64xi32, #tpu.memory_space<vmem>> -> memref<1x8x64xi32, #tpu.memory_space<vmem>>
    %dma_start3A_18 = tpu.memref_squeeze %dma_start3A_17 : memref<1x8x64xi32, #tpu.memory_space<vmem>> -> memref<8x64xi32, #tpu.memory_space<vmem>>
    %dma_start3A_19 = arith.constant 0 : i32
    %dma_start3A_20 = tpu.memref_slice %arg3[%add3A_8, %dma_start3A_19] : memref<5120x64xi32, #tpu.memory_space<hbm>> -> memref<8x64xi32, #tpu.memory_space<hbm>>
    tpu.enqueue_dma source(%dma_start3A_20 : memref<8x64xi32, #tpu.memory_space<hbm>>) target(%dma_start3A_18 : memref<8x64xi32, #tpu.memory_space<vmem>>) target_semaphore(%arg15 : memref<!tpu.dma_semaphore, #tpu.memory_space<semaphore_mem>>)
    %add3A_21 = arith.constant 0 : i32
    %add3A_22 = arith.addi %mul3A_2, %add3A_21 : i32
    %dma_start3A_23 = arith.constant 0 : i32
    %dma_start3A_24 = arith.constant 0 : i32
    %dma_start3A_25 = arith.constant 0 : i32
    %dma_start3A_26 = tpu.memref_slice %arg8[%dma_start3A_23, %dma_start3A_24, %dma_start3A_25] : memref<2x8x64xi32, #tpu.memory_space<vmem>> -> memref<1x8x64xi32, #tpu.memory_space<vmem>>
    %dma_start3A_27 = tpu.memref_squeeze %dma_start3A_26 : memref<1x8x64xi32, #tpu.memory_space<vmem>> -> memref<8x64xi32, #tpu.memory_space<vmem>>
    %dma_start3A_28 = arith.constant 0 : i32
    %dma_start3A_29 = tpu.memref_slice %arg4[%add3A_22, %dma_start3A_28] : memref<5120x64xi32, #tpu.memory_space<hbm>> -> memref<8x64xi32, #tpu.memory_space<hbm>>
    %dma_start3A_30 = arith.constant 0 : i32
    %dma_start3A_31 = arith.constant 0 : i32
    %dma_start3A_32 = tpu.memref_slice %arg8[%dma_start3A_23, %dma_start3A_30, %dma_start3A_31] : memref<2x8x64xi32, #tpu.memory_space<vmem>> -> memref<1x8x64xi32, #tpu.memory_space<vmem>>
    %dma_start3A_33 = tpu.memref_squeeze %dma_start3A_32 : memref<1x8x64xi32, #tpu.memory_space<vmem>> -> memref<8x64xi32, #tpu.memory_space<vmem>>
    %dma_start3A_34 = arith.constant 0 : i32
    %dma_start3A_35 = tpu.memref_slice %arg4[%add3A_22, %dma_start3A_34] : memref<5120x64xi32, #tpu.memory_space<hbm>> -> memref<8x64xi32, #tpu.memory_space<hbm>>
    tpu.enqueue_dma source(%dma_start3A_35 : memref<8x64xi32, #tpu.memory_space<hbm>>) target(%dma_start3A_33 : memref<8x64xi32, #tpu.memory_space<vmem>>) target_semaphore(%arg15 : memref<!tpu.dma_semaphore, #tpu.memory_space<semaphore_mem>>)
    %add3A_36 = arith.constant 8 : i32
    %add3A_37 = arith.addi %mul3A_2, %add3A_36 : i32
    %dma_start3A_38 = arith.constant 1 : i32
    %dma_start3A_39 = arith.constant 0 : i32
    %dma_start3A_40 = arith.constant 0 : i32
    %dma_start3A_41 = tpu.memref_slice %arg7[%dma_start3A_38, %dma_start3A_39, %dma_start3A_40] : memref<2x8x64xi32, #tpu.memory_space<vmem>> -> memref<1x8x64xi32, #tpu.memory_space<vmem>>
    %dma_start3A_42 = tpu.memref_squeeze %dma_start3A_41 : memref<1x8x64xi32, #tpu.memory_space<vmem>> -> memref<8x64xi32, #tpu.memory_space<vmem>>
    %dma_start3A_43 = arith.constant 0 : i32
    %dma_start3A_44 = tpu.memref_slice %arg3[%add3A_37, %dma_start3A_43] : memref<5120x64xi32, #tpu.memory_space<hbm>> -> memref<8x64xi32, #tpu.memory_space<hbm>>
    %dma_start3A_45 = arith.constant 0 : i32
    %dma_start3A_46 = arith.constant 0 : i32
    %dma_start3A_47 = tpu.memref_slice %arg7[%dma_start3A_38, %dma_start3A_45, %dma_start3A_46] : memref<2x8x64xi32, #tpu.memory_space<vmem>> -> memref<1x8x64xi32, #tpu.memory_space<vmem>>
    %dma_start3A_48 = tpu.memref_squeeze %dma_start3A_47 : memref<1x8x64xi32, #tpu.memory_space<vmem>> -> memref<8x64xi32, #tpu.memory_space<vmem>>
    %dma_start3A_49 = arith.constant 0 : i32
    %dma_start3A_50 = tpu.memref_slice %arg3[%add3A_37, %dma_start3A_49] : memref<5120x64xi32, #tpu.memory_space<hbm>> -> memref<8x64xi32, #tpu.memory_space<hbm>>
    tpu.enqueue_dma source(%dma_start3A_50 : memref<8x64xi32, #tpu.memory_space<hbm>>) target(%dma_start3A_48 : memref<8x64xi32, #tpu.memory_space<vmem>>) target_semaphore(%arg15 : memref<!tpu.dma_semaphore, #tpu.memory_space<semaphore_mem>>)
    %add3A_51 = arith.constant 8 : i32
    %add3A_52 = arith.addi %mul3A_2, %add3A_51 : i32
    %dma_start3A_53 = arith.constant 1 : i32
    %dma_start3A_54 = arith.constant 0 : i32
    %dma_start3A_55 = arith.constant 0 : i32
    %dma_start3A_56 = tpu.memref_slice %arg8[%dma_start3A_53, %dma_start3A_54, %dma_start3A_55] : memref<2x8x64xi32, #tpu.memory_space<vmem>> -> memref<1x8x64xi32, #tpu.memory_space<vmem>>
    %dma_start3A_57 = tpu.memref_squeeze %dma_start3A_56 : memref<1x8x64xi32, #tpu.memory_space<vmem>> -> memref<8x64xi32, #tpu.memory_space<vmem>>
    %dma_start3A_58 = arith.constant 0 : i32
    %dma_start3A_59 = tpu.memref_slice %arg4[%add3A_52, %dma_start3A_58] : memref<5120x64xi32, #tpu.memory_space<hbm>> -> memref<8x64xi32, #tpu.memory_space<hbm>>
    %dma_start3A_60 = arith.constant 0 : i32
    %dma_start3A_61 = arith.constant 0 : i32
    %dma_start3A_62 = tpu.memref_slice %arg8[%dma_start3A_53, %dma_start3A_60, %dma_start3A_61] : memref<2x8x64xi32, #tpu.memory_space<vmem>> -> memref<1x8x64xi32, #tpu.memory_space<vmem>>
    %dma_start3A_63 = tpu.memref_squeeze %dma_start3A_62 : memref<1x8x64xi32, #tpu.memory_space<vmem>> -> memref<8x64xi32, #tpu.memory_space<vmem>>
    %dma_start3A_64 = arith.constant 0 : i32
    %dma_start3A_65 = tpu.memref_slice %arg4[%add3A_52, %dma_start3A_64] : memref<5120x64xi32, #tpu.memory_space<hbm>> -> memref<8x64xi32, #tpu.memory_space<hbm>>
    tpu.enqueue_dma source(%dma_start3A_65 : memref<8x64xi32, #tpu.memory_space<hbm>>) target(%dma_start3A_63 : memref<8x64xi32, #tpu.memory_space<vmem>>) target_semaphore(%arg15 : memref<!tpu.dma_semaphore, #tpu.memory_space<semaphore_mem>>)
    %barrier3A = arith.constant 0 : index
    tpu.barrier barrier_id(%barrier3A)
    %dma_wait3A = arith.constant 0 : i32
    %dma_wait3A_66 = arith.constant 0 : i32
    %dma_wait3A_67 = arith.constant 0 : i32
    %dma_wait3A_68 = tpu.memref_slice %arg7[%dma_wait3A, %dma_wait3A_66, %dma_wait3A_67] : memref<2x8x64xi32, #tpu.memory_space<vmem>> -> memref<1x8x64xi32, #tpu.memory_space<vmem>>
    %dma_wait3A_69 = tpu.memref_squeeze %dma_wait3A_68 : memref<1x8x64xi32, #tpu.memory_space<vmem>> -> memref<8x64xi32, #tpu.memory_space<vmem>>
    %dma_wait3A_70 = arith.constant 0 : i32
    %dma_wait3A_71 = tpu.memref_slice %arg3[%mul3A_2, %dma_wait3A_70] : memref<5120x64xi32, #tpu.memory_space<hbm>> -> memref<8x64xi32, #tpu.memory_space<hbm>>
    %dma_wait3A_72 = arith.constant 0 : i32
    %dma_wait3A_73 = arith.constant 0 : i32
    %dma_wait3A_74 = tpu.memref_slice %arg7[%dma_wait3A, %dma_wait3A_72, %dma_wait3A_73] : memref<2x8x64xi32, #tpu.memory_space<vmem>> -> memref<1x8x64xi32, #tpu.memory_space<vmem>>
    %dma_wait3A_75 = tpu.memref_squeeze %dma_wait3A_74 : memref<1x8x64xi32, #tpu.memory_space<vmem>> -> memref<8x64xi32, #tpu.memory_space<vmem>>
    %dma_wait3A_76 = arith.constant 0 : i32
    %dma_wait3A_77 = tpu.memref_slice %arg3[%mul3A_2, %dma_wait3A_76] : memref<5120x64xi32, #tpu.memory_space<hbm>> -> memref<8x64xi32, #tpu.memory_space<hbm>>
    tpu.wait_dma2 semaphore(%arg15 : memref<!tpu.dma_semaphore, #tpu.memory_space<semaphore_mem>>) src(%dma_wait3A_77 : memref<8x64xi32, #tpu.memory_space<hbm>>) dst(%dma_wait3A_75 : memref<8x64xi32, #tpu.memory_space<vmem>>)
    %dma_wait3A_78 = arith.constant 0 : i32
    %dma_wait3A_79 = arith.constant 0 : i32
    %dma_wait3A_80 = arith.constant 0 : i32
    %dma_wait3A_81 = tpu.memref_slice %arg8[%dma_wait3A_78, %dma_wait3A_79, %dma_wait3A_80] : memref<2x8x64xi32, #tpu.memory_space<vmem>> -> memref<1x8x64xi32, #tpu.memory_space<vmem>>
    %dma_wait3A_82 = tpu.memref_squeeze %dma_wait3A_81 : memref<1x8x64xi32, #tpu.memory_space<vmem>> -> memref<8x64xi32, #tpu.memory_space<vmem>>
    %dma_wait3A_83 = arith.constant 0 : i32
    %dma_wait3A_84 = tpu.memref_slice %arg4[%mul3A_2, %dma_wait3A_83] : memref<5120x64xi32, #tpu.memory_space<hbm>> -> memref<8x64xi32, #tpu.memory_space<hbm>>
    %dma_wait3A_85 = arith.constant 0 : i32
    %dma_wait3A_86 = arith.constant 0 : i32
    %dma_wait3A_87 = tpu.memref_slice %arg8[%dma_wait3A_78, %dma_wait3A_85, %dma_wait3A_86] : memref<2x8x64xi32, #tpu.memory_space<vmem>> -> memref<1x8x64xi32, #tpu.memory_space<vmem>>
    %dma_wait3A_88 = tpu.memref_squeeze %dma_wait3A_87 : memref<1x8x64xi32, #tpu.memory_space<vmem>> -> memref<8x64xi32, #tpu.memory_space<vmem>>
    %dma_wait3A_89 = arith.constant 0 : i32
    %dma_wait3A_90 = tpu.memref_slice %arg4[%mul3A_2, %dma_wait3A_89] : memref<5120x64xi32, #tpu.memory_space<hbm>> -> memref<8x64xi32, #tpu.memory_space<hbm>>
    tpu.wait_dma2 semaphore(%arg15 : memref<!tpu.dma_semaphore, #tpu.memory_space<semaphore_mem>>) src(%dma_wait3A_90 : memref<8x64xi32, #tpu.memory_space<hbm>>) dst(%dma_wait3A_88 : memref<8x64xi32, #tpu.memory_space<vmem>>)
    %dma_start3A_91 = arith.constant 0 : i32
    %dma_start3A_92 = arith.constant 0 : i32
    %dma_start3A_93 = arith.constant 0 : i32
    %dma_start3A_94 = tpu.memref_slice %arg7[%dma_start3A_91, %dma_start3A_92, %dma_start3A_93] : memref<2x8x64xi32, #tpu.memory_space<vmem>> -> memref<1x1x64xi32, #tpu.memory_space<vmem>>
    %dma_start3A_95 = tpu.memref_squeeze %dma_start3A_94 : memref<1x1x64xi32, #tpu.memory_space<vmem>> -> memref<64xi32, #tpu.memory_space<vmem>>
    %dma_start3A_96 = arith.constant 0 : i32
    %dma_start3A_97 = arith.constant 0 : i32
    %dma_start3A_98 = tpu.memref_slice %arg2[%dma_start3A_96, %dma_start3A_97] : memref<10112x128xf32, #tpu.memory_space<hbm>> -> memref<10112x128xf32, #tpu.memory_space<hbm>>
    tpu.enqueue_indirect_dma source(%dma_start3A_98 : memref<10112x128xf32, #tpu.memory_space<hbm>>) target(%arg9 : memref<64x128xf32, #tpu.memory_space<vmem>>) offsets(%dma_start3A_95 : memref<64xi32, #tpu.memory_space<vmem>>) semaphore(%arg14 : memref<!tpu.dma_semaphore, #tpu.memory_space<semaphore_mem>>)
    %dma_start3A_99 = arith.constant 0 : i32
    %dma_start3A_100 = arith.constant 1 : i32
    %dma_start3A_101 = arith.constant 0 : i32
    %dma_start3A_102 = tpu.memref_slice %arg7[%dma_start3A_99, %dma_start3A_100, %dma_start3A_101] : memref<2x8x64xi32, #tpu.memory_space<vmem>> -> memref<1x1x64xi32, #tpu.memory_space<vmem>>
    %dma_start3A_103 = tpu.memref_squeeze %dma_start3A_102 : memref<1x1x64xi32, #tpu.memory_space<vmem>> -> memref<64xi32, #tpu.memory_space<vmem>>
    %dma_start3A_104 = arith.constant 0 : i32
    %dma_start3A_105 = arith.constant 0 : i32
    %dma_start3A_106 = tpu.memref_slice %arg2[%dma_start3A_104, %dma_start3A_105] : memref<10112x128xf32, #tpu.memory_space<hbm>> -> memref<10112x128xf32, #tpu.memory_space<hbm>>
    tpu.enqueue_indirect_dma source(%dma_start3A_106 : memref<10112x128xf32, #tpu.memory_space<hbm>>) target(%arg10 : memref<64x128xf32, #tpu.memory_space<vmem>>) offsets(%dma_start3A_103 : memref<64xi32, #tpu.memory_space<vmem>>) semaphore(%arg14 : memref<!tpu.dma_semaphore, #tpu.memory_space<semaphore_mem>>)
    %dma_start3A_107 = arith.constant 0 : i32
    %dma_start3A_108 = arith.constant 2 : i32
    %dma_start3A_109 = arith.constant 0 : i32
    %dma_start3A_110 = tpu.memref_slice %arg7[%dma_start3A_107, %dma_start3A_108, %dma_start3A_109] : memref<2x8x64xi32, #tpu.memory_space<vmem>> -> memref<1x1x64xi32, #tpu.memory_space<vmem>>
    %dma_start3A_111 = tpu.memref_squeeze %dma_start3A_110 : memref<1x1x64xi32, #tpu.memory_space<vmem>> -> memref<64xi32, #tpu.memory_space<vmem>>
    %dma_start3A_112 = arith.constant 0 : i32
    %dma_start3A_113 = arith.constant 0 : i32
    %dma_start3A_114 = tpu.memref_slice %arg2[%dma_start3A_112, %dma_start3A_113] : memref<10112x128xf32, #tpu.memory_space<hbm>> -> memref<10112x128xf32, #tpu.memory_space<hbm>>
    tpu.enqueue_indirect_dma source(%dma_start3A_114 : memref<10112x128xf32, #tpu.memory_space<hbm>>) target(%arg11 : memref<64x128xf32, #tpu.memory_space<vmem>>) offsets(%dma_start3A_111 : memref<64xi32, #tpu.memory_space<vmem>>) semaphore(%arg14 : memref<!tpu.dma_semaphore, #tpu.memory_space<semaphore_mem>>)
    %scan3A = arith.constant 0 : i32
    %scan3A_115 = arith.constant 0 : i32
    %scan3A_116 = arith.constant 10 : i32
    %scan3A_117 = arith.addi %scan3A_115, %scan3A_116 : i32
    %scan3A_118 = arith.constant 1 : i32
    scf.for %scan3A_125 = %scan3A_115 to %scan3A_117 step %scan3A_118  : i32 {
      %mul3A_126 = arith.constant 2 : i32
      %mul3A_127 = arith.muli %scan3A_125, %mul3A_126 : i32
      %add3A_128 = arith.constant 0 : i32
      %add3A_129 = arith.addi %mul3A_127, %add3A_128 : i32
      %mul3A_130 = arith.constant 8 : i32
      %mul3A_131 = arith.muli %add3A_129, %mul3A_130 : i32
      %add3A_132 = arith.constant 3 : i32
      %add3A_133 = arith.addi %mul3A_131, %add3A_132 : i32
      %lt3A = arith.constant 160 : i32
      %lt3A_134 = arith.cmpi slt, %add3A_133, %lt3A : i32
      %convert_element_type3A = arith.extui %lt3A_134 : i1 to i32
      %cond3A = arith.constant 0 : i32
      %cond3A_135 = arith.cmpi ne, %convert_element_type3A, %cond3A : i32
      scf.if %cond3A_135 {
        %dma_start3A_448 = arith.constant 0 : i32
        %dma_start3A_449 = arith.constant 3 : i32
        %dma_start3A_450 = arith.constant 0 : i32
        %dma_start3A_451 = tpu.memref_slice %arg7[%dma_start3A_448, %dma_start3A_449, %dma_start3A_450] : memref<2x8x64xi32, #tpu.memory_space<vmem>> -> memref<1x1x64xi32, #tpu.memory_space<vmem>>
        %dma_start3A_452 = tpu.memref_squeeze %dma_start3A_451 : memref<1x1x64xi32, #tpu.memory_space<vmem>> -> memref<64xi32, #tpu.memory_space<vmem>>
        %dma_start3A_453 = arith.constant 0 : i32
        %dma_start3A_454 = arith.constant 0 : i32
        %dma_start3A_455 = tpu.memref_slice %arg2[%dma_start3A_453, %dma_start3A_454] : memref<10112x128xf32, #tpu.memory_space<hbm>> -> memref<10112x128xf32, #tpu.memory_space<hbm>>
        tpu.enqueue_indirect_dma source(%dma_start3A_455 : memref<10112x128xf32, #tpu.memory_space<hbm>>) target(%arg12 : memref<64x128xf32, #tpu.memory_space<vmem>>) offsets(%dma_start3A_452 : memref<64xi32, #tpu.memory_space<vmem>>) semaphore(%arg14 : memref<!tpu.dma_semaphore, #tpu.memory_space<semaphore_mem>>)
      } else {
      }
      %dma_wait3A_136 = arith.constant 0 : i32
      %dma_wait3A_137 = arith.constant 0 : i32
      %dma_wait3A_138 = arith.constant 0 : i32
      %dma_wait3A_139 = tpu.memref_slice %arg7[%dma_wait3A_136, %dma_wait3A_137, %dma_wait3A_138] : memref<2x8x64xi32, #tpu.memory_space<vmem>> -> memref<1x1x64xi32, #tpu.memory_space<vmem>>
      %dma_wait3A_140 = tpu.memref_squeeze %dma_wait3A_139 : memref<1x1x64xi32, #tpu.memory_space<vmem>> -> memref<64xi32, #tpu.memory_space<vmem>>
      %dma_wait3A_141 = arith.constant 0 : i32
      %dma_wait3A_142 = arith.constant 0 : i32
      %dma_wait3A_143 = tpu.memref_slice %arg2[%dma_wait3A_141, %dma_wait3A_142] : memref<10112x128xf32, #tpu.memory_space<hbm>> -> memref<10112x128xf32, #tpu.memory_space<hbm>>
      tpu.wait_indirect_dma semaphore(%arg14 : memref<!tpu.dma_semaphore, #tpu.memory_space<semaphore_mem>>) src(%dma_wait3A_143 : memref<10112x128xf32, #tpu.memory_space<hbm>>) dst(%arg9 : memref<64x128xf32, #tpu.memory_space<vmem>>)
      %run_scoped3A = arith.constant 0 : i32
      %run_scoped3A_144 = arith.constant 0 : i32
      "tpu.region"() ({
        %run_scoped3A_448 = tpu.sem_alloc : memref<!tpu.dma_semaphore, #tpu.memory_space<semaphore_mem>>
        %dma_start3A_449 = arith.constant 0 : i32
        %dma_start3A_450 = tpu.memref_slice %arg8[%run_scoped3A, %run_scoped3A_144, %dma_start3A_449] : memref<2x8x64xi32, #tpu.memory_space<vmem>> -> memref<1x1x64xi32, #tpu.memory_space<vmem>>
        %dma_start3A_451 = tpu.memref_squeeze %dma_start3A_450 : memref<1x1x64xi32, #tpu.memory_space<vmem>> -> memref<64xi32, #tpu.memory_space<vmem>>
        %dma_start3A_452 = arith.constant 0 : i32
        %dma_start3A_453 = arith.constant 0 : i32
        %dma_start3A_454 = tpu.memref_slice %arg13[%dma_start3A_452, %dma_start3A_453] : memref<10112x128xf32, #tpu.memory_space<vmem_shared>> -> memref<10112x128xf32, #tpu.memory_space<vmem_shared>>
        tpu.enqueue_indirect_dma source(%arg9 : memref<64x128xf32, #tpu.memory_space<vmem>>) target(%dma_start3A_454 : memref<10112x128xf32, #tpu.memory_space<vmem_shared>>) offsets(%dma_start3A_451 : memref<64xi32, #tpu.memory_space<vmem>>) semaphore(%run_scoped3A_448 : memref<!tpu.dma_semaphore, #tpu.memory_space<semaphore_mem>>) {add = true}
        %dma_wait3A_455 = arith.constant 0 : i32
        %dma_wait3A_456 = tpu.memref_slice %arg8[%run_scoped3A, %run_scoped3A_144, %dma_wait3A_455] : memref<2x8x64xi32, #tpu.memory_space<vmem>> -> memref<1x1x64xi32, #tpu.memory_space<vmem>>
        %dma_wait3A_457 = tpu.memref_squeeze %dma_wait3A_456 : memref<1x1x64xi32, #tpu.memory_space<vmem>> -> memref<64xi32, #tpu.memory_space<vmem>>
        %dma_wait3A_458 = arith.constant 0 : i32
        %dma_wait3A_459 = arith.constant 0 : i32
        %dma_wait3A_460 = tpu.memref_slice %arg13[%dma_wait3A_458, %dma_wait3A_459] : memref<10112x128xf32, #tpu.memory_space<vmem_shared>> -> memref<10112x128xf32, #tpu.memory_space<vmem_shared>>
        tpu.wait_indirect_dma semaphore(%run_scoped3A_448 : memref<!tpu.dma_semaphore, #tpu.memory_space<semaphore_mem>>) src(%arg9 : memref<64x128xf32, #tpu.memory_space<vmem>>) dst(%dma_wait3A_460 : memref<10112x128xf32, #tpu.memory_space<vmem_shared>>)
        tpu.yield
      }) : () -> ()
      %mul3A_145 = arith.constant 8 : i32
      %mul3A_146 = arith.muli %add3A_129, %mul3A_145 : i32
      %add3A_147 = arith.constant 4 : i32
      %add3A_148 = arith.addi %mul3A_146, %add3A_147 : i32
      %lt3A_149 = arith.constant 160 : i32
      %lt3A_150 = arith.cmpi slt, %add3A_148, %lt3A_149 : i32
      %convert_element_type3A_151 = arith.extui %lt3A_150 : i1 to i32
      %cond3A_152 = arith.constant 0 : i32
      %cond3A_153 = arith.cmpi ne, %convert_element_type3A_151, %cond3A_152 : i32
      scf.if %cond3A_153 {
        %dma_start3A_448 = arith.constant 0 : i32
        %dma_start3A_449 = arith.constant 4 : i32
        %dma_start3A_450 = arith.constant 0 : i32
        %dma_start3A_451 = tpu.memref_slice %arg7[%dma_start3A_448, %dma_start3A_449, %dma_start3A_450] : memref<2x8x64xi32, #tpu.memory_space<vmem>> -> memref<1x1x64xi32, #tpu.memory_space<vmem>>
        %dma_start3A_452 = tpu.memref_squeeze %dma_start3A_451 : memref<1x1x64xi32, #tpu.memory_space<vmem>> -> memref<64xi32, #tpu.memory_space<vmem>>
        %dma_start3A_453 = arith.constant 0 : i32
        %dma_start3A_454 = arith.constant 0 : i32
        %dma_start3A_455 = tpu.memref_slice %arg2[%dma_start3A_453, %dma_start3A_454] : memref<10112x128xf32, #tpu.memory_space<hbm>> -> memref<10112x128xf32, #tpu.memory_space<hbm>>
        tpu.enqueue_indirect_dma source(%dma_start3A_455 : memref<10112x128xf32, #tpu.memory_space<hbm>>) target(%arg9 : memref<64x128xf32, #tpu.memory_space<vmem>>) offsets(%dma_start3A_452 : memref<64xi32, #tpu.memory_space<vmem>>) semaphore(%arg14 : memref<!tpu.dma_semaphore, #tpu.memory_space<semaphore_mem>>)
      } else {
      }
      %dma_wait3A_154 = arith.constant 0 : i32
      %dma_wait3A_155 = arith.constant 1 : i32
      %dma_wait3A_156 = arith.constant 0 : i32
      %dma_wait3A_157 = tpu.memref_slice %arg7[%dma_wait3A_154, %dma_wait3A_155, %dma_wait3A_156] : memref<2x8x64xi32, #tpu.memory_space<vmem>> -> memref<1x1x64xi32, #tpu.memory_space<vmem>>
      %dma_wait3A_158 = tpu.memref_squeeze %dma_wait3A_157 : memref<1x1x64xi32, #tpu.memory_space<vmem>> -> memref<64xi32, #tpu.memory_space<vmem>>
      %dma_wait3A_159 = arith.constant 0 : i32
      %dma_wait3A_160 = arith.constant 0 : i32
      %dma_wait3A_161 = tpu.memref_slice %arg2[%dma_wait3A_159, %dma_wait3A_160] : memref<10112x128xf32, #tpu.memory_space<hbm>> -> memref<10112x128xf32, #tpu.memory_space<hbm>>
      tpu.wait_indirect_dma semaphore(%arg14 : memref<!tpu.dma_semaphore, #tpu.memory_space<semaphore_mem>>) src(%dma_wait3A_161 : memref<10112x128xf32, #tpu.memory_space<hbm>>) dst(%arg10 : memref<64x128xf32, #tpu.memory_space<vmem>>)
      %run_scoped3A_162 = arith.constant 0 : i32
      %run_scoped3A_163 = arith.constant 1 : i32
      "tpu.region"() ({
        %run_scoped3A_448 = tpu.sem_alloc : memref<!tpu.dma_semaphore, #tpu.memory_space<semaphore_mem>>
        %dma_start3A_449 = arith.constant 0 : i32
        %dma_start3A_450 = tpu.memref_slice %arg8[%run_scoped3A_162, %run_scoped3A_163, %dma_start3A_449] : memref<2x8x64xi32, #tpu.memory_space<vmem>> -> memref<1x1x64xi32, #tpu.memory_space<vmem>>
        %dma_start3A_451 = tpu.memref_squeeze %dma_start3A_450 : memref<1x1x64xi32, #tpu.memory_space<vmem>> -> memref<64xi32, #tpu.memory_space<vmem>>
        %dma_start3A_452 = arith.constant 0 : i32
        %dma_start3A_453 = arith.constant 0 : i32
        %dma_start3A_454 = tpu.memref_slice %arg13[%dma_start3A_452, %dma_start3A_453] : memref<10112x128xf32, #tpu.memory_space<vmem_shared>> -> memref<10112x128xf32, #tpu.memory_space<vmem_shared>>
        tpu.enqueue_indirect_dma source(%arg10 : memref<64x128xf32, #tpu.memory_space<vmem>>) target(%dma_start3A_454 : memref<10112x128xf32, #tpu.memory_space<vmem_shared>>) offsets(%dma_start3A_451 : memref<64xi32, #tpu.memory_space<vmem>>) semaphore(%run_scoped3A_448 : memref<!tpu.dma_semaphore, #tpu.memory_space<semaphore_mem>>) {add = true}
        %dma_wait3A_455 = arith.constant 0 : i32
        %dma_wait3A_456 = tpu.memref_slice %arg8[%run_scoped3A_162, %run_scoped3A_163, %dma_wait3A_455] : memref<2x8x64xi32, #tpu.memory_space<vmem>> -> memref<1x1x64xi32, #tpu.memory_space<vmem>>
        %dma_wait3A_457 = tpu.memref_squeeze %dma_wait3A_456 : memref<1x1x64xi32, #tpu.memory_space<vmem>> -> memref<64xi32, #tpu.memory_space<vmem>>
        %dma_wait3A_458 = arith.constant 0 : i32
        %dma_wait3A_459 = arith.constant 0 : i32
        %dma_wait3A_460 = tpu.memref_slice %arg13[%dma_wait3A_458, %dma_wait3A_459] : memref<10112x128xf32, #tpu.memory_space<vmem_shared>> -> memref<10112x128xf32, #tpu.memory_space<vmem_shared>>
        tpu.wait_indirect_dma semaphore(%run_scoped3A_448 : memref<!tpu.dma_semaphore, #tpu.memory_space<semaphore_mem>>) src(%arg10 : memref<64x128xf32, #tpu.memory_space<vmem>>) dst(%dma_wait3A_460 : memref<10112x128xf32, #tpu.memory_space<vmem_shared>>)
        tpu.yield
      }) : () -> ()
      %mul3A_164 = arith.constant 8 : i32
      %mul3A_165 = arith.muli %add3A_129, %mul3A_164 : i32
      %add3A_166 = arith.constant 5 : i32
      %add3A_167 = arith.addi %mul3A_165, %add3A_166 : i32
      %lt3A_168 = arith.constant 160 : i32
      %lt3A_169 = arith.cmpi slt, %add3A_167, %lt3A_168 : i32
      %convert_element_type3A_170 = arith.extui %lt3A_169 : i1 to i32
      %cond3A_171 = arith.constant 0 : i32
      %cond3A_172 = arith.cmpi ne, %convert_element_type3A_170, %cond3A_171 : i32
      scf.if %cond3A_172 {
        %dma_start3A_448 = arith.constant 0 : i32
        %dma_start3A_449 = arith.constant 5 : i32
        %dma_start3A_450 = arith.constant 0 : i32
        %dma_start3A_451 = tpu.memref_slice %arg7[%dma_start3A_448, %dma_start3A_449, %dma_start3A_450] : memref<2x8x64xi32, #tpu.memory_space<vmem>> -> memref<1x1x64xi32, #tpu.memory_space<vmem>>
        %dma_start3A_452 = tpu.memref_squeeze %dma_start3A_451 : memref<1x1x64xi32, #tpu.memory_space<vmem>> -> memref<64xi32, #tpu.memory_space<vmem>>
        %dma_start3A_453 = arith.constant 0 : i32
        %dma_start3A_454 = arith.constant 0 : i32
        %dma_start3A_455 = tpu.memref_slice %arg2[%dma_start3A_453, %dma_start3A_454] : memref<10112x128xf32, #tpu.memory_space<hbm>> -> memref<10112x128xf32, #tpu.memory_space<hbm>>
        tpu.enqueue_indirect_dma source(%dma_start3A_455 : memref<10112x128xf32, #tpu.memory_space<hbm>>) target(%arg10 : memref<64x128xf32, #tpu.memory_space<vmem>>) offsets(%dma_start3A_452 : memref<64xi32, #tpu.memory_space<vmem>>) semaphore(%arg14 : memref<!tpu.dma_semaphore, #tpu.memory_space<semaphore_mem>>)
      } else {
      }
      %dma_wait3A_173 = arith.constant 0 : i32
      %dma_wait3A_174 = arith.constant 2 : i32
      %dma_wait3A_175 = arith.constant 0 : i32
      %dma_wait3A_176 = tpu.memref_slice %arg7[%dma_wait3A_173, %dma_wait3A_174, %dma_wait3A_175] : memref<2x8x64xi32, #tpu.memory_space<vmem>> -> memref<1x1x64xi32, #tpu.memory_space<vmem>>
      %dma_wait3A_177 = tpu.memref_squeeze %dma_wait3A_176 : memref<1x1x64xi32, #tpu.memory_space<vmem>> -> memref<64xi32, #tpu.memory_space<vmem>>
      %dma_wait3A_178 = arith.constant 0 : i32
      %dma_wait3A_179 = arith.constant 0 : i32
      %dma_wait3A_180 = tpu.memref_slice %arg2[%dma_wait3A_178, %dma_wait3A_179] : memref<10112x128xf32, #tpu.memory_space<hbm>> -> memref<10112x128xf32, #tpu.memory_space<hbm>>
      tpu.wait_indirect_dma semaphore(%arg14 : memref<!tpu.dma_semaphore, #tpu.memory_space<semaphore_mem>>) src(%dma_wait3A_180 : memref<10112x128xf32, #tpu.memory_space<hbm>>) dst(%arg11 : memref<64x128xf32, #tpu.memory_space<vmem>>)
      %run_scoped3A_181 = arith.constant 0 : i32
      %run_scoped3A_182 = arith.constant 2 : i32
      "tpu.region"() ({
        %run_scoped3A_448 = tpu.sem_alloc : memref<!tpu.dma_semaphore, #tpu.memory_space<semaphore_mem>>
        %dma_start3A_449 = arith.constant 0 : i32
        %dma_start3A_450 = tpu.memref_slice %arg8[%run_scoped3A_181, %run_scoped3A_182, %dma_start3A_449] : memref<2x8x64xi32, #tpu.memory_space<vmem>> -> memref<1x1x64xi32, #tpu.memory_space<vmem>>
        %dma_start3A_451 = tpu.memref_squeeze %dma_start3A_450 : memref<1x1x64xi32, #tpu.memory_space<vmem>> -> memref<64xi32, #tpu.memory_space<vmem>>
        %dma_start3A_452 = arith.constant 0 : i32
        %dma_start3A_453 = arith.constant 0 : i32
        %dma_start3A_454 = tpu.memref_slice %arg13[%dma_start3A_452, %dma_start3A_453] : memref<10112x128xf32, #tpu.memory_space<vmem_shared>> -> memref<10112x128xf32, #tpu.memory_space<vmem_shared>>
        tpu.enqueue_indirect_dma source(%arg11 : memref<64x128xf32, #tpu.memory_space<vmem>>) target(%dma_start3A_454 : memref<10112x128xf32, #tpu.memory_space<vmem_shared>>) offsets(%dma_start3A_451 : memref<64xi32, #tpu.memory_space<vmem>>) semaphore(%run_scoped3A_448 : memref<!tpu.dma_semaphore, #tpu.memory_space<semaphore_mem>>) {add = true}
        %dma_wait3A_455 = arith.constant 0 : i32
        %dma_wait3A_456 = tpu.memref_slice %arg8[%run_scoped3A_181, %run_scoped3A_182, %dma_wait3A_455] : memref<2x8x64xi32, #tpu.memory_space<vmem>> -> memref<1x1x64xi32, #tpu.memory_space<vmem>>
        %dma_wait3A_457 = tpu.memref_squeeze %dma_wait3A_456 : memref<1x1x64xi32, #tpu.memory_space<vmem>> -> memref<64xi32, #tpu.memory_space<vmem>>
        %dma_wait3A_458 = arith.constant 0 : i32
        %dma_wait3A_459 = arith.constant 0 : i32
        %dma_wait3A_460 = tpu.memref_slice %arg13[%dma_wait3A_458, %dma_wait3A_459] : memref<10112x128xf32, #tpu.memory_space<vmem_shared>> -> memref<10112x128xf32, #tpu.memory_space<vmem_shared>>
        tpu.wait_indirect_dma semaphore(%run_scoped3A_448 : memref<!tpu.dma_semaphore, #tpu.memory_space<semaphore_mem>>) src(%arg11 : memref<64x128xf32, #tpu.memory_space<vmem>>) dst(%dma_wait3A_460 : memref<10112x128xf32, #tpu.memory_space<vmem_shared>>)
        tpu.yield
      }) : () -> ()
      %mul3A_183 = arith.constant 8 : i32
      %mul3A_184 = arith.muli %add3A_129, %mul3A_183 : i32
      %add3A_185 = arith.constant 6 : i32
      %add3A_186 = arith.addi %mul3A_184, %add3A_185 : i32
      %lt3A_187 = arith.constant 160 : i32
      %lt3A_188 = arith.cmpi slt, %add3A_186, %lt3A_187 : i32
      %convert_element_type3A_189 = arith.extui %lt3A_188 : i1 to i32
      %cond3A_190 = arith.constant 0 : i32
      %cond3A_191 = arith.cmpi ne, %convert_element_type3A_189, %cond3A_190 : i32
      scf.if %cond3A_191 {
        %dma_start3A_448 = arith.constant 0 : i32
        %dma_start3A_449 = arith.constant 6 : i32
        %dma_start3A_450 = arith.constant 0 : i32
        %dma_start3A_451 = tpu.memref_slice %arg7[%dma_start3A_448, %dma_start3A_449, %dma_start3A_450] : memref<2x8x64xi32, #tpu.memory_space<vmem>> -> memref<1x1x64xi32, #tpu.memory_space<vmem>>
        %dma_start3A_452 = tpu.memref_squeeze %dma_start3A_451 : memref<1x1x64xi32, #tpu.memory_space<vmem>> -> memref<64xi32, #tpu.memory_space<vmem>>
        %dma_start3A_453 = arith.constant 0 : i32
        %dma_start3A_454 = arith.constant 0 : i32
        %dma_start3A_455 = tpu.memref_slice %arg2[%dma_start3A_453, %dma_start3A_454] : memref<10112x128xf32, #tpu.memory_space<hbm>> -> memref<10112x128xf32, #tpu.memory_space<hbm>>
        tpu.enqueue_indirect_dma source(%dma_start3A_455 : memref<10112x128xf32, #tpu.memory_space<hbm>>) target(%arg11 : memref<64x128xf32, #tpu.memory_space<vmem>>) offsets(%dma_start3A_452 : memref<64xi32, #tpu.memory_space<vmem>>) semaphore(%arg14 : memref<!tpu.dma_semaphore, #tpu.memory_space<semaphore_mem>>)
      } else {
      }
      %dma_wait3A_192 = arith.constant 0 : i32
      %dma_wait3A_193 = arith.constant 3 : i32
      %dma_wait3A_194 = arith.constant 0 : i32
      %dma_wait3A_195 = tpu.memref_slice %arg7[%dma_wait3A_192, %dma_wait3A_193, %dma_wait3A_194] : memref<2x8x64xi32, #tpu.memory_space<vmem>> -> memref<1x1x64xi32, #tpu.memory_space<vmem>>
      %dma_wait3A_196 = tpu.memref_squeeze %dma_wait3A_195 : memref<1x1x64xi32, #tpu.memory_space<vmem>> -> memref<64xi32, #tpu.memory_space<vmem>>
      %dma_wait3A_197 = arith.constant 0 : i32
      %dma_wait3A_198 = arith.constant 0 : i32
      %dma_wait3A_199 = tpu.memref_slice %arg2[%dma_wait3A_197, %dma_wait3A_198] : memref<10112x128xf32, #tpu.memory_space<hbm>> -> memref<10112x128xf32, #tpu.memory_space<hbm>>
      tpu.wait_indirect_dma semaphore(%arg14 : memref<!tpu.dma_semaphore, #tpu.memory_space<semaphore_mem>>) src(%dma_wait3A_199 : memref<10112x128xf32, #tpu.memory_space<hbm>>) dst(%arg12 : memref<64x128xf32, #tpu.memory_space<vmem>>)
      %run_scoped3A_200 = arith.constant 0 : i32
      %run_scoped3A_201 = arith.constant 3 : i32
      "tpu.region"() ({
        %run_scoped3A_448 = tpu.sem_alloc : memref<!tpu.dma_semaphore, #tpu.memory_space<semaphore_mem>>
        %dma_start3A_449 = arith.constant 0 : i32
        %dma_start3A_450 = tpu.memref_slice %arg8[%run_scoped3A_200, %run_scoped3A_201, %dma_start3A_449] : memref<2x8x64xi32, #tpu.memory_space<vmem>> -> memref<1x1x64xi32, #tpu.memory_space<vmem>>
        %dma_start3A_451 = tpu.memref_squeeze %dma_start3A_450 : memref<1x1x64xi32, #tpu.memory_space<vmem>> -> memref<64xi32, #tpu.memory_space<vmem>>
        %dma_start3A_452 = arith.constant 0 : i32
        %dma_start3A_453 = arith.constant 0 : i32
        %dma_start3A_454 = tpu.memref_slice %arg13[%dma_start3A_452, %dma_start3A_453] : memref<10112x128xf32, #tpu.memory_space<vmem_shared>> -> memref<10112x128xf32, #tpu.memory_space<vmem_shared>>
        tpu.enqueue_indirect_dma source(%arg12 : memref<64x128xf32, #tpu.memory_space<vmem>>) target(%dma_start3A_454 : memref<10112x128xf32, #tpu.memory_space<vmem_shared>>) offsets(%dma_start3A_451 : memref<64xi32, #tpu.memory_space<vmem>>) semaphore(%run_scoped3A_448 : memref<!tpu.dma_semaphore, #tpu.memory_space<semaphore_mem>>) {add = true}
        %dma_wait3A_455 = arith.constant 0 : i32
        %dma_wait3A_456 = tpu.memref_slice %arg8[%run_scoped3A_200, %run_scoped3A_201, %dma_wait3A_455] : memref<2x8x64xi32, #tpu.memory_space<vmem>> -> memref<1x1x64xi32, #tpu.memory_space<vmem>>
        %dma_wait3A_457 = tpu.memref_squeeze %dma_wait3A_456 : memref<1x1x64xi32, #tpu.memory_space<vmem>> -> memref<64xi32, #tpu.memory_space<vmem>>
        %dma_wait3A_458 = arith.constant 0 : i32
        %dma_wait3A_459 = arith.constant 0 : i32
        %dma_wait3A_460 = tpu.memref_slice %arg13[%dma_wait3A_458, %dma_wait3A_459] : memref<10112x128xf32, #tpu.memory_space<vmem_shared>> -> memref<10112x128xf32, #tpu.memory_space<vmem_shared>>
        tpu.wait_indirect_dma semaphore(%run_scoped3A_448 : memref<!tpu.dma_semaphore, #tpu.memory_space<semaphore_mem>>) src(%arg12 : memref<64x128xf32, #tpu.memory_space<vmem>>) dst(%dma_wait3A_460 : memref<10112x128xf32, #tpu.memory_space<vmem_shared>>)
        tpu.yield
      }) : () -> ()
      %mul3A_202 = arith.constant 8 : i32
      %mul3A_203 = arith.muli %add3A_129, %mul3A_202 : i32
      %add3A_204 = arith.constant 7 : i32
      %add3A_205 = arith.addi %mul3A_203, %add3A_204 : i32
      %lt3A_206 = arith.constant 160 : i32
      %lt3A_207 = arith.cmpi slt, %add3A_205, %lt3A_206 : i32
      %convert_element_type3A_208 = arith.extui %lt3A_207 : i1 to i32
      %cond3A_209 = arith.constant 0 : i32
      %cond3A_210 = arith.cmpi ne, %convert_element_type3A_208, %cond3A_209 : i32
      scf.if %cond3A_210 {
        %dma_start3A_448 = arith.constant 0 : i32
        %dma_start3A_449 = arith.constant 7 : i32
        %dma_start3A_450 = arith.constant 0 : i32
        %dma_start3A_451 = tpu.memref_slice %arg7[%dma_start3A_448, %dma_start3A_449, %dma_start3A_450] : memref<2x8x64xi32, #tpu.memory_space<vmem>> -> memref<1x1x64xi32, #tpu.memory_space<vmem>>
        %dma_start3A_452 = tpu.memref_squeeze %dma_start3A_451 : memref<1x1x64xi32, #tpu.memory_space<vmem>> -> memref<64xi32, #tpu.memory_space<vmem>>
        %dma_start3A_453 = arith.constant 0 : i32
        %dma_start3A_454 = arith.constant 0 : i32
        %dma_start3A_455 = tpu.memref_slice %arg2[%dma_start3A_453, %dma_start3A_454] : memref<10112x128xf32, #tpu.memory_space<hbm>> -> memref<10112x128xf32, #tpu.memory_space<hbm>>
        tpu.enqueue_indirect_dma source(%dma_start3A_455 : memref<10112x128xf32, #tpu.memory_space<hbm>>) target(%arg12 : memref<64x128xf32, #tpu.memory_space<vmem>>) offsets(%dma_start3A_452 : memref<64xi32, #tpu.memory_space<vmem>>) semaphore(%arg14 : memref<!tpu.dma_semaphore, #tpu.memory_space<semaphore_mem>>)
      } else {
      }
      %dma_wait3A_211 = arith.constant 0 : i32
      %dma_wait3A_212 = arith.constant 4 : i32
      %dma_wait3A_213 = arith.constant 0 : i32
      %dma_wait3A_214 = tpu.memref_slice %arg7[%dma_wait3A_211, %dma_wait3A_212, %dma_wait3A_213] : memref<2x8x64xi32, #tpu.memory_space<vmem>> -> memref<1x1x64xi32, #tpu.memory_space<vmem>>
      %dma_wait3A_215 = tpu.memref_squeeze %dma_wait3A_214 : memref<1x1x64xi32, #tpu.memory_space<vmem>> -> memref<64xi32, #tpu.memory_space<vmem>>
      %dma_wait3A_216 = arith.constant 0 : i32
      %dma_wait3A_217 = arith.constant 0 : i32
      %dma_wait3A_218 = tpu.memref_slice %arg2[%dma_wait3A_216, %dma_wait3A_217] : memref<10112x128xf32, #tpu.memory_space<hbm>> -> memref<10112x128xf32, #tpu.memory_space<hbm>>
      tpu.wait_indirect_dma semaphore(%arg14 : memref<!tpu.dma_semaphore, #tpu.memory_space<semaphore_mem>>) src(%dma_wait3A_218 : memref<10112x128xf32, #tpu.memory_space<hbm>>) dst(%arg9 : memref<64x128xf32, #tpu.memory_space<vmem>>)
      %run_scoped3A_219 = arith.constant 0 : i32
      %run_scoped3A_220 = arith.constant 4 : i32
      "tpu.region"() ({
        %run_scoped3A_448 = tpu.sem_alloc : memref<!tpu.dma_semaphore, #tpu.memory_space<semaphore_mem>>
        %dma_start3A_449 = arith.constant 0 : i32
        %dma_start3A_450 = tpu.memref_slice %arg8[%run_scoped3A_219, %run_scoped3A_220, %dma_start3A_449] : memref<2x8x64xi32, #tpu.memory_space<vmem>> -> memref<1x1x64xi32, #tpu.memory_space<vmem>>
        %dma_start3A_451 = tpu.memref_squeeze %dma_start3A_450 : memref<1x1x64xi32, #tpu.memory_space<vmem>> -> memref<64xi32, #tpu.memory_space<vmem>>
        %dma_start3A_452 = arith.constant 0 : i32
        %dma_start3A_453 = arith.constant 0 : i32
        %dma_start3A_454 = tpu.memref_slice %arg13[%dma_start3A_452, %dma_start3A_453] : memref<10112x128xf32, #tpu.memory_space<vmem_shared>> -> memref<10112x128xf32, #tpu.memory_space<vmem_shared>>
        tpu.enqueue_indirect_dma source(%arg9 : memref<64x128xf32, #tpu.memory_space<vmem>>) target(%dma_start3A_454 : memref<10112x128xf32, #tpu.memory_space<vmem_shared>>) offsets(%dma_start3A_451 : memref<64xi32, #tpu.memory_space<vmem>>) semaphore(%run_scoped3A_448 : memref<!tpu.dma_semaphore, #tpu.memory_space<semaphore_mem>>) {add = true}
        %dma_wait3A_455 = arith.constant 0 : i32
        %dma_wait3A_456 = tpu.memref_slice %arg8[%run_scoped3A_219, %run_scoped3A_220, %dma_wait3A_455] : memref<2x8x64xi32, #tpu.memory_space<vmem>> -> memref<1x1x64xi32, #tpu.memory_space<vmem>>
        %dma_wait3A_457 = tpu.memref_squeeze %dma_wait3A_456 : memref<1x1x64xi32, #tpu.memory_space<vmem>> -> memref<64xi32, #tpu.memory_space<vmem>>
        %dma_wait3A_458 = arith.constant 0 : i32
        %dma_wait3A_459 = arith.constant 0 : i32
        %dma_wait3A_460 = tpu.memref_slice %arg13[%dma_wait3A_458, %dma_wait3A_459] : memref<10112x128xf32, #tpu.memory_space<vmem_shared>> -> memref<10112x128xf32, #tpu.memory_space<vmem_shared>>
        tpu.wait_indirect_dma semaphore(%run_scoped3A_448 : memref<!tpu.dma_semaphore, #tpu.memory_space<semaphore_mem>>) src(%arg9 : memref<64x128xf32, #tpu.memory_space<vmem>>) dst(%dma_wait3A_460 : memref<10112x128xf32, #tpu.memory_space<vmem_shared>>)
        tpu.yield
      }) : () -> ()
      %mul3A_221 = arith.constant 8 : i32
      %mul3A_222 = arith.muli %add3A_129, %mul3A_221 : i32
      %add3A_223 = arith.constant 8 : i32
      %add3A_224 = arith.addi %mul3A_222, %add3A_223 : i32
      %lt3A_225 = arith.constant 160 : i32
      %lt3A_226 = arith.cmpi slt, %add3A_224, %lt3A_225 : i32
      %convert_element_type3A_227 = arith.extui %lt3A_226 : i1 to i32
      %cond3A_228 = arith.constant 0 : i32
      %cond3A_229 = arith.cmpi ne, %convert_element_type3A_227, %cond3A_228 : i32
      scf.if %cond3A_229 {
        %dma_wait3A_448 = arith.constant 1 : i32
        %dma_wait3A_449 = arith.constant 0 : i32
        %dma_wait3A_450 = arith.constant 0 : i32
        %dma_wait3A_451 = tpu.memref_slice %arg7[%dma_wait3A_448, %dma_wait3A_449, %dma_wait3A_450] : memref<2x8x64xi32, #tpu.memory_space<vmem>> -> memref<1x8x64xi32, #tpu.memory_space<vmem>>
        %dma_wait3A_452 = tpu.memref_squeeze %dma_wait3A_451 : memref<1x8x64xi32, #tpu.memory_space<vmem>> -> memref<8x64xi32, #tpu.memory_space<vmem>>
        %dma_wait3A_453 = arith.constant 0 : i32
        %dma_wait3A_454 = tpu.memref_slice %arg3[%mul3A_2, %dma_wait3A_453] : memref<5120x64xi32, #tpu.memory_space<hbm>> -> memref<8x64xi32, #tpu.memory_space<hbm>>
        %dma_wait3A_455 = arith.constant 0 : i32
        %dma_wait3A_456 = arith.constant 0 : i32
        %dma_wait3A_457 = tpu.memref_slice %arg7[%dma_wait3A_448, %dma_wait3A_455, %dma_wait3A_456] : memref<2x8x64xi32, #tpu.memory_space<vmem>> -> memref<1x8x64xi32, #tpu.memory_space<vmem>>
        %dma_wait3A_458 = tpu.memref_squeeze %dma_wait3A_457 : memref<1x8x64xi32, #tpu.memory_space<vmem>> -> memref<8x64xi32, #tpu.memory_space<vmem>>
        %dma_wait3A_459 = arith.constant 0 : i32
        %dma_wait3A_460 = tpu.memref_slice %arg3[%mul3A_2, %dma_wait3A_459] : memref<5120x64xi32, #tpu.memory_space<hbm>> -> memref<8x64xi32, #tpu.memory_space<hbm>>
        tpu.wait_dma2 semaphore(%arg15 : memref<!tpu.dma_semaphore, #tpu.memory_space<semaphore_mem>>) src(%dma_wait3A_460 : memref<8x64xi32, #tpu.memory_space<hbm>>) dst(%dma_wait3A_458 : memref<8x64xi32, #tpu.memory_space<vmem>>)
        %dma_wait3A_461 = arith.constant 1 : i32
        %dma_wait3A_462 = arith.constant 0 : i32
        %dma_wait3A_463 = arith.constant 0 : i32
        %dma_wait3A_464 = tpu.memref_slice %arg8[%dma_wait3A_461, %dma_wait3A_462, %dma_wait3A_463] : memref<2x8x64xi32, #tpu.memory_space<vmem>> -> memref<1x8x64xi32, #tpu.memory_space<vmem>>
        %dma_wait3A_465 = tpu.memref_squeeze %dma_wait3A_464 : memref<1x8x64xi32, #tpu.memory_space<vmem>> -> memref<8x64xi32, #tpu.memory_space<vmem>>
        %dma_wait3A_466 = arith.constant 0 : i32
        %dma_wait3A_467 = tpu.memref_slice %arg4[%mul3A_2, %dma_wait3A_466] : memref<5120x64xi32, #tpu.memory_space<hbm>> -> memref<8x64xi32, #tpu.memory_space<hbm>>
        %dma_wait3A_468 = arith.constant 0 : i32
        %dma_wait3A_469 = arith.constant 0 : i32
        %dma_wait3A_470 = tpu.memref_slice %arg8[%dma_wait3A_461, %dma_wait3A_468, %dma_wait3A_469] : memref<2x8x64xi32, #tpu.memory_space<vmem>> -> memref<1x8x64xi32, #tpu.memory_space<vmem>>
        %dma_wait3A_471 = tpu.memref_squeeze %dma_wait3A_470 : memref<1x8x64xi32, #tpu.memory_space<vmem>> -> memref<8x64xi32, #tpu.memory_space<vmem>>
        %dma_wait3A_472 = arith.constant 0 : i32
        %dma_wait3A_473 = tpu.memref_slice %arg4[%mul3A_2, %dma_wait3A_472] : memref<5120x64xi32, #tpu.memory_space<hbm>> -> memref<8x64xi32, #tpu.memory_space<hbm>>
        tpu.wait_dma2 semaphore(%arg15 : memref<!tpu.dma_semaphore, #tpu.memory_space<semaphore_mem>>) src(%dma_wait3A_473 : memref<8x64xi32, #tpu.memory_space<hbm>>) dst(%dma_wait3A_471 : memref<8x64xi32, #tpu.memory_space<vmem>>)
        %dma_start3A_474 = arith.constant 1 : i32
        %dma_start3A_475 = arith.constant 0 : i32
        %dma_start3A_476 = arith.constant 0 : i32
        %dma_start3A_477 = tpu.memref_slice %arg7[%dma_start3A_474, %dma_start3A_475, %dma_start3A_476] : memref<2x8x64xi32, #tpu.memory_space<vmem>> -> memref<1x1x64xi32, #tpu.memory_space<vmem>>
        %dma_start3A_478 = tpu.memref_squeeze %dma_start3A_477 : memref<1x1x64xi32, #tpu.memory_space<vmem>> -> memref<64xi32, #tpu.memory_space<vmem>>
        %dma_start3A_479 = arith.constant 0 : i32
        %dma_start3A_480 = arith.constant 0 : i32
        %dma_start3A_481 = tpu.memref_slice %arg2[%dma_start3A_479, %dma_start3A_480] : memref<10112x128xf32, #tpu.memory_space<hbm>> -> memref<10112x128xf32, #tpu.memory_space<hbm>>
        tpu.enqueue_indirect_dma source(%dma_start3A_481 : memref<10112x128xf32, #tpu.memory_space<hbm>>) target(%arg9 : memref<64x128xf32, #tpu.memory_space<vmem>>) offsets(%dma_start3A_478 : memref<64xi32, #tpu.memory_space<vmem>>) semaphore(%arg14 : memref<!tpu.dma_semaphore, #tpu.memory_space<semaphore_mem>>)
      } else {
      }
      %dma_wait3A_230 = arith.constant 0 : i32
      %dma_wait3A_231 = arith.constant 5 : i32
      %dma_wait3A_232 = arith.constant 0 : i32
      %dma_wait3A_233 = tpu.memref_slice %arg7[%dma_wait3A_230, %dma_wait3A_231, %dma_wait3A_232] : memref<2x8x64xi32, #tpu.memory_space<vmem>> -> memref<1x1x64xi32, #tpu.memory_space<vmem>>
      %dma_wait3A_234 = tpu.memref_squeeze %dma_wait3A_233 : memref<1x1x64xi32, #tpu.memory_space<vmem>> -> memref<64xi32, #tpu.memory_space<vmem>>
      %dma_wait3A_235 = arith.constant 0 : i32
      %dma_wait3A_236 = arith.constant 0 : i32
      %dma_wait3A_237 = tpu.memref_slice %arg2[%dma_wait3A_235, %dma_wait3A_236] : memref<10112x128xf32, #tpu.memory_space<hbm>> -> memref<10112x128xf32, #tpu.memory_space<hbm>>
      tpu.wait_indirect_dma semaphore(%arg14 : memref<!tpu.dma_semaphore, #tpu.memory_space<semaphore_mem>>) src(%dma_wait3A_237 : memref<10112x128xf32, #tpu.memory_space<hbm>>) dst(%arg10 : memref<64x128xf32, #tpu.memory_space<vmem>>)
      %run_scoped3A_238 = arith.constant 0 : i32
      %run_scoped3A_239 = arith.constant 5 : i32
      "tpu.region"() ({
        %run_scoped3A_448 = tpu.sem_alloc : memref<!tpu.dma_semaphore, #tpu.memory_space<semaphore_mem>>
        %dma_start3A_449 = arith.constant 0 : i32
        %dma_start3A_450 = tpu.memref_slice %arg8[%run_scoped3A_238, %run_scoped3A_239, %dma_start3A_449] : memref<2x8x64xi32, #tpu.memory_space<vmem>> -> memref<1x1x64xi32, #tpu.memory_space<vmem>>
        %dma_start3A_451 = tpu.memref_squeeze %dma_start3A_450 : memref<1x1x64xi32, #tpu.memory_space<vmem>> -> memref<64xi32, #tpu.memory_space<vmem>>
        %dma_start3A_452 = arith.constant 0 : i32
        %dma_start3A_453 = arith.constant 0 : i32
        %dma_start3A_454 = tpu.memref_slice %arg13[%dma_start3A_452, %dma_start3A_453] : memref<10112x128xf32, #tpu.memory_space<vmem_shared>> -> memref<10112x128xf32, #tpu.memory_space<vmem_shared>>
        tpu.enqueue_indirect_dma source(%arg10 : memref<64x128xf32, #tpu.memory_space<vmem>>) target(%dma_start3A_454 : memref<10112x128xf32, #tpu.memory_space<vmem_shared>>) offsets(%dma_start3A_451 : memref<64xi32, #tpu.memory_space<vmem>>) semaphore(%run_scoped3A_448 : memref<!tpu.dma_semaphore, #tpu.memory_space<semaphore_mem>>) {add = true}
        %dma_wait3A_455 = arith.constant 0 : i32
        %dma_wait3A_456 = tpu.memref_slice %arg8[%run_scoped3A_238, %run_scoped3A_239, %dma_wait3A_455] : memref<2x8x64xi32, #tpu.memory_space<vmem>> -> memref<1x1x64xi32, #tpu.memory_space<vmem>>
        %dma_wait3A_457 = tpu.memref_squeeze %dma_wait3A_456 : memref<1x1x64xi32, #tpu.memory_space<vmem>> -> memref<64xi32, #tpu.memory_space<vmem>>
        %dma_wait3A_458 = arith.constant 0 : i32
        %dma_wait3A_459 = arith.constant 0 : i32
        %dma_wait3A_460 = tpu.memref_slice %arg13[%dma_wait3A_458, %dma_wait3A_459] : memref<10112x128xf32, #tpu.memory_space<vmem_shared>> -> memref<10112x128xf32, #tpu.memory_space<vmem_shared>>
        tpu.wait_indirect_dma semaphore(%run_scoped3A_448 : memref<!tpu.dma_semaphore, #tpu.memory_space<semaphore_mem>>) src(%arg10 : memref<64x128xf32, #tpu.memory_space<vmem>>) dst(%dma_wait3A_460 : memref<10112x128xf32, #tpu.memory_space<vmem_shared>>)
        tpu.yield
      }) : () -> ()
      %mul3A_240 = arith.constant 8 : i32
      %mul3A_241 = arith.muli %add3A_129, %mul3A_240 : i32
      %add3A_242 = arith.constant 9 : i32
      %add3A_243 = arith.addi %mul3A_241, %add3A_242 : i32
      %lt3A_244 = arith.constant 160 : i32
      %lt3A_245 = arith.cmpi slt, %add3A_243, %lt3A_244 : i32
      %convert_element_type3A_246 = arith.extui %lt3A_245 : i1 to i32
      %cond3A_247 = arith.constant 0 : i32
      %cond3A_248 = arith.cmpi ne, %convert_element_type3A_246, %cond3A_247 : i32
      scf.if %cond3A_248 {
        %dma_start3A_448 = arith.constant 1 : i32
        %dma_start3A_449 = arith.constant 1 : i32
        %dma_start3A_450 = arith.constant 0 : i32
        %dma_start3A_451 = tpu.memref_slice %arg7[%dma_start3A_448, %dma_start3A_449, %dma_start3A_450] : memref<2x8x64xi32, #tpu.memory_space<vmem>> -> memref<1x1x64xi32, #tpu.memory_space<vmem>>
        %dma_start3A_452 = tpu.memref_squeeze %dma_start3A_451 : memref<1x1x64xi32, #tpu.memory_space<vmem>> -> memref<64xi32, #tpu.memory_space<vmem>>
        %dma_start3A_453 = arith.constant 0 : i32
        %dma_start3A_454 = arith.constant 0 : i32
        %dma_start3A_455 = tpu.memref_slice %arg2[%dma_start3A_453, %dma_start3A_454] : memref<10112x128xf32, #tpu.memory_space<hbm>> -> memref<10112x128xf32, #tpu.memory_space<hbm>>
        tpu.enqueue_indirect_dma source(%dma_start3A_455 : memref<10112x128xf32, #tpu.memory_space<hbm>>) target(%arg10 : memref<64x128xf32, #tpu.memory_space<vmem>>) offsets(%dma_start3A_452 : memref<64xi32, #tpu.memory_space<vmem>>) semaphore(%arg14 : memref<!tpu.dma_semaphore, #tpu.memory_space<semaphore_mem>>)
      } else {
      }
      %dma_wait3A_249 = arith.constant 0 : i32
      %dma_wait3A_250 = arith.constant 6 : i32
      %dma_wait3A_251 = arith.constant 0 : i32
      %dma_wait3A_252 = tpu.memref_slice %arg7[%dma_wait3A_249, %dma_wait3A_250, %dma_wait3A_251] : memref<2x8x64xi32, #tpu.memory_space<vmem>> -> memref<1x1x64xi32, #tpu.memory_space<vmem>>
      %dma_wait3A_253 = tpu.memref_squeeze %dma_wait3A_252 : memref<1x1x64xi32, #tpu.memory_space<vmem>> -> memref<64xi32, #tpu.memory_space<vmem>>
      %dma_wait3A_254 = arith.constant 0 : i32
      %dma_wait3A_255 = arith.constant 0 : i32
      %dma_wait3A_256 = tpu.memref_slice %arg2[%dma_wait3A_254, %dma_wait3A_255] : memref<10112x128xf32, #tpu.memory_space<hbm>> -> memref<10112x128xf32, #tpu.memory_space<hbm>>
      tpu.wait_indirect_dma semaphore(%arg14 : memref<!tpu.dma_semaphore, #tpu.memory_space<semaphore_mem>>) src(%dma_wait3A_256 : memref<10112x128xf32, #tpu.memory_space<hbm>>) dst(%arg11 : memref<64x128xf32, #tpu.memory_space<vmem>>)
      %run_scoped3A_257 = arith.constant 0 : i32
      %run_scoped3A_258 = arith.constant 6 : i32
      "tpu.region"() ({
        %run_scoped3A_448 = tpu.sem_alloc : memref<!tpu.dma_semaphore, #tpu.memory_space<semaphore_mem>>
        %dma_start3A_449 = arith.constant 0 : i32
        %dma_start3A_450 = tpu.memref_slice %arg8[%run_scoped3A_257, %run_scoped3A_258, %dma_start3A_449] : memref<2x8x64xi32, #tpu.memory_space<vmem>> -> memref<1x1x64xi32, #tpu.memory_space<vmem>>
        %dma_start3A_451 = tpu.memref_squeeze %dma_start3A_450 : memref<1x1x64xi32, #tpu.memory_space<vmem>> -> memref<64xi32, #tpu.memory_space<vmem>>
        %dma_start3A_452 = arith.constant 0 : i32
        %dma_start3A_453 = arith.constant 0 : i32
        %dma_start3A_454 = tpu.memref_slice %arg13[%dma_start3A_452, %dma_start3A_453] : memref<10112x128xf32, #tpu.memory_space<vmem_shared>> -> memref<10112x128xf32, #tpu.memory_space<vmem_shared>>
        tpu.enqueue_indirect_dma source(%arg11 : memref<64x128xf32, #tpu.memory_space<vmem>>) target(%dma_start3A_454 : memref<10112x128xf32, #tpu.memory_space<vmem_shared>>) offsets(%dma_start3A_451 : memref<64xi32, #tpu.memory_space<vmem>>) semaphore(%run_scoped3A_448 : memref<!tpu.dma_semaphore, #tpu.memory_space<semaphore_mem>>) {add = true}
        %dma_wait3A_455 = arith.constant 0 : i32
        %dma_wait3A_456 = tpu.memref_slice %arg8[%run_scoped3A_257, %run_scoped3A_258, %dma_wait3A_455] : memref<2x8x64xi32, #tpu.memory_space<vmem>> -> memref<1x1x64xi32, #tpu.memory_space<vmem>>
        %dma_wait3A_457 = tpu.memref_squeeze %dma_wait3A_456 : memref<1x1x64xi32, #tpu.memory_space<vmem>> -> memref<64xi32, #tpu.memory_space<vmem>>
        %dma_wait3A_458 = arith.constant 0 : i32
        %dma_wait3A_459 = arith.constant 0 : i32
        %dma_wait3A_460 = tpu.memref_slice %arg13[%dma_wait3A_458, %dma_wait3A_459] : memref<10112x128xf32, #tpu.memory_space<vmem_shared>> -> memref<10112x128xf32, #tpu.memory_space<vmem_shared>>
        tpu.wait_indirect_dma semaphore(%run_scoped3A_448 : memref<!tpu.dma_semaphore, #tpu.memory_space<semaphore_mem>>) src(%arg11 : memref<64x128xf32, #tpu.memory_space<vmem>>) dst(%dma_wait3A_460 : memref<10112x128xf32, #tpu.memory_space<vmem_shared>>)
        tpu.yield
      }) : () -> ()
      %mul3A_259 = arith.constant 8 : i32
      %mul3A_260 = arith.muli %add3A_129, %mul3A_259 : i32
      %add3A_261 = arith.constant 10 : i32
      %add3A_262 = arith.addi %mul3A_260, %add3A_261 : i32
      %lt3A_263 = arith.constant 160 : i32
      %lt3A_264 = arith.cmpi slt, %add3A_262, %lt3A_263 : i32
      %convert_element_type3A_265 = arith.extui %lt3A_264 : i1 to i32
      %cond3A_266 = arith.constant 0 : i32
      %cond3A_267 = arith.cmpi ne, %convert_element_type3A_265, %cond3A_266 : i32
      scf.if %cond3A_267 {
        %dma_start3A_448 = arith.constant 1 : i32
        %dma_start3A_449 = arith.constant 2 : i32
        %dma_start3A_450 = arith.constant 0 : i32
        %dma_start3A_451 = tpu.memref_slice %arg7[%dma_start3A_448, %dma_start3A_449, %dma_start3A_450] : memref<2x8x64xi32, #tpu.memory_space<vmem>> -> memref<1x1x64xi32, #tpu.memory_space<vmem>>
        %dma_start3A_452 = tpu.memref_squeeze %dma_start3A_451 : memref<1x1x64xi32, #tpu.memory_space<vmem>> -> memref<64xi32, #tpu.memory_space<vmem>>
        %dma_start3A_453 = arith.constant 0 : i32
        %dma_start3A_454 = arith.constant 0 : i32
        %dma_start3A_455 = tpu.memref_slice %arg2[%dma_start3A_453, %dma_start3A_454] : memref<10112x128xf32, #tpu.memory_space<hbm>> -> memref<10112x128xf32, #tpu.memory_space<hbm>>
        tpu.enqueue_indirect_dma source(%dma_start3A_455 : memref<10112x128xf32, #tpu.memory_space<hbm>>) target(%arg11 : memref<64x128xf32, #tpu.memory_space<vmem>>) offsets(%dma_start3A_452 : memref<64xi32, #tpu.memory_space<vmem>>) semaphore(%arg14 : memref<!tpu.dma_semaphore, #tpu.memory_space<semaphore_mem>>)
      } else {
      }
      %dma_wait3A_268 = arith.constant 0 : i32
      %dma_wait3A_269 = arith.constant 7 : i32
      %dma_wait3A_270 = arith.constant 0 : i32
      %dma_wait3A_271 = tpu.memref_slice %arg7[%dma_wait3A_268, %dma_wait3A_269, %dma_wait3A_270] : memref<2x8x64xi32, #tpu.memory_space<vmem>> -> memref<1x1x64xi32, #tpu.memory_space<vmem>>
      %dma_wait3A_272 = tpu.memref_squeeze %dma_wait3A_271 : memref<1x1x64xi32, #tpu.memory_space<vmem>> -> memref<64xi32, #tpu.memory_space<vmem>>
      %dma_wait3A_273 = arith.constant 0 : i32
      %dma_wait3A_274 = arith.constant 0 : i32
      %dma_wait3A_275 = tpu.memref_slice %arg2[%dma_wait3A_273, %dma_wait3A_274] : memref<10112x128xf32, #tpu.memory_space<hbm>> -> memref<10112x128xf32, #tpu.memory_space<hbm>>
      tpu.wait_indirect_dma semaphore(%arg14 : memref<!tpu.dma_semaphore, #tpu.memory_space<semaphore_mem>>) src(%dma_wait3A_275 : memref<10112x128xf32, #tpu.memory_space<hbm>>) dst(%arg12 : memref<64x128xf32, #tpu.memory_space<vmem>>)
      %run_scoped3A_276 = arith.constant 0 : i32
      %run_scoped3A_277 = arith.constant 7 : i32
      "tpu.region"() ({
        %run_scoped3A_448 = tpu.sem_alloc : memref<!tpu.dma_semaphore, #tpu.memory_space<semaphore_mem>>
        %dma_start3A_449 = arith.constant 0 : i32
        %dma_start3A_450 = tpu.memref_slice %arg8[%run_scoped3A_276, %run_scoped3A_277, %dma_start3A_449] : memref<2x8x64xi32, #tpu.memory_space<vmem>> -> memref<1x1x64xi32, #tpu.memory_space<vmem>>
        %dma_start3A_451 = tpu.memref_squeeze %dma_start3A_450 : memref<1x1x64xi32, #tpu.memory_space<vmem>> -> memref<64xi32, #tpu.memory_space<vmem>>
        %dma_start3A_452 = arith.constant 0 : i32
        %dma_start3A_453 = arith.constant 0 : i32
        %dma_start3A_454 = tpu.memref_slice %arg13[%dma_start3A_452, %dma_start3A_453] : memref<10112x128xf32, #tpu.memory_space<vmem_shared>> -> memref<10112x128xf32, #tpu.memory_space<vmem_shared>>
        tpu.enqueue_indirect_dma source(%arg12 : memref<64x128xf32, #tpu.memory_space<vmem>>) target(%dma_start3A_454 : memref<10112x128xf32, #tpu.memory_space<vmem_shared>>) offsets(%dma_start3A_451 : memref<64xi32, #tpu.memory_space<vmem>>) semaphore(%run_scoped3A_448 : memref<!tpu.dma_semaphore, #tpu.memory_space<semaphore_mem>>) {add = true}
        %dma_wait3A_455 = arith.constant 0 : i32
        %dma_wait3A_456 = tpu.memref_slice %arg8[%run_scoped3A_276, %run_scoped3A_277, %dma_wait3A_455] : memref<2x8x64xi32, #tpu.memory_space<vmem>> -> memref<1x1x64xi32, #tpu.memory_space<vmem>>
        %dma_wait3A_457 = tpu.memref_squeeze %dma_wait3A_456 : memref<1x1x64xi32, #tpu.memory_space<vmem>> -> memref<64xi32, #tpu.memory_space<vmem>>
        %dma_wait3A_458 = arith.constant 0 : i32
        %dma_wait3A_459 = arith.constant 0 : i32
        %dma_wait3A_460 = tpu.memref_slice %arg13[%dma_wait3A_458, %dma_wait3A_459] : memref<10112x128xf32, #tpu.memory_space<vmem_shared>> -> memref<10112x128xf32, #tpu.memory_space<vmem_shared>>
        tpu.wait_indirect_dma semaphore(%run_scoped3A_448 : memref<!tpu.dma_semaphore, #tpu.memory_space<semaphore_mem>>) src(%arg12 : memref<64x128xf32, #tpu.memory_space<vmem>>) dst(%dma_wait3A_460 : memref<10112x128xf32, #tpu.memory_space<vmem_shared>>)
        tpu.yield
      }) : () -> ()
      %add3A_278 = arith.constant 2 : i32
      %add3A_279 = arith.addi %add3A_129, %add3A_278 : i32
      %lt3A_280 = arith.constant 20 : i32
      %lt3A_281 = arith.cmpi slt, %add3A_279, %lt3A_280 : i32
      %convert_element_type3A_282 = arith.extui %lt3A_281 : i1 to i32
      %cond3A_283 = arith.constant 0 : i32
      %cond3A_284 = arith.cmpi ne, %convert_element_type3A_282, %cond3A_283 : i32
      scf.if %cond3A_284 {
        %add3A_448 = arith.constant 2 : i32
        %add3A_449 = arith.addi %add3A_129, %add3A_448 : i32
        %mul3A_450 = arith.constant 8 : i32
        %mul3A_451 = arith.muli %add3A_449, %mul3A_450 : i32
        %add3A_452 = arith.addi %mul3A_2, %mul3A_451 : i32
        %dma_start3A_453 = arith.constant 0 : i32
        %dma_start3A_454 = arith.constant 0 : i32
        %dma_start3A_455 = arith.constant 0 : i32
        %dma_start3A_456 = tpu.memref_slice %arg7[%dma_start3A_453, %dma_start3A_454, %dma_start3A_455] : memref<2x8x64xi32, #tpu.memory_space<vmem>> -> memref<1x8x64xi32, #tpu.memory_space<vmem>>
        %dma_start3A_457 = tpu.memref_squeeze %dma_start3A_456 : memref<1x8x64xi32, #tpu.memory_space<vmem>> -> memref<8x64xi32, #tpu.memory_space<vmem>>
        %dma_start3A_458 = arith.constant 0 : i32
        %dma_start3A_459 = tpu.memref_slice %arg3[%add3A_452, %dma_start3A_458] : memref<5120x64xi32, #tpu.memory_space<hbm>> -> memref<8x64xi32, #tpu.memory_space<hbm>>
        %dma_start3A_460 = arith.constant 0 : i32
        %dma_start3A_461 = arith.constant 0 : i32
        %dma_start3A_462 = tpu.memref_slice %arg7[%dma_start3A_453, %dma_start3A_460, %dma_start3A_461] : memref<2x8x64xi32, #tpu.memory_space<vmem>> -> memref<1x8x64xi32, #tpu.memory_space<vmem>>
        %dma_start3A_463 = tpu.memref_squeeze %dma_start3A_462 : memref<1x8x64xi32, #tpu.memory_space<vmem>> -> memref<8x64xi32, #tpu.memory_space<vmem>>
        %dma_start3A_464 = arith.constant 0 : i32
        %dma_start3A_465 = tpu.memref_slice %arg3[%add3A_452, %dma_start3A_464] : memref<5120x64xi32, #tpu.memory_space<hbm>> -> memref<8x64xi32, #tpu.memory_space<hbm>>
        tpu.enqueue_dma source(%dma_start3A_465 : memref<8x64xi32, #tpu.memory_space<hbm>>) target(%dma_start3A_463 : memref<8x64xi32, #tpu.memory_space<vmem>>) target_semaphore(%arg15 : memref<!tpu.dma_semaphore, #tpu.memory_space<semaphore_mem>>)
        %mul3A_466 = arith.constant 8 : i32
        %mul3A_467 = arith.muli %add3A_449, %mul3A_466 : i32
        %add3A_468 = arith.addi %mul3A_2, %mul3A_467 : i32
        %dma_start3A_469 = arith.constant 0 : i32
        %dma_start3A_470 = arith.constant 0 : i32
        %dma_start3A_471 = arith.constant 0 : i32
        %dma_start3A_472 = tpu.memref_slice %arg8[%dma_start3A_469, %dma_start3A_470, %dma_start3A_471] : memref<2x8x64xi32, #tpu.memory_space<vmem>> -> memref<1x8x64xi32, #tpu.memory_space<vmem>>
        %dma_start3A_473 = tpu.memref_squeeze %dma_start3A_472 : memref<1x8x64xi32, #tpu.memory_space<vmem>> -> memref<8x64xi32, #tpu.memory_space<vmem>>
        %dma_start3A_474 = arith.constant 0 : i32
        %dma_start3A_475 = tpu.memref_slice %arg4[%add3A_468, %dma_start3A_474] : memref<5120x64xi32, #tpu.memory_space<hbm>> -> memref<8x64xi32, #tpu.memory_space<hbm>>
        %dma_start3A_476 = arith.constant 0 : i32
        %dma_start3A_477 = arith.constant 0 : i32
        %dma_start3A_478 = tpu.memref_slice %arg8[%dma_start3A_469, %dma_start3A_476, %dma_start3A_477] : memref<2x8x64xi32, #tpu.memory_space<vmem>> -> memref<1x8x64xi32, #tpu.memory_space<vmem>>
        %dma_start3A_479 = tpu.memref_squeeze %dma_start3A_478 : memref<1x8x64xi32, #tpu.memory_space<vmem>> -> memref<8x64xi32, #tpu.memory_space<vmem>>
        %dma_start3A_480 = arith.constant 0 : i32
        %dma_start3A_481 = tpu.memref_slice %arg4[%add3A_468, %dma_start3A_480] : memref<5120x64xi32, #tpu.memory_space<hbm>> -> memref<8x64xi32, #tpu.memory_space<hbm>>
        tpu.enqueue_dma source(%dma_start3A_481 : memref<8x64xi32, #tpu.memory_space<hbm>>) target(%dma_start3A_479 : memref<8x64xi32, #tpu.memory_space<vmem>>) target_semaphore(%arg15 : memref<!tpu.dma_semaphore, #tpu.memory_space<semaphore_mem>>)
      } else {
      }
      %mul3A_285 = arith.constant 2 : i32
      %mul3A_286 = arith.muli %scan3A_125, %mul3A_285 : i32
      %add3A_287 = arith.constant 1 : i32
      %add3A_288 = arith.addi %mul3A_286, %add3A_287 : i32
      %mul3A_289 = arith.constant 8 : i32
      %mul3A_290 = arith.muli %add3A_288, %mul3A_289 : i32
      %add3A_291 = arith.constant 3 : i32
      %add3A_292 = arith.addi %mul3A_290, %add3A_291 : i32
      %lt3A_293 = arith.constant 160 : i32
      %lt3A_294 = arith.cmpi slt, %add3A_292, %lt3A_293 : i32
      %convert_element_type3A_295 = arith.extui %lt3A_294 : i1 to i32
      %cond3A_296 = arith.constant 0 : i32
      %cond3A_297 = arith.cmpi ne, %convert_element_type3A_295, %cond3A_296 : i32
      scf.if %cond3A_297 {
        %dma_start3A_448 = arith.constant 1 : i32
        %dma_start3A_449 = arith.constant 3 : i32
        %dma_start3A_450 = arith.constant 0 : i32
        %dma_start3A_451 = tpu.memref_slice %arg7[%dma_start3A_448, %dma_start3A_449, %dma_start3A_450] : memref<2x8x64xi32, #tpu.memory_space<vmem>> -> memref<1x1x64xi32, #tpu.memory_space<vmem>>
        %dma_start3A_452 = tpu.memref_squeeze %dma_start3A_451 : memref<1x1x64xi32, #tpu.memory_space<vmem>> -> memref<64xi32, #tpu.memory_space<vmem>>
        %dma_start3A_453 = arith.constant 0 : i32
        %dma_start3A_454 = arith.constant 0 : i32
        %dma_start3A_455 = tpu.memref_slice %arg2[%dma_start3A_453, %dma_start3A_454] : memref<10112x128xf32, #tpu.memory_space<hbm>> -> memref<10112x128xf32, #tpu.memory_space<hbm>>
        tpu.enqueue_indirect_dma source(%dma_start3A_455 : memref<10112x128xf32, #tpu.memory_space<hbm>>) target(%arg12 : memref<64x128xf32, #tpu.memory_space<vmem>>) offsets(%dma_start3A_452 : memref<64xi32, #tpu.memory_space<vmem>>) semaphore(%arg14 : memref<!tpu.dma_semaphore, #tpu.memory_space<semaphore_mem>>)
      } else {
      }
      %dma_wait3A_298 = arith.constant 1 : i32
      %dma_wait3A_299 = arith.constant 0 : i32
      %dma_wait3A_300 = arith.constant 0 : i32
      %dma_wait3A_301 = tpu.memref_slice %arg7[%dma_wait3A_298, %dma_wait3A_299, %dma_wait3A_300] : memref<2x8x64xi32, #tpu.memory_space<vmem>> -> memref<1x1x64xi32, #tpu.memory_space<vmem>>
      %dma_wait3A_302 = tpu.memref_squeeze %dma_wait3A_301 : memref<1x1x64xi32, #tpu.memory_space<vmem>> -> memref<64xi32, #tpu.memory_space<vmem>>
      %dma_wait3A_303 = arith.constant 0 : i32
      %dma_wait3A_304 = arith.constant 0 : i32
      %dma_wait3A_305 = tpu.memref_slice %arg2[%dma_wait3A_303, %dma_wait3A_304] : memref<10112x128xf32, #tpu.memory_space<hbm>> -> memref<10112x128xf32, #tpu.memory_space<hbm>>
      tpu.wait_indirect_dma semaphore(%arg14 : memref<!tpu.dma_semaphore, #tpu.memory_space<semaphore_mem>>) src(%dma_wait3A_305 : memref<10112x128xf32, #tpu.memory_space<hbm>>) dst(%arg9 : memref<64x128xf32, #tpu.memory_space<vmem>>)
      %run_scoped3A_306 = arith.constant 1 : i32
      %run_scoped3A_307 = arith.constant 0 : i32
      "tpu.region"() ({
        %run_scoped3A_448 = tpu.sem_alloc : memref<!tpu.dma_semaphore, #tpu.memory_space<semaphore_mem>>
        %dma_start3A_449 = arith.constant 0 : i32
        %dma_start3A_450 = tpu.memref_slice %arg8[%run_scoped3A_306, %run_scoped3A_307, %dma_start3A_449] : memref<2x8x64xi32, #tpu.memory_space<vmem>> -> memref<1x1x64xi32, #tpu.memory_space<vmem>>
        %dma_start3A_451 = tpu.memref_squeeze %dma_start3A_450 : memref<1x1x64xi32, #tpu.memory_space<vmem>> -> memref<64xi32, #tpu.memory_space<vmem>>
        %dma_start3A_452 = arith.constant 0 : i32
        %dma_start3A_453 = arith.constant 0 : i32
        %dma_start3A_454 = tpu.memref_slice %arg13[%dma_start3A_452, %dma_start3A_453] : memref<10112x128xf32, #tpu.memory_space<vmem_shared>> -> memref<10112x128xf32, #tpu.memory_space<vmem_shared>>
        tpu.enqueue_indirect_dma source(%arg9 : memref<64x128xf32, #tpu.memory_space<vmem>>) target(%dma_start3A_454 : memref<10112x128xf32, #tpu.memory_space<vmem_shared>>) offsets(%dma_start3A_451 : memref<64xi32, #tpu.memory_space<vmem>>) semaphore(%run_scoped3A_448 : memref<!tpu.dma_semaphore, #tpu.memory_space<semaphore_mem>>) {add = true}
        %dma_wait3A_455 = arith.constant 0 : i32
        %dma_wait3A_456 = tpu.memref_slice %arg8[%run_scoped3A_306, %run_scoped3A_307, %dma_wait3A_455] : memref<2x8x64xi32, #tpu.memory_space<vmem>> -> memref<1x1x64xi32, #tpu.memory_space<vmem>>
        %dma_wait3A_457 = tpu.memref_squeeze %dma_wait3A_456 : memref<1x1x64xi32, #tpu.memory_space<vmem>> -> memref<64xi32, #tpu.memory_space<vmem>>
        %dma_wait3A_458 = arith.constant 0 : i32
        %dma_wait3A_459 = arith.constant 0 : i32
        %dma_wait3A_460 = tpu.memref_slice %arg13[%dma_wait3A_458, %dma_wait3A_459] : memref<10112x128xf32, #tpu.memory_space<vmem_shared>> -> memref<10112x128xf32, #tpu.memory_space<vmem_shared>>
        tpu.wait_indirect_dma semaphore(%run_scoped3A_448 : memref<!tpu.dma_semaphore, #tpu.memory_space<semaphore_mem>>) src(%arg9 : memref<64x128xf32, #tpu.memory_space<vmem>>) dst(%dma_wait3A_460 : memref<10112x128xf32, #tpu.memory_space<vmem_shared>>)
        tpu.yield
      }) : () -> ()
      %mul3A_308 = arith.constant 8 : i32
      %mul3A_309 = arith.muli %add3A_288, %mul3A_308 : i32
      %add3A_310 = arith.constant 4 : i32
      %add3A_311 = arith.addi %mul3A_309, %add3A_310 : i32
      %lt3A_312 = arith.constant 160 : i32
      %lt3A_313 = arith.cmpi slt, %add3A_311, %lt3A_312 : i32
      %convert_element_type3A_314 = arith.extui %lt3A_313 : i1 to i32
      %cond3A_315 = arith.constant 0 : i32
      %cond3A_316 = arith.cmpi ne, %convert_element_type3A_314, %cond3A_315 : i32
      scf.if %cond3A_316 {
        %dma_start3A_448 = arith.constant 1 : i32
        %dma_start3A_449 = arith.constant 4 : i32
        %dma_start3A_450 = arith.constant 0 : i32
        %dma_start3A_451 = tpu.memref_slice %arg7[%dma_start3A_448, %dma_start3A_449, %dma_start3A_450] : memref<2x8x64xi32, #tpu.memory_space<vmem>> -> memref<1x1x64xi32, #tpu.memory_space<vmem>>
        %dma_start3A_452 = tpu.memref_squeeze %dma_start3A_451 : memref<1x1x64xi32, #tpu.memory_space<vmem>> -> memref<64xi32, #tpu.memory_space<vmem>>
        %dma_start3A_453 = arith.constant 0 : i32
        %dma_start3A_454 = arith.constant 0 : i32
        %dma_start3A_455 = tpu.memref_slice %arg2[%dma_start3A_453, %dma_start3A_454] : memref<10112x128xf32, #tpu.memory_space<hbm>> -> memref<10112x128xf32, #tpu.memory_space<hbm>>
        tpu.enqueue_indirect_dma source(%dma_start3A_455 : memref<10112x128xf32, #tpu.memory_space<hbm>>) target(%arg9 : memref<64x128xf32, #tpu.memory_space<vmem>>) offsets(%dma_start3A_452 : memref<64xi32, #tpu.memory_space<vmem>>) semaphore(%arg14 : memref<!tpu.dma_semaphore, #tpu.memory_space<semaphore_mem>>)
      } else {
      }
      %dma_wait3A_317 = arith.constant 1 : i32
      %dma_wait3A_318 = arith.constant 1 : i32
      %dma_wait3A_319 = arith.constant 0 : i32
      %dma_wait3A_320 = tpu.memref_slice %arg7[%dma_wait3A_317, %dma_wait3A_318, %dma_wait3A_319] : memref<2x8x64xi32, #tpu.memory_space<vmem>> -> memref<1x1x64xi32, #tpu.memory_space<vmem>>
      %dma_wait3A_321 = tpu.memref_squeeze %dma_wait3A_320 : memref<1x1x64xi32, #tpu.memory_space<vmem>> -> memref<64xi32, #tpu.memory_space<vmem>>
      %dma_wait3A_322 = arith.constant 0 : i32
      %dma_wait3A_323 = arith.constant 0 : i32
      %dma_wait3A_324 = tpu.memref_slice %arg2[%dma_wait3A_322, %dma_wait3A_323] : memref<10112x128xf32, #tpu.memory_space<hbm>> -> memref<10112x128xf32, #tpu.memory_space<hbm>>
      tpu.wait_indirect_dma semaphore(%arg14 : memref<!tpu.dma_semaphore, #tpu.memory_space<semaphore_mem>>) src(%dma_wait3A_324 : memref<10112x128xf32, #tpu.memory_space<hbm>>) dst(%arg10 : memref<64x128xf32, #tpu.memory_space<vmem>>)
      %run_scoped3A_325 = arith.constant 1 : i32
      %run_scoped3A_326 = arith.constant 1 : i32
      "tpu.region"() ({
        %run_scoped3A_448 = tpu.sem_alloc : memref<!tpu.dma_semaphore, #tpu.memory_space<semaphore_mem>>
        %dma_start3A_449 = arith.constant 0 : i32
        %dma_start3A_450 = tpu.memref_slice %arg8[%run_scoped3A_325, %run_scoped3A_326, %dma_start3A_449] : memref<2x8x64xi32, #tpu.memory_space<vmem>> -> memref<1x1x64xi32, #tpu.memory_space<vmem>>
        %dma_start3A_451 = tpu.memref_squeeze %dma_start3A_450 : memref<1x1x64xi32, #tpu.memory_space<vmem>> -> memref<64xi32, #tpu.memory_space<vmem>>
        %dma_start3A_452 = arith.constant 0 : i32
        %dma_start3A_453 = arith.constant 0 : i32
        %dma_start3A_454 = tpu.memref_slice %arg13[%dma_start3A_452, %dma_start3A_453] : memref<10112x128xf32, #tpu.memory_space<vmem_shared>> -> memref<10112x128xf32, #tpu.memory_space<vmem_shared>>
        tpu.enqueue_indirect_dma source(%arg10 : memref<64x128xf32, #tpu.memory_space<vmem>>) target(%dma_start3A_454 : memref<10112x128xf32, #tpu.memory_space<vmem_shared>>) offsets(%dma_start3A_451 : memref<64xi32, #tpu.memory_space<vmem>>) semaphore(%run_scoped3A_448 : memref<!tpu.dma_semaphore, #tpu.memory_space<semaphore_mem>>) {add = true}
        %dma_wait3A_455 = arith.constant 0 : i32
        %dma_wait3A_456 = tpu.memref_slice %arg8[%run_scoped3A_325, %run_scoped3A_326, %dma_wait3A_455] : memref<2x8x64xi32, #tpu.memory_space<vmem>> -> memref<1x1x64xi32, #tpu.memory_space<vmem>>
        %dma_wait3A_457 = tpu.memref_squeeze %dma_wait3A_456 : memref<1x1x64xi32, #tpu.memory_space<vmem>> -> memref<64xi32, #tpu.memory_space<vmem>>
        %dma_wait3A_458 = arith.constant 0 : i32
        %dma_wait3A_459 = arith.constant 0 : i32
        %dma_wait3A_460 = tpu.memref_slice %arg13[%dma_wait3A_458, %dma_wait3A_459] : memref<10112x128xf32, #tpu.memory_space<vmem_shared>> -> memref<10112x128xf32, #tpu.memory_space<vmem_shared>>
        tpu.wait_indirect_dma semaphore(%run_scoped3A_448 : memref<!tpu.dma_semaphore, #tpu.memory_space<semaphore_mem>>) src(%arg10 : memref<64x128xf32, #tpu.memory_space<vmem>>) dst(%dma_wait3A_460 : memref<10112x128xf32, #tpu.memory_space<vmem_shared>>)
        tpu.yield
      }) : () -> ()
      %mul3A_327 = arith.constant 8 : i32
      %mul3A_328 = arith.muli %add3A_288, %mul3A_327 : i32
      %add3A_329 = arith.constant 5 : i32
      %add3A_330 = arith.addi %mul3A_328, %add3A_329 : i32
      %lt3A_331 = arith.constant 160 : i32
      %lt3A_332 = arith.cmpi slt, %add3A_330, %lt3A_331 : i32
      %convert_element_type3A_333 = arith.extui %lt3A_332 : i1 to i32
      %cond3A_334 = arith.constant 0 : i32
      %cond3A_335 = arith.cmpi ne, %convert_element_type3A_333, %cond3A_334 : i32
      scf.if %cond3A_335 {
        %dma_start3A_448 = arith.constant 1 : i32
        %dma_start3A_449 = arith.constant 5 : i32
        %dma_start3A_450 = arith.constant 0 : i32
        %dma_start3A_451 = tpu.memref_slice %arg7[%dma_start3A_448, %dma_start3A_449, %dma_start3A_450] : memref<2x8x64xi32, #tpu.memory_space<vmem>> -> memref<1x1x64xi32, #tpu.memory_space<vmem>>
        %dma_start3A_452 = tpu.memref_squeeze %dma_start3A_451 : memref<1x1x64xi32, #tpu.memory_space<vmem>> -> memref<64xi32, #tpu.memory_space<vmem>>
        %dma_start3A_453 = arith.constant 0 : i32
        %dma_start3A_454 = arith.constant 0 : i32
        %dma_start3A_455 = tpu.memref_slice %arg2[%dma_start3A_453, %dma_start3A_454] : memref<10112x128xf32, #tpu.memory_space<hbm>> -> memref<10112x128xf32, #tpu.memory_space<hbm>>
        tpu.enqueue_indirect_dma source(%dma_start3A_455 : memref<10112x128xf32, #tpu.memory_space<hbm>>) target(%arg10 : memref<64x128xf32, #tpu.memory_space<vmem>>) offsets(%dma_start3A_452 : memref<64xi32, #tpu.memory_space<vmem>>) semaphore(%arg14 : memref<!tpu.dma_semaphore, #tpu.memory_space<semaphore_mem>>)
      } else {
      }
      %dma_wait3A_336 = arith.constant 1 : i32
      %dma_wait3A_337 = arith.constant 2 : i32
      %dma_wait3A_338 = arith.constant 0 : i32
      %dma_wait3A_339 = tpu.memref_slice %arg7[%dma_wait3A_336, %dma_wait3A_337, %dma_wait3A_338] : memref<2x8x64xi32, #tpu.memory_space<vmem>> -> memref<1x1x64xi32, #tpu.memory_space<vmem>>
      %dma_wait3A_340 = tpu.memref_squeeze %dma_wait3A_339 : memref<1x1x64xi32, #tpu.memory_space<vmem>> -> memref<64xi32, #tpu.memory_space<vmem>>
      %dma_wait3A_341 = arith.constant 0 : i32
      %dma_wait3A_342 = arith.constant 0 : i32
      %dma_wait3A_343 = tpu.memref_slice %arg2[%dma_wait3A_341, %dma_wait3A_342] : memref<10112x128xf32, #tpu.memory_space<hbm>> -> memref<10112x128xf32, #tpu.memory_space<hbm>>
      tpu.wait_indirect_dma semaphore(%arg14 : memref<!tpu.dma_semaphore, #tpu.memory_space<semaphore_mem>>) src(%dma_wait3A_343 : memref<10112x128xf32, #tpu.memory_space<hbm>>) dst(%arg11 : memref<64x128xf32, #tpu.memory_space<vmem>>)
      %run_scoped3A_344 = arith.constant 1 : i32
      %run_scoped3A_345 = arith.constant 2 : i32
      "tpu.region"() ({
        %run_scoped3A_448 = tpu.sem_alloc : memref<!tpu.dma_semaphore, #tpu.memory_space<semaphore_mem>>
        %dma_start3A_449 = arith.constant 0 : i32
        %dma_start3A_450 = tpu.memref_slice %arg8[%run_scoped3A_344, %run_scoped3A_345, %dma_start3A_449] : memref<2x8x64xi32, #tpu.memory_space<vmem>> -> memref<1x1x64xi32, #tpu.memory_space<vmem>>
        %dma_start3A_451 = tpu.memref_squeeze %dma_start3A_450 : memref<1x1x64xi32, #tpu.memory_space<vmem>> -> memref<64xi32, #tpu.memory_space<vmem>>
        %dma_start3A_452 = arith.constant 0 : i32
        %dma_start3A_453 = arith.constant 0 : i32
        %dma_start3A_454 = tpu.memref_slice %arg13[%dma_start3A_452, %dma_start3A_453] : memref<10112x128xf32, #tpu.memory_space<vmem_shared>> -> memref<10112x128xf32, #tpu.memory_space<vmem_shared>>
        tpu.enqueue_indirect_dma source(%arg11 : memref<64x128xf32, #tpu.memory_space<vmem>>) target(%dma_start3A_454 : memref<10112x128xf32, #tpu.memory_space<vmem_shared>>) offsets(%dma_start3A_451 : memref<64xi32, #tpu.memory_space<vmem>>) semaphore(%run_scoped3A_448 : memref<!tpu.dma_semaphore, #tpu.memory_space<semaphore_mem>>) {add = true}
        %dma_wait3A_455 = arith.constant 0 : i32
        %dma_wait3A_456 = tpu.memref_slice %arg8[%run_scoped3A_344, %run_scoped3A_345, %dma_wait3A_455] : memref<2x8x64xi32, #tpu.memory_space<vmem>> -> memref<1x1x64xi32, #tpu.memory_space<vmem>>
        %dma_wait3A_457 = tpu.memref_squeeze %dma_wait3A_456 : memref<1x1x64xi32, #tpu.memory_space<vmem>> -> memref<64xi32, #tpu.memory_space<vmem>>
        %dma_wait3A_458 = arith.constant 0 : i32
        %dma_wait3A_459 = arith.constant 0 : i32
        %dma_wait3A_460 = tpu.memref_slice %arg13[%dma_wait3A_458, %dma_wait3A_459] : memref<10112x128xf32, #tpu.memory_space<vmem_shared>> -> memref<10112x128xf32, #tpu.memory_space<vmem_shared>>
        tpu.wait_indirect_dma semaphore(%run_scoped3A_448 : memref<!tpu.dma_semaphore, #tpu.memory_space<semaphore_mem>>) src(%arg11 : memref<64x128xf32, #tpu.memory_space<vmem>>) dst(%dma_wait3A_460 : memref<10112x128xf32, #tpu.memory_space<vmem_shared>>)
        tpu.yield
      }) : () -> ()
      %mul3A_346 = arith.constant 8 : i32
      %mul3A_347 = arith.muli %add3A_288, %mul3A_346 : i32
      %add3A_348 = arith.constant 6 : i32
      %add3A_349 = arith.addi %mul3A_347, %add3A_348 : i32
      %lt3A_350 = arith.constant 160 : i32
      %lt3A_351 = arith.cmpi slt, %add3A_349, %lt3A_350 : i32
      %convert_element_type3A_352 = arith.extui %lt3A_351 : i1 to i32
      %cond3A_353 = arith.constant 0 : i32
      %cond3A_354 = arith.cmpi ne, %convert_element_type3A_352, %cond3A_353 : i32
      scf.if %cond3A_354 {
        %dma_start3A_448 = arith.constant 1 : i32
        %dma_start3A_449 = arith.constant 6 : i32
        %dma_start3A_450 = arith.constant 0 : i32
        %dma_start3A_451 = tpu.memref_slice %arg7[%dma_start3A_448, %dma_start3A_449, %dma_start3A_450] : memref<2x8x64xi32, #tpu.memory_space<vmem>> -> memref<1x1x64xi32, #tpu.memory_space<vmem>>
        %dma_start3A_452 = tpu.memref_squeeze %dma_start3A_451 : memref<1x1x64xi32, #tpu.memory_space<vmem>> -> memref<64xi32, #tpu.memory_space<vmem>>
        %dma_start3A_453 = arith.constant 0 : i32
        %dma_start3A_454 = arith.constant 0 : i32
        %dma_start3A_455 = tpu.memref_slice %arg2[%dma_start3A_453, %dma_start3A_454] : memref<10112x128xf32, #tpu.memory_space<hbm>> -> memref<10112x128xf32, #tpu.memory_space<hbm>>
        tpu.enqueue_indirect_dma source(%dma_start3A_455 : memref<10112x128xf32, #tpu.memory_space<hbm>>) target(%arg11 : memref<64x128xf32, #tpu.memory_space<vmem>>) offsets(%dma_start3A_452 : memref<64xi32, #tpu.memory_space<vmem>>) semaphore(%arg14 : memref<!tpu.dma_semaphore, #tpu.memory_space<semaphore_mem>>)
      } else {
      }
      %dma_wait3A_355 = arith.constant 1 : i32
      %dma_wait3A_356 = arith.constant 3 : i32
      %dma_wait3A_357 = arith.constant 0 : i32
      %dma_wait3A_358 = tpu.memref_slice %arg7[%dma_wait3A_355, %dma_wait3A_356, %dma_wait3A_357] : memref<2x8x64xi32, #tpu.memory_space<vmem>> -> memref<1x1x64xi32, #tpu.memory_space<vmem>>
      %dma_wait3A_359 = tpu.memref_squeeze %dma_wait3A_358 : memref<1x1x64xi32, #tpu.memory_space<vmem>> -> memref<64xi32, #tpu.memory_space<vmem>>
      %dma_wait3A_360 = arith.constant 0 : i32
      %dma_wait3A_361 = arith.constant 0 : i32
      %dma_wait3A_362 = tpu.memref_slice %arg2[%dma_wait3A_360, %dma_wait3A_361] : memref<10112x128xf32, #tpu.memory_space<hbm>> -> memref<10112x128xf32, #tpu.memory_space<hbm>>
      tpu.wait_indirect_dma semaphore(%arg14 : memref<!tpu.dma_semaphore, #tpu.memory_space<semaphore_mem>>) src(%dma_wait3A_362 : memref<10112x128xf32, #tpu.memory_space<hbm>>) dst(%arg12 : memref<64x128xf32, #tpu.memory_space<vmem>>)
      %run_scoped3A_363 = arith.constant 1 : i32
      %run_scoped3A_364 = arith.constant 3 : i32
      "tpu.region"() ({
        %run_scoped3A_448 = tpu.sem_alloc : memref<!tpu.dma_semaphore, #tpu.memory_space<semaphore_mem>>
        %dma_start3A_449 = arith.constant 0 : i32
        %dma_start3A_450 = tpu.memref_slice %arg8[%run_scoped3A_363, %run_scoped3A_364, %dma_start3A_449] : memref<2x8x64xi32, #tpu.memory_space<vmem>> -> memref<1x1x64xi32, #tpu.memory_space<vmem>>
        %dma_start3A_451 = tpu.memref_squeeze %dma_start3A_450 : memref<1x1x64xi32, #tpu.memory_space<vmem>> -> memref<64xi32, #tpu.memory_space<vmem>>
        %dma_start3A_452 = arith.constant 0 : i32
        %dma_start3A_453 = arith.constant 0 : i32
        %dma_start3A_454 = tpu.memref_slice %arg13[%dma_start3A_452, %dma_start3A_453] : memref<10112x128xf32, #tpu.memory_space<vmem_shared>> -> memref<10112x128xf32, #tpu.memory_space<vmem_shared>>
        tpu.enqueue_indirect_dma source(%arg12 : memref<64x128xf32, #tpu.memory_space<vmem>>) target(%dma_start3A_454 : memref<10112x128xf32, #tpu.memory_space<vmem_shared>>) offsets(%dma_start3A_451 : memref<64xi32, #tpu.memory_space<vmem>>) semaphore(%run_scoped3A_448 : memref<!tpu.dma_semaphore, #tpu.memory_space<semaphore_mem>>) {add = true}
        %dma_wait3A_455 = arith.constant 0 : i32
        %dma_wait3A_456 = tpu.memref_slice %arg8[%run_scoped3A_363, %run_scoped3A_364, %dma_wait3A_455] : memref<2x8x64xi32, #tpu.memory_space<vmem>> -> memref<1x1x64xi32, #tpu.memory_space<vmem>>
        %dma_wait3A_457 = tpu.memref_squeeze %dma_wait3A_456 : memref<1x1x64xi32, #tpu.memory_space<vmem>> -> memref<64xi32, #tpu.memory_space<vmem>>
        %dma_wait3A_458 = arith.constant 0 : i32
        %dma_wait3A_459 = arith.constant 0 : i32
        %dma_wait3A_460 = tpu.memref_slice %arg13[%dma_wait3A_458, %dma_wait3A_459] : memref<10112x128xf32, #tpu.memory_space<vmem_shared>> -> memref<10112x128xf32, #tpu.memory_space<vmem_shared>>
        tpu.wait_indirect_dma semaphore(%run_scoped3A_448 : memref<!tpu.dma_semaphore, #tpu.memory_space<semaphore_mem>>) src(%arg12 : memref<64x128xf32, #tpu.memory_space<vmem>>) dst(%dma_wait3A_460 : memref<10112x128xf32, #tpu.memory_space<vmem_shared>>)
        tpu.yield
      }) : () -> ()
      %mul3A_365 = arith.constant 8 : i32
      %mul3A_366 = arith.muli %add3A_288, %mul3A_365 : i32
      %add3A_367 = arith.constant 7 : i32
      %add3A_368 = arith.addi %mul3A_366, %add3A_367 : i32
      %lt3A_369 = arith.constant 160 : i32
      %lt3A_370 = arith.cmpi slt, %add3A_368, %lt3A_369 : i32
      %convert_element_type3A_371 = arith.extui %lt3A_370 : i1 to i32
      %cond3A_372 = arith.constant 0 : i32
      %cond3A_373 = arith.cmpi ne, %convert_element_type3A_371, %cond3A_372 : i32
      scf.if %cond3A_373 {
        %dma_start3A_448 = arith.constant 1 : i32
        %dma_start3A_449 = arith.constant 7 : i32
        %dma_start3A_450 = arith.constant 0 : i32
        %dma_start3A_451 = tpu.memref_slice %arg7[%dma_start3A_448, %dma_start3A_449, %dma_start3A_450] : memref<2x8x64xi32, #tpu.memory_space<vmem>> -> memref<1x1x64xi32, #tpu.memory_space<vmem>>
        %dma_start3A_452 = tpu.memref_squeeze %dma_start3A_451 : memref<1x1x64xi32, #tpu.memory_space<vmem>> -> memref<64xi32, #tpu.memory_space<vmem>>
        %dma_start3A_453 = arith.constant 0 : i32
        %dma_start3A_454 = arith.constant 0 : i32
        %dma_start3A_455 = tpu.memref_slice %arg2[%dma_start3A_453, %dma_start3A_454] : memref<10112x128xf32, #tpu.memory_space<hbm>> -> memref<10112x128xf32, #tpu.memory_space<hbm>>
        tpu.enqueue_indirect_dma source(%dma_start3A_455 : memref<10112x128xf32, #tpu.memory_space<hbm>>) target(%arg12 : memref<64x128xf32, #tpu.memory_space<vmem>>) offsets(%dma_start3A_452 : memref<64xi32, #tpu.memory_space<vmem>>) semaphore(%arg14 : memref<!tpu.dma_semaphore, #tpu.memory_space<semaphore_mem>>)
      } else {
      }
      %dma_wait3A_374 = arith.constant 1 : i32
      %dma_wait3A_375 = arith.constant 4 : i32
      %dma_wait3A_376 = arith.constant 0 : i32
      %dma_wait3A_377 = tpu.memref_slice %arg7[%dma_wait3A_374, %dma_wait3A_375, %dma_wait3A_376] : memref<2x8x64xi32, #tpu.memory_space<vmem>> -> memref<1x1x64xi32, #tpu.memory_space<vmem>>
      %dma_wait3A_378 = tpu.memref_squeeze %dma_wait3A_377 : memref<1x1x64xi32, #tpu.memory_space<vmem>> -> memref<64xi32, #tpu.memory_space<vmem>>
      %dma_wait3A_379 = arith.constant 0 : i32
      %dma_wait3A_380 = arith.constant 0 : i32
      %dma_wait3A_381 = tpu.memref_slice %arg2[%dma_wait3A_379, %dma_wait3A_380] : memref<10112x128xf32, #tpu.memory_space<hbm>> -> memref<10112x128xf32, #tpu.memory_space<hbm>>
      tpu.wait_indirect_dma semaphore(%arg14 : memref<!tpu.dma_semaphore, #tpu.memory_space<semaphore_mem>>) src(%dma_wait3A_381 : memref<10112x128xf32, #tpu.memory_space<hbm>>) dst(%arg9 : memref<64x128xf32, #tpu.memory_space<vmem>>)
      %run_scoped3A_382 = arith.constant 1 : i32
      %run_scoped3A_383 = arith.constant 4 : i32
      "tpu.region"() ({
        %run_scoped3A_448 = tpu.sem_alloc : memref<!tpu.dma_semaphore, #tpu.memory_space<semaphore_mem>>
        %dma_start3A_449 = arith.constant 0 : i32
        %dma_start3A_450 = tpu.memref_slice %arg8[%run_scoped3A_382, %run_scoped3A_383, %dma_start3A_449] : memref<2x8x64xi32, #tpu.memory_space<vmem>> -> memref<1x1x64xi32, #tpu.memory_space<vmem>>
        %dma_start3A_451 = tpu.memref_squeeze %dma_start3A_450 : memref<1x1x64xi32, #tpu.memory_space<vmem>> -> memref<64xi32, #tpu.memory_space<vmem>>
        %dma_start3A_452 = arith.constant 0 : i32
        %dma_start3A_453 = arith.constant 0 : i32
        %dma_start3A_454 = tpu.memref_slice %arg13[%dma_start3A_452, %dma_start3A_453] : memref<10112x128xf32, #tpu.memory_space<vmem_shared>> -> memref<10112x128xf32, #tpu.memory_space<vmem_shared>>
        tpu.enqueue_indirect_dma source(%arg9 : memref<64x128xf32, #tpu.memory_space<vmem>>) target(%dma_start3A_454 : memref<10112x128xf32, #tpu.memory_space<vmem_shared>>) offsets(%dma_start3A_451 : memref<64xi32, #tpu.memory_space<vmem>>) semaphore(%run_scoped3A_448 : memref<!tpu.dma_semaphore, #tpu.memory_space<semaphore_mem>>) {add = true}
        %dma_wait3A_455 = arith.constant 0 : i32
        %dma_wait3A_456 = tpu.memref_slice %arg8[%run_scoped3A_382, %run_scoped3A_383, %dma_wait3A_455] : memref<2x8x64xi32, #tpu.memory_space<vmem>> -> memref<1x1x64xi32, #tpu.memory_space<vmem>>
        %dma_wait3A_457 = tpu.memref_squeeze %dma_wait3A_456 : memref<1x1x64xi32, #tpu.memory_space<vmem>> -> memref<64xi32, #tpu.memory_space<vmem>>
        %dma_wait3A_458 = arith.constant 0 : i32
        %dma_wait3A_459 = arith.constant 0 : i32
        %dma_wait3A_460 = tpu.memref_slice %arg13[%dma_wait3A_458, %dma_wait3A_459] : memref<10112x128xf32, #tpu.memory_space<vmem_shared>> -> memref<10112x128xf32, #tpu.memory_space<vmem_shared>>
        tpu.wait_indirect_dma semaphore(%run_scoped3A_448 : memref<!tpu.dma_semaphore, #tpu.memory_space<semaphore_mem>>) src(%arg9 : memref<64x128xf32, #tpu.memory_space<vmem>>) dst(%dma_wait3A_460 : memref<10112x128xf32, #tpu.memory_space<vmem_shared>>)
        tpu.yield
      }) : () -> ()
      %mul3A_384 = arith.constant 8 : i32
      %mul3A_385 = arith.muli %add3A_288, %mul3A_384 : i32
      %add3A_386 = arith.constant 8 : i32
      %add3A_387 = arith.addi %mul3A_385, %add3A_386 : i32
      %lt3A_388 = arith.constant 160 : i32
      %lt3A_389 = arith.cmpi slt, %add3A_387, %lt3A_388 : i32
      %convert_element_type3A_390 = arith.extui %lt3A_389 : i1 to i32
      %cond3A_391 = arith.constant 0 : i32
      %cond3A_392 = arith.cmpi ne, %convert_element_type3A_390, %cond3A_391 : i32
      scf.if %cond3A_392 {
        %dma_wait3A_448 = arith.constant 0 : i32
        %dma_wait3A_449 = arith.constant 0 : i32
        %dma_wait3A_450 = arith.constant 0 : i32
        %dma_wait3A_451 = tpu.memref_slice %arg7[%dma_wait3A_448, %dma_wait3A_449, %dma_wait3A_450] : memref<2x8x64xi32, #tpu.memory_space<vmem>> -> memref<1x8x64xi32, #tpu.memory_space<vmem>>
        %dma_wait3A_452 = tpu.memref_squeeze %dma_wait3A_451 : memref<1x8x64xi32, #tpu.memory_space<vmem>> -> memref<8x64xi32, #tpu.memory_space<vmem>>
        %dma_wait3A_453 = arith.constant 0 : i32
        %dma_wait3A_454 = tpu.memref_slice %arg3[%mul3A_2, %dma_wait3A_453] : memref<5120x64xi32, #tpu.memory_space<hbm>> -> memref<8x64xi32, #tpu.memory_space<hbm>>
        %dma_wait3A_455 = arith.constant 0 : i32
        %dma_wait3A_456 = arith.constant 0 : i32
        %dma_wait3A_457 = tpu.memref_slice %arg7[%dma_wait3A_448, %dma_wait3A_455, %dma_wait3A_456] : memref<2x8x64xi32, #tpu.memory_space<vmem>> -> memref<1x8x64xi32, #tpu.memory_space<vmem>>
        %dma_wait3A_458 = tpu.memref_squeeze %dma_wait3A_457 : memref<1x8x64xi32, #tpu.memory_space<vmem>> -> memref<8x64xi32, #tpu.memory_space<vmem>>
        %dma_wait3A_459 = arith.constant 0 : i32
        %dma_wait3A_460 = tpu.memref_slice %arg3[%mul3A_2, %dma_wait3A_459] : memref<5120x64xi32, #tpu.memory_space<hbm>> -> memref<8x64xi32, #tpu.memory_space<hbm>>
        tpu.wait_dma2 semaphore(%arg15 : memref<!tpu.dma_semaphore, #tpu.memory_space<semaphore_mem>>) src(%dma_wait3A_460 : memref<8x64xi32, #tpu.memory_space<hbm>>) dst(%dma_wait3A_458 : memref<8x64xi32, #tpu.memory_space<vmem>>)
        %dma_wait3A_461 = arith.constant 0 : i32
        %dma_wait3A_462 = arith.constant 0 : i32
        %dma_wait3A_463 = arith.constant 0 : i32
        %dma_wait3A_464 = tpu.memref_slice %arg8[%dma_wait3A_461, %dma_wait3A_462, %dma_wait3A_463] : memref<2x8x64xi32, #tpu.memory_space<vmem>> -> memref<1x8x64xi32, #tpu.memory_space<vmem>>
        %dma_wait3A_465 = tpu.memref_squeeze %dma_wait3A_464 : memref<1x8x64xi32, #tpu.memory_space<vmem>> -> memref<8x64xi32, #tpu.memory_space<vmem>>
        %dma_wait3A_466 = arith.constant 0 : i32
        %dma_wait3A_467 = tpu.memref_slice %arg4[%mul3A_2, %dma_wait3A_466] : memref<5120x64xi32, #tpu.memory_space<hbm>> -> memref<8x64xi32, #tpu.memory_space<hbm>>
        %dma_wait3A_468 = arith.constant 0 : i32
        %dma_wait3A_469 = arith.constant 0 : i32
        %dma_wait3A_470 = tpu.memref_slice %arg8[%dma_wait3A_461, %dma_wait3A_468, %dma_wait3A_469] : memref<2x8x64xi32, #tpu.memory_space<vmem>> -> memref<1x8x64xi32, #tpu.memory_space<vmem>>
        %dma_wait3A_471 = tpu.memref_squeeze %dma_wait3A_470 : memref<1x8x64xi32, #tpu.memory_space<vmem>> -> memref<8x64xi32, #tpu.memory_space<vmem>>
        %dma_wait3A_472 = arith.constant 0 : i32
        %dma_wait3A_473 = tpu.memref_slice %arg4[%mul3A_2, %dma_wait3A_472] : memref<5120x64xi32, #tpu.memory_space<hbm>> -> memref<8x64xi32, #tpu.memory_space<hbm>>
        tpu.wait_dma2 semaphore(%arg15 : memref<!tpu.dma_semaphore, #tpu.memory_space<semaphore_mem>>) src(%dma_wait3A_473 : memref<8x64xi32, #tpu.memory_space<hbm>>) dst(%dma_wait3A_471 : memref<8x64xi32, #tpu.memory_space<vmem>>)
        %dma_start3A_474 = arith.constant 0 : i32
        %dma_start3A_475 = arith.constant 0 : i32
        %dma_start3A_476 = arith.constant 0 : i32
        %dma_start3A_477 = tpu.memref_slice %arg7[%dma_start3A_474, %dma_start3A_475, %dma_start3A_476] : memref<2x8x64xi32, #tpu.memory_space<vmem>> -> memref<1x1x64xi32, #tpu.memory_space<vmem>>
        %dma_start3A_478 = tpu.memref_squeeze %dma_start3A_477 : memref<1x1x64xi32, #tpu.memory_space<vmem>> -> memref<64xi32, #tpu.memory_space<vmem>>
        %dma_start3A_479 = arith.constant 0 : i32
        %dma_start3A_480 = arith.constant 0 : i32
        %dma_start3A_481 = tpu.memref_slice %arg2[%dma_start3A_479, %dma_start3A_480] : memref<10112x128xf32, #tpu.memory_space<hbm>> -> memref<10112x128xf32, #tpu.memory_space<hbm>>
        tpu.enqueue_indirect_dma source(%dma_start3A_481 : memref<10112x128xf32, #tpu.memory_space<hbm>>) target(%arg9 : memref<64x128xf32, #tpu.memory_space<vmem>>) offsets(%dma_start3A_478 : memref<64xi32, #tpu.memory_space<vmem>>) semaphore(%arg14 : memref<!tpu.dma_semaphore, #tpu.memory_space<semaphore_mem>>)
      } else {
      }
      %dma_wait3A_393 = arith.constant 1 : i32
      %dma_wait3A_394 = arith.constant 5 : i32
      %dma_wait3A_395 = arith.constant 0 : i32
      %dma_wait3A_396 = tpu.memref_slice %arg7[%dma_wait3A_393, %dma_wait3A_394, %dma_wait3A_395] : memref<2x8x64xi32, #tpu.memory_space<vmem>> -> memref<1x1x64xi32, #tpu.memory_space<vmem>>
      %dma_wait3A_397 = tpu.memref_squeeze %dma_wait3A_396 : memref<1x1x64xi32, #tpu.memory_space<vmem>> -> memref<64xi32, #tpu.memory_space<vmem>>
      %dma_wait3A_398 = arith.constant 0 : i32
      %dma_wait3A_399 = arith.constant 0 : i32
      %dma_wait3A_400 = tpu.memref_slice %arg2[%dma_wait3A_398, %dma_wait3A_399] : memref<10112x128xf32, #tpu.memory_space<hbm>> -> memref<10112x128xf32, #tpu.memory_space<hbm>>
      tpu.wait_indirect_dma semaphore(%arg14 : memref<!tpu.dma_semaphore, #tpu.memory_space<semaphore_mem>>) src(%dma_wait3A_400 : memref<10112x128xf32, #tpu.memory_space<hbm>>) dst(%arg10 : memref<64x128xf32, #tpu.memory_space<vmem>>)
      %run_scoped3A_401 = arith.constant 1 : i32
      %run_scoped3A_402 = arith.constant 5 : i32
      "tpu.region"() ({
        %run_scoped3A_448 = tpu.sem_alloc : memref<!tpu.dma_semaphore, #tpu.memory_space<semaphore_mem>>
        %dma_start3A_449 = arith.constant 0 : i32
        %dma_start3A_450 = tpu.memref_slice %arg8[%run_scoped3A_401, %run_scoped3A_402, %dma_start3A_449] : memref<2x8x64xi32, #tpu.memory_space<vmem>> -> memref<1x1x64xi32, #tpu.memory_space<vmem>>
        %dma_start3A_451 = tpu.memref_squeeze %dma_start3A_450 : memref<1x1x64xi32, #tpu.memory_space<vmem>> -> memref<64xi32, #tpu.memory_space<vmem>>
        %dma_start3A_452 = arith.constant 0 : i32
        %dma_start3A_453 = arith.constant 0 : i32
        %dma_start3A_454 = tpu.memref_slice %arg13[%dma_start3A_452, %dma_start3A_453] : memref<10112x128xf32, #tpu.memory_space<vmem_shared>> -> memref<10112x128xf32, #tpu.memory_space<vmem_shared>>
        tpu.enqueue_indirect_dma source(%arg10 : memref<64x128xf32, #tpu.memory_space<vmem>>) target(%dma_start3A_454 : memref<10112x128xf32, #tpu.memory_space<vmem_shared>>) offsets(%dma_start3A_451 : memref<64xi32, #tpu.memory_space<vmem>>) semaphore(%run_scoped3A_448 : memref<!tpu.dma_semaphore, #tpu.memory_space<semaphore_mem>>) {add = true}
        %dma_wait3A_455 = arith.constant 0 : i32
        %dma_wait3A_456 = tpu.memref_slice %arg8[%run_scoped3A_401, %run_scoped3A_402, %dma_wait3A_455] : memref<2x8x64xi32, #tpu.memory_space<vmem>> -> memref<1x1x64xi32, #tpu.memory_space<vmem>>
        %dma_wait3A_457 = tpu.memref_squeeze %dma_wait3A_456 : memref<1x1x64xi32, #tpu.memory_space<vmem>> -> memref<64xi32, #tpu.memory_space<vmem>>
        %dma_wait3A_458 = arith.constant 0 : i32
        %dma_wait3A_459 = arith.constant 0 : i32
        %dma_wait3A_460 = tpu.memref_slice %arg13[%dma_wait3A_458, %dma_wait3A_459] : memref<10112x128xf32, #tpu.memory_space<vmem_shared>> -> memref<10112x128xf32, #tpu.memory_space<vmem_shared>>
        tpu.wait_indirect_dma semaphore(%run_scoped3A_448 : memref<!tpu.dma_semaphore, #tpu.memory_space<semaphore_mem>>) src(%arg10 : memref<64x128xf32, #tpu.memory_space<vmem>>) dst(%dma_wait3A_460 : memref<10112x128xf32, #tpu.memory_space<vmem_shared>>)
        tpu.yield
      }) : () -> ()
      %mul3A_403 = arith.constant 8 : i32
      %mul3A_404 = arith.muli %add3A_288, %mul3A_403 : i32
      %add3A_405 = arith.constant 9 : i32
      %add3A_406 = arith.addi %mul3A_404, %add3A_405 : i32
      %lt3A_407 = arith.constant 160 : i32
      %lt3A_408 = arith.cmpi slt, %add3A_406, %lt3A_407 : i32
      %convert_element_type3A_409 = arith.extui %lt3A_408 : i1 to i32
      %cond3A_410 = arith.constant 0 : i32
      %cond3A_411 = arith.cmpi ne, %convert_element_type3A_409, %cond3A_410 : i32
      scf.if %cond3A_411 {
        %dma_start3A_448 = arith.constant 0 : i32
        %dma_start3A_449 = arith.constant 1 : i32
        %dma_start3A_450 = arith.constant 0 : i32
        %dma_start3A_451 = tpu.memref_slice %arg7[%dma_start3A_448, %dma_start3A_449, %dma_start3A_450] : memref<2x8x64xi32, #tpu.memory_space<vmem>> -> memref<1x1x64xi32, #tpu.memory_space<vmem>>
        %dma_start3A_452 = tpu.memref_squeeze %dma_start3A_451 : memref<1x1x64xi32, #tpu.memory_space<vmem>> -> memref<64xi32, #tpu.memory_space<vmem>>
        %dma_start3A_453 = arith.constant 0 : i32
        %dma_start3A_454 = arith.constant 0 : i32
        %dma_start3A_455 = tpu.memref_slice %arg2[%dma_start3A_453, %dma_start3A_454] : memref<10112x128xf32, #tpu.memory_space<hbm>> -> memref<10112x128xf32, #tpu.memory_space<hbm>>
        tpu.enqueue_indirect_dma source(%dma_start3A_455 : memref<10112x128xf32, #tpu.memory_space<hbm>>) target(%arg10 : memref<64x128xf32, #tpu.memory_space<vmem>>) offsets(%dma_start3A_452 : memref<64xi32, #tpu.memory_space<vmem>>) semaphore(%arg14 : memref<!tpu.dma_semaphore, #tpu.memory_space<semaphore_mem>>)
      } else {
      }
      %dma_wait3A_412 = arith.constant 1 : i32
      %dma_wait3A_413 = arith.constant 6 : i32
      %dma_wait3A_414 = arith.constant 0 : i32
      %dma_wait3A_415 = tpu.memref_slice %arg7[%dma_wait3A_412, %dma_wait3A_413, %dma_wait3A_414] : memref<2x8x64xi32, #tpu.memory_space<vmem>> -> memref<1x1x64xi32, #tpu.memory_space<vmem>>
      %dma_wait3A_416 = tpu.memref_squeeze %dma_wait3A_415 : memref<1x1x64xi32, #tpu.memory_space<vmem>> -> memref<64xi32, #tpu.memory_space<vmem>>
      %dma_wait3A_417 = arith.constant 0 : i32
      %dma_wait3A_418 = arith.constant 0 : i32
      %dma_wait3A_419 = tpu.memref_slice %arg2[%dma_wait3A_417, %dma_wait3A_418] : memref<10112x128xf32, #tpu.memory_space<hbm>> -> memref<10112x128xf32, #tpu.memory_space<hbm>>
      tpu.wait_indirect_dma semaphore(%arg14 : memref<!tpu.dma_semaphore, #tpu.memory_space<semaphore_mem>>) src(%dma_wait3A_419 : memref<10112x128xf32, #tpu.memory_space<hbm>>) dst(%arg11 : memref<64x128xf32, #tpu.memory_space<vmem>>)
      %run_scoped3A_420 = arith.constant 1 : i32
      %run_scoped3A_421 = arith.constant 6 : i32
      "tpu.region"() ({
        %run_scoped3A_448 = tpu.sem_alloc : memref<!tpu.dma_semaphore, #tpu.memory_space<semaphore_mem>>
        %dma_start3A_449 = arith.constant 0 : i32
        %dma_start3A_450 = tpu.memref_slice %arg8[%run_scoped3A_420, %run_scoped3A_421, %dma_start3A_449] : memref<2x8x64xi32, #tpu.memory_space<vmem>> -> memref<1x1x64xi32, #tpu.memory_space<vmem>>
        %dma_start3A_451 = tpu.memref_squeeze %dma_start3A_450 : memref<1x1x64xi32, #tpu.memory_space<vmem>> -> memref<64xi32, #tpu.memory_space<vmem>>
        %dma_start3A_452 = arith.constant 0 : i32
        %dma_start3A_453 = arith.constant 0 : i32
        %dma_start3A_454 = tpu.memref_slice %arg13[%dma_start3A_452, %dma_start3A_453] : memref<10112x128xf32, #tpu.memory_space<vmem_shared>> -> memref<10112x128xf32, #tpu.memory_space<vmem_shared>>
        tpu.enqueue_indirect_dma source(%arg11 : memref<64x128xf32, #tpu.memory_space<vmem>>) target(%dma_start3A_454 : memref<10112x128xf32, #tpu.memory_space<vmem_shared>>) offsets(%dma_start3A_451 : memref<64xi32, #tpu.memory_space<vmem>>) semaphore(%run_scoped3A_448 : memref<!tpu.dma_semaphore, #tpu.memory_space<semaphore_mem>>) {add = true}
        %dma_wait3A_455 = arith.constant 0 : i32
        %dma_wait3A_456 = tpu.memref_slice %arg8[%run_scoped3A_420, %run_scoped3A_421, %dma_wait3A_455] : memref<2x8x64xi32, #tpu.memory_space<vmem>> -> memref<1x1x64xi32, #tpu.memory_space<vmem>>
        %dma_wait3A_457 = tpu.memref_squeeze %dma_wait3A_456 : memref<1x1x64xi32, #tpu.memory_space<vmem>> -> memref<64xi32, #tpu.memory_space<vmem>>
        %dma_wait3A_458 = arith.constant 0 : i32
        %dma_wait3A_459 = arith.constant 0 : i32
        %dma_wait3A_460 = tpu.memref_slice %arg13[%dma_wait3A_458, %dma_wait3A_459] : memref<10112x128xf32, #tpu.memory_space<vmem_shared>> -> memref<10112x128xf32, #tpu.memory_space<vmem_shared>>
        tpu.wait_indirect_dma semaphore(%run_scoped3A_448 : memref<!tpu.dma_semaphore, #tpu.memory_space<semaphore_mem>>) src(%arg11 : memref<64x128xf32, #tpu.memory_space<vmem>>) dst(%dma_wait3A_460 : memref<10112x128xf32, #tpu.memory_space<vmem_shared>>)
        tpu.yield
      }) : () -> ()
      %mul3A_422 = arith.constant 8 : i32
      %mul3A_423 = arith.muli %add3A_288, %mul3A_422 : i32
      %add3A_424 = arith.constant 10 : i32
      %add3A_425 = arith.addi %mul3A_423, %add3A_424 : i32
      %lt3A_426 = arith.constant 160 : i32
      %lt3A_427 = arith.cmpi slt, %add3A_425, %lt3A_426 : i32
      %convert_element_type3A_428 = arith.extui %lt3A_427 : i1 to i32
      %cond3A_429 = arith.constant 0 : i32
      %cond3A_430 = arith.cmpi ne, %convert_element_type3A_428, %cond3A_429 : i32
      scf.if %cond3A_430 {
        %dma_start3A_448 = arith.constant 0 : i32
        %dma_start3A_449 = arith.constant 2 : i32
        %dma_start3A_450 = arith.constant 0 : i32
        %dma_start3A_451 = tpu.memref_slice %arg7[%dma_start3A_448, %dma_start3A_449, %dma_start3A_450] : memref<2x8x64xi32, #tpu.memory_space<vmem>> -> memref<1x1x64xi32, #tpu.memory_space<vmem>>
        %dma_start3A_452 = tpu.memref_squeeze %dma_start3A_451 : memref<1x1x64xi32, #tpu.memory_space<vmem>> -> memref<64xi32, #tpu.memory_space<vmem>>
        %dma_start3A_453 = arith.constant 0 : i32
        %dma_start3A_454 = arith.constant 0 : i32
        %dma_start3A_455 = tpu.memref_slice %arg2[%dma_start3A_453, %dma_start3A_454] : memref<10112x128xf32, #tpu.memory_space<hbm>> -> memref<10112x128xf32, #tpu.memory_space<hbm>>
        tpu.enqueue_indirect_dma source(%dma_start3A_455 : memref<10112x128xf32, #tpu.memory_space<hbm>>) target(%arg11 : memref<64x128xf32, #tpu.memory_space<vmem>>) offsets(%dma_start3A_452 : memref<64xi32, #tpu.memory_space<vmem>>) semaphore(%arg14 : memref<!tpu.dma_semaphore, #tpu.memory_space<semaphore_mem>>)
      } else {
      }
      %dma_wait3A_431 = arith.constant 1 : i32
      %dma_wait3A_432 = arith.constant 7 : i32
      %dma_wait3A_433 = arith.constant 0 : i32
      %dma_wait3A_434 = tpu.memref_slice %arg7[%dma_wait3A_431, %dma_wait3A_432, %dma_wait3A_433] : memref<2x8x64xi32, #tpu.memory_space<vmem>> -> memref<1x1x64xi32, #tpu.memory_space<vmem>>
      %dma_wait3A_435 = tpu.memref_squeeze %dma_wait3A_434 : memref<1x1x64xi32, #tpu.memory_space<vmem>> -> memref<64xi32, #tpu.memory_space<vmem>>
      %dma_wait3A_436 = arith.constant 0 : i32
      %dma_wait3A_437 = arith.constant 0 : i32
      %dma_wait3A_438 = tpu.memref_slice %arg2[%dma_wait3A_436, %dma_wait3A_437] : memref<10112x128xf32, #tpu.memory_space<hbm>> -> memref<10112x128xf32, #tpu.memory_space<hbm>>
      tpu.wait_indirect_dma semaphore(%arg14 : memref<!tpu.dma_semaphore, #tpu.memory_space<semaphore_mem>>) src(%dma_wait3A_438 : memref<10112x128xf32, #tpu.memory_space<hbm>>) dst(%arg12 : memref<64x128xf32, #tpu.memory_space<vmem>>)
      %run_scoped3A_439 = arith.constant 1 : i32
      %run_scoped3A_440 = arith.constant 7 : i32
      "tpu.region"() ({
        %run_scoped3A_448 = tpu.sem_alloc : memref<!tpu.dma_semaphore, #tpu.memory_space<semaphore_mem>>
        %dma_start3A_449 = arith.constant 0 : i32
        %dma_start3A_450 = tpu.memref_slice %arg8[%run_scoped3A_439, %run_scoped3A_440, %dma_start3A_449] : memref<2x8x64xi32, #tpu.memory_space<vmem>> -> memref<1x1x64xi32, #tpu.memory_space<vmem>>
        %dma_start3A_451 = tpu.memref_squeeze %dma_start3A_450 : memref<1x1x64xi32, #tpu.memory_space<vmem>> -> memref<64xi32, #tpu.memory_space<vmem>>
        %dma_start3A_452 = arith.constant 0 : i32
        %dma_start3A_453 = arith.constant 0 : i32
        %dma_start3A_454 = tpu.memref_slice %arg13[%dma_start3A_452, %dma_start3A_453] : memref<10112x128xf32, #tpu.memory_space<vmem_shared>> -> memref<10112x128xf32, #tpu.memory_space<vmem_shared>>
        tpu.enqueue_indirect_dma source(%arg12 : memref<64x128xf32, #tpu.memory_space<vmem>>) target(%dma_start3A_454 : memref<10112x128xf32, #tpu.memory_space<vmem_shared>>) offsets(%dma_start3A_451 : memref<64xi32, #tpu.memory_space<vmem>>) semaphore(%run_scoped3A_448 : memref<!tpu.dma_semaphore, #tpu.memory_space<semaphore_mem>>) {add = true}
        %dma_wait3A_455 = arith.constant 0 : i32
        %dma_wait3A_456 = tpu.memref_slice %arg8[%run_scoped3A_439, %run_scoped3A_440, %dma_wait3A_455] : memref<2x8x64xi32, #tpu.memory_space<vmem>> -> memref<1x1x64xi32, #tpu.memory_space<vmem>>
        %dma_wait3A_457 = tpu.memref_squeeze %dma_wait3A_456 : memref<1x1x64xi32, #tpu.memory_space<vmem>> -> memref<64xi32, #tpu.memory_space<vmem>>
        %dma_wait3A_458 = arith.constant 0 : i32
        %dma_wait3A_459 = arith.constant 0 : i32
        %dma_wait3A_460 = tpu.memref_slice %arg13[%dma_wait3A_458, %dma_wait3A_459] : memref<10112x128xf32, #tpu.memory_space<vmem_shared>> -> memref<10112x128xf32, #tpu.memory_space<vmem_shared>>
        tpu.wait_indirect_dma semaphore(%run_scoped3A_448 : memref<!tpu.dma_semaphore, #tpu.memory_space<semaphore_mem>>) src(%arg12 : memref<64x128xf32, #tpu.memory_space<vmem>>) dst(%dma_wait3A_460 : memref<10112x128xf32, #tpu.memory_space<vmem_shared>>)
        tpu.yield
      }) : () -> ()
      %add3A_441 = arith.constant 2 : i32
      %add3A_442 = arith.addi %add3A_288, %add3A_441 : i32
      %lt3A_443 = arith.constant 20 : i32
      %lt3A_444 = arith.cmpi slt, %add3A_442, %lt3A_443 : i32
      %convert_element_type3A_445 = arith.extui %lt3A_444 : i1 to i32
      %cond3A_446 = arith.constant 0 : i32
      %cond3A_447 = arith.cmpi ne, %convert_element_type3A_445, %cond3A_446 : i32
      scf.if %cond3A_447 {
        %add3A_448 = arith.constant 2 : i32
        %add3A_449 = arith.addi %add3A_288, %add3A_448 : i32
        %mul3A_450 = arith.constant 8 : i32
        %mul3A_451 = arith.muli %add3A_449, %mul3A_450 : i32
        %add3A_452 = arith.addi %mul3A_2, %mul3A_451 : i32
        %dma_start3A_453 = arith.constant 1 : i32
        %dma_start3A_454 = arith.constant 0 : i32
        %dma_start3A_455 = arith.constant 0 : i32
        %dma_start3A_456 = tpu.memref_slice %arg7[%dma_start3A_453, %dma_start3A_454, %dma_start3A_455] : memref<2x8x64xi32, #tpu.memory_space<vmem>> -> memref<1x8x64xi32, #tpu.memory_space<vmem>>
        %dma_start3A_457 = tpu.memref_squeeze %dma_start3A_456 : memref<1x8x64xi32, #tpu.memory_space<vmem>> -> memref<8x64xi32, #tpu.memory_space<vmem>>
        %dma_start3A_458 = arith.constant 0 : i32
        %dma_start3A_459 = tpu.memref_slice %arg3[%add3A_452, %dma_start3A_458] : memref<5120x64xi32, #tpu.memory_space<hbm>> -> memref<8x64xi32, #tpu.memory_space<hbm>>
        %dma_start3A_460 = arith.constant 0 : i32
        %dma_start3A_461 = arith.constant 0 : i32
        %dma_start3A_462 = tpu.memref_slice %arg7[%dma_start3A_453, %dma_start3A_460, %dma_start3A_461] : memref<2x8x64xi32, #tpu.memory_space<vmem>> -> memref<1x8x64xi32, #tpu.memory_space<vmem>>
        %dma_start3A_463 = tpu.memref_squeeze %dma_start3A_462 : memref<1x8x64xi32, #tpu.memory_space<vmem>> -> memref<8x64xi32, #tpu.memory_space<vmem>>
        %dma_start3A_464 = arith.constant 0 : i32
        %dma_start3A_465 = tpu.memref_slice %arg3[%add3A_452, %dma_start3A_464] : memref<5120x64xi32, #tpu.memory_space<hbm>> -> memref<8x64xi32, #tpu.memory_space<hbm>>
        tpu.enqueue_dma source(%dma_start3A_465 : memref<8x64xi32, #tpu.memory_space<hbm>>) target(%dma_start3A_463 : memref<8x64xi32, #tpu.memory_space<vmem>>) target_semaphore(%arg15 : memref<!tpu.dma_semaphore, #tpu.memory_space<semaphore_mem>>)
        %mul3A_466 = arith.constant 8 : i32
        %mul3A_467 = arith.muli %add3A_449, %mul3A_466 : i32
        %add3A_468 = arith.addi %mul3A_2, %mul3A_467 : i32
        %dma_start3A_469 = arith.constant 1 : i32
        %dma_start3A_470 = arith.constant 0 : i32
        %dma_start3A_471 = arith.constant 0 : i32
        %dma_start3A_472 = tpu.memref_slice %arg8[%dma_start3A_469, %dma_start3A_470, %dma_start3A_471] : memref<2x8x64xi32, #tpu.memory_space<vmem>> -> memref<1x8x64xi32, #tpu.memory_space<vmem>>
        %dma_start3A_473 = tpu.memref_squeeze %dma_start3A_472 : memref<1x8x64xi32, #tpu.memory_space<vmem>> -> memref<8x64xi32, #tpu.memory_space<vmem>>
        %dma_start3A_474 = arith.constant 0 : i32
        %dma_start3A_475 = tpu.memref_slice %arg4[%add3A_468, %dma_start3A_474] : memref<5120x64xi32, #tpu.memory_space<hbm>> -> memref<8x64xi32, #tpu.memory_space<hbm>>
        %dma_start3A_476 = arith.constant 0 : i32
        %dma_start3A_477 = arith.constant 0 : i32
        %dma_start3A_478 = tpu.memref_slice %arg8[%dma_start3A_469, %dma_start3A_476, %dma_start3A_477] : memref<2x8x64xi32, #tpu.memory_space<vmem>> -> memref<1x8x64xi32, #tpu.memory_space<vmem>>
        %dma_start3A_479 = tpu.memref_squeeze %dma_start3A_478 : memref<1x8x64xi32, #tpu.memory_space<vmem>> -> memref<8x64xi32, #tpu.memory_space<vmem>>
        %dma_start3A_480 = arith.constant 0 : i32
        %dma_start3A_481 = tpu.memref_slice %arg4[%add3A_468, %dma_start3A_480] : memref<5120x64xi32, #tpu.memory_space<hbm>> -> memref<8x64xi32, #tpu.memory_space<hbm>>
        tpu.enqueue_dma source(%dma_start3A_481 : memref<8x64xi32, #tpu.memory_space<hbm>>) target(%dma_start3A_479 : memref<8x64xi32, #tpu.memory_space<vmem>>) target_semaphore(%arg15 : memref<!tpu.dma_semaphore, #tpu.memory_space<semaphore_mem>>)
      } else {
      }
    }
    %scan3A_119 = arith.constant 10 : i32
    %barrier3A_120 = arith.constant 0 : index
    tpu.barrier barrier_id(%barrier3A_120)
    %mul3A_121 = arith.constant 632 : i32
    %mul3A_122 = arith.muli %arg1, %mul3A_121 : i32
    %mul3A_123 = arith.constant 632 : i32
    %mul3A_124 = arith.muli %arg1, %mul3A_123 : i32
    "tpu.region"() ({
      %run_scoped3A = tpu.sem_alloc : memref<!tpu.dma_semaphore, #tpu.memory_space<semaphore_mem>>
      %dma_start3A_125 = arith.constant 0 : i32
      %dma_start3A_126 = tpu.memref_slice %arg6[%arg0, %mul3A_124, %dma_start3A_125] : memref<2x10112x128xf32, #tpu.memory_space<hbm>> -> memref<1x632x128xf32, #tpu.memory_space<hbm>>
      %dma_start3A_127 = tpu.memref_squeeze %dma_start3A_126 : memref<1x632x128xf32, #tpu.memory_space<hbm>> -> memref<632x128xf32, #tpu.memory_space<hbm>>
      %dma_start3A_128 = arith.constant 0 : i32
      %dma_start3A_129 = tpu.memref_slice %arg13[%mul3A_122, %dma_start3A_128] : memref<10112x128xf32, #tpu.memory_space<vmem_shared>> -> memref<632x128xf32, #tpu.memory_space<vmem_shared>>
      tpu.enqueue_dma source(%dma_start3A_129 : memref<632x128xf32, #tpu.memory_space<vmem_shared>>) target(%dma_start3A_127 : memref<632x128xf32, #tpu.memory_space<hbm>>) target_semaphore(%run_scoped3A : memref<!tpu.dma_semaphore, #tpu.memory_space<semaphore_mem>>)
      %dma_wait3A_130 = arith.constant 0 : i32
      %dma_wait3A_131 = tpu.memref_slice %arg6[%arg0, %mul3A_124, %dma_wait3A_130] : memref<2x10112x128xf32, #tpu.memory_space<hbm>> -> memref<1x632x128xf32, #tpu.memory_space<hbm>>
      %dma_wait3A_132 = tpu.memref_squeeze %dma_wait3A_131 : memref<1x632x128xf32, #tpu.memory_space<hbm>> -> memref<632x128xf32, #tpu.memory_space<hbm>>
      %dma_wait3A_133 = arith.constant 0 : i32
      %dma_wait3A_134 = tpu.memref_slice %arg13[%mul3A_122, %dma_wait3A_133] : memref<10112x128xf32, #tpu.memory_space<vmem_shared>> -> memref<632x128xf32, #tpu.memory_space<vmem_shared>>
      tpu.wait_dma2 semaphore(%run_scoped3A : memref<!tpu.dma_semaphore, #tpu.memory_space<semaphore_mem>>) src(%dma_wait3A_134 : memref<632x128xf32, #tpu.memory_space<vmem_shared>>) dst(%dma_wait3A_132 : memref<632x128xf32, #tpu.memory_space<hbm>>)
      tpu.yield
    }) : () -> ()
    return
  }
}

module attributes {stable_mosaic.version = 14 : i64} {
  func.func @_tc1_body(%arg0: memref<10000x128xf32, #tpu.memory_space<vmem>>, %arg1: memref<128x128xf32, #tpu.memory_space<vmem>>, %arg2: memref<32x10112xf32, #tpu.memory_space<vmem>>, %arg3: memref<10112x128xf32, #tpu.memory_space<vmem>>, %arg4: memref<10000x1xf32, #tpu.memory_space<vmem>>) attributes {dimension_semantics = [], scalar_prefetch = 0 : i64, scratch_operands = 0 : i64, tpu.core_type = #tpu.core_type<tc>} {
    %get3A = arith.constant 0 : index
    %get3A_0 = arith.constant 0 : index
    %get3A_1 = vector.load %arg2[%get3A, %get3A_0] : memref<32x10112xf32, #tpu.memory_space<vmem>>, vector<32x10112xf32>
    %broadcast_in_dim3A = arith.constant 1.000000e+00 : f32
    %broadcast_in_dim3A_2 = vector.broadcast %broadcast_in_dim3A : f32 to vector<32x1xf32>
    %dot_general3A = arith.constant dense<0.000000e+00> : vector<10112x1xf32>
    %dot_general3A_3 = tpu.matmul %get3A_1, %broadcast_in_dim3A_2, %dot_general3A {dimension_numbers = #tpu.dot_dimension_numbers<[0], [0], [1], [1], [0, 1, 1, 1], [], []>, transpose_lhs_hint = false} : vector<32x10112xf32>, vector<32x1xf32>, vector<10112x1xf32> -> vector<10112x1xf32>
    %slice3A = vector.extract_strided_slice %dot_general3A_3 {offsets = [0, 0], sizes = [10000, 1], strides = [1, 1]} : vector<10112x1xf32> to vector<10000x1xf32>
    %add3A = arith.constant 1.000000e+00 : f32
    %add3A_4 = vector.broadcast %add3A : f32 to vector<10000x1xf32>
    %add3A_5 = arith.addf %slice3A, %add3A_4 : vector<10000x1xf32>
    %rsqrt3A = math.rsqrt %add3A_5 : vector<10000x1xf32>
    %swap3A = arith.constant 0 : index
    %swap3A_6 = arith.constant 0 : index
    %swap3A_7 = vector.load %arg4[%swap3A, %swap3A_6] : memref<10000x1xf32, #tpu.memory_space<vmem>>, vector<10000x1xf32>
    tpu.vector_store %arg4[%swap3A, %swap3A_6], %rsqrt3A {strides = array<i32>} : memref<10000x1xf32, #tpu.memory_space<vmem>>, vector<10000x1xf32>,
    %get3A_8 = arith.constant 0 : index
    %get3A_9 = arith.constant 0 : index
    %get3A_10 = vector.load %arg0[%get3A_8, %get3A_9] : memref<10000x128xf32, #tpu.memory_space<vmem>>, vector<10000x128xf32>
    %get3A_11 = arith.constant 0 : index
    %get3A_12 = arith.constant 0 : index
    %get3A_13 = vector.load %arg1[%get3A_11, %get3A_12] : memref<128x128xf32, #tpu.memory_space<vmem>>, vector<128x128xf32>
    %dot_general3A_14 = arith.constant dense<0.000000e+00> : vector<10000x128xf32>
    %dot_general3A_15 = tpu.matmul %get3A_10, %get3A_13, %dot_general3A_14 {dimension_numbers = #tpu.dot_dimension_numbers<[1], [0], [0], [1], [0, 0, 1, 1], [], []>, transpose_lhs_hint = false} : vector<10000x128xf32>, vector<128x128xf32>, vector<10000x128xf32> -> vector<10000x128xf32>
    %mul3A = vector.broadcast %rsqrt3A : vector<10000x1xf32> to vector<10000x128xf32>
    %mul3A_16 = arith.mulf %dot_general3A_15, %mul3A : vector<10000x128xf32>
    %swap3A_17 = arith.constant 0 : index
    %swap3A_18 = arith.constant 0 : index
    %swap3A_19 = vector.load %arg3[%swap3A_17, %swap3A_18] : memref<10112x128xf32, #tpu.memory_space<vmem>>, vector<10000x128xf32>
    tpu.vector_store %arg3[%swap3A_17, %swap3A_18], %mul3A_16 {strides = array<i32>} : memref<10112x128xf32, #tpu.memory_space<vmem>>, vector<10000x128xf32>,
    %broadcast_in_dim3A_20 = arith.constant 0.000000e+00 : f32
    %broadcast_in_dim3A_21 = vector.broadcast %broadcast_in_dim3A_20 : f32 to vector<112x128xf32>
    %swap3A_22 = arith.constant 10000 : index
    %swap3A_23 = arith.constant 0 : index
    %swap3A_24 = vector.load %arg3[%swap3A_22, %swap3A_23] : memref<10112x128xf32, #tpu.memory_space<vmem>>, vector<112x128xf32>
    tpu.vector_store %arg3[%swap3A_22, %swap3A_23], %broadcast_in_dim3A_21 {strides = array<i32>} : memref<10112x128xf32, #tpu.memory_space<vmem>>, vector<112x128xf32>,
    return
  }
}

module attributes {stable_mosaic.version = 14 : i64} {
  func.func @_tc2_body(%arg0: memref<2x10112x128xf32, #tpu.memory_space<vmem>>, %arg1: memref<10112x128xf32, #tpu.memory_space<vmem>>, %arg2: memref<10000x1xf32, #tpu.memory_space<vmem>>, %arg3: memref<1x128xf32, #tpu.memory_space<vmem>>, %arg4: memref<1x128xf32, #tpu.memory_space<vmem>>, %arg5: memref<1x128xf32, #tpu.memory_space<vmem>>, %arg6: memref<128x128xf32, #tpu.memory_space<vmem>>, %arg7: memref<10000x128xf32, #tpu.memory_space<vmem>>, %arg8: memref<10112x128xf32, #tpu.memory_space<vmem>>) attributes {dimension_semantics = [], scalar_prefetch = 0 : i64, scratch_operands = 0 : i64, tpu.core_type = #tpu.core_type<tc>} {
    %get3A = arith.constant 0 : index
    %get3A_0 = arith.constant 0 : index
    %get3A_1 = arith.constant 0 : index
    %get3A_2 = vector.load %arg0[%get3A, %get3A_0, %get3A_1] : memref<2x10112x128xf32, #tpu.memory_space<vmem>>, vector<1x10000x128xf32>
    %get3A_3 = vector.shape_cast %get3A_2 : vector<1x10000x128xf32> to vector<10000x128xf32>
    %get3A_4 = arith.constant 1 : index
    %get3A_5 = arith.constant 0 : index
    %get3A_6 = arith.constant 0 : index
    %get3A_7 = vector.load %arg0[%get3A_4, %get3A_5, %get3A_6] : memref<2x10112x128xf32, #tpu.memory_space<vmem>>, vector<1x10000x128xf32>
    %get3A_8 = vector.shape_cast %get3A_7 : vector<1x10000x128xf32> to vector<10000x128xf32>
    %add3A = arith.addf %get3A_3, %get3A_8 : vector<10000x128xf32>
    %get3A_9 = arith.constant 0 : index
    %get3A_10 = arith.constant 0 : index
    %get3A_11 = vector.load %arg1[%get3A_9, %get3A_10] : memref<10112x128xf32, #tpu.memory_space<vmem>>, vector<10000x128xf32>
    %add3A_12 = arith.addf %add3A, %get3A_11 : vector<10000x128xf32>
    %get3A_13 = arith.constant 0 : index
    %get3A_14 = arith.constant 0 : index
    %get3A_15 = vector.load %arg2[%get3A_13, %get3A_14] : memref<10000x1xf32, #tpu.memory_space<vmem>>, vector<10000x1xf32>
    %mul3A = vector.broadcast %get3A_15 : vector<10000x1xf32> to vector<10000x128xf32>
    %mul3A_16 = arith.mulf %mul3A, %add3A_12 : vector<10000x128xf32>
    %get3A_17 = arith.constant 0 : index
    %get3A_18 = arith.constant 0 : index
    %get3A_19 = vector.load %arg3[%get3A_17, %get3A_18] : memref<1x128xf32, #tpu.memory_space<vmem>>, vector<1x128xf32>
    %add3A_20 = vector.broadcast %get3A_19 : vector<1x128xf32> to vector<10000x128xf32>
    %add3A_21 = arith.addf %mul3A_16, %add3A_20 : vector<10000x128xf32>
    %get3A_22 = arith.constant 0 : index
    %get3A_23 = arith.constant 0 : index
    %get3A_24 = vector.load %arg4[%get3A_22, %get3A_23] : memref<1x128xf32, #tpu.memory_space<vmem>>, vector<1x128xf32>
    %get3A_25 = arith.constant 0 : index
    %get3A_26 = arith.constant 0 : index
    %get3A_27 = vector.load %arg5[%get3A_25, %get3A_26] : memref<1x128xf32, #tpu.memory_space<vmem>>, vector<1x128xf32>
    %reduce_sum3A = arith.constant dense<0.000000e+00> : vector<128xf32>
    %reduce_sum3A_28 = vector.multi_reduction <add>, %add3A_21, %reduce_sum3A [0] : vector<10000x128xf32> to vector<128xf32>
    %broadcast_in_dim3A = vector.shape_cast %reduce_sum3A_28 : vector<128xf32> to vector<1x128xf32>
    %div3A = arith.constant 1.000000e+04 : f32
    %div3A_29 = vector.broadcast %div3A : f32 to vector<1x128xf32>
    %div3A_30 = arith.divf %broadcast_in_dim3A, %div3A_29 : vector<1x128xf32>
    %sub3A = vector.broadcast %div3A_30 : vector<1x128xf32> to vector<10000x128xf32>
    %sub3A_31 = arith.subf %add3A_21, %sub3A : vector<10000x128xf32>
    %sub3A_32 = vector.broadcast %div3A_30 : vector<1x128xf32> to vector<10000x128xf32>
    %sub3A_33 = arith.subf %add3A_21, %sub3A_32 : vector<10000x128xf32>
    %mul3A_34 = arith.mulf %sub3A_31, %sub3A_33 : vector<10000x128xf32>
    %reduce_sum3A_35 = arith.constant dense<0.000000e+00> : vector<128xf32>
    %reduce_sum3A_36 = vector.multi_reduction <add>, %mul3A_34, %reduce_sum3A_35 [0] : vector<10000x128xf32> to vector<128xf32>
    %broadcast_in_dim3A_37 = vector.shape_cast %reduce_sum3A_36 : vector<128xf32> to vector<1x128xf32>
    %div3A_38 = arith.constant 1.000000e+04 : f32
    %div3A_39 = vector.broadcast %div3A_38 : f32 to vector<1x128xf32>
    %div3A_40 = arith.divf %broadcast_in_dim3A_37, %div3A_39 : vector<1x128xf32>
    %sub3A_41 = vector.broadcast %div3A_30 : vector<1x128xf32> to vector<10000x128xf32>
    %sub3A_42 = arith.subf %add3A_21, %sub3A_41 : vector<10000x128xf32>
    %mul3A_43 = vector.broadcast %get3A_24 : vector<1x128xf32> to vector<10000x128xf32>
    %mul3A_44 = arith.mulf %mul3A_43, %sub3A_42 : vector<10000x128xf32>
    %add3A_45 = arith.constant 9.99999974E-6 : f32
    %add3A_46 = vector.broadcast %add3A_45 : f32 to vector<1x128xf32>
    %add3A_47 = arith.addf %div3A_40, %add3A_46 : vector<1x128xf32>
    %rsqrt3A = math.rsqrt %add3A_47 : vector<1x128xf32>
    %mul3A_48 = vector.broadcast %rsqrt3A : vector<1x128xf32> to vector<10000x128xf32>
    %mul3A_49 = arith.mulf %mul3A_44, %mul3A_48 : vector<10000x128xf32>
    %add3A_50 = vector.broadcast %get3A_27 : vector<1x128xf32> to vector<10000x128xf32>
    %add3A_51 = arith.addf %mul3A_49, %add3A_50 : vector<10000x128xf32>
    %max3A = arith.constant 0.000000e+00 : f32
    %max3A_52 = vector.broadcast %max3A : f32 to vector<10000x128xf32>
    %max3A_53 = arith.maximumf %add3A_51, %max3A_52 : vector<10000x128xf32>
    %swap3A = arith.constant 0 : index
    %swap3A_54 = arith.constant 0 : index
    %swap3A_55 = vector.load %arg7[%swap3A, %swap3A_54] : memref<10000x128xf32, #tpu.memory_space<vmem>>, vector<10000x128xf32>
    tpu.vector_store %arg7[%swap3A, %swap3A_54], %max3A_53 {strides = array<i32>} : memref<10000x128xf32, #tpu.memory_space<vmem>>, vector<10000x128xf32>,
    %get3A_56 = arith.constant 0 : index
    %get3A_57 = arith.constant 0 : index
    %get3A_58 = vector.load %arg6[%get3A_56, %get3A_57] : memref<128x128xf32, #tpu.memory_space<vmem>>, vector<128x128xf32>
    %dot_general3A = arith.constant dense<0.000000e+00> : vector<10000x128xf32>
    %dot_general3A_59 = tpu.matmul %max3A_53, %get3A_58, %dot_general3A {dimension_numbers = #tpu.dot_dimension_numbers<[1], [0], [0], [1], [0, 0, 1, 1], [], []>, transpose_lhs_hint = false} : vector<10000x128xf32>, vector<128x128xf32>, vector<10000x128xf32> -> vector<10000x128xf32>
    %get3A_60 = arith.constant 0 : index
    %get3A_61 = arith.constant 0 : index
    %get3A_62 = vector.load %arg2[%get3A_60, %get3A_61] : memref<10000x1xf32, #tpu.memory_space<vmem>>, vector<10000x1xf32>
    %mul3A_63 = vector.broadcast %get3A_62 : vector<10000x1xf32> to vector<10000x128xf32>
    %mul3A_64 = arith.mulf %dot_general3A_59, %mul3A_63 : vector<10000x128xf32>
    %swap3A_65 = arith.constant 0 : index
    %swap3A_66 = arith.constant 0 : index
    %swap3A_67 = vector.load %arg8[%swap3A_65, %swap3A_66] : memref<10112x128xf32, #tpu.memory_space<vmem>>, vector<10000x128xf32>
    tpu.vector_store %arg8[%swap3A_65, %swap3A_66], %mul3A_64 {strides = array<i32>} : memref<10112x128xf32, #tpu.memory_space<vmem>>, vector<10000x128xf32>,
    %broadcast_in_dim3A_68 = arith.constant 0.000000e+00 : f32
    %broadcast_in_dim3A_69 = vector.broadcast %broadcast_in_dim3A_68 : f32 to vector<112x128xf32>
    %swap3A_70 = arith.constant 10000 : index
    %swap3A_71 = arith.constant 0 : index
    %swap3A_72 = vector.load %arg8[%swap3A_70, %swap3A_71] : memref<10112x128xf32, #tpu.memory_space<vmem>>, vector<112x128xf32>
    tpu.vector_store %arg8[%swap3A_70, %swap3A_71], %broadcast_in_dim3A_69 {strides = array<i32>} : memref<10112x128xf32, #tpu.memory_space<vmem>>, vector<112x128xf32>,
    return
  }
}

module attributes {stable_mosaic.version = 14 : i64} {
  func.func @_tc3_body(%arg0: memref<2x10112x128xf32, #tpu.memory_space<vmem>>, %arg1: memref<10112x128xf32, #tpu.memory_space<vmem>>, %arg2: memref<10000x1xf32, #tpu.memory_space<vmem>>, %arg3: memref<1x128xf32, #tpu.memory_space<vmem>>, %arg4: memref<1x128xf32, #tpu.memory_space<vmem>>, %arg5: memref<1x128xf32, #tpu.memory_space<vmem>>, %arg6: memref<10000x128xf32, #tpu.memory_space<vmem>>, %arg7: memref<10000x1xi32, #tpu.memory_space<vmem>>, %arg8: memref<128x64xf32, #tpu.memory_space<vmem>>, %arg9: memref<1x64xf32, #tpu.memory_space<vmem>>, %arg10: memref<64x1xf32, #tpu.memory_space<vmem>>, %arg11: memref<1x1xf32, #tpu.memory_space<vmem>>, %arg12: memref<64x1xf32, #tpu.memory_space<vmem>>) attributes {dimension_semantics = [], scalar_prefetch = 0 : i64, scratch_operands = 0 : i64, tpu.core_type = #tpu.core_type<tc>} {
    %get3A = arith.constant 0 : index
    %get3A_0 = arith.constant 0 : index
    %get3A_1 = arith.constant 0 : index
    %get3A_2 = vector.load %arg0[%get3A, %get3A_0, %get3A_1] : memref<2x10112x128xf32, #tpu.memory_space<vmem>>, vector<1x10000x128xf32>
    %get3A_3 = vector.shape_cast %get3A_2 : vector<1x10000x128xf32> to vector<10000x128xf32>
    %get3A_4 = arith.constant 1 : index
    %get3A_5 = arith.constant 0 : index
    %get3A_6 = arith.constant 0 : index
    %get3A_7 = vector.load %arg0[%get3A_4, %get3A_5, %get3A_6] : memref<2x10112x128xf32, #tpu.memory_space<vmem>>, vector<1x10000x128xf32>
    %get3A_8 = vector.shape_cast %get3A_7 : vector<1x10000x128xf32> to vector<10000x128xf32>
    %add3A = arith.addf %get3A_3, %get3A_8 : vector<10000x128xf32>
    %get3A_9 = arith.constant 0 : index
    %get3A_10 = arith.constant 0 : index
    %get3A_11 = vector.load %arg1[%get3A_9, %get3A_10] : memref<10112x128xf32, #tpu.memory_space<vmem>>, vector<10000x128xf32>
    %add3A_12 = arith.addf %add3A, %get3A_11 : vector<10000x128xf32>
    %get3A_13 = arith.constant 0 : index
    %get3A_14 = arith.constant 0 : index
    %get3A_15 = vector.load %arg2[%get3A_13, %get3A_14] : memref<10000x1xf32, #tpu.memory_space<vmem>>, vector<10000x1xf32>
    %mul3A = vector.broadcast %get3A_15 : vector<10000x1xf32> to vector<10000x128xf32>
    %mul3A_16 = arith.mulf %mul3A, %add3A_12 : vector<10000x128xf32>
    %get3A_17 = arith.constant 0 : index
    %get3A_18 = arith.constant 0 : index
    %get3A_19 = vector.load %arg3[%get3A_17, %get3A_18] : memref<1x128xf32, #tpu.memory_space<vmem>>, vector<1x128xf32>
    %add3A_20 = vector.broadcast %get3A_19 : vector<1x128xf32> to vector<10000x128xf32>
    %add3A_21 = arith.addf %mul3A_16, %add3A_20 : vector<10000x128xf32>
    %get3A_22 = arith.constant 0 : index
    %get3A_23 = arith.constant 0 : index
    %get3A_24 = vector.load %arg4[%get3A_22, %get3A_23] : memref<1x128xf32, #tpu.memory_space<vmem>>, vector<1x128xf32>
    %get3A_25 = arith.constant 0 : index
    %get3A_26 = arith.constant 0 : index
    %get3A_27 = vector.load %arg5[%get3A_25, %get3A_26] : memref<1x128xf32, #tpu.memory_space<vmem>>, vector<1x128xf32>
    %reduce_sum3A = arith.constant dense<0.000000e+00> : vector<128xf32>
    %reduce_sum3A_28 = vector.multi_reduction <add>, %add3A_21, %reduce_sum3A [0] : vector<10000x128xf32> to vector<128xf32>
    %broadcast_in_dim3A = vector.shape_cast %reduce_sum3A_28 : vector<128xf32> to vector<1x128xf32>
    %div3A = arith.constant 1.000000e+04 : f32
    %div3A_29 = vector.broadcast %div3A : f32 to vector<1x128xf32>
    %div3A_30 = arith.divf %broadcast_in_dim3A, %div3A_29 : vector<1x128xf32>
    %sub3A = vector.broadcast %div3A_30 : vector<1x128xf32> to vector<10000x128xf32>
    %sub3A_31 = arith.subf %add3A_21, %sub3A : vector<10000x128xf32>
    %sub3A_32 = vector.broadcast %div3A_30 : vector<1x128xf32> to vector<10000x128xf32>
    %sub3A_33 = arith.subf %add3A_21, %sub3A_32 : vector<10000x128xf32>
    %mul3A_34 = arith.mulf %sub3A_31, %sub3A_33 : vector<10000x128xf32>
    %reduce_sum3A_35 = arith.constant dense<0.000000e+00> : vector<128xf32>
    %reduce_sum3A_36 = vector.multi_reduction <add>, %mul3A_34, %reduce_sum3A_35 [0] : vector<10000x128xf32> to vector<128xf32>
    %broadcast_in_dim3A_37 = vector.shape_cast %reduce_sum3A_36 : vector<128xf32> to vector<1x128xf32>
    %div3A_38 = arith.constant 1.000000e+04 : f32
    %div3A_39 = vector.broadcast %div3A_38 : f32 to vector<1x128xf32>
    %div3A_40 = arith.divf %broadcast_in_dim3A_37, %div3A_39 : vector<1x128xf32>
    %sub3A_41 = vector.broadcast %div3A_30 : vector<1x128xf32> to vector<10000x128xf32>
    %sub3A_42 = arith.subf %add3A_21, %sub3A_41 : vector<10000x128xf32>
    %mul3A_43 = vector.broadcast %get3A_24 : vector<1x128xf32> to vector<10000x128xf32>
    %mul3A_44 = arith.mulf %mul3A_43, %sub3A_42 : vector<10000x128xf32>
    %add3A_45 = arith.constant 9.99999974E-6 : f32
    %add3A_46 = vector.broadcast %add3A_45 : f32 to vector<1x128xf32>
    %add3A_47 = arith.addf %div3A_40, %add3A_46 : vector<1x128xf32>
    %rsqrt3A = math.rsqrt %add3A_47 : vector<1x128xf32>
    %mul3A_48 = vector.broadcast %rsqrt3A : vector<1x128xf32> to vector<10000x128xf32>
    %mul3A_49 = arith.mulf %mul3A_44, %mul3A_48 : vector<10000x128xf32>
    %add3A_50 = vector.broadcast %get3A_27 : vector<1x128xf32> to vector<10000x128xf32>
    %add3A_51 = arith.addf %mul3A_49, %add3A_50 : vector<10000x128xf32>
    %max3A = arith.constant 0.000000e+00 : f32
    %max3A_52 = vector.broadcast %max3A : f32 to vector<10000x128xf32>
    %max3A_53 = arith.maximumf %add3A_51, %max3A_52 : vector<10000x128xf32>
    %get3A_54 = arith.constant 0 : index
    %get3A_55 = arith.constant 0 : index
    %get3A_56 = vector.load %arg6[%get3A_54, %get3A_55] : memref<10000x128xf32, #tpu.memory_space<vmem>>, vector<10000x128xf32>
    %add3A_57 = arith.addf %max3A_53, %get3A_56 : vector<10000x128xf32>
    %iota3A = tpu.iota {dimensions = array<i32: 1>} : vector<10000x64xi32>
    %get3A_58 = arith.constant 0 : index
    %get3A_59 = arith.constant 0 : index
    %get3A_60 = vector.load %arg7[%get3A_58, %get3A_59] : memref<10000x1xi32, #tpu.memory_space<vmem>>, vector<10000x1xi32>
    %eq3A = vector.broadcast %get3A_60 : vector<10000x1xi32> to vector<10000x64xi32>
    %eq3A_61 = arith.cmpi eq, %eq3A, %iota3A : vector<10000x64xi32>
    %convert_element_type3A = arith.extui %eq3A_61 : vector<10000x64xi1> to vector<10000x64xi32>
    %convert_element_type3A_62 = arith.sitofp %convert_element_type3A : vector<10000x64xi32> to vector<10000x64xf32>
    %reduce_sum3A_63 = arith.constant dense<0.000000e+00> : vector<64xf32>
    %reduce_sum3A_64 = vector.multi_reduction <add>, %convert_element_type3A_62, %reduce_sum3A_63 [0] : vector<10000x64xf32> to vector<64xf32>
    %broadcast_in_dim3A_65 = vector.shape_cast %reduce_sum3A_64 : vector<64xf32> to vector<1x64xf32>
    %dot_general3A = arith.constant dense<0.000000e+00> : vector<64x128xf32>
    %dot_general3A_66 = tpu.matmul %convert_element_type3A_62, %add3A_57, %dot_general3A {dimension_numbers = #tpu.dot_dimension_numbers<[0], [0], [1], [1], [0, 1, 1, 1], [], []>, transpose_lhs_hint = false} : vector<10000x64xf32>, vector<10000x128xf32>, vector<64x128xf32> -> vector<64x128xf32>
    %max3A_67 = arith.constant 1.000000e+00 : f32
    %max3A_68 = vector.broadcast %max3A_67 : f32 to vector<1x64xf32>
    %max3A_69 = arith.maximumf %broadcast_in_dim3A_65, %max3A_68 : vector<1x64xf32>
    %reshape3A = vector.shape_cast %max3A_69 : vector<1x64xf32> to vector<64x1xf32>
    %div3A_70 = vector.broadcast %reshape3A : vector<64x1xf32> to vector<64x128xf32>
    %div3A_71 = arith.divf %dot_general3A_66, %div3A_70 : vector<64x128xf32>
    %get3A_72 = arith.constant 0 : index
    %get3A_73 = arith.constant 0 : index
    %get3A_74 = vector.load %arg8[%get3A_72, %get3A_73] : memref<128x64xf32, #tpu.memory_space<vmem>>, vector<128x64xf32>
    %dot_general3A_75 = arith.constant dense<0.000000e+00> : vector<64x64xf32>
    %dot_general3A_76 = tpu.matmul %div3A_71, %get3A_74, %dot_general3A_75 {dimension_numbers = #tpu.dot_dimension_numbers<[1], [0], [0], [1], [0, 0, 1, 1], [], []>, transpose_lhs_hint = false} : vector<64x128xf32>, vector<128x64xf32>, vector<64x64xf32> -> vector<64x64xf32>
    %get3A_77 = arith.constant 0 : index
    %get3A_78 = arith.constant 0 : index
    %get3A_79 = vector.load %arg9[%get3A_77, %get3A_78] : memref<1x64xf32, #tpu.memory_space<vmem>>, vector<1x64xf32>
    %add3A_80 = vector.broadcast %get3A_79 : vector<1x64xf32> to vector<64x64xf32>
    %add3A_81 = arith.addf %dot_general3A_76, %add3A_80 : vector<64x64xf32>
    %max3A_82 = arith.constant 0.000000e+00 : f32
    %max3A_83 = vector.broadcast %max3A_82 : f32 to vector<64x64xf32>
    %max3A_84 = arith.maximumf %add3A_81, %max3A_83 : vector<64x64xf32>
    %get3A_85 = arith.constant 0 : index
    %get3A_86 = arith.constant 0 : index
    %get3A_87 = vector.load %arg10[%get3A_85, %get3A_86] : memref<64x1xf32, #tpu.memory_space<vmem>>, vector<64x1xf32>
    %dot_general3A_88 = arith.constant dense<0.000000e+00> : vector<64x1xf32>
    %dot_general3A_89 = tpu.matmul %max3A_84, %get3A_87, %dot_general3A_88 {dimension_numbers = #tpu.dot_dimension_numbers<[1], [0], [0], [1], [0, 0, 1, 1], [], []>, transpose_lhs_hint = false} : vector<64x64xf32>, vector<64x1xf32>, vector<64x1xf32> -> vector<64x1xf32>
    %get3A_90 = arith.constant 0 : index
    %get3A_91 = arith.constant 0 : index
    %get3A_92 = vector.load %arg11[%get3A_90, %get3A_91] : memref<1x1xf32, #tpu.memory_space<vmem>>, vector<1x1xf32>
    %add3A_93 = vector.broadcast %get3A_92 : vector<1x1xf32> to vector<64x1xf32>
    %add3A_94 = arith.addf %dot_general3A_89, %add3A_93 : vector<64x1xf32>
    %logistic3A = arith.negf %add3A_94 : vector<64x1xf32>
    %logistic3A_95 = math.exp %logistic3A : vector<64x1xf32>
    %logistic3A_96 = arith.constant 1.000000e+00 : f32
    %logistic3A_97 = vector.broadcast %logistic3A_96 : f32 to vector<64x1xf32>
    %logistic3A_98 = arith.addf %logistic3A_97, %logistic3A_95 : vector<64x1xf32>
    %logistic3A_99 = arith.divf %logistic3A_97, %logistic3A_98 : vector<64x1xf32>
    %swap3A = arith.constant 0 : index
    %swap3A_100 = arith.constant 0 : index
    %swap3A_101 = vector.load %arg12[%swap3A, %swap3A_100] : memref<64x1xf32, #tpu.memory_space<vmem>>, vector<64x1xf32>
    tpu.vector_store %arg12[%swap3A, %swap3A_100], %logistic3A_99 {strides = array<i32>} : memref<64x1xf32, #tpu.memory_space<vmem>>, vector<64x1xf32>,
    return
  }
}

</mosaic_0001>

<sc_bundles>
// kernel: kernel.11.cloned.1.call-start
scs
__scs_entry_jumppad:
0x0: {  	(pc) =	sbr.rel $0x88, $3  }
0x1: {  	(tag) =	ssettag $0x0;
	lr =	simm.s32 $0x1  }
0x2: {  	[smem:$0x3F92] =	sst lr;
	_ =	strace $0xD0000000  }
0x3: {  	_ = 	snop  }
0x4: {  	_ = 	snop  }
0x5: {  	_ = 	snop  }
0x6: {  	_ = 	snop  }
0x7: {  	_ = 	snop  }
__scs_overlays_trampoline_lowered:
0x8: {  	[smem:$0x3FA1] =	sst s0  }
0x9: {  	[smem:$0x3FA2] =	sst s1  }
0xa: {  	[smem:$0x3FA3] =	sst s2  }
0xb: {  	[smem:$0x3FA4] =	sst s3  }
0xc: {  	[smem:$0x3FA5] =	sst s4  }
0xd: {  	[smem:$0x3FA6] =	sst s5  }
0xe: {  	[smem:$0x3FA7] =	sst s6  }
0xf: {  	[smem:$0x3FA8] =	sst s7  }
0x10: {  	[smem:$0x3FA9] =	sst s8  }
0x11: {  	[smem:$0x3FAA] =	sst s9;
	s0 =	simm.s32 @!p0 $0x0  }
0x12: {  	s1 =	sld [smem:$0x3F90];
	s0 =	simm.s32 @p0 $0x1  }
0x13: {  	[smem:$0x3FAB] =	sst s0;
	s0 =	simm.s32 @!p1 $0x0  }
0x14: {  	s2 =	sld [smem:$0x3F8F];
	s0 =	simm.s32 @p1 $0x1  }
0x15: {  	[smem:$0x3FAC] =	sst s0;
	s0 =	simm.s32 @!p2 $0x0  }
0x16: {  	s3 =	sld [smem:$0x3FDB];
	s0 =	simm.s32 @p2 $0x1  }
0x17: {  	s4 =	simm.s32 $0x1BF5;
	[smem:$0x3FAE] =	sst s0  }
0x18: {  	s0 =	sld [smem:$0x3F91];
	_ =	swait.ge [sflag:s4], $0x0  }
0x19: {  	s7 =	sld [smem:$0x3F92]  }
0x1a: {  	s8 =	sadd.s32 $0xFFFFE003, lr  }
0x1b: {  	s9 =	sadd.s32 $0xFFFFFEF7, lr;
	s5 =	simm.s32 $0xFFFFFFFF;
	p2 =	slt.u32 s8, $0xFFFFF086  }
0x1c: {  	p1 =	slt.u32 s9, $0xF7A;
	s5 =	simm.s32 @!p2 $0x0  }
0x1d: {  	s5 =	simm.s32 @p1 $0x1;
	p0 =	seq.s32 s7, s2  }
0x1e: {  	s7 =	smul.u32 @!p0 $0xF7A, s2;
	p2 =	seq.s32 @!p0 s5, $0x0  }
0x1f: {  	s9 =	smul.u32 $0xF7A, s1;
	s8 =	simm.s32 @!p0 $0x1BF5;
	p2 =	por !p2, p0  }
0x20: {  	[sflag:s8] =	ssyncset.s32 @!p0 $0xFFFFF086;
	s6 =	sadd.s32 @!p0 s3, s7;
	s7 =	simm.s32 @!p0 $0x108  }
0x21: {  	s3 =	sadd.s32 s3, s9;
	s6 =	sadd.s32 @!p0 $0x88, s6;
	s7 =	simm.s32 @p2 $0x1082  }
0x22: {  	[simem:s7], [sflag:s8] =	dma.local @!p0 [hbm:s6], $0xF7A  }
0x23: {  	s9 =	sor.u32 $0xD0000000, s2;
	s6 =	simm.s32 $0x108;
	_ =	swait.ge @!p0 [sflag:s8], $0x0  }
0x24: {  	s3 =	sadd.s32 $0x88, s3;
	s6 =	simm.s32 @!p1 $0x1082;
	[sflag:s4] =	ssyncset.s32 $0xFFFFF086  }
0x25: {  	[simem:s6], [sflag:s4] =	dma.local [hbm:s3], $0xF7A  }
0x26: {  	[smem:$0x3F92] =	sst s1;
	(tag) =	ssettag s2;
	_ =	strace s9  }
0x27: {  	s1 =	sld [smem:$0x3FA2]  }
0x28: {  	s2 =	sld [smem:$0x3FA3]  }
0x29: {  	s4 =	sld [smem:$0x3FA5]  }
0x2a: {  	p0 =	seq.s32 s5, $0x0;
	s5 =	sld [smem:$0x3FA6]  }
0x2b: {  	s6 =	sld [smem:$0x3FA7]  }
0x2c: {  	s7 =	sld [smem:$0x3FA8]  }
0x2d: {  	s3 =	simm.s32 $0x108;
	s8 =	sld [smem:$0x3FA9]  }
0x2e: {  	s3 =	simm.s32 @!p0 $0x1082;
	s9 =	sld [smem:$0x3FAA]  }
0x2f: {  	lr =	sadd.s32 s0, s3;
	s0 =	sld [smem:$0x3FA1]  }
0x30: {  	s3 =	sld [smem:$0x3FA4]  }
0x31: {  	[smem:$0x3FAD] =	sst s10  }
0x32: {  	s10 =	sld [smem:$0x3FAB];
	_ =	sdelay $0x3  }
0x33: {  	p0 =	seq.s32 s10, $0x1;
	s10 =	sld [smem:$0x3FAD];
	_ =	sdelay $0x3  }
0x34: {  	[smem:$0x3FAD] =	sst s10  }
0x35: {  	s10 =	sld [smem:$0x3FAC];
	_ =	sdelay $0x3  }
0x36: {  	p1 =	seq.s32 s10, $0x1;
	s10 =	sld [smem:$0x3FAD];
	_ =	sdelay $0x3  }
0x37: {  	[smem:$0x3FAD] =	sst s10  }
0x38: {  	s10 =	sld [smem:$0x3FAE]  }
0x39: {  	_ = 	snop;
	(pc) =	sbr.ind lr, $3  }
0x3a: {  	_ = 	snop  }
0x3b: {  	_ = 	snop  }
0x3c: {  	p2 =	seq.s32 s10, $0x1;
	s10 =	sld [smem:$0x3FAD]  }
0x3d: {  	_ =	shalt  }
0x3e: {  	_ =	shalt  }
0x3f: {  	_ =	shalt  }
0x40: {  	_ =	shalt  }
0x41: {  	_ =	shalt  }
0x42: {  	_ =	shalt  }
0x43: {  	_ =	shalt  }
0x44: {  	_ =	shalt  }
0x45: {  	_ =	shalt  }
0x46: {  	_ =	shalt  }
0x47: {  	_ =	shalt  }
0x48: {  	_ =	shalt  }
0x49: {  	_ =	shalt  }
0x4a: {  	_ =	shalt  }
0x4b: {  	_ =	shalt  }
0x4c: {  	_ =	shalt  }
0x4d: {  	_ =	shalt  }
0x4e: {  	_ =	shalt  }
0x4f: {  	_ =	shalt  }
0x50: {  	_ =	shalt  }
0x51: {  	_ =	shalt  }
0x52: {  	_ =	shalt  }
0x53: {  	_ =	shalt  }
0x54: {  	_ =	shalt  }
0x55: {  	_ =	shalt  }
0x56: {  	_ =	shalt  }
0x57: {  	_ =	shalt  }
0x58: {  	_ =	shalt  }
0x59: {  	_ =	shalt  }
0x5a: {  	_ =	shalt  }
0x5b: {  	_ =	shalt  }
0x5c: {  	_ =	shalt  }
0x5d: {  	_ =	shalt  }
0x5e: {  	_ =	shalt  }
0x5f: {  	_ =	shalt  }
0x60: {  	_ =	shalt  }
0x61: {  	_ =	shalt  }
0x62: {  	_ =	shalt  }
0x63: {  	_ =	shalt  }
0x64: {  	_ =	shalt  }
0x65: {  	_ =	shalt  }
0x66: {  	_ =	shalt  }
0x67: {  	_ =	shalt  }
0x68: {  	_ =	shalt  }
0x69: {  	_ =	shalt  }
0x6a: {  	_ =	shalt  }
0x6b: {  	_ =	shalt  }
0x6c: {  	_ =	shalt  }
0x6d: {  	_ =	shalt  }
0x6e: {  	_ =	shalt  }
0x6f: {  	_ =	shalt  }
0x70: {  	_ =	shalt  }
0x71: {  	_ =	shalt  }
0x72: {  	_ =	shalt  }
0x73: {  	_ =	shalt  }
0x74: {  	_ =	shalt  }
0x75: {  	_ =	shalt  }
0x76: {  	_ =	shalt  }
0x77: {  	_ =	shalt  }
0x78: {  	_ =	shalt  }
0x79: {  	_ =	shalt  }
0x7a: {  	_ =	shalt  }
0x7b: {  	_ =	shalt  }
0x7c: {  	_ =	shalt  }
0x7d: {  	_ =	shalt  }
0x7e: {  	_ =	shalt  }
0x7f: {  	_ =	shalt  }
0x80: {  	_ =	shalt  }
0x81: {  	_ =	shalt  }
0x82: {  	_ =	shalt  }
0x83: {  	_ =	shalt  }
0x84: {  	_ =	shalt  }
0x85: {  	_ =	shalt  }
0x86: {  	_ =	shalt  }
0x87: {  	_ =	shalt  }
.Lfunc_end0:
.L_simem_size_0:
called_computation.1_lowered:
.L_overlay_start_0:
0x88: {  	s2 =	sld [smem:$0x3FD9]  }
0x89: {  	s3 =	sld [smem:$0x3FFE];
	_ =	sdelay $0x1  }
0x8a: {  	s1 =	srdreg.scid  }
0x8b: {  	s0 =	sand.u32 $0x1, s1  }
0x8c: {  	s16 =	sshll.u32 s0, $0xA;
	s2 =	sadd.s32 s3, s2  }
0x8d: {  	s2 =	sadd.s32 s2, s16  }
0x8e: {  	[smem:$0x3FB9] =	sst s2  }
0x8f: {  	_ = 	snop  }
0x90: {  	(tm) =	ssettm $0x1  }
0x91: {  	s17 =	sld [smem:$0x3FFB];
	_ =	sdelay $0x3  }
0x92: {  	_ =	strace s17  }
0x93: {  	s2 =	sld [smem:$0x3FFC];
	_ =	sdelay $0x3  }
0x94: {  	_ =	strace s2  }
0x95: {  	s2 =	sld [smem:$0x3FFD];
	_ =	sdelay $0x3  }
0x96: {  	_ =	strace s2  }
0x97: {  	_ =	strace $0x8FFFFFFF  }
0x98: {  	s18 =	sld [smem:$0x3FDB];
	_ =	sdelay $0x1  }
0x99: {  	s19 =	simm.s32 $_scs_section_size  }
0x9a: {  	s4 =	simm.s32 $_size__tile_overlayer_lowered;
	s5 =	simm.s32 $_tile_overlayer_lowered  }
0x9b: {  	s22 =	simm.s32 $0x1BFF;
	s21 =	sshll.u32 s5, $0x1;
	s2 =	sadd.s32 s19, s18  }
0x9c: {  	s6 =	simm.s32 $0x0;
	s20 =	sshll.u32 s4, $0x1;
	s4 =	sadd.s32 s21, s2  }
0x9d: {  	[timem:s6], [sflag:s22] =	dma.local [hbm:s4], s20  }
0x9e: {  	_ =	swait.ge [sflag:s22], s20  }
0x9f: {  	s3 =	ssub.s32 $0x0, s20;
	[sflag:s22] =	ssyncset.done $0x0  }
0xa0: {  	[sflag:s22] =	ssyncadd.s32 s3;
	_ =	sdelay $0x1  }
0xa1: {  	s23 =	simm.s32 $0x1B8B  }
0xa2: {  	_ =	swait.ge [sflag:s23], $0x1  }
0xa3: {  	[sflag:s23] =	ssyncset.done $0x0  }
0xa4: {  	s25 =	simm.s32 $0x1B8E;
	s24 =	sld [smem:$0x3FFE];
	[sflag:s23] =	ssyncadd.s32 $0xFFFFFFFF  }
0xa5: {  	s26 =	simm.s32 $execute0_lowered;
	[smem:$0x3FD2] =	sst s25  }
0xa6: {  	s4 =	sshll.u32 s26, $0x1;
	_ =	strace $0x80000049;
	[dreg:$0x1] =	wrdreg $0xFFFFFFFF  }
0xa7: {  	s28 =	simm.s32 $_size_execute0_lowered;
	s2 =	sadd.s32 s2, s4;
	[dreg:$0x0] =	wrdreg $0x0  }
0xa8: {  	s4 =	sshll.u32 s28, $0x1;
	[dreg:$0x2] =	wrdreg s2  }
0xa9: {  	[dreg:$0x3] =	wrdreg s4  }
0xaa: {  	[dreg:$0x4] =	wrdreg $0xC0  }
0xab: {  	_ =	task [dreg:s6], $0x5FFFF  }
0xac: {  	[dreg:$0x1] =	wrdreg $0xFFFFFFFF  }
0xad: {  	[dreg:$0x0] =	wrdreg $0x60  }
0xae: {  	[dreg:$0x2] =	wrdreg s24  }
0xaf: {  	[dreg:$0x3] =	wrdreg $0x90000  }
0xb0: {  	[dreg:$0x4] =	wrdreg $0x9  }
0xb1: {  	_ =	task.clear_ibuf [dreg:s6], $0x5FFFF;
	_ =	strace $0x90000049  }
0xb2: {  	s29 =	simm.s32 $0x9;
	_ =	strace $0x8000004B  }
0xb3: {  	_ =	swait.ge [sflag:s29], $0x1  }
0xb4: {  	[sflag:s29] =	ssyncadd.s32 $0xFFFFFFFF  }
0xb5: {  	_ =	strace $0x9000004B  }
0xb6: {  	_ =	sfence  }
0xb7: {  	s30 =	sld [smem:$0x0];
	_ =	sdelay $0x2  }
0xb8: {  	s31 =	sshll.u32 s1, $0xD;
	s1 =	sshrl.u32 s1, $0x2  }
0xb9: {  	s3 =	sand.u32 $0x4000, s31;
	s1 =	sadd.s32 s1, s30  }
0xba: {  	s0 =	sor.u32 s3, s0;
	s1 =	sshll.u32 s1, $0x11  }
0xbb: {  	s0 =	sor.u32 s1, s0  }
0xbc: {  	s0 =	sadd.s32 $0x8F2B, s0  }
0xbd: {  	[sflag:s0] =	ssyncadd.remote.s32 $0x1  }
0xbe: {  	_ =	sfence.sel $0xFFFF  }
0xbf: {  	[dreg:$0x0] =	wrdreg $0xFFFFFFFF;
	(pc) =	sbr.abs _section_cstart, $3  }
0xc0: {  	[dreg:$0x1] =	wrdreg $0xFFFFFFFF  }
0xc1: {  	_ =	task.clear_ibuf [dreg:s6], $0x2FFFF;
	_ =	strace $0x9FFFFFFF  }
0xc2: {  	(tm) =	ssettm $0x7FFFFFFF  }
0xc3: {  	_ =	shalt  }
tec
execute0_lowered:
.L_overlay_start_1:
0x0: {  	(tag) =	ssettag $0x1  }
0x1: {  	s0 =	rddreg [dreg:$0x0]  }
0x2: {  	s2 =	rddreg [dreg:$0x1];
	s12 =	stileid.u32  }
0x3: {  	s1 =	srdreg.scid;
	s5 =	smul.u32 $0x13C00, s12  }
0x4: {  	s3 =	simm.s32 $0x0;
	s29 =	simm.s32 $0x5000;
	s11 =	smul.u32 $0x4F000, s12  }
0x5: {  	s31 =	simm.s32 $0x7000;
	s28 =	simm.s32 $0x0;
	s23 =	smul.u32 $0x14, s12  }
0x6: {  	s1 =	sand.u32 $0x1, s1;
	[smem:$0x7FF] =	sst s3;
	s25 =	smul.u32 $0xA00, s12  }
0x7: {  	s4 =	sadd.s32 $0x3FA00, s0;
	s7 =	sadd.s32 $0x2BA00, s0;
	s6 =	smul.u32 $0x13C000, s1  }
0x8: {  	s18 =	sshll.u32 s12, $0x6;
	_ =	strace $0x8000004A;
	s20 =	smul.u32 $0xA000, s1  }
0x9: {  	s9 =	ssub.s32 $0x2, s1;
	s10 =	sshll.u32 s1, $0x4;
	s1 =	smul.u32 $0x140, s1  }
0xa: {  	s8 =	sshrl.u32 s5, $0x3;
	s16 =	sshrl.u32 s9, $0x1;
	s10 =	sor.u32 s12, s10  }
0xb: {  	s17 =	sshrl.u32 s11, $0x2;
	s11 =	simm.s32 $0xE00;
	s12 =	simm.s32 $0xF00  }
0xc: {  	s5 =	sadd.s32 s5, s6;
	s6 =	sadd.s32 $0x17A00, s0;
	s8 =	sadd.s32 s8, s0  }
0xd: {  	s10 =	smul.u32 $0xA00, s10;
	s1 =	sadd.s32 s23, s1;
	s23 =	simm.s32 $0x40  }
0xe: {  	s5 =	sshrl.u32 s5, $0x3;
	s8 =	sadd.s32 $0x67200, s8;
	s26 =	sadd.s32 s20, s6  }
0xf: {  	s1 =	sshll.u32 s1, $0x7;
	s0 =	sadd.s32 s5, s0;
	s5 =	ssub.s32 s9, s16  }
0x10: {  	s9 =	sadd.s32 s17, s2;
	[dreg:$0x3] =	wrdreg s8;
	s17 =	sor.u32 $0x1C03, s18  }
0x11: {  	s19 =	sadd.s32 s7, s10;
	s21 =	sadd.s32 s6, s10;
	s10 =	sor.u32 $0x80, s10  }
0x12: {  	s8 =	sadd.s32 s20, s7;
	s30 =	sor.u32 $0x100, s1;
	[dreg:$0x5] =	wrdreg s19  }
0x13: {  	s18 =	simm.s32 $0x3;
	s20 =	simm.s32 $0x400;
	[dreg:$0x6] =	wrdreg s21  }
0x14: {  	s22 =	sadd.s32 s7, s10;
	s10 =	sadd.s32 s6, s10;
	s0 =	sadd.s32 $0x8EA00, s0  }
0x15: {  	s24 =	smax.u32 s5, $0x1;
	s5 =	sadd.s32 s25, s26;
	s15 =	sadd.s32 s30, s7  }
0x16: {  	s16 =	sadd.s32 s30, s6;
	s19 =	sshrl.u32 s9, $0x3;
	[dreg:$0x4] =	wrdreg s17  }
0x17: {  	s21 =	simm.s32 $0xC00;
	s26 =	simm.s32 $0x3000;
	[dreg:$0x7] =	wrdreg s22  }
0x18: {  	s7 =	simm.s32 $0xD00;
	s9 =	simm.s32 $0xD80;
	[dreg:$0x8] =	wrdreg s10  }
.Ltmp0:
0x19: {  	s6 =	simm.s32 $0xF80;
	[dreg:$0x9] =	wrdreg s0;
	(pc) =	sbr.rel .LBB2_1-.Ltmp0, $4  }
0x1a: {  	[dreg:$0xa] =	wrdreg s24;
	s0 =	sadd.s32 s25, s8;
	s13 =	sadd.s32 $0x180, s5  }
0x1b: {  	s22 =	simm.s32 $0x2;
	s24 =	simm.s32 $0x1000;
	s25 =	simm.s32 $0xC80  }
0x1c: {  	s5 =	simm.s32 $0x680;
	s8 =	simm.s32 $0x700;
	s10 =	simm.s32 $0x780  }
0x1d: {  	[dreg:$0xb] =	wrdreg s19;
	s14 =	sadd.s32 $0x180, s0;
	s0 =	simm.s32 $0x1  }
.LBB2_4:
0x1e: {  	_ =	swait.ge [sflag:s0], $0x2000  }
0x1f: {  	[sflag:s0] =	ssyncset.done $0x0  }
0x20: {  	[sflag:s0] =	ssyncadd.s32 $0xFFFFE000  }
0x21: {  	[spmem:s2] =	stream.indirect.scatter.add.f32 [tilespmem:s31], [sflag:$0x3], $0x80, s6, s23, $0xb8;
	[tilespmem:$0x1CC00] =	vst v63  }
0x22: {  	_ =	swait.ge [sflag:s18], $0x2000  }
0x23: {  	[sflag:s18] =	ssyncset.done $0x0  }
0x24: {  	[sflag:s18] =	ssyncadd.s32 $0xFFFFE000  }
0x25: {  	[bflag:$0x0] =	sbarrier.arrive $0xFFFF  }
0x26: {  	s17 =	rddreg [dreg:$0x4]  }
0x27: {  	s1 =	rddreg [dreg:$0x9]  }
0x28: {  	s19 =	rddreg [dreg:$0xb]  }
0x29: {  	[hbm:s1], [sflag:s17] =	dma.local [spmem:s19], $0x2780  }
0x2a: {  	_ =	swait.ge [sflag:s18], $0x2780  }
0x2b: {  	s28 =	rddreg [dreg:$0xc]  }
0x2c: {  	s30 =	rddreg [dreg:$0xa];
	s28 =	sadd.s32 $0x1, s28  }
0x2d: {  	p0 =	sne.s32 s28, s30  }
.Ltmp1:
0x2e: {  	_ = 	snop;
	(pc) =	sbr.rel @!p0 .LBB2_5-.Ltmp1, $3  }
0x2f: {  	_ =	sdelay $0x1  }
0x30: {  	[sflag:s18] =	ssyncset.done $0x0  }
0x31: {  	[sflag:s18] =	ssyncadd.s32 $0xFFFFD880  }
.LBB2_1:
0x32: {  	[dreg:$0xc] =	wrdreg s28  }
0x33: {  	s1 =	rddreg [dreg:$0x3]  }
0x34: {  	[spmem:s19], [sflag:s17] =	dma.local [hbm:s1], $0x2780  }
0x35: {  	_ =	swait.ge [sflag:s18], $0x2780  }
0x36: {  	[sflag:s18] =	ssyncset.done $0x0  }
0x37: {  	s19 =	rddreg [dreg:$0x5];
	[sflag:s18] =	ssyncadd.s32 $0xFFFFD880  }
0x38: {  	[tilespmem:s3], [sflag:$0x2] =	stream.linear.gather [hbm4b:s19+s3], $0x400, $0x38;
	[tilespmem:$0x1CC00] =	vst v63  }
0x39: {  	s30 =	simm.s32 $0x800;
	s28 =	rddreg [dreg:$0x6]  }
0x3a: {  	[tilespmem:s30], [sflag:$0x2] =	stream.linear.gather [hbm4b:s28+s3], $0x400, $0x38;
	[tilespmem:$0x1CC00] =	vst v63  }
0x3b: {  	s17 =	rddreg [dreg:$0x7]  }
0x3c: {  	[tilespmem:s20], [sflag:$0x2] =	stream.linear.gather [hbm4b:s17+s3], $0x400, $0x38;
	[tilespmem:$0x1CC00] =	vst v63  }
0x3d: {  	s19 =	rddreg [dreg:$0x8]  }
0x3e: {  	[tilespmem:s21], [sflag:$0x2] =	stream.linear.gather [hbm4b:s19+s3], $0x400, $0x38;
	[tilespmem:$0x1CC00] =	vst v63  }
0x3f: {  	[bflag:$0x0] =	sbarrier.arrive $0xFFFF  }
0x40: {  	_ =	swait.ge [sflag:s22], $0x400  }
0x41: {  	[sflag:s22] =	ssyncset.done $0x0  }
0x42: {  	[sflag:s22] =	ssyncadd.s32 $0xFFFFFC00  }
0x43: {  	_ =	swait.ge [sflag:s22], $0x400  }
0x44: {  	[sflag:s22] =	ssyncset.done $0x0  }
0x45: {  	[sflag:s22] =	ssyncadd.s32 $0xFFFFFC00  }
0x46: {  	[tilespmem:s24], [sflag:$0x1] =	stream.indirect.gather [hbm4b:s4+s23], $0x80, s3, s23, $0xb8;
	[tilespmem:$0x1CC00] =	vst v63  }
0x47: {  	s28 =	simm.s32 $0x80  }
0x48: {  	[tilespmem:s26], [sflag:$0x1] =	stream.indirect.gather [hbm4b:s4+s23], $0x80, s28, s23, $0xb8;
	[tilespmem:$0x1CC00] =	vst v63  }
0x49: {  	s30 =	simm.s32 $0x100;
	s17 =	simm.s32 $0x0  }
0x4a: {  	[tilespmem:s29], [sflag:$0x1] =	stream.indirect.gather [hbm4b:s4+s23], $0x80, s30, s23, $0xb8;
	[tilespmem:$0x1CC00] =	vst v63  }
.LBB2_2:
0x4b: {  	s1 =	simm.s32 $0x180  }
0x4c: {  	[tilespmem:s31], [sflag:$0x1] =	stream.indirect.gather [hbm4b:s4+s23], $0x80, s1, s23, $0xb8;
	[tilespmem:$0x1CC00] =	vst v63  }
0x4d: {  	_ =	swait.ge [sflag:s0], $0x2000  }
0x4e: {  	[sflag:s0] =	ssyncset.done $0x0  }
0x4f: {  	s28 =	simm.s32 $0x800;
	[sflag:s0] =	ssyncadd.s32 $0xFFFFE000  }
0x50: {  	[spmem:s2] =	stream.indirect.scatter.add.f32 [tilespmem:s24], [sflag:$0x3], $0x80, s28, s23, $0xb8;
	[tilespmem:$0x1CC00] =	vst v63  }
0x51: {  	_ =	swait.ge [sflag:s18], $0x2000  }
0x52: {  	[sflag:s18] =	ssyncset.done $0x0  }
0x53: {  	s30 =	simm.s32 $0x200;
	[sflag:s18] =	ssyncadd.s32 $0xFFFFE000  }
0x54: {  	[tilespmem:s24], [sflag:$0x1] =	stream.indirect.gather [hbm4b:s4+s23], $0x80, s30, s23, $0xb8;
	[tilespmem:$0x1CC00] =	vst v63  }
0x55: {  	_ =	swait.ge [sflag:s0], $0x2000  }
0x56: {  	[sflag:s0] =	ssyncset.done $0x0  }
0x57: {  	s19 =	simm.s32 $0x880;
	[sflag:s0] =	ssyncadd.s32 $0xFFFFE000  }
0x58: {  	[spmem:s2] =	stream.indirect.scatter.add.f32 [tilespmem:s26], [sflag:$0x3], $0x80, s19, s23, $0xb8;
	[tilespmem:$0x1CC00] =	vst v63  }
0x59: {  	_ =	swait.ge [sflag:s18], $0x2000  }
0x5a: {  	[sflag:s18] =	ssyncset.done $0x0  }
0x5b: {  	s28 =	simm.s32 $0x280;
	[sflag:s18] =	ssyncadd.s32 $0xFFFFE000  }
0x5c: {  	[tilespmem:s26], [sflag:$0x1] =	stream.indirect.gather [hbm4b:s4+s23], $0x80, s28, s23, $0xb8;
	[tilespmem:$0x1CC00] =	vst v63  }
0x5d: {  	_ =	swait.ge [sflag:s0], $0x2000  }
0x5e: {  	[sflag:s0] =	ssyncset.done $0x0  }
0x5f: {  	s30 =	simm.s32 $0x900;
	[sflag:s0] =	ssyncadd.s32 $0xFFFFE000  }
0x60: {  	[spmem:s2] =	stream.indirect.scatter.add.f32 [tilespmem:s29], [sflag:$0x3], $0x80, s30, s23, $0xb8;
	[tilespmem:$0x1CC00] =	vst v63  }
0x61: {  	_ =	swait.ge [sflag:s18], $0x2000  }
0x62: {  	[sflag:s18] =	ssyncset.done $0x0  }
0x63: {  	s19 =	simm.s32 $0x300;
	[sflag:s18] =	ssyncadd.s32 $0xFFFFE000  }
0x64: {  	[tilespmem:s29], [sflag:$0x1] =	stream.indirect.gather [hbm4b:s4+s23], $0x80, s19, s23, $0xb8;
	[tilespmem:$0x1CC00] =	vst v63  }
0x65: {  	_ =	swait.ge [sflag:s0], $0x2000  }
0x66: {  	[sflag:s0] =	ssyncset.done $0x0  }
0x67: {  	s28 =	simm.s32 $0x980;
	[sflag:s0] =	ssyncadd.s32 $0xFFFFE000  }
0x68: {  	[spmem:s2] =	stream.indirect.scatter.add.f32 [tilespmem:s31], [sflag:$0x3], $0x80, s28, s23, $0xb8;
	[tilespmem:$0x1CC00] =	vst v63  }
0x69: {  	_ =	swait.ge [sflag:s18], $0x2000  }
0x6a: {  	[sflag:s18] =	ssyncset.done $0x0  }
0x6b: {  	s30 =	simm.s32 $0x380;
	[sflag:s18] =	ssyncadd.s32 $0xFFFFE000  }
0x6c: {  	[tilespmem:s31], [sflag:$0x1] =	stream.indirect.gather [hbm4b:s4+s23], $0x80, s30, s23, $0xb8;
	[tilespmem:$0x1CC00] =	vst v63  }
0x6d: {  	_ =	swait.ge [sflag:s0], $0x2000  }
0x6e: {  	[sflag:s0] =	ssyncset.done $0x0  }
0x6f: {  	s19 =	simm.s32 $0xA00;
	[sflag:s0] =	ssyncadd.s32 $0xFFFFE000  }
0x70: {  	[spmem:s2] =	stream.indirect.scatter.add.f32 [tilespmem:s24], [sflag:$0x3], $0x80, s19, s23, $0xb8;
	[tilespmem:$0x1CC00] =	vst v63  }
0x71: {  	_ =	swait.ge [sflag:s18], $0x2000  }
0x72: {  	[sflag:s18] =	ssyncset.done $0x0  }
0x73: {  	[sflag:s18] =	ssyncadd.s32 $0xFFFFE000  }
0x74: {  	_ =	swait.ge [sflag:s22], $0x400  }
0x75: {  	[sflag:s22] =	ssyncset.done $0x0  }
0x76: {  	[sflag:s22] =	ssyncadd.s32 $0xFFFFFC00  }
0x77: {  	_ =	swait.ge [sflag:s22], $0x400  }
0x78: {  	[sflag:s22] =	ssyncset.done $0x0  }
0x79: {  	[sflag:s22] =	ssyncadd.s32 $0xFFFFFC00  }
0x7a: {  	[tilespmem:s24], [sflag:$0x1] =	stream.indirect.gather [hbm4b:s4+s23], $0x80, s20, s23, $0xb8;
	[tilespmem:$0x1CC00] =	vst v63  }
0x7b: {  	_ =	swait.ge [sflag:s0], $0x2000  }
0x7c: {  	[sflag:s0] =	ssyncset.done $0x0  }
0x7d: {  	s28 =	simm.s32 $0xA80;
	[sflag:s0] =	ssyncadd.s32 $0xFFFFE000  }
0x7e: {  	[spmem:s2] =	stream.indirect.scatter.add.f32 [tilespmem:s26], [sflag:$0x3], $0x80, s28, s23, $0xb8;
	[tilespmem:$0x1CC00] =	vst v63  }
0x7f: {  	_ =	swait.ge [sflag:s18], $0x2000  }
0x80: {  	[sflag:s18] =	ssyncset.done $0x0  }
0x81: {  	s30 =	simm.s32 $0x480;
	[sflag:s18] =	ssyncadd.s32 $0xFFFFE000  }
0x82: {  	[tilespmem:s26], [sflag:$0x1] =	stream.indirect.gather [hbm4b:s4+s23], $0x80, s30, s23, $0xb8;
	[tilespmem:$0x1CC00] =	vst v63  }
0x83: {  	_ =	swait.ge [sflag:s0], $0x2000  }
0x84: {  	[sflag:s0] =	ssyncset.done $0x0  }
0x85: {  	s19 =	simm.s32 $0xB00;
	[sflag:s0] =	ssyncadd.s32 $0xFFFFE000  }
0x86: {  	[spmem:s2] =	stream.indirect.scatter.add.f32 [tilespmem:s29], [sflag:$0x3], $0x80, s19, s23, $0xb8;
	[tilespmem:$0x1CC00] =	vst v63  }
0x87: {  	_ =	swait.ge [sflag:s18], $0x2000  }
0x88: {  	[sflag:s18] =	ssyncset.done $0x0  }
0x89: {  	s28 =	simm.s32 $0x500;
	[sflag:s18] =	ssyncadd.s32 $0xFFFFE000  }
0x8a: {  	[tilespmem:s29], [sflag:$0x1] =	stream.indirect.gather [hbm4b:s4+s23], $0x80, s28, s23, $0xb8;
	[tilespmem:$0x1CC00] =	vst v63  }
0x8b: {  	_ =	swait.ge [sflag:s0], $0x2000  }
0x8c: {  	[sflag:s0] =	ssyncset.done $0x0  }
0x8d: {  	s30 =	simm.s32 $0xB80;
	[sflag:s0] =	ssyncadd.s32 $0xFFFFE000  }
0x8e: {  	[spmem:s2] =	stream.indirect.scatter.add.f32 [tilespmem:s31], [sflag:$0x3], $0x80, s30, s23, $0xb8;
	[tilespmem:$0x1CC00] =	vst v63  }
0x8f: {  	_ =	swait.ge [sflag:s18], $0x2000  }
0x90: {  	p0 =	seq.s32 s17, $0x900;
	[sflag:s18] =	ssyncset.done $0x0  }
0x91: {  	s19 =	sadd.s32 @!p0 s17, s15;
	s28 =	simm.s32 @!p0 $0x0;
	[sflag:s18] =	ssyncadd.s32 $0xFFFFE000  }
0x92: {  	[tilespmem:s28], [sflag:$0x2] =	stream.linear.gather @!p0 [hbm4b:s19+s28], $0x400, $0x38;
	[tilespmem:$0x1CC00] =	vst v63  }
0x93: {  	s30 =	simm.s32 @!p0 $0x800;
	s19 =	sadd.s32 @!p0 s17, s16  }
0x94: {  	[tilespmem:s30], [sflag:$0x2] =	stream.linear.gather @!p0 [hbm4b:s19+s28], $0x400, $0x38;
	[tilespmem:$0x1CC00] =	vst v63  }
0x95: {  	s19 =	simm.s32 $0x580  }
0x96: {  	[tilespmem:s31], [sflag:$0x1] =	stream.indirect.gather [hbm4b:s4+s23], $0x80, s19, s23, $0xb8;
	[tilespmem:$0x1CC00] =	vst v63  }
0x97: {  	_ =	swait.ge [sflag:s0], $0x2000  }
0x98: {  	[sflag:s0] =	ssyncset.done $0x0  }
0x99: {  	[sflag:s0] =	ssyncadd.s32 $0xFFFFE000  }
0x9a: {  	[spmem:s2] =	stream.indirect.scatter.add.f32 [tilespmem:s24], [sflag:$0x3], $0x80, s21, s23, $0xb8;
	[tilespmem:$0x1CC00] =	vst v63  }
0x9b: {  	_ =	swait.ge [sflag:s18], $0x2000  }
0x9c: {  	[sflag:s18] =	ssyncset.done $0x0  }
0x9d: {  	s30 =	simm.s32 $0x600;
	[sflag:s18] =	ssyncadd.s32 $0xFFFFE000  }
0x9e: {  	[tilespmem:s24], [sflag:$0x1] =	stream.indirect.gather [hbm4b:s4+s23], $0x80, s30, s23, $0xb8;
	[tilespmem:$0x1CC00] =	vst v63  }
0x9f: {  	_ =	swait.ge [sflag:s0], $0x2000  }
0xa0: {  	[sflag:s0] =	ssyncset.done $0x0  }
0xa1: {  	[sflag:s0] =	ssyncadd.s32 $0xFFFFE000  }
0xa2: {  	[spmem:s2] =	stream.indirect.scatter.add.f32 [tilespmem:s26], [sflag:$0x3], $0x80, s25, s23, $0xb8;
	[tilespmem:$0x1CC00] =	vst v63  }
0xa3: {  	_ =	swait.ge [sflag:s18], $0x2000  }
0xa4: {  	[sflag:s18] =	ssyncset.done $0x0  }
0xa5: {  	[sflag:s18] =	ssyncadd.s32 $0xFFFFE000  }
0xa6: {  	[tilespmem:s26], [sflag:$0x1] =	stream.indirect.gather [hbm4b:s4+s23], $0x80, s5, s23, $0xb8;
	[tilespmem:$0x1CC00] =	vst v63  }
0xa7: {  	_ =	swait.ge [sflag:s0], $0x2000  }
0xa8: {  	[sflag:s0] =	ssyncset.done $0x0  }
0xa9: {  	[sflag:s0] =	ssyncadd.s32 $0xFFFFE000  }
0xaa: {  	[spmem:s2] =	stream.indirect.scatter.add.f32 [tilespmem:s29], [sflag:$0x3], $0x80, s7, s23, $0xb8;
	[tilespmem:$0x1CC00] =	vst v63  }
0xab: {  	_ =	swait.ge [sflag:s18], $0x2000  }
0xac: {  	[sflag:s18] =	ssyncset.done $0x0  }
0xad: {  	[sflag:s18] =	ssyncadd.s32 $0xFFFFE000  }
0xae: {  	[tilespmem:s29], [sflag:$0x1] =	stream.indirect.gather [hbm4b:s4+s23], $0x80, s8, s23, $0xb8;
	[tilespmem:$0x1CC00] =	vst v63  }
0xaf: {  	_ =	swait.ge [sflag:s0], $0x2000  }
0xb0: {  	[sflag:s0] =	ssyncset.done $0x0  }
0xb1: {  	[sflag:s0] =	ssyncadd.s32 $0xFFFFE000  }
0xb2: {  	[spmem:s2] =	stream.indirect.scatter.add.f32 [tilespmem:s31], [sflag:$0x3], $0x80, s9, s23, $0xb8;
	[tilespmem:$0x1CC00] =	vst v63  }
0xb3: {  	_ =	swait.ge [sflag:s18], $0x2000  }
0xb4: {  	[sflag:s18] =	ssyncset.done $0x0  }
0xb5: {  	[sflag:s18] =	ssyncadd.s32 $0xFFFFE000  }
0xb6: {  	[tilespmem:s31], [sflag:$0x1] =	stream.indirect.gather [hbm4b:s4+s23], $0x80, s10, s23, $0xb8;
	[tilespmem:$0x1CC00] =	vst v63  }
0xb7: {  	_ =	swait.ge [sflag:s0], $0x2000  }
0xb8: {  	[sflag:s0] =	ssyncset.done $0x0  }
0xb9: {  	[sflag:s0] =	ssyncadd.s32 $0xFFFFE000  }
0xba: {  	[spmem:s2] =	stream.indirect.scatter.add.f32 [tilespmem:s24], [sflag:$0x3], $0x80, s11, s23, $0xb8;
	[tilespmem:$0x1CC00] =	vst v63  }
0xbb: {  	_ =	swait.ge [sflag:s18], $0x2000  }
0xbc: {  	[sflag:s18] =	ssyncset.done $0x0  }
0xbd: {  	s19 =	simm.s32 @p0 $0x1;
	[sflag:s18] =	ssyncadd.s32 $0xFFFFE000  }
0xbe: {  	_ =	swait.ge @p0 [sflag:s19], $0x2000  }
0xbf: {  	s1 =	simm.s32 @p0 $0x3000;
	[sflag:s19] =	ssyncset.done @p0 $0x0  }
0xc0: {  	s30 =	simm.s32 @p0 $0xE80;
	[sflag:s19] =	ssyncadd.s32 @p0 $0xFFFFE000;
	s19 =	simm.s32 @p0 $0x40  }
0xc1: {  	[spmem:s2] =	stream.indirect.scatter.add.f32 @p0 [tilespmem:s1], [sflag:$0x3], $0x80, s30, s19, $0xb8;
	[tilespmem:$0x1CC00] =	vst v63  }
0xc2: {  	s1 =	simm.s32 @p0 $0x3  }
0xc3: {  	_ =	swait.ge @p0 [sflag:s1], $0x2000  }
0xc4: {  	[sflag:s1] =	ssyncset.done @p0 $0x0  }
0xc5: {  	[sflag:s1] =	ssyncadd.s32 @p0 $0xFFFFE000;
	s1 =	simm.s32 @!p0 $0x2  }
0xc6: {  	_ =	swait.ge @!p0 [sflag:s1], $0x400  }
0xc7: {  	[sflag:s1] =	ssyncset.done @!p0 $0x0  }
0xc8: {  	[sflag:s1] =	ssyncadd.s32 @!p0 $0xFFFFFC00  }
0xc9: {  	_ =	swait.ge @!p0 [sflag:s1], $0x400  }
0xca: {  	[sflag:s1] =	ssyncset.done @!p0 $0x0  }
0xcb: {  	s19 =	simm.s32 @!p0 $0x1000;
	[sflag:s1] =	ssyncadd.s32 @!p0 $0xFFFFFC00;
	s1 =	simm.s32 @!p0 $0x40  }
0xcc: {  	[tilespmem:s19], [sflag:$0x1] =	stream.indirect.gather @!p0 [hbm4b:s4+s1], $0x80, s28, s1, $0xb8;
	[tilespmem:$0x1CC00] =	vst v63  }
0xcd: {  	s19 =	simm.s32 @!p0 $0x1  }
0xce: {  	_ =	swait.ge @!p0 [sflag:s19], $0x2000  }
0xcf: {  	[sflag:s19] =	ssyncset.done @!p0 $0x0  }
0xd0: {  	s28 =	simm.s32 @!p0 $0x3000;
	[sflag:s19] =	ssyncadd.s32 @!p0 $0xFFFFE000;
	s19 =	simm.s32 @!p0 $0xE80  }
0xd1: {  	[spmem:s2] =	stream.indirect.scatter.add.f32 @!p0 [tilespmem:s28], [sflag:$0x3], $0x80, s19, s1, $0xb8;
	[tilespmem:$0x1CC00] =	vst v63  }
0xd2: {  	s19 =	simm.s32 @!p0 $0x3  }
0xd3: {  	_ =	swait.ge @!p0 [sflag:s19], $0x2000  }
0xd4: {  	[sflag:s19] =	ssyncset.done @!p0 $0x0  }
0xd5: {  	[sflag:s19] =	ssyncadd.s32 @!p0 $0xFFFFE000;
	s19 =	simm.s32 @!p0 $0x80  }
0xd6: {  	[tilespmem:s28], [sflag:$0x1] =	stream.indirect.gather @!p0 [hbm4b:s4+s1], $0x80, s19, s1, $0xb8;
	[tilespmem:$0x1CC00] =	vst v63  }
0xd7: {  	_ =	swait.ge [sflag:s0], $0x2000  }
0xd8: {  	[sflag:s0] =	ssyncset.done $0x0  }
.Ltmp2:
0xd9: {  	[sflag:s0] =	ssyncadd.s32 $0xFFFFE000;
	(pc) =	sbr.rel @p0 .LBB2_4-.Ltmp2, $4  }
0xda: {  	[spmem:s2] =	stream.indirect.scatter.add.f32 [tilespmem:s29], [sflag:$0x3], $0x80, s12, s23, $0xb8;
	[tilespmem:$0x1CC00] =	vst v63  }
0xdb: {  	_ =	swait.ge [sflag:s18], $0x2000  }
0xdc: {  	[sflag:s18] =	ssyncset.done $0x0  }
0xdd: {  	[sflag:s18] =	ssyncadd.s32 $0xFFFFE000  }
0xde: {  	s1 =	simm.s32 $0x100  }
0xdf: {  	[tilespmem:s29], [sflag:$0x1] =	stream.indirect.gather [hbm4b:s4+s23], $0x80, s1, s23, $0xb8;
	[tilespmem:$0x1CC00] =	vst v63  }
0xe0: {  	_ =	swait.ge [sflag:s0], $0x2000  }
0xe1: {  	[sflag:s0] =	ssyncset.done $0x0  }
0xe2: {  	[sflag:s0] =	ssyncadd.s32 $0xFFFFE000  }
0xe3: {  	[spmem:s2] =	stream.indirect.scatter.add.f32 [tilespmem:s31], [sflag:$0x3], $0x80, s6, s23, $0xb8;
	[tilespmem:$0x1CC00] =	vst v63  }
0xe4: {  	_ =	swait.ge [sflag:s18], $0x2000  }
.Ltmp3:
0xe5: {  	[sflag:s18] =	ssyncset.done $0x0;
	(pc) =	sbr.rel .LBB2_2-.Ltmp3, $4  }
0xe6: {  	s28 =	sadd.s32 s17, s14;
	[sflag:s18] =	ssyncadd.s32 $0xFFFFE000  }
0xe7: {  	[tilespmem:s20], [sflag:$0x2] =	stream.linear.gather [hbm4b:s28+s3], $0x400, $0x38;
	[tilespmem:$0x1CC00] =	vst v63  }
0xe8: {  	s30 =	sadd.s32 s17, s13;
	s17 =	sadd.s32 $0x100, s17  }
0xe9: {  	[tilespmem:s21], [sflag:$0x2] =	stream.linear.gather [hbm4b:s30+s3], $0x400, $0x38;
	[tilespmem:$0x1CC00] =	vst v63  }
.LBB2_5:
0xea: {  	_ =	sfence.sel $0x180000  }
0xeb: {  	[bflag:$0x0] =	sbarrier.arrive $0xFFFF  }
0xec: {  	_ =	strace $0x9000004A  }
0xed: {  	s0 =	stileid.u32;
	[bflag:$0x2] =	sbarrier.arrive $0xFFFF  }
0xee: {  	p0 =	sne.s32 s0, $0x0;
	s0 =	rddreg [dreg:$0x2]  }
0xef: {  	s0 =	sadd.s32 @!p0 $0x100000, s0  }
0xf0: {  	[sflag:s0] =	ssyncadd.tile.s32 @!p0 $0x1;
	_ =	shalt  }
.Lfunc_end2:
_tile_overlayer_lowered:
.L_overlay_start_2:
0xf1: {  	(tag) =	ssettag $0x2  }
0xf2: {  	s0 =	rddreg [dreg:$0x0];
	s2 =	stileid.u32  }
0xf3: {  	s1 =	rddreg [dreg:$0x1];
	p0 =	sne.s32 s2, $0x0  }
0xf4: {  	s3 =	rddreg [dreg:$0x2];
	[bflag:$0x3] =	sbarrier.arrive $0xFFFF;
	s2 =	simm.s32 @!p0 $0x1C03  }
0xf5: {  	[timem:s3], [sflag:s2] =	dma.local @!p0 [hbm:s0], s1  }
0xf6: {  	s0 =	simm.s32 @!p0 $0x3  }
0xf7: {  	_ =	swait.ge @!p0 [sflag:s0], s1  }
0xf8: {  	s1 =	ssub.s32 @!p0 $0x0, s1;
	[sflag:s0] =	ssyncset.done @!p0 $0x0  }
0xf9: {  	[sflag:s0] =	ssyncadd.s32 @!p0 s1  }
0xfa: {  	[bflag:$0x3] =	sbarrier.arrive $0xFFFF  }
0xfb: {  	_ =	shalt  }

// kernel: kernel.14.cloned.1.call-start
scs
__scs_entry_jumppad:
0x0: {  	(pc) =	sbr.rel $0x88, $3  }
0x1: {  	(tag) =	ssettag $0x0;
	lr =	simm.s32 $0x1  }
0x2: {  	[smem:$0x3F92] =	sst lr;
	_ =	strace $0xD0000000  }
0x3: {  	_ = 	snop  }
0x4: {  	_ = 	snop  }
0x5: {  	_ = 	snop  }
0x6: {  	_ = 	snop  }
0x7: {  	_ = 	snop  }
__scs_overlays_trampoline_lowered:
0x8: {  	[smem:$0x3FA1] =	sst s0  }
0x9: {  	[smem:$0x3FA2] =	sst s1  }
0xa: {  	[smem:$0x3FA3] =	sst s2  }
0xb: {  	[smem:$0x3FA4] =	sst s3  }
0xc: {  	[smem:$0x3FA5] =	sst s4  }
0xd: {  	[smem:$0x3FA6] =	sst s5  }
0xe: {  	[smem:$0x3FA7] =	sst s6  }
0xf: {  	[smem:$0x3FA8] =	sst s7  }
0x10: {  	[smem:$0x3FA9] =	sst s8  }
0x11: {  	[smem:$0x3FAA] =	sst s9;
	s0 =	simm.s32 @!p0 $0x0  }
0x12: {  	s1 =	sld [smem:$0x3F90];
	s0 =	simm.s32 @p0 $0x1  }
0x13: {  	[smem:$0x3FAB] =	sst s0;
	s0 =	simm.s32 @!p1 $0x0  }
0x14: {  	s2 =	sld [smem:$0x3F8F];
	s0 =	simm.s32 @p1 $0x1  }
0x15: {  	[smem:$0x3FAC] =	sst s0;
	s0 =	simm.s32 @!p2 $0x0  }
0x16: {  	s3 =	sld [smem:$0x3FDB];
	s0 =	simm.s32 @p2 $0x1  }
0x17: {  	s4 =	simm.s32 $0x1BF5;
	[smem:$0x3FAE] =	sst s0  }
0x18: {  	s0 =	sld [smem:$0x3F91];
	_ =	swait.ge [sflag:s4], $0x0  }
0x19: {  	s7 =	sld [smem:$0x3F92]  }
0x1a: {  	s8 =	sadd.s32 $0xFFFFE003, lr  }
0x1b: {  	s9 =	sadd.s32 $0xFFFFFEF7, lr;
	s5 =	simm.s32 $0xFFFFFFFF;
	p2 =	slt.u32 s8, $0xFFFFF086  }
0x1c: {  	p1 =	slt.u32 s9, $0xF7A;
	s5 =	simm.s32 @!p2 $0x0  }
0x1d: {  	s5 =	simm.s32 @p1 $0x1;
	p0 =	seq.s32 s7, s2  }
0x1e: {  	s7 =	smul.u32 @!p0 $0xF7A, s2;
	p2 =	seq.s32 @!p0 s5, $0x0  }
0x1f: {  	s9 =	smul.u32 $0xF7A, s1;
	s8 =	simm.s32 @!p0 $0x1BF5;
	p2 =	por !p2, p0  }
0x20: {  	[sflag:s8] =	ssyncset.s32 @!p0 $0xFFFFF086;
	s6 =	sadd.s32 @!p0 s3, s7;
	s7 =	simm.s32 @!p0 $0x108  }
0x21: {  	s3 =	sadd.s32 s3, s9;
	s6 =	sadd.s32 @!p0 $0x88, s6;
	s7 =	simm.s32 @p2 $0x1082  }
0x22: {  	[simem:s7], [sflag:s8] =	dma.local @!p0 [hbm:s6], $0xF7A  }
0x23: {  	s9 =	sor.u32 $0xD0000000, s2;
	s6 =	simm.s32 $0x108;
	_ =	swait.ge @!p0 [sflag:s8], $0x0  }
0x24: {  	s3 =	sadd.s32 $0x88, s3;
	s6 =	simm.s32 @!p1 $0x1082;
	[sflag:s4] =	ssyncset.s32 $0xFFFFF086  }
0x25: {  	[simem:s6], [sflag:s4] =	dma.local [hbm:s3], $0xF7A  }
0x26: {  	[smem:$0x3F92] =	sst s1;
	(tag) =	ssettag s2;
	_ =	strace s9  }
0x27: {  	s1 =	sld [smem:$0x3FA2]  }
0x28: {  	s2 =	sld [smem:$0x3FA3]  }
0x29: {  	s4 =	sld [smem:$0x3FA5]  }
0x2a: {  	p0 =	seq.s32 s5, $0x0;
	s5 =	sld [smem:$0x3FA6]  }
0x2b: {  	s6 =	sld [smem:$0x3FA7]  }
0x2c: {  	s7 =	sld [smem:$0x3FA8]  }
0x2d: {  	s3 =	simm.s32 $0x108;
	s8 =	sld [smem:$0x3FA9]  }
0x2e: {  	s3 =	simm.s32 @!p0 $0x1082;
	s9 =	sld [smem:$0x3FAA]  }
0x2f: {  	lr =	sadd.s32 s0, s3;
	s0 =	sld [smem:$0x3FA1]  }
0x30: {  	s3 =	sld [smem:$0x3FA4]  }
0x31: {  	[smem:$0x3FAD] =	sst s10  }
0x32: {  	s10 =	sld [smem:$0x3FAB];
	_ =	sdelay $0x3  }
0x33: {  	p0 =	seq.s32 s10, $0x1;
	s10 =	sld [smem:$0x3FAD];
	_ =	sdelay $0x3  }
0x34: {  	[smem:$0x3FAD] =	sst s10  }
0x35: {  	s10 =	sld [smem:$0x3FAC];
	_ =	sdelay $0x3  }
0x36: {  	p1 =	seq.s32 s10, $0x1;
	s10 =	sld [smem:$0x3FAD];
	_ =	sdelay $0x3  }
0x37: {  	[smem:$0x3FAD] =	sst s10  }
0x38: {  	s10 =	sld [smem:$0x3FAE]  }
0x39: {  	_ = 	snop;
	(pc) =	sbr.ind lr, $3  }
0x3a: {  	_ = 	snop  }
0x3b: {  	_ = 	snop  }
0x3c: {  	p2 =	seq.s32 s10, $0x1;
	s10 =	sld [smem:$0x3FAD]  }
0x3d: {  	_ =	shalt  }
0x3e: {  	_ =	shalt  }
0x3f: {  	_ =	shalt  }
0x40: {  	_ =	shalt  }
0x41: {  	_ =	shalt  }
0x42: {  	_ =	shalt  }
0x43: {  	_ =	shalt  }
0x44: {  	_ =	shalt  }
0x45: {  	_ =	shalt  }
0x46: {  	_ =	shalt  }
0x47: {  	_ =	shalt  }
0x48: {  	_ =	shalt  }
0x49: {  	_ =	shalt  }
0x4a: {  	_ =	shalt  }
0x4b: {  	_ =	shalt  }
0x4c: {  	_ =	shalt  }
0x4d: {  	_ =	shalt  }
0x4e: {  	_ =	shalt  }
0x4f: {  	_ =	shalt  }
0x50: {  	_ =	shalt  }
0x51: {  	_ =	shalt  }
0x52: {  	_ =	shalt  }
0x53: {  	_ =	shalt  }
0x54: {  	_ =	shalt  }
0x55: {  	_ =	shalt  }
0x56: {  	_ =	shalt  }
0x57: {  	_ =	shalt  }
0x58: {  	_ =	shalt  }
0x59: {  	_ =	shalt  }
0x5a: {  	_ =	shalt  }
0x5b: {  	_ =	shalt  }
0x5c: {  	_ =	shalt  }
0x5d: {  	_ =	shalt  }
0x5e: {  	_ =	shalt  }
0x5f: {  	_ =	shalt  }
0x60: {  	_ =	shalt  }
0x61: {  	_ =	shalt  }
0x62: {  	_ =	shalt  }
0x63: {  	_ =	shalt  }
0x64: {  	_ =	shalt  }
0x65: {  	_ =	shalt  }
0x66: {  	_ =	shalt  }
0x67: {  	_ =	shalt  }
0x68: {  	_ =	shalt  }
0x69: {  	_ =	shalt  }
0x6a: {  	_ =	shalt  }
0x6b: {  	_ =	shalt  }
0x6c: {  	_ =	shalt  }
0x6d: {  	_ =	shalt  }
0x6e: {  	_ =	shalt  }
0x6f: {  	_ =	shalt  }
0x70: {  	_ =	shalt  }
0x71: {  	_ =	shalt  }
0x72: {  	_ =	shalt  }
0x73: {  	_ =	shalt  }
0x74: {  	_ =	shalt  }
0x75: {  	_ =	shalt  }
0x76: {  	_ =	shalt  }
0x77: {  	_ =	shalt  }
0x78: {  	_ =	shalt  }
0x79: {  	_ =	shalt  }
0x7a: {  	_ =	shalt  }
0x7b: {  	_ =	shalt  }
0x7c: {  	_ =	shalt  }
0x7d: {  	_ =	shalt  }
0x7e: {  	_ =	shalt  }
0x7f: {  	_ =	shalt  }
0x80: {  	_ =	shalt  }
0x81: {  	_ =	shalt  }
0x82: {  	_ =	shalt  }
0x83: {  	_ =	shalt  }
0x84: {  	_ =	shalt  }
0x85: {  	_ =	shalt  }
0x86: {  	_ =	shalt  }
0x87: {  	_ =	shalt  }
.Lfunc_end0:
.L_simem_size_0:
called_computation.2_lowered:
.L_overlay_start_0:
0x88: {  	s2 =	sld [smem:$0x3FD9]  }
0x89: {  	s3 =	sld [smem:$0x3FFE];
	_ =	sdelay $0x1  }
0x8a: {  	s1 =	srdreg.scid  }
0x8b: {  	s0 =	sand.u32 $0x1, s1  }
0x8c: {  	s16 =	sshll.u32 s0, $0xA;
	s2 =	sadd.s32 s3, s2  }
0x8d: {  	s2 =	sadd.s32 s2, s16  }
0x8e: {  	[smem:$0x3FB9] =	sst s2  }
0x8f: {  	_ = 	snop  }
0x90: {  	(tm) =	ssettm $0x1  }
0x91: {  	s17 =	sld [smem:$0x3FFB];
	_ =	sdelay $0x3  }
0x92: {  	_ =	strace s17  }
0x93: {  	s2 =	sld [smem:$0x3FFC];
	_ =	sdelay $0x3  }
0x94: {  	_ =	strace s2  }
0x95: {  	s2 =	sld [smem:$0x3FFD];
	_ =	sdelay $0x3  }
0x96: {  	_ =	strace s2  }
0x97: {  	_ =	strace $0x8FFFFFFF  }
0x98: {  	s18 =	sld [smem:$0x3FDB];
	_ =	sdelay $0x1  }
0x99: {  	s19 =	simm.s32 $_scs_section_size  }
0x9a: {  	s4 =	simm.s32 $_size__tile_overlayer_lowered;
	s5 =	simm.s32 $_tile_overlayer_lowered  }
0x9b: {  	s22 =	simm.s32 $0x1BFF;
	s21 =	sshll.u32 s5, $0x1;
	s2 =	sadd.s32 s19, s18  }
0x9c: {  	s6 =	simm.s32 $0x0;
	s20 =	sshll.u32 s4, $0x1;
	s4 =	sadd.s32 s21, s2  }
0x9d: {  	[timem:s6], [sflag:s22] =	dma.local [hbm:s4], s20  }
0x9e: {  	_ =	swait.ge [sflag:s22], s20  }
0x9f: {  	s3 =	ssub.s32 $0x0, s20;
	[sflag:s22] =	ssyncset.done $0x0  }
0xa0: {  	[sflag:s22] =	ssyncadd.s32 s3;
	_ =	sdelay $0x1  }
0xa1: {  	s23 =	simm.s32 $0x1B8B  }
0xa2: {  	_ =	swait.ge [sflag:s23], $0x1  }
0xa3: {  	[sflag:s23] =	ssyncset.done $0x0  }
0xa4: {  	s25 =	simm.s32 $0x1B8E;
	s24 =	sld [smem:$0x3FFE];
	[sflag:s23] =	ssyncadd.s32 $0xFFFFFFFF  }
0xa5: {  	s26 =	simm.s32 $execute0_lowered;
	[smem:$0x3FD2] =	sst s25  }
0xa6: {  	s4 =	sshll.u32 s26, $0x1;
	_ =	strace $0x8000004C;
	[dreg:$0x1] =	wrdreg $0xFFFFFFFF  }
0xa7: {  	s28 =	simm.s32 $_size_execute0_lowered;
	s2 =	sadd.s32 s2, s4;
	[dreg:$0x0] =	wrdreg $0x0  }
0xa8: {  	s4 =	sshll.u32 s28, $0x1;
	[dreg:$0x2] =	wrdreg s2  }
0xa9: {  	[dreg:$0x3] =	wrdreg s4  }
0xaa: {  	[dreg:$0x4] =	wrdreg $0xC0  }
0xab: {  	_ =	task [dreg:s6], $0x5FFFF  }
0xac: {  	[dreg:$0x1] =	wrdreg $0xFFFFFFFF  }
0xad: {  	[dreg:$0x0] =	wrdreg $0x60  }
0xae: {  	[dreg:$0x2] =	wrdreg s24  }
0xaf: {  	[dreg:$0x3] =	wrdreg $0x90000  }
0xb0: {  	[dreg:$0x4] =	wrdreg $0x9  }
0xb1: {  	_ =	task.clear_ibuf [dreg:s6], $0x5FFFF;
	_ =	strace $0x9000004C  }
0xb2: {  	s29 =	simm.s32 $0x9;
	_ =	strace $0x8000004E  }
0xb3: {  	_ =	swait.ge [sflag:s29], $0x1  }
0xb4: {  	[sflag:s29] =	ssyncadd.s32 $0xFFFFFFFF  }
0xb5: {  	_ =	strace $0x9000004E  }
0xb6: {  	_ =	sfence  }
0xb7: {  	s30 =	sld [smem:$0x0];
	_ =	sdelay $0x2  }
0xb8: {  	s31 =	sshll.u32 s1, $0xD;
	s1 =	sshrl.u32 s1, $0x2  }
0xb9: {  	s3 =	sand.u32 $0x4000, s31;
	s1 =	sadd.s32 s1, s30  }
0xba: {  	s0 =	sor.u32 s3, s0;
	s1 =	sshll.u32 s1, $0x11  }
0xbb: {  	s0 =	sor.u32 s1, s0  }
0xbc: {  	s0 =	sadd.s32 $0x8F2B, s0  }
0xbd: {  	[sflag:s0] =	ssyncadd.remote.s32 $0x1  }
0xbe: {  	_ =	sfence.sel $0xFFFF  }
0xbf: {  	[dreg:$0x0] =	wrdreg $0xFFFFFFFF;
	(pc) =	sbr.abs _section_cstart, $3  }
0xc0: {  	[dreg:$0x1] =	wrdreg $0xFFFFFFFF  }
0xc1: {  	_ =	task.clear_ibuf [dreg:s6], $0x2FFFF;
	_ =	strace $0x9FFFFFFF  }
0xc2: {  	(tm) =	ssettm $0x7FFFFFFF  }
0xc3: {  	_ =	shalt  }
tec
execute0_lowered:
.L_overlay_start_1:
0x0: {  	(tag) =	ssettag $0x1  }
0x1: {  	s0 =	rddreg [dreg:$0x0]  }
0x2: {  	s2 =	rddreg [dreg:$0x1];
	s12 =	stileid.u32  }
0x3: {  	s1 =	srdreg.scid;
	s5 =	smul.u32 $0x13C00, s12  }
0x4: {  	s3 =	simm.s32 $0x0;
	s29 =	simm.s32 $0x5000;
	s11 =	smul.u32 $0x4F000, s12  }
0x5: {  	s31 =	simm.s32 $0x7000;
	s28 =	simm.s32 $0x0;
	s23 =	smul.u32 $0x14, s12  }
0x6: {  	s1 =	sand.u32 $0x1, s1;
	[smem:$0x7FF] =	sst s3;
	s25 =	smul.u32 $0xA00, s12  }
0x7: {  	s4 =	sadd.s32 $0x3FA00, s0;
	s7 =	sadd.s32 $0x2BA00, s0;
	s6 =	smul.u32 $0x13C000, s1  }
0x8: {  	s18 =	sshll.u32 s12, $0x6;
	_ =	strace $0x8000004D;
	s20 =	smul.u32 $0xA000, s1  }
0x9: {  	s9 =	ssub.s32 $0x2, s1;
	s10 =	sshll.u32 s1, $0x4;
	s1 =	smul.u32 $0x140, s1  }
0xa: {  	s8 =	sshrl.u32 s5, $0x3;
	s16 =	sshrl.u32 s9, $0x1;
	s10 =	sor.u32 s12, s10  }
0xb: {  	s17 =	sshrl.u32 s11, $0x2;
	s11 =	simm.s32 $0xE00;
	s12 =	simm.s32 $0xF00  }
0xc: {  	s5 =	sadd.s32 s5, s6;
	s6 =	sadd.s32 $0x17A00, s0;
	s8 =	sadd.s32 s8, s0  }
0xd: {  	s10 =	smul.u32 $0xA00, s10;
	s1 =	sadd.s32 s23, s1;
	s23 =	simm.s32 $0x40  }
0xe: {  	s5 =	sshrl.u32 s5, $0x3;
	s8 =	sadd.s32 $0x67200, s8;
	s26 =	sadd.s32 s20, s6  }
0xf: {  	s1 =	sshll.u32 s1, $0x7;
	s0 =	sadd.s32 s5, s0;
	s5 =	ssub.s32 s9, s16  }
0x10: {  	s9 =	sadd.s32 s17, s2;
	[dreg:$0x3] =	wrdreg s8;
	s17 =	sor.u32 $0x1C03, s18  }
0x11: {  	s19 =	sadd.s32 s7, s10;
	s21 =	sadd.s32 s6, s10;
	s10 =	sor.u32 $0x80, s10  }
0x12: {  	s8 =	sadd.s32 s20, s7;
	s30 =	sor.u32 $0x100, s1;
	[dreg:$0x5] =	wrdreg s19  }
0x13: {  	s18 =	simm.s32 $0x3;
	s20 =	simm.s32 $0x400;
	[dreg:$0x6] =	wrdreg s21  }
0x14: {  	s22 =	sadd.s32 s7, s10;
	s10 =	sadd.s32 s6, s10;
	s0 =	sadd.s32 $0x8EA00, s0  }
0x15: {  	s24 =	smax.u32 s5, $0x1;
	s5 =	sadd.s32 s25, s26;
	s15 =	sadd.s32 s30, s7  }
0x16: {  	s16 =	sadd.s32 s30, s6;
	s19 =	sshrl.u32 s9, $0x3;
	[dreg:$0x4] =	wrdreg s17  }
0x17: {  	s21 =	simm.s32 $0xC00;
	s26 =	simm.s32 $0x3000;
	[dreg:$0x7] =	wrdreg s22  }
0x18: {  	s7 =	simm.s32 $0xD00;
	s9 =	simm.s32 $0xD80;
	[dreg:$0x8] =	wrdreg s10  }
.Ltmp0:
0x19: {  	s6 =	simm.s32 $0xF80;
	[dreg:$0x9] =	wrdreg s0;
	(pc) =	sbr.rel .LBB2_1-.Ltmp0, $4  }
0x1a: {  	[dreg:$0xa] =	wrdreg s24;
	s0 =	sadd.s32 s25, s8;
	s13 =	sadd.s32 $0x180, s5  }
0x1b: {  	s22 =	simm.s32 $0x2;
	s24 =	simm.s32 $0x1000;
	s25 =	simm.s32 $0xC80  }
0x1c: {  	s5 =	simm.s32 $0x680;
	s8 =	simm.s32 $0x700;
	s10 =	simm.s32 $0x780  }
0x1d: {  	[dreg:$0xb] =	wrdreg s19;
	s14 =	sadd.s32 $0x180, s0;
	s0 =	simm.s32 $0x1  }
.LBB2_4:
0x1e: {  	_ =	swait.ge [sflag:s0], $0x2000  }
0x1f: {  	[sflag:s0] =	ssyncset.done $0x0  }
0x20: {  	[sflag:s0] =	ssyncadd.s32 $0xFFFFE000  }
0x21: {  	[spmem:s2] =	stream.indirect.scatter.add.f32 [tilespmem:s31], [sflag:$0x3], $0x80, s6, s23, $0xb8;
	[tilespmem:$0x1CC00] =	vst v63  }
0x22: {  	_ =	swait.ge [sflag:s18], $0x2000  }
0x23: {  	[sflag:s18] =	ssyncset.done $0x0  }
0x24: {  	[sflag:s18] =	ssyncadd.s32 $0xFFFFE000  }
0x25: {  	[bflag:$0x0] =	sbarrier.arrive $0xFFFF  }
0x26: {  	s17 =	rddreg [dreg:$0x4]  }
0x27: {  	s1 =	rddreg [dreg:$0x9]  }
0x28: {  	s19 =	rddreg [dreg:$0xb]  }
0x29: {  	[hbm:s1], [sflag:s17] =	dma.local [spmem:s19], $0x2780  }
0x2a: {  	_ =	swait.ge [sflag:s18], $0x2780  }
0x2b: {  	s28 =	rddreg [dreg:$0xc]  }
0x2c: {  	s30 =	rddreg [dreg:$0xa];
	s28 =	sadd.s32 $0x1, s28  }
0x2d: {  	p0 =	sne.s32 s28, s30  }
.Ltmp1:
0x2e: {  	_ = 	snop;
	(pc) =	sbr.rel @!p0 .LBB2_5-.Ltmp1, $3  }
0x2f: {  	_ =	sdelay $0x1  }
0x30: {  	[sflag:s18] =	ssyncset.done $0x0  }
0x31: {  	[sflag:s18] =	ssyncadd.s32 $0xFFFFD880  }
.LBB2_1:
0x32: {  	[dreg:$0xc] =	wrdreg s28  }
0x33: {  	s1 =	rddreg [dreg:$0x3]  }
0x34: {  	[spmem:s19], [sflag:s17] =	dma.local [hbm:s1], $0x2780  }
0x35: {  	_ =	swait.ge [sflag:s18], $0x2780  }
0x36: {  	[sflag:s18] =	ssyncset.done $0x0  }
0x37: {  	s19 =	rddreg [dreg:$0x5];
	[sflag:s18] =	ssyncadd.s32 $0xFFFFD880  }
0x38: {  	[tilespmem:s3], [sflag:$0x2] =	stream.linear.gather [hbm4b:s19+s3], $0x400, $0x38;
	[tilespmem:$0x1CC00] =	vst v63  }
0x39: {  	s30 =	simm.s32 $0x800;
	s28 =	rddreg [dreg:$0x6]  }
0x3a: {  	[tilespmem:s30], [sflag:$0x2] =	stream.linear.gather [hbm4b:s28+s3], $0x400, $0x38;
	[tilespmem:$0x1CC00] =	vst v63  }
0x3b: {  	s17 =	rddreg [dreg:$0x7]  }
0x3c: {  	[tilespmem:s20], [sflag:$0x2] =	stream.linear.gather [hbm4b:s17+s3], $0x400, $0x38;
	[tilespmem:$0x1CC00] =	vst v63  }
0x3d: {  	s19 =	rddreg [dreg:$0x8]  }
0x3e: {  	[tilespmem:s21], [sflag:$0x2] =	stream.linear.gather [hbm4b:s19+s3], $0x400, $0x38;
	[tilespmem:$0x1CC00] =	vst v63  }
0x3f: {  	[bflag:$0x0] =	sbarrier.arrive $0xFFFF  }
0x40: {  	_ =	swait.ge [sflag:s22], $0x400  }
0x41: {  	[sflag:s22] =	ssyncset.done $0x0  }
0x42: {  	[sflag:s22] =	ssyncadd.s32 $0xFFFFFC00  }
0x43: {  	_ =	swait.ge [sflag:s22], $0x400  }
0x44: {  	[sflag:s22] =	ssyncset.done $0x0  }
0x45: {  	[sflag:s22] =	ssyncadd.s32 $0xFFFFFC00  }
0x46: {  	[tilespmem:s24], [sflag:$0x1] =	stream.indirect.gather [hbm4b:s4+s23], $0x80, s3, s23, $0xb8;
	[tilespmem:$0x1CC00] =	vst v63  }
0x47: {  	s28 =	simm.s32 $0x80  }
0x48: {  	[tilespmem:s26], [sflag:$0x1] =	stream.indirect.gather [hbm4b:s4+s23], $0x80, s28, s23, $0xb8;
	[tilespmem:$0x1CC00] =	vst v63  }
0x49: {  	s30 =	simm.s32 $0x100;
	s17 =	simm.s32 $0x0  }
0x4a: {  	[tilespmem:s29], [sflag:$0x1] =	stream.indirect.gather [hbm4b:s4+s23], $0x80, s30, s23, $0xb8;
	[tilespmem:$0x1CC00] =	vst v63  }
.LBB2_2:
0x4b: {  	s1 =	simm.s32 $0x180  }
0x4c: {  	[tilespmem:s31], [sflag:$0x1] =	stream.indirect.gather [hbm4b:s4+s23], $0x80, s1, s23, $0xb8;
	[tilespmem:$0x1CC00] =	vst v63  }
0x4d: {  	_ =	swait.ge [sflag:s0], $0x2000  }
0x4e: {  	[sflag:s0] =	ssyncset.done $0x0  }
0x4f: {  	s28 =	simm.s32 $0x800;
	[sflag:s0] =	ssyncadd.s32 $0xFFFFE000  }
0x50: {  	[spmem:s2] =	stream.indirect.scatter.add.f32 [tilespmem:s24], [sflag:$0x3], $0x80, s28, s23, $0xb8;
	[tilespmem:$0x1CC00] =	vst v63  }
0x51: {  	_ =	swait.ge [sflag:s18], $0x2000  }
0x52: {  	[sflag:s18] =	ssyncset.done $0x0  }
0x53: {  	s30 =	simm.s32 $0x200;
	[sflag:s18] =	ssyncadd.s32 $0xFFFFE000  }
0x54: {  	[tilespmem:s24], [sflag:$0x1] =	stream.indirect.gather [hbm4b:s4+s23], $0x80, s30, s23, $0xb8;
	[tilespmem:$0x1CC00] =	vst v63  }
0x55: {  	_ =	swait.ge [sflag:s0], $0x2000  }
0x56: {  	[sflag:s0] =	ssyncset.done $0x0  }
0x57: {  	s19 =	simm.s32 $0x880;
	[sflag:s0] =	ssyncadd.s32 $0xFFFFE000  }
0x58: {  	[spmem:s2] =	stream.indirect.scatter.add.f32 [tilespmem:s26], [sflag:$0x3], $0x80, s19, s23, $0xb8;
	[tilespmem:$0x1CC00] =	vst v63  }
0x59: {  	_ =	swait.ge [sflag:s18], $0x2000  }
0x5a: {  	[sflag:s18] =	ssyncset.done $0x0  }
0x5b: {  	s28 =	simm.s32 $0x280;
	[sflag:s18] =	ssyncadd.s32 $0xFFFFE000  }
0x5c: {  	[tilespmem:s26], [sflag:$0x1] =	stream.indirect.gather [hbm4b:s4+s23], $0x80, s28, s23, $0xb8;
	[tilespmem:$0x1CC00] =	vst v63  }
0x5d: {  	_ =	swait.ge [sflag:s0], $0x2000  }
0x5e: {  	[sflag:s0] =	ssyncset.done $0x0  }
0x5f: {  	s30 =	simm.s32 $0x900;
	[sflag:s0] =	ssyncadd.s32 $0xFFFFE000  }
0x60: {  	[spmem:s2] =	stream.indirect.scatter.add.f32 [tilespmem:s29], [sflag:$0x3], $0x80, s30, s23, $0xb8;
	[tilespmem:$0x1CC00] =	vst v63  }
0x61: {  	_ =	swait.ge [sflag:s18], $0x2000  }
0x62: {  	[sflag:s18] =	ssyncset.done $0x0  }
0x63: {  	s19 =	simm.s32 $0x300;
	[sflag:s18] =	ssyncadd.s32 $0xFFFFE000  }
0x64: {  	[tilespmem:s29], [sflag:$0x1] =	stream.indirect.gather [hbm4b:s4+s23], $0x80, s19, s23, $0xb8;
	[tilespmem:$0x1CC00] =	vst v63  }
0x65: {  	_ =	swait.ge [sflag:s0], $0x2000  }
0x66: {  	[sflag:s0] =	ssyncset.done $0x0  }
0x67: {  	s28 =	simm.s32 $0x980;
	[sflag:s0] =	ssyncadd.s32 $0xFFFFE000  }
0x68: {  	[spmem:s2] =	stream.indirect.scatter.add.f32 [tilespmem:s31], [sflag:$0x3], $0x80, s28, s23, $0xb8;
	[tilespmem:$0x1CC00] =	vst v63  }
0x69: {  	_ =	swait.ge [sflag:s18], $0x2000  }
0x6a: {  	[sflag:s18] =	ssyncset.done $0x0  }
0x6b: {  	s30 =	simm.s32 $0x380;
	[sflag:s18] =	ssyncadd.s32 $0xFFFFE000  }
0x6c: {  	[tilespmem:s31], [sflag:$0x1] =	stream.indirect.gather [hbm4b:s4+s23], $0x80, s30, s23, $0xb8;
	[tilespmem:$0x1CC00] =	vst v63  }
0x6d: {  	_ =	swait.ge [sflag:s0], $0x2000  }
0x6e: {  	[sflag:s0] =	ssyncset.done $0x0  }
0x6f: {  	s19 =	simm.s32 $0xA00;
	[sflag:s0] =	ssyncadd.s32 $0xFFFFE000  }
0x70: {  	[spmem:s2] =	stream.indirect.scatter.add.f32 [tilespmem:s24], [sflag:$0x3], $0x80, s19, s23, $0xb8;
	[tilespmem:$0x1CC00] =	vst v63  }
0x71: {  	_ =	swait.ge [sflag:s18], $0x2000  }
0x72: {  	[sflag:s18] =	ssyncset.done $0x0  }
0x73: {  	[sflag:s18] =	ssyncadd.s32 $0xFFFFE000  }
0x74: {  	_ =	swait.ge [sflag:s22], $0x400  }
0x75: {  	[sflag:s22] =	ssyncset.done $0x0  }
0x76: {  	[sflag:s22] =	ssyncadd.s32 $0xFFFFFC00  }
0x77: {  	_ =	swait.ge [sflag:s22], $0x400  }
0x78: {  	[sflag:s22] =	ssyncset.done $0x0  }
0x79: {  	[sflag:s22] =	ssyncadd.s32 $0xFFFFFC00  }
0x7a: {  	[tilespmem:s24], [sflag:$0x1] =	stream.indirect.gather [hbm4b:s4+s23], $0x80, s20, s23, $0xb8;
	[tilespmem:$0x1CC00] =	vst v63  }
0x7b: {  	_ =	swait.ge [sflag:s0], $0x2000  }
0x7c: {  	[sflag:s0] =	ssyncset.done $0x0  }
0x7d: {  	s28 =	simm.s32 $0xA80;
	[sflag:s0] =	ssyncadd.s32 $0xFFFFE000  }
0x7e: {  	[spmem:s2] =	stream.indirect.scatter.add.f32 [tilespmem:s26], [sflag:$0x3], $0x80, s28, s23, $0xb8;
	[tilespmem:$0x1CC00] =	vst v63  }
0x7f: {  	_ =	swait.ge [sflag:s18], $0x2000  }
0x80: {  	[sflag:s18] =	ssyncset.done $0x0  }
0x81: {  	s30 =	simm.s32 $0x480;
	[sflag:s18] =	ssyncadd.s32 $0xFFFFE000  }
0x82: {  	[tilespmem:s26], [sflag:$0x1] =	stream.indirect.gather [hbm4b:s4+s23], $0x80, s30, s23, $0xb8;
	[tilespmem:$0x1CC00] =	vst v63  }
0x83: {  	_ =	swait.ge [sflag:s0], $0x2000  }
0x84: {  	[sflag:s0] =	ssyncset.done $0x0  }
0x85: {  	s19 =	simm.s32 $0xB00;
	[sflag:s0] =	ssyncadd.s32 $0xFFFFE000  }
0x86: {  	[spmem:s2] =	stream.indirect.scatter.add.f32 [tilespmem:s29], [sflag:$0x3], $0x80, s19, s23, $0xb8;
	[tilespmem:$0x1CC00] =	vst v63  }
0x87: {  	_ =	swait.ge [sflag:s18], $0x2000  }
0x88: {  	[sflag:s18] =	ssyncset.done $0x0  }
0x89: {  	s28 =	simm.s32 $0x500;
	[sflag:s18] =	ssyncadd.s32 $0xFFFFE000  }
0x8a: {  	[tilespmem:s29], [sflag:$0x1] =	stream.indirect.gather [hbm4b:s4+s23], $0x80, s28, s23, $0xb8;
	[tilespmem:$0x1CC00] =	vst v63  }
0x8b: {  	_ =	swait.ge [sflag:s0], $0x2000  }
0x8c: {  	[sflag:s0] =	ssyncset.done $0x0  }
0x8d: {  	s30 =	simm.s32 $0xB80;
	[sflag:s0] =	ssyncadd.s32 $0xFFFFE000  }
0x8e: {  	[spmem:s2] =	stream.indirect.scatter.add.f32 [tilespmem:s31], [sflag:$0x3], $0x80, s30, s23, $0xb8;
	[tilespmem:$0x1CC00] =	vst v63  }
0x8f: {  	_ =	swait.ge [sflag:s18], $0x2000  }
0x90: {  	p0 =	seq.s32 s17, $0x900;
	[sflag:s18] =	ssyncset.done $0x0  }
0x91: {  	s19 =	sadd.s32 @!p0 s17, s15;
	s28 =	simm.s32 @!p0 $0x0;
	[sflag:s18] =	ssyncadd.s32 $0xFFFFE000  }
0x92: {  	[tilespmem:s28], [sflag:$0x2] =	stream.linear.gather @!p0 [hbm4b:s19+s28], $0x400, $0x38;
	[tilespmem:$0x1CC00] =	vst v63  }
0x93: {  	s30 =	simm.s32 @!p0 $0x800;
	s19 =	sadd.s32 @!p0 s17, s16  }
0x94: {  	[tilespmem:s30], [sflag:$0x2] =	stream.linear.gather @!p0 [hbm4b:s19+s28], $0x400, $0x38;
	[tilespmem:$0x1CC00] =	vst v63  }
0x95: {  	s19 =	simm.s32 $0x580  }
0x96: {  	[tilespmem:s31], [sflag:$0x1] =	stream.indirect.gather [hbm4b:s4+s23], $0x80, s19, s23, $0xb8;
	[tilespmem:$0x1CC00] =	vst v63  }
0x97: {  	_ =	swait.ge [sflag:s0], $0x2000  }
0x98: {  	[sflag:s0] =	ssyncset.done $0x0  }
0x99: {  	[sflag:s0] =	ssyncadd.s32 $0xFFFFE000  }
0x9a: {  	[spmem:s2] =	stream.indirect.scatter.add.f32 [tilespmem:s24], [sflag:$0x3], $0x80, s21, s23, $0xb8;
	[tilespmem:$0x1CC00] =	vst v63  }
0x9b: {  	_ =	swait.ge [sflag:s18], $0x2000  }
0x9c: {  	[sflag:s18] =	ssyncset.done $0x0  }
0x9d: {  	s30 =	simm.s32 $0x600;
	[sflag:s18] =	ssyncadd.s32 $0xFFFFE000  }
0x9e: {  	[tilespmem:s24], [sflag:$0x1] =	stream.indirect.gather [hbm4b:s4+s23], $0x80, s30, s23, $0xb8;
	[tilespmem:$0x1CC00] =	vst v63  }
0x9f: {  	_ =	swait.ge [sflag:s0], $0x2000  }
0xa0: {  	[sflag:s0] =	ssyncset.done $0x0  }
0xa1: {  	[sflag:s0] =	ssyncadd.s32 $0xFFFFE000  }
0xa2: {  	[spmem:s2] =	stream.indirect.scatter.add.f32 [tilespmem:s26], [sflag:$0x3], $0x80, s25, s23, $0xb8;
	[tilespmem:$0x1CC00] =	vst v63  }
0xa3: {  	_ =	swait.ge [sflag:s18], $0x2000  }
0xa4: {  	[sflag:s18] =	ssyncset.done $0x0  }
0xa5: {  	[sflag:s18] =	ssyncadd.s32 $0xFFFFE000  }
0xa6: {  	[tilespmem:s26], [sflag:$0x1] =	stream.indirect.gather [hbm4b:s4+s23], $0x80, s5, s23, $0xb8;
	[tilespmem:$0x1CC00] =	vst v63  }
0xa7: {  	_ =	swait.ge [sflag:s0], $0x2000  }
0xa8: {  	[sflag:s0] =	ssyncset.done $0x0  }
0xa9: {  	[sflag:s0] =	ssyncadd.s32 $0xFFFFE000  }
0xaa: {  	[spmem:s2] =	stream.indirect.scatter.add.f32 [tilespmem:s29], [sflag:$0x3], $0x80, s7, s23, $0xb8;
	[tilespmem:$0x1CC00] =	vst v63  }
0xab: {  	_ =	swait.ge [sflag:s18], $0x2000  }
0xac: {  	[sflag:s18] =	ssyncset.done $0x0  }
0xad: {  	[sflag:s18] =	ssyncadd.s32 $0xFFFFE000  }
0xae: {  	[tilespmem:s29], [sflag:$0x1] =	stream.indirect.gather [hbm4b:s4+s23], $0x80, s8, s23, $0xb8;
	[tilespmem:$0x1CC00] =	vst v63  }
0xaf: {  	_ =	swait.ge [sflag:s0], $0x2000  }
0xb0: {  	[sflag:s0] =	ssyncset.done $0x0  }
0xb1: {  	[sflag:s0] =	ssyncadd.s32 $0xFFFFE000  }
0xb2: {  	[spmem:s2] =	stream.indirect.scatter.add.f32 [tilespmem:s31], [sflag:$0x3], $0x80, s9, s23, $0xb8;
	[tilespmem:$0x1CC00] =	vst v63  }
0xb3: {  	_ =	swait.ge [sflag:s18], $0x2000  }
0xb4: {  	[sflag:s18] =	ssyncset.done $0x0  }
0xb5: {  	[sflag:s18] =	ssyncadd.s32 $0xFFFFE000  }
0xb6: {  	[tilespmem:s31], [sflag:$0x1] =	stream.indirect.gather [hbm4b:s4+s23], $0x80, s10, s23, $0xb8;
	[tilespmem:$0x1CC00] =	vst v63  }
0xb7: {  	_ =	swait.ge [sflag:s0], $0x2000  }
0xb8: {  	[sflag:s0] =	ssyncset.done $0x0  }
0xb9: {  	[sflag:s0] =	ssyncadd.s32 $0xFFFFE000  }
0xba: {  	[spmem:s2] =	stream.indirect.scatter.add.f32 [tilespmem:s24], [sflag:$0x3], $0x80, s11, s23, $0xb8;
	[tilespmem:$0x1CC00] =	vst v63  }
0xbb: {  	_ =	swait.ge [sflag:s18], $0x2000  }
0xbc: {  	[sflag:s18] =	ssyncset.done $0x0  }
0xbd: {  	s19 =	simm.s32 @p0 $0x1;
	[sflag:s18] =	ssyncadd.s32 $0xFFFFE000  }
0xbe: {  	_ =	swait.ge @p0 [sflag:s19], $0x2000  }
0xbf: {  	s1 =	simm.s32 @p0 $0x3000;
	[sflag:s19] =	ssyncset.done @p0 $0x0  }
0xc0: {  	s30 =	simm.s32 @p0 $0xE80;
	[sflag:s19] =	ssyncadd.s32 @p0 $0xFFFFE000;
	s19 =	simm.s32 @p0 $0x40  }
0xc1: {  	[spmem:s2] =	stream.indirect.scatter.add.f32 @p0 [tilespmem:s1], [sflag:$0x3], $0x80, s30, s19, $0xb8;
	[tilespmem:$0x1CC00] =	vst v63  }
0xc2: {  	s1 =	simm.s32 @p0 $0x3  }
0xc3: {  	_ =	swait.ge @p0 [sflag:s1], $0x2000  }
0xc4: {  	[sflag:s1] =	ssyncset.done @p0 $0x0  }
0xc5: {  	[sflag:s1] =	ssyncadd.s32 @p0 $0xFFFFE000;
	s1 =	simm.s32 @!p0 $0x2  }
0xc6: {  	_ =	swait.ge @!p0 [sflag:s1], $0x400  }
0xc7: {  	[sflag:s1] =	ssyncset.done @!p0 $0x0  }
0xc8: {  	[sflag:s1] =	ssyncadd.s32 @!p0 $0xFFFFFC00  }
0xc9: {  	_ =	swait.ge @!p0 [sflag:s1], $0x400  }
0xca: {  	[sflag:s1] =	ssyncset.done @!p0 $0x0  }
0xcb: {  	s19 =	simm.s32 @!p0 $0x1000;
	[sflag:s1] =	ssyncadd.s32 @!p0 $0xFFFFFC00;
	s1 =	simm.s32 @!p0 $0x40  }
0xcc: {  	[tilespmem:s19], [sflag:$0x1] =	stream.indirect.gather @!p0 [hbm4b:s4+s1], $0x80, s28, s1, $0xb8;
	[tilespmem:$0x1CC00] =	vst v63  }
0xcd: {  	s19 =	simm.s32 @!p0 $0x1  }
0xce: {  	_ =	swait.ge @!p0 [sflag:s19], $0x2000  }
0xcf: {  	[sflag:s19] =	ssyncset.done @!p0 $0x0  }
0xd0: {  	s28 =	simm.s32 @!p0 $0x3000;
	[sflag:s19] =	ssyncadd.s32 @!p0 $0xFFFFE000;
	s19 =	simm.s32 @!p0 $0xE80  }
0xd1: {  	[spmem:s2] =	stream.indirect.scatter.add.f32 @!p0 [tilespmem:s28], [sflag:$0x3], $0x80, s19, s1, $0xb8;
	[tilespmem:$0x1CC00] =	vst v63  }
0xd2: {  	s19 =	simm.s32 @!p0 $0x3  }
0xd3: {  	_ =	swait.ge @!p0 [sflag:s19], $0x2000  }
0xd4: {  	[sflag:s19] =	ssyncset.done @!p0 $0x0  }
0xd5: {  	[sflag:s19] =	ssyncadd.s32 @!p0 $0xFFFFE000;
	s19 =	simm.s32 @!p0 $0x80  }
0xd6: {  	[tilespmem:s28], [sflag:$0x1] =	stream.indirect.gather @!p0 [hbm4b:s4+s1], $0x80, s19, s1, $0xb8;
	[tilespmem:$0x1CC00] =	vst v63  }
0xd7: {  	_ =	swait.ge [sflag:s0], $0x2000  }
0xd8: {  	[sflag:s0] =	ssyncset.done $0x0  }
.Ltmp2:
0xd9: {  	[sflag:s0] =	ssyncadd.s32 $0xFFFFE000;
	(pc) =	sbr.rel @p0 .LBB2_4-.Ltmp2, $4  }
0xda: {  	[spmem:s2] =	stream.indirect.scatter.add.f32 [tilespmem:s29], [sflag:$0x3], $0x80, s12, s23, $0xb8;
	[tilespmem:$0x1CC00] =	vst v63  }
0xdb: {  	_ =	swait.ge [sflag:s18], $0x2000  }
0xdc: {  	[sflag:s18] =	ssyncset.done $0x0  }
0xdd: {  	[sflag:s18] =	ssyncadd.s32 $0xFFFFE000  }
0xde: {  	s1 =	simm.s32 $0x100  }
0xdf: {  	[tilespmem:s29], [sflag:$0x1] =	stream.indirect.gather [hbm4b:s4+s23], $0x80, s1, s23, $0xb8;
	[tilespmem:$0x1CC00] =	vst v63  }
0xe0: {  	_ =	swait.ge [sflag:s0], $0x2000  }
0xe1: {  	[sflag:s0] =	ssyncset.done $0x0  }
0xe2: {  	[sflag:s0] =	ssyncadd.s32 $0xFFFFE000  }
0xe3: {  	[spmem:s2] =	stream.indirect.scatter.add.f32 [tilespmem:s31], [sflag:$0x3], $0x80, s6, s23, $0xb8;
	[tilespmem:$0x1CC00] =	vst v63  }
0xe4: {  	_ =	swait.ge [sflag:s18], $0x2000  }
.Ltmp3:
0xe5: {  	[sflag:s18] =	ssyncset.done $0x0;
	(pc) =	sbr.rel .LBB2_2-.Ltmp3, $4  }
0xe6: {  	s28 =	sadd.s32 s17, s14;
	[sflag:s18] =	ssyncadd.s32 $0xFFFFE000  }
0xe7: {  	[tilespmem:s20], [sflag:$0x2] =	stream.linear.gather [hbm4b:s28+s3], $0x400, $0x38;
	[tilespmem:$0x1CC00] =	vst v63  }
0xe8: {  	s30 =	sadd.s32 s17, s13;
	s17 =	sadd.s32 $0x100, s17  }
0xe9: {  	[tilespmem:s21], [sflag:$0x2] =	stream.linear.gather [hbm4b:s30+s3], $0x400, $0x38;
	[tilespmem:$0x1CC00] =	vst v63  }
.LBB2_5:
0xea: {  	_ =	sfence.sel $0x180000  }
0xeb: {  	[bflag:$0x0] =	sbarrier.arrive $0xFFFF  }
0xec: {  	_ =	strace $0x9000004D  }
0xed: {  	s0 =	stileid.u32;
	[bflag:$0x2] =	sbarrier.arrive $0xFFFF  }
0xee: {  	p0 =	sne.s32 s0, $0x0;
	s0 =	rddreg [dreg:$0x2]  }
0xef: {  	s0 =	sadd.s32 @!p0 $0x100000, s0  }
0xf0: {  	[sflag:s0] =	ssyncadd.tile.s32 @!p0 $0x1;
	_ =	shalt  }
.Lfunc_end2:
_tile_overlayer_lowered:
.L_overlay_start_2:
0xf1: {  	(tag) =	ssettag $0x2  }
0xf2: {  	s0 =	rddreg [dreg:$0x0];
	s2 =	stileid.u32  }
0xf3: {  	s1 =	rddreg [dreg:$0x1];
	p0 =	sne.s32 s2, $0x0  }
0xf4: {  	s3 =	rddreg [dreg:$0x2];
	[bflag:$0x3] =	sbarrier.arrive $0xFFFF;
	s2 =	simm.s32 @!p0 $0x1C03  }
0xf5: {  	[timem:s3], [sflag:s2] =	dma.local @!p0 [hbm:s0], s1  }
0xf6: {  	s0 =	simm.s32 @!p0 $0x3  }
0xf7: {  	_ =	swait.ge @!p0 [sflag:s0], s1  }
0xf8: {  	s1 =	ssub.s32 @!p0 $0x0, s1;
	[sflag:s0] =	ssyncset.done @!p0 $0x0  }
0xf9: {  	[sflag:s0] =	ssyncadd.s32 @!p0 s1  }
0xfa: {  	[bflag:$0x3] =	sbarrier.arrive $0xFFFF  }
0xfb: {  	_ =	shalt  }

// kernel: kernel.8.cloned.1.call-start
scs
__scs_entry_jumppad:
0x0: {  	(pc) =	sbr.rel $0x88, $3  }
0x1: {  	(tag) =	ssettag $0x0;
	lr =	simm.s32 $0x1  }
0x2: {  	[smem:$0x3F92] =	sst lr;
	_ =	strace $0xD0000000  }
0x3: {  	_ = 	snop  }
0x4: {  	_ = 	snop  }
0x5: {  	_ = 	snop  }
0x6: {  	_ = 	snop  }
0x7: {  	_ = 	snop  }
__scs_overlays_trampoline_lowered:
0x8: {  	[smem:$0x3FA1] =	sst s0  }
0x9: {  	[smem:$0x3FA2] =	sst s1  }
0xa: {  	[smem:$0x3FA3] =	sst s2  }
0xb: {  	[smem:$0x3FA4] =	sst s3  }
0xc: {  	[smem:$0x3FA5] =	sst s4  }
0xd: {  	[smem:$0x3FA6] =	sst s5  }
0xe: {  	[smem:$0x3FA7] =	sst s6  }
0xf: {  	[smem:$0x3FA8] =	sst s7  }
0x10: {  	[smem:$0x3FA9] =	sst s8  }
0x11: {  	[smem:$0x3FAA] =	sst s9;
	s0 =	simm.s32 @!p0 $0x0  }
0x12: {  	s1 =	sld [smem:$0x3F90];
	s0 =	simm.s32 @p0 $0x1  }
0x13: {  	[smem:$0x3FAB] =	sst s0;
	s0 =	simm.s32 @!p1 $0x0  }
0x14: {  	s2 =	sld [smem:$0x3F8F];
	s0 =	simm.s32 @p1 $0x1  }
0x15: {  	[smem:$0x3FAC] =	sst s0;
	s0 =	simm.s32 @!p2 $0x0  }
0x16: {  	s3 =	sld [smem:$0x3FDB];
	s0 =	simm.s32 @p2 $0x1  }
0x17: {  	s4 =	simm.s32 $0x1BF5;
	[smem:$0x3FAE] =	sst s0  }
0x18: {  	s0 =	sld [smem:$0x3F91];
	_ =	swait.ge [sflag:s4], $0x0  }
0x19: {  	s7 =	sld [smem:$0x3F92]  }
0x1a: {  	s8 =	sadd.s32 $0xFFFFE003, lr  }
0x1b: {  	s9 =	sadd.s32 $0xFFFFFEF7, lr;
	s5 =	simm.s32 $0xFFFFFFFF;
	p2 =	slt.u32 s8, $0xFFFFF086  }
0x1c: {  	p1 =	slt.u32 s9, $0xF7A;
	s5 =	simm.s32 @!p2 $0x0  }
0x1d: {  	s5 =	simm.s32 @p1 $0x1;
	p0 =	seq.s32 s7, s2  }
0x1e: {  	s7 =	smul.u32 @!p0 $0xF7A, s2;
	p2 =	seq.s32 @!p0 s5, $0x0  }
0x1f: {  	s9 =	smul.u32 $0xF7A, s1;
	s8 =	simm.s32 @!p0 $0x1BF5;
	p2 =	por !p2, p0  }
0x20: {  	[sflag:s8] =	ssyncset.s32 @!p0 $0xFFFFF086;
	s6 =	sadd.s32 @!p0 s3, s7;
	s7 =	simm.s32 @!p0 $0x108  }
0x21: {  	s3 =	sadd.s32 s3, s9;
	s6 =	sadd.s32 @!p0 $0x88, s6;
	s7 =	simm.s32 @p2 $0x1082  }
0x22: {  	[simem:s7], [sflag:s8] =	dma.local @!p0 [hbm:s6], $0xF7A  }
0x23: {  	s9 =	sor.u32 $0xD0000000, s2;
	s6 =	simm.s32 $0x108;
	_ =	swait.ge @!p0 [sflag:s8], $0x0  }
0x24: {  	s3 =	sadd.s32 $0x88, s3;
	s6 =	simm.s32 @!p1 $0x1082;
	[sflag:s4] =	ssyncset.s32 $0xFFFFF086  }
0x25: {  	[simem:s6], [sflag:s4] =	dma.local [hbm:s3], $0xF7A  }
0x26: {  	[smem:$0x3F92] =	sst s1;
	(tag) =	ssettag s2;
	_ =	strace s9  }
0x27: {  	s1 =	sld [smem:$0x3FA2]  }
0x28: {  	s2 =	sld [smem:$0x3FA3]  }
0x29: {  	s4 =	sld [smem:$0x3FA5]  }
0x2a: {  	p0 =	seq.s32 s5, $0x0;
	s5 =	sld [smem:$0x3FA6]  }
0x2b: {  	s6 =	sld [smem:$0x3FA7]  }
0x2c: {  	s7 =	sld [smem:$0x3FA8]  }
0x2d: {  	s3 =	simm.s32 $0x108;
	s8 =	sld [smem:$0x3FA9]  }
0x2e: {  	s3 =	simm.s32 @!p0 $0x1082;
	s9 =	sld [smem:$0x3FAA]  }
0x2f: {  	lr =	sadd.s32 s0, s3;
	s0 =	sld [smem:$0x3FA1]  }
0x30: {  	s3 =	sld [smem:$0x3FA4]  }
0x31: {  	[smem:$0x3FAD] =	sst s10  }
0x32: {  	s10 =	sld [smem:$0x3FAB];
	_ =	sdelay $0x3  }
0x33: {  	p0 =	seq.s32 s10, $0x1;
	s10 =	sld [smem:$0x3FAD];
	_ =	sdelay $0x3  }
0x34: {  	[smem:$0x3FAD] =	sst s10  }
0x35: {  	s10 =	sld [smem:$0x3FAC];
	_ =	sdelay $0x3  }
0x36: {  	p1 =	seq.s32 s10, $0x1;
	s10 =	sld [smem:$0x3FAD];
	_ =	sdelay $0x3  }
0x37: {  	[smem:$0x3FAD] =	sst s10  }
0x38: {  	s10 =	sld [smem:$0x3FAE]  }
0x39: {  	_ = 	snop;
	(pc) =	sbr.ind lr, $3  }
0x3a: {  	_ = 	snop  }
0x3b: {  	_ = 	snop  }
0x3c: {  	p2 =	seq.s32 s10, $0x1;
	s10 =	sld [smem:$0x3FAD]  }
0x3d: {  	_ =	shalt  }
0x3e: {  	_ =	shalt  }
0x3f: {  	_ =	shalt  }
0x40: {  	_ =	shalt  }
0x41: {  	_ =	shalt  }
0x42: {  	_ =	shalt  }
0x43: {  	_ =	shalt  }
0x44: {  	_ =	shalt  }
0x45: {  	_ =	shalt  }
0x46: {  	_ =	shalt  }
0x47: {  	_ =	shalt  }
0x48: {  	_ =	shalt  }
0x49: {  	_ =	shalt  }
0x4a: {  	_ =	shalt  }
0x4b: {  	_ =	shalt  }
0x4c: {  	_ =	shalt  }
0x4d: {  	_ =	shalt  }
0x4e: {  	_ =	shalt  }
0x4f: {  	_ =	shalt  }
0x50: {  	_ =	shalt  }
0x51: {  	_ =	shalt  }
0x52: {  	_ =	shalt  }
0x53: {  	_ =	shalt  }
0x54: {  	_ =	shalt  }
0x55: {  	_ =	shalt  }
0x56: {  	_ =	shalt  }
0x57: {  	_ =	shalt  }
0x58: {  	_ =	shalt  }
0x59: {  	_ =	shalt  }
0x5a: {  	_ =	shalt  }
0x5b: {  	_ =	shalt  }
0x5c: {  	_ =	shalt  }
0x5d: {  	_ =	shalt  }
0x5e: {  	_ =	shalt  }
0x5f: {  	_ =	shalt  }
0x60: {  	_ =	shalt  }
0x61: {  	_ =	shalt  }
0x62: {  	_ =	shalt  }
0x63: {  	_ =	shalt  }
0x64: {  	_ =	shalt  }
0x65: {  	_ =	shalt  }
0x66: {  	_ =	shalt  }
0x67: {  	_ =	shalt  }
0x68: {  	_ =	shalt  }
0x69: {  	_ =	shalt  }
0x6a: {  	_ =	shalt  }
0x6b: {  	_ =	shalt  }
0x6c: {  	_ =	shalt  }
0x6d: {  	_ =	shalt  }
0x6e: {  	_ =	shalt  }
0x6f: {  	_ =	shalt  }
0x70: {  	_ =	shalt  }
0x71: {  	_ =	shalt  }
0x72: {  	_ =	shalt  }
0x73: {  	_ =	shalt  }
0x74: {  	_ =	shalt  }
0x75: {  	_ =	shalt  }
0x76: {  	_ =	shalt  }
0x77: {  	_ =	shalt  }
0x78: {  	_ =	shalt  }
0x79: {  	_ =	shalt  }
0x7a: {  	_ =	shalt  }
0x7b: {  	_ =	shalt  }
0x7c: {  	_ =	shalt  }
0x7d: {  	_ =	shalt  }
0x7e: {  	_ =	shalt  }
0x7f: {  	_ =	shalt  }
0x80: {  	_ =	shalt  }
0x81: {  	_ =	shalt  }
0x82: {  	_ =	shalt  }
0x83: {  	_ =	shalt  }
0x84: {  	_ =	shalt  }
0x85: {  	_ =	shalt  }
0x86: {  	_ =	shalt  }
0x87: {  	_ =	shalt  }
.Lfunc_end0:
.L_simem_size_0:
called_computation_lowered:
.L_overlay_start_0:
0x88: {  	s2 =	sld [smem:$0x3FD9]  }
0x89: {  	s3 =	sld [smem:$0x3FFE];
	_ =	sdelay $0x1  }
0x8a: {  	s1 =	srdreg.scid  }
0x8b: {  	s0 =	sand.u32 $0x1, s1  }
0x8c: {  	s16 =	sshll.u32 s0, $0xA;
	s2 =	sadd.s32 s3, s2  }
0x8d: {  	s2 =	sadd.s32 s2, s16  }
0x8e: {  	[smem:$0x3FB9] =	sst s2  }
0x8f: {  	_ = 	snop  }
0x90: {  	(tm) =	ssettm $0x1  }
0x91: {  	s17 =	sld [smem:$0x3FFB];
	_ =	sdelay $0x3  }
0x92: {  	_ =	strace s17  }
0x93: {  	s2 =	sld [smem:$0x3FFC];
	_ =	sdelay $0x3  }
0x94: {  	_ =	strace s2  }
0x95: {  	s2 =	sld [smem:$0x3FFD];
	_ =	sdelay $0x3  }
0x96: {  	_ =	strace s2  }
0x97: {  	_ =	strace $0x8FFFFFFF  }
0x98: {  	s18 =	sld [smem:$0x3FDB];
	_ =	sdelay $0x1  }
0x99: {  	s19 =	simm.s32 $_scs_section_size  }
0x9a: {  	s4 =	simm.s32 $_size__tile_overlayer_lowered;
	s5 =	simm.s32 $_tile_overlayer_lowered  }
0x9b: {  	s22 =	simm.s32 $0x1BFF;
	s21 =	sshll.u32 s5, $0x1;
	s2 =	sadd.s32 s19, s18  }
0x9c: {  	s6 =	simm.s32 $0x0;
	s20 =	sshll.u32 s4, $0x1;
	s4 =	sadd.s32 s21, s2  }
0x9d: {  	[timem:s6], [sflag:s22] =	dma.local [hbm:s4], s20  }
0x9e: {  	_ =	swait.ge [sflag:s22], s20  }
0x9f: {  	s3 =	ssub.s32 $0x0, s20;
	[sflag:s22] =	ssyncset.done $0x0  }
0xa0: {  	[sflag:s22] =	ssyncadd.s32 s3;
	_ =	sdelay $0x1  }
0xa1: {  	s23 =	simm.s32 $0x1B8B  }
0xa2: {  	_ =	swait.ge [sflag:s23], $0x1  }
0xa3: {  	[sflag:s23] =	ssyncset.done $0x0  }
0xa4: {  	s25 =	simm.s32 $0x1B8E;
	s24 =	sld [smem:$0x3FFE];
	[sflag:s23] =	ssyncadd.s32 $0xFFFFFFFF  }
0xa5: {  	s26 =	simm.s32 $execute0_lowered;
	[smem:$0x3FD2] =	sst s25  }
0xa6: {  	s4 =	sshll.u32 s26, $0x1;
	_ =	strace $0x80000046;
	[dreg:$0x1] =	wrdreg $0xFFFFFFFF  }
0xa7: {  	s28 =	simm.s32 $_size_execute0_lowered;
	s2 =	sadd.s32 s2, s4;
	[dreg:$0x0] =	wrdreg $0x0  }
0xa8: {  	s4 =	sshll.u32 s28, $0x1;
	[dreg:$0x2] =	wrdreg s2  }
0xa9: {  	[dreg:$0x3] =	wrdreg s4  }
0xaa: {  	[dreg:$0x4] =	wrdreg $0xC0  }
0xab: {  	_ =	task [dreg:s6], $0x5FFFF  }
0xac: {  	[dreg:$0x1] =	wrdreg $0xFFFFFFFF  }
0xad: {  	[dreg:$0x0] =	wrdreg $0x60  }
0xae: {  	[dreg:$0x2] =	wrdreg s24  }
0xaf: {  	[dreg:$0x3] =	wrdreg $0x9  }
0xb0: {  	_ =	task.clear_ibuf [dreg:s6], $0x4FFFF;
	_ =	strace $0x90000046  }
0xb1: {  	s29 =	simm.s32 $0x9;
	_ =	strace $0x80000048  }
0xb2: {  	_ =	swait.ge [sflag:s29], $0x1  }
0xb3: {  	[sflag:s29] =	ssyncadd.s32 $0xFFFFFFFF  }
0xb4: {  	_ =	strace $0x90000048  }
0xb5: {  	_ =	sfence  }
0xb6: {  	s30 =	sld [smem:$0x0];
	_ =	sdelay $0x2  }
0xb7: {  	s31 =	sshll.u32 s1, $0xD;
	s1 =	sshrl.u32 s1, $0x2  }
0xb8: {  	s3 =	sand.u32 $0x4000, s31;
	s1 =	sadd.s32 s1, s30  }
0xb9: {  	s0 =	sor.u32 s3, s0;
	s1 =	sshll.u32 s1, $0x11  }
0xba: {  	s0 =	sor.u32 s1, s0  }
0xbb: {  	s0 =	sadd.s32 $0x8F2B, s0  }
0xbc: {  	[sflag:s0] =	ssyncadd.remote.s32 $0x1  }
0xbd: {  	_ =	sfence.sel $0xFFFF  }
0xbe: {  	[dreg:$0x0] =	wrdreg $0xFFFFFFFF;
	(pc) =	sbr.abs _section_cstart, $3  }
0xbf: {  	[dreg:$0x1] =	wrdreg $0xFFFFFFFF  }
0xc0: {  	_ =	task.clear_ibuf [dreg:s6], $0x2FFFF;
	_ =	strace $0x9FFFFFFF  }
0xc1: {  	(tm) =	ssettm $0x7FFFFFFF  }
tec
execute0_lowered:
.L_overlay_start_1:
0x0: {  	(tag) =	ssettag $0x1  }
0x1: {  	s0 =	srdreg.scid  }
0x2: {  	s3 =	sand.u32 $0x1, s0  }
0x3: {  	s4 =	rddreg [dreg:$0x0];
	s0 =	stileid.u32;
	s1 =	sshll.u32 s3, $0x4  }
0x4: {  	s2 =	simm.s32 $0x0;
	s8 =	simm.s32 $0x0;
	s5 =	sor.u32 s0, s1  }
0x5: {  	[smem:$0x7FF] =	sst s2;
	s3 =	ssub.s32 $0x2, s3;
	s6 =	smul.u32 $0x500, s5  }
0x6: {  	s1 =	rddreg [dreg:$0x1];
	s7 =	sshrl.u32 s3, $0x1;
	s5 =	smul.u32 $0x4F0, s5  }
0x7: {  	_ =	strace $0x80000047;
	s31 =	ssub.s32 s3, s7;
	s7 =	simm.s32 $0x2800  }
0x8: {  	s6 =	sadd.s32 s6, s4;
	s4 =	sadd.s32 s5, s4;
	s5 =	smax.u32 s31, $0x1  }
0x9: {  	v0 =	vimm.f32 $0.0e+00;
	v1 =	vimm.f32 $1.000000000e+00;
	s3 =	sadd.s32 $0x3C00, s6;
	s4 =	sadd.s32 $0xDC00, s4;
	s6 =	simm.s32 $0x1  }
.LBB2_1:
0xa: {  	[tilespmem:s2], [sflag:$0x1] =	stream.linear.gather [hbm4b:s3+s2], $0x2800, $0x38;
	[tilespmem:$0x4F80] =	vst v63  }
0xb: {  	_ =	swait.ge [sflag:s6], $0x2800  }
0xc: {  	[sflag:s6] =	ssyncset.done $0x0  }
0xd: {  	s9 =	simm.s32 $0x0;
	[sflag:s6] =	ssyncadd.s32 $0xFFFFD800  }
.LBB2_2:
0xe: {  	p0 =	sne.s32 s9, $0x9DC0  }
.Ltmp0:
0xf: {  	_ = 	snop;
	(pc) =	sbr.rel @p0 .LBB2_2-.Ltmp0, $3  }
0x10: {  	_ =	sdelay $0x1  }
0x11: {  	s10 =	sshra.s32 s9, $0x2  }
0x12: {  	s9 =	sadd.s32 $0x40, s9;
	[tilespmem:s10+$0x2800] =	vst v0  }
0x13: {  	s10 =	simm.s32 $0x0;
	s9 =	simm.s32 $0x40  }
.LBB2_4:
0x14: {  	p0 =	sne.s32 s9, $0x9FC0;
	v2 =	vld [tilespmem:s10+$0x0];
	_ =	sdelay $0x3  }
.Ltmp1:
0x15: {  	(pc) =	sbr.rel @p0 .LBB2_4-.Ltmp1, $2  }
0x16: {  	_ =	sdelay $0x2  }
0x17: {  	s10 =	sshra.s32 s9, $0x2;
	s9 =	sadd.s32 $0x40, s9;
	[tilespmem:v2+s7+$0x0] =	vst.idx.add.f32.msk $0xffff, v1  }
0x18: {  	v2 =	vld [tilespmem:s10+$0x0];
	_ =	sdelay $0x5  }
0x19: {  	s8 =	sadd.s32 $0x1, s8  }
0x1a: {  	p0 =	sne.s32 s8, s5  }
.Ltmp2:
0x1b: {  	[tilespmem:v2+s7+$0x0] =	vst.idx.add.f32.msk $0xffff, v1;
	(pc) =	sbr.rel @p0 .LBB2_1-.Ltmp2, $4  }
0x1c: {  	[hbm4b:s4+s2] =	stream.linear.scatter [tilespmem:s7], [sflag:$0x1], $0x2780, $0x38;
	[tilespmem:$0x4F80] =	vst v63  }
0x1d: {  	_ =	swait.ge [sflag:s6], $0x2780  }
0x1e: {  	[sflag:s6] =	ssyncset.done $0x0  }
0x1f: {  	[sflag:s6] =	ssyncadd.s32 $0xFFFFD880  }
0x20: {  	_ =	sfence.sel $0x180000  }
0x21: {  	[bflag:$0x0] =	sbarrier.arrive $0xFFFF  }
0x22: {  	p0 =	sne.s32 s0, $0x0;
	_ =	strace $0x90000047  }
0x23: {  	s0 =	sadd.s32 @!p0 $0x100000, s1;
	[bflag:$0x2] =	sbarrier.arrive $0xFFFF  }
0x24: {  	[sflag:s0] =	ssyncadd.tile.s32 @!p0 $0x1;
	_ =	shalt  }
.Lfunc_end2:
_tile_overlayer_lowered:
.L_overlay_start_2:
0x25: {  	(tag) =	ssettag $0x2  }
0x26: {  	s0 =	rddreg [dreg:$0x0];
	s2 =	stileid.u32  }
0x27: {  	s1 =	rddreg [dreg:$0x1];
	p0 =	sne.s32 s2, $0x0  }
0x28: {  	s3 =	rddreg [dreg:$0x2];
	[bflag:$0x3] =	sbarrier.arrive $0xFFFF;
	s2 =	simm.s32 @!p0 $0x1C01  }
0x29: {  	[timem:s3], [sflag:s2] =	dma.local @!p0 [hbm:s0], s1  }
0x2a: {  	s0 =	simm.s32 @!p0 $0x1  }
0x2b: {  	_ =	swait.ge @!p0 [sflag:s0], s1  }
0x2c: {  	s1 =	ssub.s32 @!p0 $0x0, s1;
	[sflag:s0] =	ssyncset.done @!p0 $0x0  }
0x2d: {  	[sflag:s0] =	ssyncadd.s32 @!p0 s1  }
0x2e: {  	[bflag:$0x3] =	sbarrier.arrive $0xFFFF  }
0x2f: {  	_ =	shalt  }

</sc_bundles>
